<compile_context>
chip_gen: v7x
topology: tpu7x:2x2x1
jax: 0.10.2.dev20260603
libtpu: 0.0.44.dev20260713+nightly
codegen_flags: <defaults>
</compile_context>

<pallas_src>
import jax
import jax.numpy as jnp
from jax import lax
from jax.experimental import pallas as pl
from jax.experimental.pallas import tpu as pltpu
from jax.experimental.pallas import tpu_sc as plsc

RSF = 2.5
NG = 4
TG = 2
TOPK = 2

NC, NS, L = 2, 16, 16
NW = NC * NS
NCH = 4
CHT = 512
CH = 64
BLK = 256
NB = 32
MAXR = NB * BLK
RPW = MAXR // NW
DUMP = 128


def _rank_lt_rows(vals, k):
    R = vals.shape[0]
    rows = []
    for j in range(R):
        col = vals[j : j + 1, :]
        gt = (vals > col).astype(jnp.float32)
        eq = (vals == col).astype(jnp.float32)
        eq_lo = sum([eq[i : i + 1, :] for i in range(j)]) if j else 0.0
        rows.append(jnp.sum(gt, axis=0, keepdims=True) + eq_lo)
    rank = jnp.concatenate(rows, axis=0)
    return (rank < float(k)).astype(jnp.float32)


def _router_kernel(x_ref, gw_ref, bias_ref, w13_ref, w2_ref,
                   w12_ref, pos_ref, binfo_ref, bact_ref, xb_ref, sh_ref):
    e = pl.program_id(0)

    @pl.when(e == 0)
    def _routing():
        x = x_ref[...]
        xb_ref[...] = x.astype(jnp.bfloat16)
        E = gw_ref.shape[0]
        Tn = x.shape[0]
        per = E // NG
        f32 = jnp.float32
        i32 = jnp.int32
        logits = jax.lax.dot_general(
            gw_ref[...], x, (((1,), (1,)), ((), ())),
            preferred_element_type=f32)
        scores = jax.nn.sigmoid(logits)
        sfc = scores + bias_ref[...]
        gs = jnp.concatenate(
            [sum(sfc[per * g + i : per * g + i + 1, :] for i in range(per))
             for g in range(NG)], axis=0)
        gmask = _rank_lt_rows(gs, TG)
        emask = jnp.concatenate(
            [gmask[g : g + 1, :] for g in range(NG) for _ in range(per)],
            axis=0)
        masked = jnp.where(emask > 0.0, sfc, -1e30)
        chosen = _rank_lt_rows(masked, TOPK)
        w = scores * chosen
        w = w / (jnp.sum(w, axis=0, keepdims=True) + 1e-20)
        wmat = w * chosen * RSF
        eidx = lax.broadcasted_iota(i32, (E, Tn), 0).astype(f32)
        emin = jnp.min(jnp.where(chosen > 0, eidx, 99.0), axis=0,
                       keepdims=True)
        emax = jnp.max(jnp.where(chosen > 0, eidx, -1.0), axis=0,
                       keepdims=True)
        w1 = jnp.sum(jnp.where(eidx == emin, wmat, 0.0), axis=0,
                     keepdims=True)
        w2_ = jnp.sum(jnp.where(eidx == emax, wmat, 0.0), axis=0,
                      keepdims=True)
        w12_ref[...] = jnp.concatenate([w1, w2_], axis=0)

        r5 = lax.broadcasted_iota(i32, (CHT, CHT), 0)
        c5 = lax.broadcasted_iota(i32, (CHT, CHT), 1)
        tri = (r5 < c5).astype(f32)
        base_ec = jnp.zeros((E, 1), f32)
        tote = jnp.zeros((E, 1), f32)
        pref_chunks = []
        base_chunks = []
        for c in range(NCH):
            mc = chosen[:, c * CHT : (c + 1) * CHT]
            pc = jax.lax.dot_general(mc, tri, (((1,), (0,)), ((), ())),
                                     preferred_element_type=f32)
            pref_chunks.append(pc)
            base_chunks.append(base_ec)
            cnt = jnp.sum(mc, axis=1, keepdims=True)
            cnt64 = jnp.floor((cnt + (CH - 1)) * (1.0 / CH)) * CH
            base_ec = base_ec + cnt64
            tote = tote + cnt64
        rte = jnp.floor((tote + (BLK - 1)) * (1.0 / BLK)) * BLK
        segstart = jnp.zeros((E, 1), f32)
        acc = jnp.zeros((1, 1), f32)
        segs = []
        for j in range(E):
            segs.append(acc)
            acc = acc + rte[j : j + 1, :]
        segstart = jnp.concatenate(segs, axis=0)
        segend = segstart + rte
        pos_chunks = []
        for c in range(NCH):
            mc = chosen[:, c * CHT : (c + 1) * CHT]
            p = pref_chunks[c] + base_chunks[c] + segstart
            pos_chunks.append(jnp.where(mc > 0.0, p, -1.0))
        pos_ref[...] = jnp.concatenate(pos_chunks, axis=1).astype(i32)

        rowstart = (lax.broadcasted_iota(i32, (1, NW), 1) * BLK).astype(f32)
        bexp = jnp.zeros((1, NW), f32)
        for j in range(E):
            bexp = bexp + (rowstart >= segend[j : j + 1, :]).astype(f32)
        binfo_ref[...] = jnp.minimum(bexp, 7.0).astype(i32)
        bact_ref[...] = (bexp < 7.5).astype(i32)

    gu = jnp.dot(xb_ref[...], w13_ref[0], preferred_element_type=jnp.float32)
    dff = gu.shape[1] // 2
    g = gu[:, :dff]
    u = gu[:, dff:]
    h = (g * jax.nn.sigmoid(g)) * u
    contrib = jnp.dot(h.astype(jnp.bfloat16), w2_ref[0],
                      preferred_element_type=jnp.float32)

    @pl.when(e == 0)
    def _init():
        sh_ref[...] = contrib

    @pl.when(e != 0)
    def _acc():
        sh_ref[...] += contrib


def _disperse_body(pos_hbm, xb_hbm, xs_hbm,
                   prow_v, idx_a, idx_b, rows_a, rows_b, sem_a, sem_b):
    i32 = jnp.int32
    c = lax.axis_index("c")
    s = lax.axis_index("s")
    wid = s * NC + c
    eid = wid // NCH
    chunk = wid - eid * NCH
    t0 = pl.multiple_of(chunk * CHT, CHT)
    lane = lax.broadcasted_iota(i32, (L,), 0)

    pltpu.sync_copy(pos_hbm.at[eid, pl.ds(t0, CHT)], prow_v)

    idxs = (idx_a, idx_b)
    bufs = (rows_a, rows_b)
    sems = (sem_a, sem_b)
    cps = [None, None]
    for k in range(CHT // CH):
        b = k % 2
        if cps[b] is not None:
            cps[b].wait()
        for j in range(CH // L):
            p = prow_v[pl.ds(k * CH + j * L, L)]
            dump = MAXR + ((k * CH + j * L) % DUMP) + lane
            idxs[b][pl.ds(j * L, L)] = jnp.where(p >= 0, p, dump)
        pltpu.sync_copy(
            xb_hbm.at[pl.ds(pl.multiple_of(t0 + k * CH, CH), CH)], bufs[b])
        cps[b] = pltpu.async_copy(bufs[b], xs_hbm.at[idxs[b]], sems[b])
    for cp in cps:
        if cp is not None:
            cp.wait()


def _group_mm_kernel(binfo_ref, bact_ref, xs_ref, w13_ref, w2_ref,
                     ys_ref):
    b = pl.program_id(0)

    @pl.when(bact_ref[b] == 1)
    def _mm():
        gu = jnp.dot(xs_ref[...], w13_ref[0],
                     preferred_element_type=jnp.float32)
        dff = gu.shape[1] // 2
        g = gu[:, :dff]
        u = gu[:, dff:]
        h = (g * jax.nn.sigmoid(g)) * u
        y = jnp.dot(h.astype(jnp.bfloat16), w2_ref[0],
                    preferred_element_type=jnp.float32)
        ys_ref[...] = y


def _combine_body(pos_hbm, ys_hbm, r1_hbm, r2_hbm,
                  posb_v, buf1_v, buf2_v, sem1, sem2):
    i32 = jnp.int32
    c = lax.axis_index("c")
    s = lax.axis_index("s")
    wid = s * NC + c
    tpw = 2048 // NW
    t0 = pl.multiple_of(wid * tpw, tpw)
    for e2 in range(8):
        pltpu.sync_copy(pos_hbm.at[e2, pl.ds(t0, tpw)], posb_v.at[e2])
    big = jnp.asarray(1 << 30, i32)
    for sub in range(tpw // L):
        p1 = jnp.zeros((L,), i32) + big
        p2 = jnp.zeros((L,), i32) - 1
        for e2 in range(8):
            pe = posb_v[e2, pl.ds(sub * L, L)]
            m = pe >= 0
            p1 = jnp.where(m, jnp.minimum(p1, pe), p1)
            p2 = jnp.where(m, jnp.maximum(p2, pe), p2)
        p1 = jnp.minimum(jnp.maximum(p1, 0), MAXR - 1)
        p2 = jnp.minimum(jnp.maximum(p2, 0), MAXR - 1)
        d1 = pltpu.async_copy(ys_hbm.at[p1], buf1_v, sem1)
        d2 = pltpu.async_copy(ys_hbm.at[p2], buf2_v, sem2)
        d1.wait()
        d2.wait()
        tt = pl.multiple_of(t0 + sub * L, L)
        pltpu.sync_copy(buf1_v, r1_hbm.at[pl.ds(tt, L)])
        pltpu.sync_copy(buf2_v, r2_hbm.at[pl.ds(tt, L)])


def _add_kernel(w12_ref, r1_ref, r2_ref, sh_ref, o_ref):
    o_ref[...] = (w12_ref[:, 0:1] * r1_ref[...]
                  + w12_ref[:, 1:2] * r2_ref[...] + sh_ref[...])


def kernel(hidden_states, gate_w, e_score_correction_bias, w13, w2,
           shared_w13, shared_w2):
    T, D = hidden_states.shape
    E, _, DFF2 = w13.shape
    DFF = DFF2 // 2
    SH = shared_w13.shape[1] // 2
    NSH = SH // DFF

    sg = shared_w13[:, :SH].reshape(D, NSH, DFF)
    su = shared_w13[:, SH:].reshape(D, NSH, DFF)
    sh13 = jnp.concatenate([sg, su], axis=-1).transpose(1, 0, 2)
    sh2 = shared_w2.reshape(NSH, DFF, D)
    bias2d = e_score_correction_bias.reshape(E, 1)

    f32 = jnp.float32
    i32 = jnp.int32
    w12, pos, binfo, bact, xb, shared = pl.pallas_call(
        _router_kernel,
        grid=(NSH,),
        in_specs=[
            pl.BlockSpec((T, D), lambda e: (0, 0)),
            pl.BlockSpec((E, D), lambda e: (0, 0)),
            pl.BlockSpec((E, 1), lambda e: (0, 0)),
            pl.BlockSpec((1, D, DFF2), lambda e: (e, 0, 0)),
            pl.BlockSpec((1, DFF, D), lambda e: (e, 0, 0)),
        ],
        out_specs=[
            pl.BlockSpec((2, T), lambda e: (0, 0)),
            pl.BlockSpec((E, T), lambda e: (0, 0)),
            pl.BlockSpec((1, NW), lambda e: (0, 0)),
            pl.BlockSpec((1, NW), lambda e: (0, 0)),
            pl.BlockSpec((T, D), lambda e: (0, 0)),
            pl.BlockSpec((T, D), lambda e: (0, 0)),
        ],
        out_shape=[
            jax.ShapeDtypeStruct((2, T), f32),
            jax.ShapeDtypeStruct((E, T), i32),
            jax.ShapeDtypeStruct((1, NW), i32),
            jax.ShapeDtypeStruct((1, NW), i32),
            jax.ShapeDtypeStruct((T, D), jnp.bfloat16),
            jax.ShapeDtypeStruct((T, D), f32),
        ],
    )(hidden_states, gate_w, bias2d, sh13.astype(jnp.bfloat16),
      sh2.astype(jnp.bfloat16))

    mesh = plsc.VectorSubcoreMesh(core_axis_name="c", subcore_axis_name="s")
    xb_i32 = jax.lax.bitcast_convert_type(xb.reshape(T, 512, 2), i32)
    xs3 = pl.kernel(
        _disperse_body,
        out_type=jax.ShapeDtypeStruct((MAXR + DUMP, 512), i32),
        mesh=mesh,
        compiler_params=pltpu.CompilerParams(use_tc_tiling_on_sc=True),
        scratch_types=[
            pltpu.VMEM((CHT,), i32),
            pltpu.VMEM((CH,), i32),
            pltpu.VMEM((CH,), i32),
            pltpu.VMEM((CH, 512), i32),
            pltpu.VMEM((CH, 512), i32),
            pltpu.SemaphoreType.DMA,
            pltpu.SemaphoreType.DMA,
        ],
    )(pos, xb_i32)

    xs2d = jax.lax.bitcast_convert_type(
        xs3[:MAXR], jnp.bfloat16).reshape(MAXR, D)
    ys = pl.pallas_call(
        _group_mm_kernel,
        grid_spec=pltpu.PrefetchScalarGridSpec(
            num_scalar_prefetch=2,
            grid=(NB,),
            in_specs=[
                pl.BlockSpec((BLK, D), lambda b, bi, ba: (b, 0)),
                pl.BlockSpec((1, D, DFF2), lambda b, bi, ba: (bi[b], 0, 0)),
                pl.BlockSpec((1, DFF, D), lambda b, bi, ba: (bi[b], 0, 0)),
            ],
            out_specs=pl.BlockSpec((BLK, D), lambda b, bi, ba: (b, 0)),
        ),
        out_shape=jax.ShapeDtypeStruct((MAXR, D), f32),
    )(binfo.reshape(NW), bact.reshape(NW), xs2d,
      w13.astype(jnp.bfloat16), w2.astype(jnp.bfloat16))

    ys3 = ys.reshape(MAXR, 8, 128)
    r1, r2 = pl.kernel(
        _combine_body,
        out_type=[
            jax.ShapeDtypeStruct((T, 8, 128), f32),
            jax.ShapeDtypeStruct((T, 8, 128), f32),
        ],
        mesh=mesh,
        compiler_params=pltpu.CompilerParams(use_tc_tiling_on_sc=True),
        scratch_types=[
            pltpu.VMEM((E, T // NW), i32),
            pltpu.VMEM((L, 8, 128), f32),
            pltpu.VMEM((L, 8, 128), f32),
            pltpu.SemaphoreType.DMA,
            pltpu.SemaphoreType.DMA,
        ],
    )(pos, ys3)

    out = pl.pallas_call(
        _add_kernel,
        grid=(T // BLK,),
        in_specs=[
            pl.BlockSpec((BLK, 2), lambda b: (b, 0)),
            pl.BlockSpec((BLK, D), lambda b: (b, 0)),
            pl.BlockSpec((BLK, D), lambda b: (b, 0)),
            pl.BlockSpec((BLK, D), lambda b: (b, 0)),
        ],
        out_specs=pl.BlockSpec((BLK, D), lambda b: (b, 0)),
        out_shape=jax.ShapeDtypeStruct((T, D), f32),
    )(w12.T, r1.reshape(T, D), r2.reshape(T, D), shared)
    return out

# --- scband reference (transcript-rebuilt; emitter-appended) ---
"""Pipeline reference for scband-custom-deepseek-dbomodel-28200755265616 (READ-ONLY COPY).

The authoritative reference and input builder live on the scoring server;
editing this copy changes nothing except your own understanding.
"""

import jax, jax.numpy as jnp
import numpy as np

T = 2048      # tokens (batch=1 * seq_len=2048)
D = 1024      # hidden_size
E = 8         # n_routed_experts
TOPK = 2      # num_experts_per_tok
NG = 4        # n_group
TG = 2        # topk_group
DFF = 512     # moe_intermediate_size
SH_DFF = 1024 # n_shared_experts * moe_intermediate_size
RSF = 2.5     # routed_scaling_factor


def setup_inputs(seed: int = 0) -> dict:
    key = jax.random.key(seed)
    ks = jax.random.split(key, 7)
    def s(k, shape, sc):
        return jax.random.normal(k, shape, dtype=jnp.float32) * sc
    return {
        "hidden_states": jax.random.normal(ks[0], (T, D), dtype=jnp.float32),
        "gate_w": s(ks[1], (E, D), 0.02),
        "e_score_correction_bias": s(ks[2], (E,), 0.1),
        "w13": s(ks[3], (E, D, 2 * DFF), 0.02),
        "w2": s(ks[4], (E, DFF, D), 0.02),
        "shared_w13": s(ks[5], (D, 2 * SH_DFF), 0.02),
        "shared_w2": s(ks[6], (SH_DFF, D), 0.02),
    }


def _grouped_topk(scores, bias):
    # DeepSeek grouped top-k routing with e_score_correction_bias (sigmoid scoring).
    Tn, En = scores.shape
    scores_for_choice = scores + bias[None, :]
    # group score = sum of top-2 expert scores within each group
    group_scores = jax.lax.top_k(scores_for_choice.reshape(Tn, NG, En // NG), 2)[0].sum(-1)
    group_idx = jax.lax.top_k(group_scores, TG)[1]  # [T, TG]
    group_mask = jnp.zeros((Tn, NG), dtype=scores.dtype).at[jnp.arange(Tn)[:, None], group_idx].set(1.0)
    score_mask = jnp.repeat(group_mask, En // NG, axis=1)  # [T, E]
    masked = jnp.where(score_mask > 0, scores_for_choice, -jnp.inf)
    topk_ids = jax.lax.top_k(masked, TOPK)[1]  # [T, TOPK]
    topk_w = jnp.take_along_axis(scores, topk_ids, axis=1)
    # norm_topk_prob = True -> renormalize
    topk_w = topk_w / (topk_w.sum(-1, keepdims=True) + 1e-20)
    return topk_w, topk_ids


def _swiglu(x, w13, w2):
    gate_up = x @ w13
    g, u = jnp.split(gate_up, 2, axis=-1)
    return (jax.nn.silu(g) * u) @ w2


def reference(hidden_states, gate_w, e_score_correction_bias, w13, w2, shared_w13, shared_w2):
    # router gate
    router_logits = hidden_states @ gate_w.T  # [T, E]
    scores = jax.nn.sigmoid(router_logits.astype(jnp.float32))
    topk_w, topk_ids = _grouped_topk(scores, e_score_correction_bias)
    topk_w = topk_w.astype(hidden_states.dtype)
    # routed experts (dense per-expert compute with combine weights)
    routed = jnp.zeros_like(hidden_states)
    for e in range(E):
        w_e = jnp.sum(jnp.where(topk_ids == e, topk_w, 0.0), axis=-1)  # [T]
        routed = routed + w_e[:, None] * _swiglu(hidden_states, w13[e], w2[e])
    # shared experts MLP
    shared = _swiglu(hidden_states, shared_w13, shared_w2)
    return routed * RSF + shared

if __name__ == "__main__":
    import jax
    _d = setup_inputs()
    print(jax.jit(kernel)(*tuple(_d.values())))

</pallas_src>

<mosaic_0001>
#map = affine_map<(d0, d1) -> (0, 0)>
module attributes {stable_mosaic.version = 14 : i64} {
  func.func @_disperse_body(%arg0: i32, %arg1: i32, %arg2: memref<8x2048xi32, #tpu.memory_space<hbm>>, %arg3: memref<2048x512xi32, #tpu.memory_space<hbm>>, %arg4: memref<8320x512xi32, #tpu.memory_space<hbm>>, %arg5: memref<512xi32, #tpu.memory_space<vmem>>, %arg6: memref<64xi32, #tpu.memory_space<vmem>>, %arg7: memref<64xi32, #tpu.memory_space<vmem>>, %arg8: memref<64x512xi32, #tpu.memory_space<vmem>>, %arg9: memref<64x512xi32, #tpu.memory_space<vmem>>, %arg10: memref<!tpu.dma_semaphore, #tpu.memory_space<semaphore_mem>>, %arg11: memref<!tpu.dma_semaphore, #tpu.memory_space<semaphore_mem>>) attributes {dimension_semantics = [#tpu.dimension_semantics<core_parallel>, #tpu.dimension_semantics<subcore_parallel>], iteration_bounds = array<i64: 2, 16>, scalar_prefetch = 0 : i64, scratch_operands = 7 : i64, tpu.core_type = #tpu.core_type<sc_vector_subcore>, window_params = [{transform_indices = #map}, {transform_indices = #map}, {transform_indices = #map}]} {
    %mul3A = arith.constant 2 : i32
    %mul3A_0 = arith.muli %arg1, %mul3A : i32
    %add3A = arith.addi %mul3A_0, %arg0 : i32
    %jit3A = arith.constant 4 : i32
    %div3A = arith.divsi %add3A, %jit3A : i32
    %sign3A = arith.constant 0 : i32
    %sign3A_1 = arith.cmpi sgt, %add3A, %sign3A : i32
    %sign3A_2 = arith.extui %sign3A_1 : i1 to i32
    %sign3A_3 = arith.constant 0 : i32
    %sign3A_4 = arith.cmpi slt, %add3A, %sign3A_3 : i32
    %sign3A_5 = arith.extui %sign3A_4 : i1 to i32
    %sign3A_6 = arith.subi %sign3A_2, %sign3A_5 : i32
    %sign3A_7 = arith.constant 0 : i32
    %sign3A_8 = arith.cmpi sgt, %jit3A, %sign3A_7 : i32
    %sign3A_9 = arith.extui %sign3A_8 : i1 to i32
    %sign3A_10 = arith.constant 0 : i32
    %sign3A_11 = arith.cmpi slt, %jit3A, %sign3A_10 : i32
    %sign3A_12 = arith.extui %sign3A_11 : i1 to i32
    %sign3A_13 = arith.subi %sign3A_9, %sign3A_12 : i32
    %ne3A = arith.cmpi ne, %sign3A_6, %sign3A_13 : i32
    %rem3A = arith.remsi %add3A, %jit3A : i32
    %ne3A_14 = arith.constant 0 : i32
    %ne3A_15 = arith.cmpi ne, %rem3A, %ne3A_14 : i32
    %and3A = arith.andi %ne3A, %ne3A_15 : i1
    %sub3A = arith.constant 1 : i32
    %sub3A_16 = arith.subi %div3A, %sub3A : i32
    %select_n3A = arith.select %and3A, %sub3A_16, %div3A : i32
    %mul3A_17 = arith.constant 4 : i32
    %mul3A_18 = arith.muli %select_n3A, %mul3A_17 : i32
    %sub3A_19 = arith.subi %add3A, %mul3A_18 : i32
    %mul3A_20 = arith.constant 512 : i32
    %mul3A_21 = arith.muli %sub3A_19, %mul3A_20 : i32
    %multiple_of3A = tpu.assume_multiple %mul3A_21, 512 : i32
    %iota3A = tpu.iota {dimensions = array<i32: 0>} : vector<16xi32>
    "tpu.region"() ({
      %run_scoped3A = tpu.sem_alloc : memref<!tpu.dma_semaphore, #tpu.memory_space<semaphore_mem>>
      %dma_start3A_537 = tpu.memref_slice %arg2[%select_n3A, %multiple_of3A] : memref<8x2048xi32, #tpu.memory_space<hbm>> -> memref<1x512xi32, #tpu.memory_space<hbm>>
      %dma_start3A_538 = tpu.memref_squeeze %dma_start3A_537 : memref<1x512xi32, #tpu.memory_space<hbm>> -> memref<512xi32, #tpu.memory_space<hbm>>
      %dma_start3A_539 = tpu.memref_slice %arg2[%select_n3A, %multiple_of3A] : memref<8x2048xi32, #tpu.memory_space<hbm>> -> memref<1x512xi32, #tpu.memory_space<hbm>>
      %dma_start3A_540 = tpu.memref_squeeze %dma_start3A_539 : memref<1x512xi32, #tpu.memory_space<hbm>> -> memref<512xi32, #tpu.memory_space<hbm>>
      tpu.enqueue_dma source(%dma_start3A_540 : memref<512xi32, #tpu.memory_space<hbm>>) target(%arg5 : memref<512xi32, #tpu.memory_space<vmem>>) target_semaphore(%run_scoped3A : memref<!tpu.dma_semaphore, #tpu.memory_space<semaphore_mem>>)
      %dma_wait3A_541 = tpu.memref_slice %arg2[%select_n3A, %multiple_of3A] : memref<8x2048xi32, #tpu.memory_space<hbm>> -> memref<1x512xi32, #tpu.memory_space<hbm>>
      %dma_wait3A_542 = tpu.memref_squeeze %dma_wait3A_541 : memref<1x512xi32, #tpu.memory_space<hbm>> -> memref<512xi32, #tpu.memory_space<hbm>>
      %dma_wait3A_543 = tpu.memref_slice %arg2[%select_n3A, %multiple_of3A] : memref<8x2048xi32, #tpu.memory_space<hbm>> -> memref<1x512xi32, #tpu.memory_space<hbm>>
      %dma_wait3A_544 = tpu.memref_squeeze %dma_wait3A_543 : memref<1x512xi32, #tpu.memory_space<hbm>> -> memref<512xi32, #tpu.memory_space<hbm>>
      tpu.wait_dma2 semaphore(%run_scoped3A : memref<!tpu.dma_semaphore, #tpu.memory_space<semaphore_mem>>) src(%dma_wait3A_544 : memref<512xi32, #tpu.memory_space<hbm>>) dst(%arg5 : memref<512xi32, #tpu.memory_space<vmem>>)
      tpu.yield
    }) : () -> ()
    %get3A = arith.constant 0 : index
    %get3A_22 = tpu.vector_load %arg5[%get3A] {strides = array<i32>} : memref<512xi32, #tpu.memory_space<vmem>>, vector<16xi32>,
    %get3A_23 = vector.shape_cast %get3A_22 : vector<16xi32> to vector<16xi32>
    %add3A_24 = arith.constant 8192 : i32
    %add3A_25 = vector.broadcast %add3A_24 : i32 to vector<16xi32>
    %add3A_26 = arith.addi %add3A_25, %iota3A : vector<16xi32>
    %ge3A = arith.constant 0 : i32
    %ge3A_27 = vector.broadcast %ge3A : i32 to vector<16xi32>
    %ge3A_28 = arith.cmpi sge, %get3A_23, %ge3A_27 : vector<16xi32>
    %select_n3A_29 = arith.select %ge3A_28, %get3A_23, %add3A_26 : vector<16xi1>, vector<16xi32>
    %swap3A = arith.constant 0 : index
    %swap3A_30 = tpu.vector_load %arg6[%swap3A] {strides = array<i32>} : memref<64xi32, #tpu.memory_space<vmem>>, vector<16xi32>,
    %swap3A_31 = vector.shape_cast %swap3A_30 : vector<16xi32> to vector<16xi32>
    %swap3A_32 = vector.shape_cast %select_n3A_29 : vector<16xi32> to vector<16xi32>
    tpu.vector_store %arg6[%swap3A], %swap3A_32 {strides = array<i32>} : memref<64xi32, #tpu.memory_space<vmem>>, vector<16xi32>,
    %get3A_33 = arith.constant 16 : index
    %get3A_34 = tpu.vector_load %arg5[%get3A_33] {strides = array<i32>} : memref<512xi32, #tpu.memory_space<vmem>>, vector<16xi32>,
    %get3A_35 = vector.shape_cast %get3A_34 : vector<16xi32> to vector<16xi32>
    %add3A_36 = arith.constant 8208 : i32
    %add3A_37 = vector.broadcast %add3A_36 : i32 to vector<16xi32>
    %add3A_38 = arith.addi %add3A_37, %iota3A : vector<16xi32>
    %ge3A_39 = arith.constant 0 : i32
    %ge3A_40 = vector.broadcast %ge3A_39 : i32 to vector<16xi32>
    %ge3A_41 = arith.cmpi sge, %get3A_35, %ge3A_40 : vector<16xi32>
    %select_n3A_42 = arith.select %ge3A_41, %get3A_35, %add3A_38 : vector<16xi1>, vector<16xi32>
    %swap3A_43 = arith.constant 16 : index
    %swap3A_44 = tpu.vector_load %arg6[%swap3A_43] {strides = array<i32>} : memref<64xi32, #tpu.memory_space<vmem>>, vector<16xi32>,
    %swap3A_45 = vector.shape_cast %swap3A_44 : vector<16xi32> to vector<16xi32>
    %swap3A_46 = vector.shape_cast %select_n3A_42 : vector<16xi32> to vector<16xi32>
    tpu.vector_store %arg6[%swap3A_43], %swap3A_46 {strides = array<i32>} : memref<64xi32, #tpu.memory_space<vmem>>, vector<16xi32>,
    %get3A_47 = arith.constant 32 : index
    %get3A_48 = tpu.vector_load %arg5[%get3A_47] {strides = array<i32>} : memref<512xi32, #tpu.memory_space<vmem>>, vector<16xi32>,
    %get3A_49 = vector.shape_cast %get3A_48 : vector<16xi32> to vector<16xi32>
    %add3A_50 = arith.constant 8224 : i32
    %add3A_51 = vector.broadcast %add3A_50 : i32 to vector<16xi32>
    %add3A_52 = arith.addi %add3A_51, %iota3A : vector<16xi32>
    %ge3A_53 = arith.constant 0 : i32
    %ge3A_54 = vector.broadcast %ge3A_53 : i32 to vector<16xi32>
    %ge3A_55 = arith.cmpi sge, %get3A_49, %ge3A_54 : vector<16xi32>
    %select_n3A_56 = arith.select %ge3A_55, %get3A_49, %add3A_52 : vector<16xi1>, vector<16xi32>
    %swap3A_57 = arith.constant 32 : index
    %swap3A_58 = tpu.vector_load %arg6[%swap3A_57] {strides = array<i32>} : memref<64xi32, #tpu.memory_space<vmem>>, vector<16xi32>,
    %swap3A_59 = vector.shape_cast %swap3A_58 : vector<16xi32> to vector<16xi32>
    %swap3A_60 = vector.shape_cast %select_n3A_56 : vector<16xi32> to vector<16xi32>
    tpu.vector_store %arg6[%swap3A_57], %swap3A_60 {strides = array<i32>} : memref<64xi32, #tpu.memory_space<vmem>>, vector<16xi32>,
    %get3A_61 = arith.constant 48 : index
    %get3A_62 = tpu.vector_load %arg5[%get3A_61] {strides = array<i32>} : memref<512xi32, #tpu.memory_space<vmem>>, vector<16xi32>,
    %get3A_63 = vector.shape_cast %get3A_62 : vector<16xi32> to vector<16xi32>
    %add3A_64 = arith.constant 8240 : i32
    %add3A_65 = vector.broadcast %add3A_64 : i32 to vector<16xi32>
    %add3A_66 = arith.addi %add3A_65, %iota3A : vector<16xi32>
    %ge3A_67 = arith.constant 0 : i32
    %ge3A_68 = vector.broadcast %ge3A_67 : i32 to vector<16xi32>
    %ge3A_69 = arith.cmpi sge, %get3A_63, %ge3A_68 : vector<16xi32>
    %select_n3A_70 = arith.select %ge3A_69, %get3A_63, %add3A_66 : vector<16xi1>, vector<16xi32>
    %swap3A_71 = arith.constant 48 : index
    %swap3A_72 = tpu.vector_load %arg6[%swap3A_71] {strides = array<i32>} : memref<64xi32, #tpu.memory_space<vmem>>, vector<16xi32>,
    %swap3A_73 = vector.shape_cast %swap3A_72 : vector<16xi32> to vector<16xi32>
    %swap3A_74 = vector.shape_cast %select_n3A_70 : vector<16xi32> to vector<16xi32>
    tpu.vector_store %arg6[%swap3A_71], %swap3A_74 {strides = array<i32>} : memref<64xi32, #tpu.memory_space<vmem>>, vector<16xi32>,
    %add3A_75 = arith.constant 0 : i32
    %add3A_76 = arith.addi %multiple_of3A, %add3A_75 : i32
    %multiple_of3A_77 = tpu.assume_multiple %add3A_76, 64 : i32
    "tpu.region"() ({
      %run_scoped3A = tpu.sem_alloc : memref<!tpu.dma_semaphore, #tpu.memory_space<semaphore_mem>>
      %dma_start3A_537 = arith.constant 0 : i32
      %dma_start3A_538 = tpu.memref_slice %arg3[%multiple_of3A_77, %dma_start3A_537] : memref<2048x512xi32, #tpu.memory_space<hbm>> -> memref<64x512xi32, #tpu.memory_space<hbm>>
      %dma_start3A_539 = arith.constant 0 : i32
      %dma_start3A_540 = tpu.memref_slice %arg3[%multiple_of3A_77, %dma_start3A_539] : memref<2048x512xi32, #tpu.memory_space<hbm>> -> memref<64x512xi32, #tpu.memory_space<hbm>>
      tpu.enqueue_dma source(%dma_start3A_540 : memref<64x512xi32, #tpu.memory_space<hbm>>) target(%arg8 : memref<64x512xi32, #tpu.memory_space<vmem>>) target_semaphore(%run_scoped3A : memref<!tpu.dma_semaphore, #tpu.memory_space<semaphore_mem>>)
      %dma_wait3A_541 = arith.constant 0 : i32
      %dma_wait3A_542 = tpu.memref_slice %arg3[%multiple_of3A_77, %dma_wait3A_541] : memref<2048x512xi32, #tpu.memory_space<hbm>> -> memref<64x512xi32, #tpu.memory_space<hbm>>
      %dma_wait3A_543 = arith.constant 0 : i32
      %dma_wait3A_544 = tpu.memref_slice %arg3[%multiple_of3A_77, %dma_wait3A_543] : memref<2048x512xi32, #tpu.memory_space<hbm>> -> memref<64x512xi32, #tpu.memory_space<hbm>>
      tpu.wait_dma2 semaphore(%run_scoped3A : memref<!tpu.dma_semaphore, #tpu.memory_space<semaphore_mem>>) src(%dma_wait3A_544 : memref<64x512xi32, #tpu.memory_space<hbm>>) dst(%arg8 : memref<64x512xi32, #tpu.memory_space<vmem>>)
      tpu.yield
    }) : () -> ()
    %dma_start3A = arith.constant 0 : i32
    %dma_start3A_78 = arith.constant 0 : i32
    %dma_start3A_79 = tpu.memref_slice %arg4[%dma_start3A, %dma_start3A_78] : memref<8320x512xi32, #tpu.memory_space<hbm>> -> memref<8320x512xi32, #tpu.memory_space<hbm>>
    tpu.enqueue_indirect_dma source(%arg8 : memref<64x512xi32, #tpu.memory_space<vmem>>) target(%dma_start3A_79 : memref<8320x512xi32, #tpu.memory_space<hbm>>) offsets(%arg6 : memref<64xi32, #tpu.memory_space<vmem>>) semaphore(%arg10 : memref<!tpu.dma_semaphore, #tpu.memory_space<semaphore_mem>>)
    %get3A_80 = arith.constant 64 : index
    %get3A_81 = tpu.vector_load %arg5[%get3A_80] {strides = array<i32>} : memref<512xi32, #tpu.memory_space<vmem>>, vector<16xi32>,
    %get3A_82 = vector.shape_cast %get3A_81 : vector<16xi32> to vector<16xi32>
    %add3A_83 = arith.constant 8256 : i32
    %add3A_84 = vector.broadcast %add3A_83 : i32 to vector<16xi32>
    %add3A_85 = arith.addi %add3A_84, %iota3A : vector<16xi32>
    %ge3A_86 = arith.constant 0 : i32
    %ge3A_87 = vector.broadcast %ge3A_86 : i32 to vector<16xi32>
    %ge3A_88 = arith.cmpi sge, %get3A_82, %ge3A_87 : vector<16xi32>
    %select_n3A_89 = arith.select %ge3A_88, %get3A_82, %add3A_85 : vector<16xi1>, vector<16xi32>
    %swap3A_90 = arith.constant 0 : index
    %swap3A_91 = tpu.vector_load %arg7[%swap3A_90] {strides = array<i32>} : memref<64xi32, #tpu.memory_space<vmem>>, vector<16xi32>,
    %swap3A_92 = vector.shape_cast %swap3A_91 : vector<16xi32> to vector<16xi32>
    %swap3A_93 = vector.shape_cast %select_n3A_89 : vector<16xi32> to vector<16xi32>
    tpu.vector_store %arg7[%swap3A_90], %swap3A_93 {strides = array<i32>} : memref<64xi32, #tpu.memory_space<vmem>>, vector<16xi32>,
    %get3A_94 = arith.constant 80 : index
    %get3A_95 = tpu.vector_load %arg5[%get3A_94] {strides = array<i32>} : memref<512xi32, #tpu.memory_space<vmem>>, vector<16xi32>,
    %get3A_96 = vector.shape_cast %get3A_95 : vector<16xi32> to vector<16xi32>
    %add3A_97 = arith.constant 8272 : i32
    %add3A_98 = vector.broadcast %add3A_97 : i32 to vector<16xi32>
    %add3A_99 = arith.addi %add3A_98, %iota3A : vector<16xi32>
    %ge3A_100 = arith.constant 0 : i32
    %ge3A_101 = vector.broadcast %ge3A_100 : i32 to vector<16xi32>
    %ge3A_102 = arith.cmpi sge, %get3A_96, %ge3A_101 : vector<16xi32>
    %select_n3A_103 = arith.select %ge3A_102, %get3A_96, %add3A_99 : vector<16xi1>, vector<16xi32>
    %swap3A_104 = arith.constant 16 : index
    %swap3A_105 = tpu.vector_load %arg7[%swap3A_104] {strides = array<i32>} : memref<64xi32, #tpu.memory_space<vmem>>, vector<16xi32>,
    %swap3A_106 = vector.shape_cast %swap3A_105 : vector<16xi32> to vector<16xi32>
    %swap3A_107 = vector.shape_cast %select_n3A_103 : vector<16xi32> to vector<16xi32>
    tpu.vector_store %arg7[%swap3A_104], %swap3A_107 {strides = array<i32>} : memref<64xi32, #tpu.memory_space<vmem>>, vector<16xi32>,
    %get3A_108 = arith.constant 96 : index
    %get3A_109 = tpu.vector_load %arg5[%get3A_108] {strides = array<i32>} : memref<512xi32, #tpu.memory_space<vmem>>, vector<16xi32>,
    %get3A_110 = vector.shape_cast %get3A_109 : vector<16xi32> to vector<16xi32>
    %add3A_111 = arith.constant 8288 : i32
    %add3A_112 = vector.broadcast %add3A_111 : i32 to vector<16xi32>
    %add3A_113 = arith.addi %add3A_112, %iota3A : vector<16xi32>
    %ge3A_114 = arith.constant 0 : i32
    %ge3A_115 = vector.broadcast %ge3A_114 : i32 to vector<16xi32>
    %ge3A_116 = arith.cmpi sge, %get3A_110, %ge3A_115 : vector<16xi32>
    %select_n3A_117 = arith.select %ge3A_116, %get3A_110, %add3A_113 : vector<16xi1>, vector<16xi32>
    %swap3A_118 = arith.constant 32 : index
    %swap3A_119 = tpu.vector_load %arg7[%swap3A_118] {strides = array<i32>} : memref<64xi32, #tpu.memory_space<vmem>>, vector<16xi32>,
    %swap3A_120 = vector.shape_cast %swap3A_119 : vector<16xi32> to vector<16xi32>
    %swap3A_121 = vector.shape_cast %select_n3A_117 : vector<16xi32> to vector<16xi32>
    tpu.vector_store %arg7[%swap3A_118], %swap3A_121 {strides = array<i32>} : memref<64xi32, #tpu.memory_space<vmem>>, vector<16xi32>,
    %get3A_122 = arith.constant 112 : index
    %get3A_123 = tpu.vector_load %arg5[%get3A_122] {strides = array<i32>} : memref<512xi32, #tpu.memory_space<vmem>>, vector<16xi32>,
    %get3A_124 = vector.shape_cast %get3A_123 : vector<16xi32> to vector<16xi32>
    %add3A_125 = arith.constant 8304 : i32
    %add3A_126 = vector.broadcast %add3A_125 : i32 to vector<16xi32>
    %add3A_127 = arith.addi %add3A_126, %iota3A : vector<16xi32>
    %ge3A_128 = arith.constant 0 : i32
    %ge3A_129 = vector.broadcast %ge3A_128 : i32 to vector<16xi32>
    %ge3A_130 = arith.cmpi sge, %get3A_124, %ge3A_129 : vector<16xi32>
    %select_n3A_131 = arith.select %ge3A_130, %get3A_124, %add3A_127 : vector<16xi1>, vector<16xi32>
    %swap3A_132 = arith.constant 48 : index
    %swap3A_133 = tpu.vector_load %arg7[%swap3A_132] {strides = array<i32>} : memref<64xi32, #tpu.memory_space<vmem>>, vector<16xi32>,
    %swap3A_134 = vector.shape_cast %swap3A_133 : vector<16xi32> to vector<16xi32>
    %swap3A_135 = vector.shape_cast %select_n3A_131 : vector<16xi32> to vector<16xi32>
    tpu.vector_store %arg7[%swap3A_132], %swap3A_135 {strides = array<i32>} : memref<64xi32, #tpu.memory_space<vmem>>, vector<16xi32>,
    %add3A_136 = arith.constant 64 : i32
    %add3A_137 = arith.addi %multiple_of3A, %add3A_136 : i32
    %multiple_of3A_138 = tpu.assume_multiple %add3A_137, 64 : i32
    "tpu.region"() ({
      %run_scoped3A = tpu.sem_alloc : memref<!tpu.dma_semaphore, #tpu.memory_space<semaphore_mem>>
      %dma_start3A_537 = arith.constant 0 : i32
      %dma_start3A_538 = tpu.memref_slice %arg3[%multiple_of3A_138, %dma_start3A_537] : memref<2048x512xi32, #tpu.memory_space<hbm>> -> memref<64x512xi32, #tpu.memory_space<hbm>>
      %dma_start3A_539 = arith.constant 0 : i32
      %dma_start3A_540 = tpu.memref_slice %arg3[%multiple_of3A_138, %dma_start3A_539] : memref<2048x512xi32, #tpu.memory_space<hbm>> -> memref<64x512xi32, #tpu.memory_space<hbm>>
      tpu.enqueue_dma source(%dma_start3A_540 : memref<64x512xi32, #tpu.memory_space<hbm>>) target(%arg9 : memref<64x512xi32, #tpu.memory_space<vmem>>) target_semaphore(%run_scoped3A : memref<!tpu.dma_semaphore, #tpu.memory_space<semaphore_mem>>)
      %dma_wait3A_541 = arith.constant 0 : i32
      %dma_wait3A_542 = tpu.memref_slice %arg3[%multiple_of3A_138, %dma_wait3A_541] : memref<2048x512xi32, #tpu.memory_space<hbm>> -> memref<64x512xi32, #tpu.memory_space<hbm>>
      %dma_wait3A_543 = arith.constant 0 : i32
      %dma_wait3A_544 = tpu.memref_slice %arg3[%multiple_of3A_138, %dma_wait3A_543] : memref<2048x512xi32, #tpu.memory_space<hbm>> -> memref<64x512xi32, #tpu.memory_space<hbm>>
      tpu.wait_dma2 semaphore(%run_scoped3A : memref<!tpu.dma_semaphore, #tpu.memory_space<semaphore_mem>>) src(%dma_wait3A_544 : memref<64x512xi32, #tpu.memory_space<hbm>>) dst(%arg9 : memref<64x512xi32, #tpu.memory_space<vmem>>)
      tpu.yield
    }) : () -> ()
    %dma_start3A_139 = arith.constant 0 : i32
    %dma_start3A_140 = arith.constant 0 : i32
    %dma_start3A_141 = tpu.memref_slice %arg4[%dma_start3A_139, %dma_start3A_140] : memref<8320x512xi32, #tpu.memory_space<hbm>> -> memref<8320x512xi32, #tpu.memory_space<hbm>>
    tpu.enqueue_indirect_dma source(%arg9 : memref<64x512xi32, #tpu.memory_space<vmem>>) target(%dma_start3A_141 : memref<8320x512xi32, #tpu.memory_space<hbm>>) offsets(%arg7 : memref<64xi32, #tpu.memory_space<vmem>>) semaphore(%arg11 : memref<!tpu.dma_semaphore, #tpu.memory_space<semaphore_mem>>)
    %dma_wait3A = arith.constant 0 : i32
    %dma_wait3A_142 = arith.constant 0 : i32
    %dma_wait3A_143 = tpu.memref_slice %arg4[%dma_wait3A, %dma_wait3A_142] : memref<8320x512xi32, #tpu.memory_space<hbm>> -> memref<8320x512xi32, #tpu.memory_space<hbm>>
    tpu.wait_indirect_dma semaphore(%arg10 : memref<!tpu.dma_semaphore, #tpu.memory_space<semaphore_mem>>) src(%arg8 : memref<64x512xi32, #tpu.memory_space<vmem>>) dst(%dma_wait3A_143 : memref<8320x512xi32, #tpu.memory_space<hbm>>)
    %get3A_144 = arith.constant 128 : index
    %get3A_145 = tpu.vector_load %arg5[%get3A_144] {strides = array<i32>} : memref<512xi32, #tpu.memory_space<vmem>>, vector<16xi32>,
    %get3A_146 = vector.shape_cast %get3A_145 : vector<16xi32> to vector<16xi32>
    %add3A_147 = arith.constant 8192 : i32
    %add3A_148 = vector.broadcast %add3A_147 : i32 to vector<16xi32>
    %add3A_149 = arith.addi %add3A_148, %iota3A : vector<16xi32>
    %ge3A_150 = arith.constant 0 : i32
    %ge3A_151 = vector.broadcast %ge3A_150 : i32 to vector<16xi32>
    %ge3A_152 = arith.cmpi sge, %get3A_146, %ge3A_151 : vector<16xi32>
    %select_n3A_153 = arith.select %ge3A_152, %get3A_146, %add3A_149 : vector<16xi1>, vector<16xi32>
    %swap3A_154 = arith.constant 0 : index
    %swap3A_155 = tpu.vector_load %arg6[%swap3A_154] {strides = array<i32>} : memref<64xi32, #tpu.memory_space<vmem>>, vector<16xi32>,
    %swap3A_156 = vector.shape_cast %swap3A_155 : vector<16xi32> to vector<16xi32>
    %swap3A_157 = vector.shape_cast %select_n3A_153 : vector<16xi32> to vector<16xi32>
    tpu.vector_store %arg6[%swap3A_154], %swap3A_157 {strides = array<i32>} : memref<64xi32, #tpu.memory_space<vmem>>, vector<16xi32>,
    %get3A_158 = arith.constant 144 : index
    %get3A_159 = tpu.vector_load %arg5[%get3A_158] {strides = array<i32>} : memref<512xi32, #tpu.memory_space<vmem>>, vector<16xi32>,
    %get3A_160 = vector.shape_cast %get3A_159 : vector<16xi32> to vector<16xi32>
    %add3A_161 = arith.constant 8208 : i32
    %add3A_162 = vector.broadcast %add3A_161 : i32 to vector<16xi32>
    %add3A_163 = arith.addi %add3A_162, %iota3A : vector<16xi32>
    %ge3A_164 = arith.constant 0 : i32
    %ge3A_165 = vector.broadcast %ge3A_164 : i32 to vector<16xi32>
    %ge3A_166 = arith.cmpi sge, %get3A_160, %ge3A_165 : vector<16xi32>
    %select_n3A_167 = arith.select %ge3A_166, %get3A_160, %add3A_163 : vector<16xi1>, vector<16xi32>
    %swap3A_168 = arith.constant 16 : index
    %swap3A_169 = tpu.vector_load %arg6[%swap3A_168] {strides = array<i32>} : memref<64xi32, #tpu.memory_space<vmem>>, vector<16xi32>,
    %swap3A_170 = vector.shape_cast %swap3A_169 : vector<16xi32> to vector<16xi32>
    %swap3A_171 = vector.shape_cast %select_n3A_167 : vector<16xi32> to vector<16xi32>
    tpu.vector_store %arg6[%swap3A_168], %swap3A_171 {strides = array<i32>} : memref<64xi32, #tpu.memory_space<vmem>>, vector<16xi32>,
    %get3A_172 = arith.constant 160 : index
    %get3A_173 = tpu.vector_load %arg5[%get3A_172] {strides = array<i32>} : memref<512xi32, #tpu.memory_space<vmem>>, vector<16xi32>,
    %get3A_174 = vector.shape_cast %get3A_173 : vector<16xi32> to vector<16xi32>
    %add3A_175 = arith.constant 8224 : i32
    %add3A_176 = vector.broadcast %add3A_175 : i32 to vector<16xi32>
    %add3A_177 = arith.addi %add3A_176, %iota3A : vector<16xi32>
    %ge3A_178 = arith.constant 0 : i32
    %ge3A_179 = vector.broadcast %ge3A_178 : i32 to vector<16xi32>
    %ge3A_180 = arith.cmpi sge, %get3A_174, %ge3A_179 : vector<16xi32>
    %select_n3A_181 = arith.select %ge3A_180, %get3A_174, %add3A_177 : vector<16xi1>, vector<16xi32>
    %swap3A_182 = arith.constant 32 : index
    %swap3A_183 = tpu.vector_load %arg6[%swap3A_182] {strides = array<i32>} : memref<64xi32, #tpu.memory_space<vmem>>, vector<16xi32>,
    %swap3A_184 = vector.shape_cast %swap3A_183 : vector<16xi32> to vector<16xi32>
    %swap3A_185 = vector.shape_cast %select_n3A_181 : vector<16xi32> to vector<16xi32>
    tpu.vector_store %arg6[%swap3A_182], %swap3A_185 {strides = array<i32>} : memref<64xi32, #tpu.memory_space<vmem>>, vector<16xi32>,
    %get3A_186 = arith.constant 176 : index
    %get3A_187 = tpu.vector_load %arg5[%get3A_186] {strides = array<i32>} : memref<512xi32, #tpu.memory_space<vmem>>, vector<16xi32>,
    %get3A_188 = vector.shape_cast %get3A_187 : vector<16xi32> to vector<16xi32>
    %add3A_189 = arith.constant 8240 : i32
    %add3A_190 = vector.broadcast %add3A_189 : i32 to vector<16xi32>
    %add3A_191 = arith.addi %add3A_190, %iota3A : vector<16xi32>
    %ge3A_192 = arith.constant 0 : i32
    %ge3A_193 = vector.broadcast %ge3A_192 : i32 to vector<16xi32>
    %ge3A_194 = arith.cmpi sge, %get3A_188, %ge3A_193 : vector<16xi32>
    %select_n3A_195 = arith.select %ge3A_194, %get3A_188, %add3A_191 : vector<16xi1>, vector<16xi32>
    %swap3A_196 = arith.constant 48 : index
    %swap3A_197 = tpu.vector_load %arg6[%swap3A_196] {strides = array<i32>} : memref<64xi32, #tpu.memory_space<vmem>>, vector<16xi32>,
    %swap3A_198 = vector.shape_cast %swap3A_197 : vector<16xi32> to vector<16xi32>
    %swap3A_199 = vector.shape_cast %select_n3A_195 : vector<16xi32> to vector<16xi32>
    tpu.vector_store %arg6[%swap3A_196], %swap3A_199 {strides = array<i32>} : memref<64xi32, #tpu.memory_space<vmem>>, vector<16xi32>,
    %add3A_200 = arith.constant 128 : i32
    %add3A_201 = arith.addi %multiple_of3A, %add3A_200 : i32
    %multiple_of3A_202 = tpu.assume_multiple %add3A_201, 64 : i32
    "tpu.region"() ({
      %run_scoped3A = tpu.sem_alloc : memref<!tpu.dma_semaphore, #tpu.memory_space<semaphore_mem>>
      %dma_start3A_537 = arith.constant 0 : i32
      %dma_start3A_538 = tpu.memref_slice %arg3[%multiple_of3A_202, %dma_start3A_537] : memref<2048x512xi32, #tpu.memory_space<hbm>> -> memref<64x512xi32, #tpu.memory_space<hbm>>
      %dma_start3A_539 = arith.constant 0 : i32
      %dma_start3A_540 = tpu.memref_slice %arg3[%multiple_of3A_202, %dma_start3A_539] : memref<2048x512xi32, #tpu.memory_space<hbm>> -> memref<64x512xi32, #tpu.memory_space<hbm>>
      tpu.enqueue_dma source(%dma_start3A_540 : memref<64x512xi32, #tpu.memory_space<hbm>>) target(%arg8 : memref<64x512xi32, #tpu.memory_space<vmem>>) target_semaphore(%run_scoped3A : memref<!tpu.dma_semaphore, #tpu.memory_space<semaphore_mem>>)
      %dma_wait3A_541 = arith.constant 0 : i32
      %dma_wait3A_542 = tpu.memref_slice %arg3[%multiple_of3A_202, %dma_wait3A_541] : memref<2048x512xi32, #tpu.memory_space<hbm>> -> memref<64x512xi32, #tpu.memory_space<hbm>>
      %dma_wait3A_543 = arith.constant 0 : i32
      %dma_wait3A_544 = tpu.memref_slice %arg3[%multiple_of3A_202, %dma_wait3A_543] : memref<2048x512xi32, #tpu.memory_space<hbm>> -> memref<64x512xi32, #tpu.memory_space<hbm>>
      tpu.wait_dma2 semaphore(%run_scoped3A : memref<!tpu.dma_semaphore, #tpu.memory_space<semaphore_mem>>) src(%dma_wait3A_544 : memref<64x512xi32, #tpu.memory_space<hbm>>) dst(%arg8 : memref<64x512xi32, #tpu.memory_space<vmem>>)
      tpu.yield
    }) : () -> ()
    %dma_start3A_203 = arith.constant 0 : i32
    %dma_start3A_204 = arith.constant 0 : i32
    %dma_start3A_205 = tpu.memref_slice %arg4[%dma_start3A_203, %dma_start3A_204] : memref<8320x512xi32, #tpu.memory_space<hbm>> -> memref<8320x512xi32, #tpu.memory_space<hbm>>
    tpu.enqueue_indirect_dma source(%arg8 : memref<64x512xi32, #tpu.memory_space<vmem>>) target(%dma_start3A_205 : memref<8320x512xi32, #tpu.memory_space<hbm>>) offsets(%arg6 : memref<64xi32, #tpu.memory_space<vmem>>) semaphore(%arg10 : memref<!tpu.dma_semaphore, #tpu.memory_space<semaphore_mem>>)
    %dma_wait3A_206 = arith.constant 0 : i32
    %dma_wait3A_207 = arith.constant 0 : i32
    %dma_wait3A_208 = tpu.memref_slice %arg4[%dma_wait3A_206, %dma_wait3A_207] : memref<8320x512xi32, #tpu.memory_space<hbm>> -> memref<8320x512xi32, #tpu.memory_space<hbm>>
    tpu.wait_indirect_dma semaphore(%arg11 : memref<!tpu.dma_semaphore, #tpu.memory_space<semaphore_mem>>) src(%arg9 : memref<64x512xi32, #tpu.memory_space<vmem>>) dst(%dma_wait3A_208 : memref<8320x512xi32, #tpu.memory_space<hbm>>)
    %get3A_209 = arith.constant 192 : index
    %get3A_210 = tpu.vector_load %arg5[%get3A_209] {strides = array<i32>} : memref<512xi32, #tpu.memory_space<vmem>>, vector<16xi32>,
    %get3A_211 = vector.shape_cast %get3A_210 : vector<16xi32> to vector<16xi32>
    %add3A_212 = arith.constant 8256 : i32
    %add3A_213 = vector.broadcast %add3A_212 : i32 to vector<16xi32>
    %add3A_214 = arith.addi %add3A_213, %iota3A : vector<16xi32>
    %ge3A_215 = arith.constant 0 : i32
    %ge3A_216 = vector.broadcast %ge3A_215 : i32 to vector<16xi32>
    %ge3A_217 = arith.cmpi sge, %get3A_211, %ge3A_216 : vector<16xi32>
    %select_n3A_218 = arith.select %ge3A_217, %get3A_211, %add3A_214 : vector<16xi1>, vector<16xi32>
    %swap3A_219 = arith.constant 0 : index
    %swap3A_220 = tpu.vector_load %arg7[%swap3A_219] {strides = array<i32>} : memref<64xi32, #tpu.memory_space<vmem>>, vector<16xi32>,
    %swap3A_221 = vector.shape_cast %swap3A_220 : vector<16xi32> to vector<16xi32>
    %swap3A_222 = vector.shape_cast %select_n3A_218 : vector<16xi32> to vector<16xi32>
    tpu.vector_store %arg7[%swap3A_219], %swap3A_222 {strides = array<i32>} : memref<64xi32, #tpu.memory_space<vmem>>, vector<16xi32>,
    %get3A_223 = arith.constant 208 : index
    %get3A_224 = tpu.vector_load %arg5[%get3A_223] {strides = array<i32>} : memref<512xi32, #tpu.memory_space<vmem>>, vector<16xi32>,
    %get3A_225 = vector.shape_cast %get3A_224 : vector<16xi32> to vector<16xi32>
    %add3A_226 = arith.constant 8272 : i32
    %add3A_227 = vector.broadcast %add3A_226 : i32 to vector<16xi32>
    %add3A_228 = arith.addi %add3A_227, %iota3A : vector<16xi32>
    %ge3A_229 = arith.constant 0 : i32
    %ge3A_230 = vector.broadcast %ge3A_229 : i32 to vector<16xi32>
    %ge3A_231 = arith.cmpi sge, %get3A_225, %ge3A_230 : vector<16xi32>
    %select_n3A_232 = arith.select %ge3A_231, %get3A_225, %add3A_228 : vector<16xi1>, vector<16xi32>
    %swap3A_233 = arith.constant 16 : index
    %swap3A_234 = tpu.vector_load %arg7[%swap3A_233] {strides = array<i32>} : memref<64xi32, #tpu.memory_space<vmem>>, vector<16xi32>,
    %swap3A_235 = vector.shape_cast %swap3A_234 : vector<16xi32> to vector<16xi32>
    %swap3A_236 = vector.shape_cast %select_n3A_232 : vector<16xi32> to vector<16xi32>
    tpu.vector_store %arg7[%swap3A_233], %swap3A_236 {strides = array<i32>} : memref<64xi32, #tpu.memory_space<vmem>>, vector<16xi32>,
    %get3A_237 = arith.constant 224 : index
    %get3A_238 = tpu.vector_load %arg5[%get3A_237] {strides = array<i32>} : memref<512xi32, #tpu.memory_space<vmem>>, vector<16xi32>,
    %get3A_239 = vector.shape_cast %get3A_238 : vector<16xi32> to vector<16xi32>
    %add3A_240 = arith.constant 8288 : i32
    %add3A_241 = vector.broadcast %add3A_240 : i32 to vector<16xi32>
    %add3A_242 = arith.addi %add3A_241, %iota3A : vector<16xi32>
    %ge3A_243 = arith.constant 0 : i32
    %ge3A_244 = vector.broadcast %ge3A_243 : i32 to vector<16xi32>
    %ge3A_245 = arith.cmpi sge, %get3A_239, %ge3A_244 : vector<16xi32>
    %select_n3A_246 = arith.select %ge3A_245, %get3A_239, %add3A_242 : vector<16xi1>, vector<16xi32>
    %swap3A_247 = arith.constant 32 : index
    %swap3A_248 = tpu.vector_load %arg7[%swap3A_247] {strides = array<i32>} : memref<64xi32, #tpu.memory_space<vmem>>, vector<16xi32>,
    %swap3A_249 = vector.shape_cast %swap3A_248 : vector<16xi32> to vector<16xi32>
    %swap3A_250 = vector.shape_cast %select_n3A_246 : vector<16xi32> to vector<16xi32>
    tpu.vector_store %arg7[%swap3A_247], %swap3A_250 {strides = array<i32>} : memref<64xi32, #tpu.memory_space<vmem>>, vector<16xi32>,
    %get3A_251 = arith.constant 240 : index
    %get3A_252 = tpu.vector_load %arg5[%get3A_251] {strides = array<i32>} : memref<512xi32, #tpu.memory_space<vmem>>, vector<16xi32>,
    %get3A_253 = vector.shape_cast %get3A_252 : vector<16xi32> to vector<16xi32>
    %add3A_254 = arith.constant 8304 : i32
    %add3A_255 = vector.broadcast %add3A_254 : i32 to vector<16xi32>
    %add3A_256 = arith.addi %add3A_255, %iota3A : vector<16xi32>
    %ge3A_257 = arith.constant 0 : i32
    %ge3A_258 = vector.broadcast %ge3A_257 : i32 to vector<16xi32>
    %ge3A_259 = arith.cmpi sge, %get3A_253, %ge3A_258 : vector<16xi32>
    %select_n3A_260 = arith.select %ge3A_259, %get3A_253, %add3A_256 : vector<16xi1>, vector<16xi32>
    %swap3A_261 = arith.constant 48 : index
    %swap3A_262 = tpu.vector_load %arg7[%swap3A_261] {strides = array<i32>} : memref<64xi32, #tpu.memory_space<vmem>>, vector<16xi32>,
    %swap3A_263 = vector.shape_cast %swap3A_262 : vector<16xi32> to vector<16xi32>
    %swap3A_264 = vector.shape_cast %select_n3A_260 : vector<16xi32> to vector<16xi32>
    tpu.vector_store %arg7[%swap3A_261], %swap3A_264 {strides = array<i32>} : memref<64xi32, #tpu.memory_space<vmem>>, vector<16xi32>,
    %add3A_265 = arith.constant 192 : i32
    %add3A_266 = arith.addi %multiple_of3A, %add3A_265 : i32
    %multiple_of3A_267 = tpu.assume_multiple %add3A_266, 64 : i32
    "tpu.region"() ({
      %run_scoped3A = tpu.sem_alloc : memref<!tpu.dma_semaphore, #tpu.memory_space<semaphore_mem>>
      %dma_start3A_537 = arith.constant 0 : i32
      %dma_start3A_538 = tpu.memref_slice %arg3[%multiple_of3A_267, %dma_start3A_537] : memref<2048x512xi32, #tpu.memory_space<hbm>> -> memref<64x512xi32, #tpu.memory_space<hbm>>
      %dma_start3A_539 = arith.constant 0 : i32
      %dma_start3A_540 = tpu.memref_slice %arg3[%multiple_of3A_267, %dma_start3A_539] : memref<2048x512xi32, #tpu.memory_space<hbm>> -> memref<64x512xi32, #tpu.memory_space<hbm>>
      tpu.enqueue_dma source(%dma_start3A_540 : memref<64x512xi32, #tpu.memory_space<hbm>>) target(%arg9 : memref<64x512xi32, #tpu.memory_space<vmem>>) target_semaphore(%run_scoped3A : memref<!tpu.dma_semaphore, #tpu.memory_space<semaphore_mem>>)
      %dma_wait3A_541 = arith.constant 0 : i32
      %dma_wait3A_542 = tpu.memref_slice %arg3[%multiple_of3A_267, %dma_wait3A_541] : memref<2048x512xi32, #tpu.memory_space<hbm>> -> memref<64x512xi32, #tpu.memory_space<hbm>>
      %dma_wait3A_543 = arith.constant 0 : i32
      %dma_wait3A_544 = tpu.memref_slice %arg3[%multiple_of3A_267, %dma_wait3A_543] : memref<2048x512xi32, #tpu.memory_space<hbm>> -> memref<64x512xi32, #tpu.memory_space<hbm>>
      tpu.wait_dma2 semaphore(%run_scoped3A : memref<!tpu.dma_semaphore, #tpu.memory_space<semaphore_mem>>) src(%dma_wait3A_544 : memref<64x512xi32, #tpu.memory_space<hbm>>) dst(%arg9 : memref<64x512xi32, #tpu.memory_space<vmem>>)
      tpu.yield
    }) : () -> ()
    %dma_start3A_268 = arith.constant 0 : i32
    %dma_start3A_269 = arith.constant 0 : i32
    %dma_start3A_270 = tpu.memref_slice %arg4[%dma_start3A_268, %dma_start3A_269] : memref<8320x512xi32, #tpu.memory_space<hbm>> -> memref<8320x512xi32, #tpu.memory_space<hbm>>
    tpu.enqueue_indirect_dma source(%arg9 : memref<64x512xi32, #tpu.memory_space<vmem>>) target(%dma_start3A_270 : memref<8320x512xi32, #tpu.memory_space<hbm>>) offsets(%arg7 : memref<64xi32, #tpu.memory_space<vmem>>) semaphore(%arg11 : memref<!tpu.dma_semaphore, #tpu.memory_space<semaphore_mem>>)
    %dma_wait3A_271 = arith.constant 0 : i32
    %dma_wait3A_272 = arith.constant 0 : i32
    %dma_wait3A_273 = tpu.memref_slice %arg4[%dma_wait3A_271, %dma_wait3A_272] : memref<8320x512xi32, #tpu.memory_space<hbm>> -> memref<8320x512xi32, #tpu.memory_space<hbm>>
    tpu.wait_indirect_dma semaphore(%arg10 : memref<!tpu.dma_semaphore, #tpu.memory_space<semaphore_mem>>) src(%arg8 : memref<64x512xi32, #tpu.memory_space<vmem>>) dst(%dma_wait3A_273 : memref<8320x512xi32, #tpu.memory_space<hbm>>)
    %get3A_274 = arith.constant 256 : index
    %get3A_275 = tpu.vector_load %arg5[%get3A_274] {strides = array<i32>} : memref<512xi32, #tpu.memory_space<vmem>>, vector<16xi32>,
    %get3A_276 = vector.shape_cast %get3A_275 : vector<16xi32> to vector<16xi32>
    %add3A_277 = arith.constant 8192 : i32
    %add3A_278 = vector.broadcast %add3A_277 : i32 to vector<16xi32>
    %add3A_279 = arith.addi %add3A_278, %iota3A : vector<16xi32>
    %ge3A_280 = arith.constant 0 : i32
    %ge3A_281 = vector.broadcast %ge3A_280 : i32 to vector<16xi32>
    %ge3A_282 = arith.cmpi sge, %get3A_276, %ge3A_281 : vector<16xi32>
    %select_n3A_283 = arith.select %ge3A_282, %get3A_276, %add3A_279 : vector<16xi1>, vector<16xi32>
    %swap3A_284 = arith.constant 0 : index
    %swap3A_285 = tpu.vector_load %arg6[%swap3A_284] {strides = array<i32>} : memref<64xi32, #tpu.memory_space<vmem>>, vector<16xi32>,
    %swap3A_286 = vector.shape_cast %swap3A_285 : vector<16xi32> to vector<16xi32>
    %swap3A_287 = vector.shape_cast %select_n3A_283 : vector<16xi32> to vector<16xi32>
    tpu.vector_store %arg6[%swap3A_284], %swap3A_287 {strides = array<i32>} : memref<64xi32, #tpu.memory_space<vmem>>, vector<16xi32>,
    %get3A_288 = arith.constant 272 : index
    %get3A_289 = tpu.vector_load %arg5[%get3A_288] {strides = array<i32>} : memref<512xi32, #tpu.memory_space<vmem>>, vector<16xi32>,
    %get3A_290 = vector.shape_cast %get3A_289 : vector<16xi32> to vector<16xi32>
    %add3A_291 = arith.constant 8208 : i32
    %add3A_292 = vector.broadcast %add3A_291 : i32 to vector<16xi32>
    %add3A_293 = arith.addi %add3A_292, %iota3A : vector<16xi32>
    %ge3A_294 = arith.constant 0 : i32
    %ge3A_295 = vector.broadcast %ge3A_294 : i32 to vector<16xi32>
    %ge3A_296 = arith.cmpi sge, %get3A_290, %ge3A_295 : vector<16xi32>
    %select_n3A_297 = arith.select %ge3A_296, %get3A_290, %add3A_293 : vector<16xi1>, vector<16xi32>
    %swap3A_298 = arith.constant 16 : index
    %swap3A_299 = tpu.vector_load %arg6[%swap3A_298] {strides = array<i32>} : memref<64xi32, #tpu.memory_space<vmem>>, vector<16xi32>,
    %swap3A_300 = vector.shape_cast %swap3A_299 : vector<16xi32> to vector<16xi32>
    %swap3A_301 = vector.shape_cast %select_n3A_297 : vector<16xi32> to vector<16xi32>
    tpu.vector_store %arg6[%swap3A_298], %swap3A_301 {strides = array<i32>} : memref<64xi32, #tpu.memory_space<vmem>>, vector<16xi32>,
    %get3A_302 = arith.constant 288 : index
    %get3A_303 = tpu.vector_load %arg5[%get3A_302] {strides = array<i32>} : memref<512xi32, #tpu.memory_space<vmem>>, vector<16xi32>,
    %get3A_304 = vector.shape_cast %get3A_303 : vector<16xi32> to vector<16xi32>
    %add3A_305 = arith.constant 8224 : i32
    %add3A_306 = vector.broadcast %add3A_305 : i32 to vector<16xi32>
    %add3A_307 = arith.addi %add3A_306, %iota3A : vector<16xi32>
    %ge3A_308 = arith.constant 0 : i32
    %ge3A_309 = vector.broadcast %ge3A_308 : i32 to vector<16xi32>
    %ge3A_310 = arith.cmpi sge, %get3A_304, %ge3A_309 : vector<16xi32>
    %select_n3A_311 = arith.select %ge3A_310, %get3A_304, %add3A_307 : vector<16xi1>, vector<16xi32>
    %swap3A_312 = arith.constant 32 : index
    %swap3A_313 = tpu.vector_load %arg6[%swap3A_312] {strides = array<i32>} : memref<64xi32, #tpu.memory_space<vmem>>, vector<16xi32>,
    %swap3A_314 = vector.shape_cast %swap3A_313 : vector<16xi32> to vector<16xi32>
    %swap3A_315 = vector.shape_cast %select_n3A_311 : vector<16xi32> to vector<16xi32>
    tpu.vector_store %arg6[%swap3A_312], %swap3A_315 {strides = array<i32>} : memref<64xi32, #tpu.memory_space<vmem>>, vector<16xi32>,
    %get3A_316 = arith.constant 304 : index
    %get3A_317 = tpu.vector_load %arg5[%get3A_316] {strides = array<i32>} : memref<512xi32, #tpu.memory_space<vmem>>, vector<16xi32>,
    %get3A_318 = vector.shape_cast %get3A_317 : vector<16xi32> to vector<16xi32>
    %add3A_319 = arith.constant 8240 : i32
    %add3A_320 = vector.broadcast %add3A_319 : i32 to vector<16xi32>
    %add3A_321 = arith.addi %add3A_320, %iota3A : vector<16xi32>
    %ge3A_322 = arith.constant 0 : i32
    %ge3A_323 = vector.broadcast %ge3A_322 : i32 to vector<16xi32>
    %ge3A_324 = arith.cmpi sge, %get3A_318, %ge3A_323 : vector<16xi32>
    %select_n3A_325 = arith.select %ge3A_324, %get3A_318, %add3A_321 : vector<16xi1>, vector<16xi32>
    %swap3A_326 = arith.constant 48 : index
    %swap3A_327 = tpu.vector_load %arg6[%swap3A_326] {strides = array<i32>} : memref<64xi32, #tpu.memory_space<vmem>>, vector<16xi32>,
    %swap3A_328 = vector.shape_cast %swap3A_327 : vector<16xi32> to vector<16xi32>
    %swap3A_329 = vector.shape_cast %select_n3A_325 : vector<16xi32> to vector<16xi32>
    tpu.vector_store %arg6[%swap3A_326], %swap3A_329 {strides = array<i32>} : memref<64xi32, #tpu.memory_space<vmem>>, vector<16xi32>,
    %add3A_330 = arith.constant 256 : i32
    %add3A_331 = arith.addi %multiple_of3A, %add3A_330 : i32
    %multiple_of3A_332 = tpu.assume_multiple %add3A_331, 64 : i32
    "tpu.region"() ({
      %run_scoped3A = tpu.sem_alloc : memref<!tpu.dma_semaphore, #tpu.memory_space<semaphore_mem>>
      %dma_start3A_537 = arith.constant 0 : i32
      %dma_start3A_538 = tpu.memref_slice %arg3[%multiple_of3A_332, %dma_start3A_537] : memref<2048x512xi32, #tpu.memory_space<hbm>> -> memref<64x512xi32, #tpu.memory_space<hbm>>
      %dma_start3A_539 = arith.constant 0 : i32
      %dma_start3A_540 = tpu.memref_slice %arg3[%multiple_of3A_332, %dma_start3A_539] : memref<2048x512xi32, #tpu.memory_space<hbm>> -> memref<64x512xi32, #tpu.memory_space<hbm>>
      tpu.enqueue_dma source(%dma_start3A_540 : memref<64x512xi32, #tpu.memory_space<hbm>>) target(%arg8 : memref<64x512xi32, #tpu.memory_space<vmem>>) target_semaphore(%run_scoped3A : memref<!tpu.dma_semaphore, #tpu.memory_space<semaphore_mem>>)
      %dma_wait3A_541 = arith.constant 0 : i32
      %dma_wait3A_542 = tpu.memref_slice %arg3[%multiple_of3A_332, %dma_wait3A_541] : memref<2048x512xi32, #tpu.memory_space<hbm>> -> memref<64x512xi32, #tpu.memory_space<hbm>>
      %dma_wait3A_543 = arith.constant 0 : i32
      %dma_wait3A_544 = tpu.memref_slice %arg3[%multiple_of3A_332, %dma_wait3A_543] : memref<2048x512xi32, #tpu.memory_space<hbm>> -> memref<64x512xi32, #tpu.memory_space<hbm>>
      tpu.wait_dma2 semaphore(%run_scoped3A : memref<!tpu.dma_semaphore, #tpu.memory_space<semaphore_mem>>) src(%dma_wait3A_544 : memref<64x512xi32, #tpu.memory_space<hbm>>) dst(%arg8 : memref<64x512xi32, #tpu.memory_space<vmem>>)
      tpu.yield
    }) : () -> ()
    %dma_start3A_333 = arith.constant 0 : i32
    %dma_start3A_334 = arith.constant 0 : i32
    %dma_start3A_335 = tpu.memref_slice %arg4[%dma_start3A_333, %dma_start3A_334] : memref<8320x512xi32, #tpu.memory_space<hbm>> -> memref<8320x512xi32, #tpu.memory_space<hbm>>
    tpu.enqueue_indirect_dma source(%arg8 : memref<64x512xi32, #tpu.memory_space<vmem>>) target(%dma_start3A_335 : memref<8320x512xi32, #tpu.memory_space<hbm>>) offsets(%arg6 : memref<64xi32, #tpu.memory_space<vmem>>) semaphore(%arg10 : memref<!tpu.dma_semaphore, #tpu.memory_space<semaphore_mem>>)
    %dma_wait3A_336 = arith.constant 0 : i32
    %dma_wait3A_337 = arith.constant 0 : i32
    %dma_wait3A_338 = tpu.memref_slice %arg4[%dma_wait3A_336, %dma_wait3A_337] : memref<8320x512xi32, #tpu.memory_space<hbm>> -> memref<8320x512xi32, #tpu.memory_space<hbm>>
    tpu.wait_indirect_dma semaphore(%arg11 : memref<!tpu.dma_semaphore, #tpu.memory_space<semaphore_mem>>) src(%arg9 : memref<64x512xi32, #tpu.memory_space<vmem>>) dst(%dma_wait3A_338 : memref<8320x512xi32, #tpu.memory_space<hbm>>)
    %get3A_339 = arith.constant 320 : index
    %get3A_340 = tpu.vector_load %arg5[%get3A_339] {strides = array<i32>} : memref<512xi32, #tpu.memory_space<vmem>>, vector<16xi32>,
    %get3A_341 = vector.shape_cast %get3A_340 : vector<16xi32> to vector<16xi32>
    %add3A_342 = arith.constant 8256 : i32
    %add3A_343 = vector.broadcast %add3A_342 : i32 to vector<16xi32>
    %add3A_344 = arith.addi %add3A_343, %iota3A : vector<16xi32>
    %ge3A_345 = arith.constant 0 : i32
    %ge3A_346 = vector.broadcast %ge3A_345 : i32 to vector<16xi32>
    %ge3A_347 = arith.cmpi sge, %get3A_341, %ge3A_346 : vector<16xi32>
    %select_n3A_348 = arith.select %ge3A_347, %get3A_341, %add3A_344 : vector<16xi1>, vector<16xi32>
    %swap3A_349 = arith.constant 0 : index
    %swap3A_350 = tpu.vector_load %arg7[%swap3A_349] {strides = array<i32>} : memref<64xi32, #tpu.memory_space<vmem>>, vector<16xi32>,
    %swap3A_351 = vector.shape_cast %swap3A_350 : vector<16xi32> to vector<16xi32>
    %swap3A_352 = vector.shape_cast %select_n3A_348 : vector<16xi32> to vector<16xi32>
    tpu.vector_store %arg7[%swap3A_349], %swap3A_352 {strides = array<i32>} : memref<64xi32, #tpu.memory_space<vmem>>, vector<16xi32>,
    %get3A_353 = arith.constant 336 : index
    %get3A_354 = tpu.vector_load %arg5[%get3A_353] {strides = array<i32>} : memref<512xi32, #tpu.memory_space<vmem>>, vector<16xi32>,
    %get3A_355 = vector.shape_cast %get3A_354 : vector<16xi32> to vector<16xi32>
    %add3A_356 = arith.constant 8272 : i32
    %add3A_357 = vector.broadcast %add3A_356 : i32 to vector<16xi32>
    %add3A_358 = arith.addi %add3A_357, %iota3A : vector<16xi32>
    %ge3A_359 = arith.constant 0 : i32
    %ge3A_360 = vector.broadcast %ge3A_359 : i32 to vector<16xi32>
    %ge3A_361 = arith.cmpi sge, %get3A_355, %ge3A_360 : vector<16xi32>
    %select_n3A_362 = arith.select %ge3A_361, %get3A_355, %add3A_358 : vector<16xi1>, vector<16xi32>
    %swap3A_363 = arith.constant 16 : index
    %swap3A_364 = tpu.vector_load %arg7[%swap3A_363] {strides = array<i32>} : memref<64xi32, #tpu.memory_space<vmem>>, vector<16xi32>,
    %swap3A_365 = vector.shape_cast %swap3A_364 : vector<16xi32> to vector<16xi32>
    %swap3A_366 = vector.shape_cast %select_n3A_362 : vector<16xi32> to vector<16xi32>
    tpu.vector_store %arg7[%swap3A_363], %swap3A_366 {strides = array<i32>} : memref<64xi32, #tpu.memory_space<vmem>>, vector<16xi32>,
    %get3A_367 = arith.constant 352 : index
    %get3A_368 = tpu.vector_load %arg5[%get3A_367] {strides = array<i32>} : memref<512xi32, #tpu.memory_space<vmem>>, vector<16xi32>,
    %get3A_369 = vector.shape_cast %get3A_368 : vector<16xi32> to vector<16xi32>
    %add3A_370 = arith.constant 8288 : i32
    %add3A_371 = vector.broadcast %add3A_370 : i32 to vector<16xi32>
    %add3A_372 = arith.addi %add3A_371, %iota3A : vector<16xi32>
    %ge3A_373 = arith.constant 0 : i32
    %ge3A_374 = vector.broadcast %ge3A_373 : i32 to vector<16xi32>
    %ge3A_375 = arith.cmpi sge, %get3A_369, %ge3A_374 : vector<16xi32>
    %select_n3A_376 = arith.select %ge3A_375, %get3A_369, %add3A_372 : vector<16xi1>, vector<16xi32>
    %swap3A_377 = arith.constant 32 : index
    %swap3A_378 = tpu.vector_load %arg7[%swap3A_377] {strides = array<i32>} : memref<64xi32, #tpu.memory_space<vmem>>, vector<16xi32>,
    %swap3A_379 = vector.shape_cast %swap3A_378 : vector<16xi32> to vector<16xi32>
    %swap3A_380 = vector.shape_cast %select_n3A_376 : vector<16xi32> to vector<16xi32>
    tpu.vector_store %arg7[%swap3A_377], %swap3A_380 {strides = array<i32>} : memref<64xi32, #tpu.memory_space<vmem>>, vector<16xi32>,
    %get3A_381 = arith.constant 368 : index
    %get3A_382 = tpu.vector_load %arg5[%get3A_381] {strides = array<i32>} : memref<512xi32, #tpu.memory_space<vmem>>, vector<16xi32>,
    %get3A_383 = vector.shape_cast %get3A_382 : vector<16xi32> to vector<16xi32>
    %add3A_384 = arith.constant 8304 : i32
    %add3A_385 = vector.broadcast %add3A_384 : i32 to vector<16xi32>
    %add3A_386 = arith.addi %add3A_385, %iota3A : vector<16xi32>
    %ge3A_387 = arith.constant 0 : i32
    %ge3A_388 = vector.broadcast %ge3A_387 : i32 to vector<16xi32>
    %ge3A_389 = arith.cmpi sge, %get3A_383, %ge3A_388 : vector<16xi32>
    %select_n3A_390 = arith.select %ge3A_389, %get3A_383, %add3A_386 : vector<16xi1>, vector<16xi32>
    %swap3A_391 = arith.constant 48 : index
    %swap3A_392 = tpu.vector_load %arg7[%swap3A_391] {strides = array<i32>} : memref<64xi32, #tpu.memory_space<vmem>>, vector<16xi32>,
    %swap3A_393 = vector.shape_cast %swap3A_392 : vector<16xi32> to vector<16xi32>
    %swap3A_394 = vector.shape_cast %select_n3A_390 : vector<16xi32> to vector<16xi32>
    tpu.vector_store %arg7[%swap3A_391], %swap3A_394 {strides = array<i32>} : memref<64xi32, #tpu.memory_space<vmem>>, vector<16xi32>,
    %add3A_395 = arith.constant 320 : i32
    %add3A_396 = arith.addi %multiple_of3A, %add3A_395 : i32
    %multiple_of3A_397 = tpu.assume_multiple %add3A_396, 64 : i32
    "tpu.region"() ({
      %run_scoped3A = tpu.sem_alloc : memref<!tpu.dma_semaphore, #tpu.memory_space<semaphore_mem>>
      %dma_start3A_537 = arith.constant 0 : i32
      %dma_start3A_538 = tpu.memref_slice %arg3[%multiple_of3A_397, %dma_start3A_537] : memref<2048x512xi32, #tpu.memory_space<hbm>> -> memref<64x512xi32, #tpu.memory_space<hbm>>
      %dma_start3A_539 = arith.constant 0 : i32
      %dma_start3A_540 = tpu.memref_slice %arg3[%multiple_of3A_397, %dma_start3A_539] : memref<2048x512xi32, #tpu.memory_space<hbm>> -> memref<64x512xi32, #tpu.memory_space<hbm>>
      tpu.enqueue_dma source(%dma_start3A_540 : memref<64x512xi32, #tpu.memory_space<hbm>>) target(%arg9 : memref<64x512xi32, #tpu.memory_space<vmem>>) target_semaphore(%run_scoped3A : memref<!tpu.dma_semaphore, #tpu.memory_space<semaphore_mem>>)
      %dma_wait3A_541 = arith.constant 0 : i32
      %dma_wait3A_542 = tpu.memref_slice %arg3[%multiple_of3A_397, %dma_wait3A_541] : memref<2048x512xi32, #tpu.memory_space<hbm>> -> memref<64x512xi32, #tpu.memory_space<hbm>>
      %dma_wait3A_543 = arith.constant 0 : i32
      %dma_wait3A_544 = tpu.memref_slice %arg3[%multiple_of3A_397, %dma_wait3A_543] : memref<2048x512xi32, #tpu.memory_space<hbm>> -> memref<64x512xi32, #tpu.memory_space<hbm>>
      tpu.wait_dma2 semaphore(%run_scoped3A : memref<!tpu.dma_semaphore, #tpu.memory_space<semaphore_mem>>) src(%dma_wait3A_544 : memref<64x512xi32, #tpu.memory_space<hbm>>) dst(%arg9 : memref<64x512xi32, #tpu.memory_space<vmem>>)
      tpu.yield
    }) : () -> ()
    %dma_start3A_398 = arith.constant 0 : i32
    %dma_start3A_399 = arith.constant 0 : i32
    %dma_start3A_400 = tpu.memref_slice %arg4[%dma_start3A_398, %dma_start3A_399] : memref<8320x512xi32, #tpu.memory_space<hbm>> -> memref<8320x512xi32, #tpu.memory_space<hbm>>
    tpu.enqueue_indirect_dma source(%arg9 : memref<64x512xi32, #tpu.memory_space<vmem>>) target(%dma_start3A_400 : memref<8320x512xi32, #tpu.memory_space<hbm>>) offsets(%arg7 : memref<64xi32, #tpu.memory_space<vmem>>) semaphore(%arg11 : memref<!tpu.dma_semaphore, #tpu.memory_space<semaphore_mem>>)
    %dma_wait3A_401 = arith.constant 0 : i32
    %dma_wait3A_402 = arith.constant 0 : i32
    %dma_wait3A_403 = tpu.memref_slice %arg4[%dma_wait3A_401, %dma_wait3A_402] : memref<8320x512xi32, #tpu.memory_space<hbm>> -> memref<8320x512xi32, #tpu.memory_space<hbm>>
    tpu.wait_indirect_dma semaphore(%arg10 : memref<!tpu.dma_semaphore, #tpu.memory_space<semaphore_mem>>) src(%arg8 : memref<64x512xi32, #tpu.memory_space<vmem>>) dst(%dma_wait3A_403 : memref<8320x512xi32, #tpu.memory_space<hbm>>)
    %get3A_404 = arith.constant 384 : index
    %get3A_405 = tpu.vector_load %arg5[%get3A_404] {strides = array<i32>} : memref<512xi32, #tpu.memory_space<vmem>>, vector<16xi32>,
    %get3A_406 = vector.shape_cast %get3A_405 : vector<16xi32> to vector<16xi32>
    %add3A_407 = arith.constant 8192 : i32
    %add3A_408 = vector.broadcast %add3A_407 : i32 to vector<16xi32>
    %add3A_409 = arith.addi %add3A_408, %iota3A : vector<16xi32>
    %ge3A_410 = arith.constant 0 : i32
    %ge3A_411 = vector.broadcast %ge3A_410 : i32 to vector<16xi32>
    %ge3A_412 = arith.cmpi sge, %get3A_406, %ge3A_411 : vector<16xi32>
    %select_n3A_413 = arith.select %ge3A_412, %get3A_406, %add3A_409 : vector<16xi1>, vector<16xi32>
    %swap3A_414 = arith.constant 0 : index
    %swap3A_415 = tpu.vector_load %arg6[%swap3A_414] {strides = array<i32>} : memref<64xi32, #tpu.memory_space<vmem>>, vector<16xi32>,
    %swap3A_416 = vector.shape_cast %swap3A_415 : vector<16xi32> to vector<16xi32>
    %swap3A_417 = vector.shape_cast %select_n3A_413 : vector<16xi32> to vector<16xi32>
    tpu.vector_store %arg6[%swap3A_414], %swap3A_417 {strides = array<i32>} : memref<64xi32, #tpu.memory_space<vmem>>, vector<16xi32>,
    %get3A_418 = arith.constant 400 : index
    %get3A_419 = tpu.vector_load %arg5[%get3A_418] {strides = array<i32>} : memref<512xi32, #tpu.memory_space<vmem>>, vector<16xi32>,
    %get3A_420 = vector.shape_cast %get3A_419 : vector<16xi32> to vector<16xi32>
    %add3A_421 = arith.constant 8208 : i32
    %add3A_422 = vector.broadcast %add3A_421 : i32 to vector<16xi32>
    %add3A_423 = arith.addi %add3A_422, %iota3A : vector<16xi32>
    %ge3A_424 = arith.constant 0 : i32
    %ge3A_425 = vector.broadcast %ge3A_424 : i32 to vector<16xi32>
    %ge3A_426 = arith.cmpi sge, %get3A_420, %ge3A_425 : vector<16xi32>
    %select_n3A_427 = arith.select %ge3A_426, %get3A_420, %add3A_423 : vector<16xi1>, vector<16xi32>
    %swap3A_428 = arith.constant 16 : index
    %swap3A_429 = tpu.vector_load %arg6[%swap3A_428] {strides = array<i32>} : memref<64xi32, #tpu.memory_space<vmem>>, vector<16xi32>,
    %swap3A_430 = vector.shape_cast %swap3A_429 : vector<16xi32> to vector<16xi32>
    %swap3A_431 = vector.shape_cast %select_n3A_427 : vector<16xi32> to vector<16xi32>
    tpu.vector_store %arg6[%swap3A_428], %swap3A_431 {strides = array<i32>} : memref<64xi32, #tpu.memory_space<vmem>>, vector<16xi32>,
    %get3A_432 = arith.constant 416 : index
    %get3A_433 = tpu.vector_load %arg5[%get3A_432] {strides = array<i32>} : memref<512xi32, #tpu.memory_space<vmem>>, vector<16xi32>,
    %get3A_434 = vector.shape_cast %get3A_433 : vector<16xi32> to vector<16xi32>
    %add3A_435 = arith.constant 8224 : i32
    %add3A_436 = vector.broadcast %add3A_435 : i32 to vector<16xi32>
    %add3A_437 = arith.addi %add3A_436, %iota3A : vector<16xi32>
    %ge3A_438 = arith.constant 0 : i32
    %ge3A_439 = vector.broadcast %ge3A_438 : i32 to vector<16xi32>
    %ge3A_440 = arith.cmpi sge, %get3A_434, %ge3A_439 : vector<16xi32>
    %select_n3A_441 = arith.select %ge3A_440, %get3A_434, %add3A_437 : vector<16xi1>, vector<16xi32>
    %swap3A_442 = arith.constant 32 : index
    %swap3A_443 = tpu.vector_load %arg6[%swap3A_442] {strides = array<i32>} : memref<64xi32, #tpu.memory_space<vmem>>, vector<16xi32>,
    %swap3A_444 = vector.shape_cast %swap3A_443 : vector<16xi32> to vector<16xi32>
    %swap3A_445 = vector.shape_cast %select_n3A_441 : vector<16xi32> to vector<16xi32>
    tpu.vector_store %arg6[%swap3A_442], %swap3A_445 {strides = array<i32>} : memref<64xi32, #tpu.memory_space<vmem>>, vector<16xi32>,
    %get3A_446 = arith.constant 432 : index
    %get3A_447 = tpu.vector_load %arg5[%get3A_446] {strides = array<i32>} : memref<512xi32, #tpu.memory_space<vmem>>, vector<16xi32>,
    %get3A_448 = vector.shape_cast %get3A_447 : vector<16xi32> to vector<16xi32>
    %add3A_449 = arith.constant 8240 : i32
    %add3A_450 = vector.broadcast %add3A_449 : i32 to vector<16xi32>
    %add3A_451 = arith.addi %add3A_450, %iota3A : vector<16xi32>
    %ge3A_452 = arith.constant 0 : i32
    %ge3A_453 = vector.broadcast %ge3A_452 : i32 to vector<16xi32>
    %ge3A_454 = arith.cmpi sge, %get3A_448, %ge3A_453 : vector<16xi32>
    %select_n3A_455 = arith.select %ge3A_454, %get3A_448, %add3A_451 : vector<16xi1>, vector<16xi32>
    %swap3A_456 = arith.constant 48 : index
    %swap3A_457 = tpu.vector_load %arg6[%swap3A_456] {strides = array<i32>} : memref<64xi32, #tpu.memory_space<vmem>>, vector<16xi32>,
    %swap3A_458 = vector.shape_cast %swap3A_457 : vector<16xi32> to vector<16xi32>
    %swap3A_459 = vector.shape_cast %select_n3A_455 : vector<16xi32> to vector<16xi32>
    tpu.vector_store %arg6[%swap3A_456], %swap3A_459 {strides = array<i32>} : memref<64xi32, #tpu.memory_space<vmem>>, vector<16xi32>,
    %add3A_460 = arith.constant 384 : i32
    %add3A_461 = arith.addi %multiple_of3A, %add3A_460 : i32
    %multiple_of3A_462 = tpu.assume_multiple %add3A_461, 64 : i32
    "tpu.region"() ({
      %run_scoped3A = tpu.sem_alloc : memref<!tpu.dma_semaphore, #tpu.memory_space<semaphore_mem>>
      %dma_start3A_537 = arith.constant 0 : i32
      %dma_start3A_538 = tpu.memref_slice %arg3[%multiple_of3A_462, %dma_start3A_537] : memref<2048x512xi32, #tpu.memory_space<hbm>> -> memref<64x512xi32, #tpu.memory_space<hbm>>
      %dma_start3A_539 = arith.constant 0 : i32
      %dma_start3A_540 = tpu.memref_slice %arg3[%multiple_of3A_462, %dma_start3A_539] : memref<2048x512xi32, #tpu.memory_space<hbm>> -> memref<64x512xi32, #tpu.memory_space<hbm>>
      tpu.enqueue_dma source(%dma_start3A_540 : memref<64x512xi32, #tpu.memory_space<hbm>>) target(%arg8 : memref<64x512xi32, #tpu.memory_space<vmem>>) target_semaphore(%run_scoped3A : memref<!tpu.dma_semaphore, #tpu.memory_space<semaphore_mem>>)
      %dma_wait3A_541 = arith.constant 0 : i32
      %dma_wait3A_542 = tpu.memref_slice %arg3[%multiple_of3A_462, %dma_wait3A_541] : memref<2048x512xi32, #tpu.memory_space<hbm>> -> memref<64x512xi32, #tpu.memory_space<hbm>>
      %dma_wait3A_543 = arith.constant 0 : i32
      %dma_wait3A_544 = tpu.memref_slice %arg3[%multiple_of3A_462, %dma_wait3A_543] : memref<2048x512xi32, #tpu.memory_space<hbm>> -> memref<64x512xi32, #tpu.memory_space<hbm>>
      tpu.wait_dma2 semaphore(%run_scoped3A : memref<!tpu.dma_semaphore, #tpu.memory_space<semaphore_mem>>) src(%dma_wait3A_544 : memref<64x512xi32, #tpu.memory_space<hbm>>) dst(%arg8 : memref<64x512xi32, #tpu.memory_space<vmem>>)
      tpu.yield
    }) : () -> ()
    %dma_start3A_463 = arith.constant 0 : i32
    %dma_start3A_464 = arith.constant 0 : i32
    %dma_start3A_465 = tpu.memref_slice %arg4[%dma_start3A_463, %dma_start3A_464] : memref<8320x512xi32, #tpu.memory_space<hbm>> -> memref<8320x512xi32, #tpu.memory_space<hbm>>
    tpu.enqueue_indirect_dma source(%arg8 : memref<64x512xi32, #tpu.memory_space<vmem>>) target(%dma_start3A_465 : memref<8320x512xi32, #tpu.memory_space<hbm>>) offsets(%arg6 : memref<64xi32, #tpu.memory_space<vmem>>) semaphore(%arg10 : memref<!tpu.dma_semaphore, #tpu.memory_space<semaphore_mem>>)
    %dma_wait3A_466 = arith.constant 0 : i32
    %dma_wait3A_467 = arith.constant 0 : i32
    %dma_wait3A_468 = tpu.memref_slice %arg4[%dma_wait3A_466, %dma_wait3A_467] : memref<8320x512xi32, #tpu.memory_space<hbm>> -> memref<8320x512xi32, #tpu.memory_space<hbm>>
    tpu.wait_indirect_dma semaphore(%arg11 : memref<!tpu.dma_semaphore, #tpu.memory_space<semaphore_mem>>) src(%arg9 : memref<64x512xi32, #tpu.memory_space<vmem>>) dst(%dma_wait3A_468 : memref<8320x512xi32, #tpu.memory_space<hbm>>)
    %get3A_469 = arith.constant 448 : index
    %get3A_470 = tpu.vector_load %arg5[%get3A_469] {strides = array<i32>} : memref<512xi32, #tpu.memory_space<vmem>>, vector<16xi32>,
    %get3A_471 = vector.shape_cast %get3A_470 : vector<16xi32> to vector<16xi32>
    %add3A_472 = arith.constant 8256 : i32
    %add3A_473 = vector.broadcast %add3A_472 : i32 to vector<16xi32>
    %add3A_474 = arith.addi %add3A_473, %iota3A : vector<16xi32>
    %ge3A_475 = arith.constant 0 : i32
    %ge3A_476 = vector.broadcast %ge3A_475 : i32 to vector<16xi32>
    %ge3A_477 = arith.cmpi sge, %get3A_471, %ge3A_476 : vector<16xi32>
    %select_n3A_478 = arith.select %ge3A_477, %get3A_471, %add3A_474 : vector<16xi1>, vector<16xi32>
    %swap3A_479 = arith.constant 0 : index
    %swap3A_480 = tpu.vector_load %arg7[%swap3A_479] {strides = array<i32>} : memref<64xi32, #tpu.memory_space<vmem>>, vector<16xi32>,
    %swap3A_481 = vector.shape_cast %swap3A_480 : vector<16xi32> to vector<16xi32>
    %swap3A_482 = vector.shape_cast %select_n3A_478 : vector<16xi32> to vector<16xi32>
    tpu.vector_store %arg7[%swap3A_479], %swap3A_482 {strides = array<i32>} : memref<64xi32, #tpu.memory_space<vmem>>, vector<16xi32>,
    %get3A_483 = arith.constant 464 : index
    %get3A_484 = tpu.vector_load %arg5[%get3A_483] {strides = array<i32>} : memref<512xi32, #tpu.memory_space<vmem>>, vector<16xi32>,
    %get3A_485 = vector.shape_cast %get3A_484 : vector<16xi32> to vector<16xi32>
    %add3A_486 = arith.constant 8272 : i32
    %add3A_487 = vector.broadcast %add3A_486 : i32 to vector<16xi32>
    %add3A_488 = arith.addi %add3A_487, %iota3A : vector<16xi32>
    %ge3A_489 = arith.constant 0 : i32
    %ge3A_490 = vector.broadcast %ge3A_489 : i32 to vector<16xi32>
    %ge3A_491 = arith.cmpi sge, %get3A_485, %ge3A_490 : vector<16xi32>
    %select_n3A_492 = arith.select %ge3A_491, %get3A_485, %add3A_488 : vector<16xi1>, vector<16xi32>
    %swap3A_493 = arith.constant 16 : index
    %swap3A_494 = tpu.vector_load %arg7[%swap3A_493] {strides = array<i32>} : memref<64xi32, #tpu.memory_space<vmem>>, vector<16xi32>,
    %swap3A_495 = vector.shape_cast %swap3A_494 : vector<16xi32> to vector<16xi32>
    %swap3A_496 = vector.shape_cast %select_n3A_492 : vector<16xi32> to vector<16xi32>
    tpu.vector_store %arg7[%swap3A_493], %swap3A_496 {strides = array<i32>} : memref<64xi32, #tpu.memory_space<vmem>>, vector<16xi32>,
    %get3A_497 = arith.constant 480 : index
    %get3A_498 = tpu.vector_load %arg5[%get3A_497] {strides = array<i32>} : memref<512xi32, #tpu.memory_space<vmem>>, vector<16xi32>,
    %get3A_499 = vector.shape_cast %get3A_498 : vector<16xi32> to vector<16xi32>
    %add3A_500 = arith.constant 8288 : i32
    %add3A_501 = vector.broadcast %add3A_500 : i32 to vector<16xi32>
    %add3A_502 = arith.addi %add3A_501, %iota3A : vector<16xi32>
    %ge3A_503 = arith.constant 0 : i32
    %ge3A_504 = vector.broadcast %ge3A_503 : i32 to vector<16xi32>
    %ge3A_505 = arith.cmpi sge, %get3A_499, %ge3A_504 : vector<16xi32>
    %select_n3A_506 = arith.select %ge3A_505, %get3A_499, %add3A_502 : vector<16xi1>, vector<16xi32>
    %swap3A_507 = arith.constant 32 : index
    %swap3A_508 = tpu.vector_load %arg7[%swap3A_507] {strides = array<i32>} : memref<64xi32, #tpu.memory_space<vmem>>, vector<16xi32>,
    %swap3A_509 = vector.shape_cast %swap3A_508 : vector<16xi32> to vector<16xi32>
    %swap3A_510 = vector.shape_cast %select_n3A_506 : vector<16xi32> to vector<16xi32>
    tpu.vector_store %arg7[%swap3A_507], %swap3A_510 {strides = array<i32>} : memref<64xi32, #tpu.memory_space<vmem>>, vector<16xi32>,
    %get3A_511 = arith.constant 496 : index
    %get3A_512 = tpu.vector_load %arg5[%get3A_511] {strides = array<i32>} : memref<512xi32, #tpu.memory_space<vmem>>, vector<16xi32>,
    %get3A_513 = vector.shape_cast %get3A_512 : vector<16xi32> to vector<16xi32>
    %add3A_514 = arith.constant 8304 : i32
    %add3A_515 = vector.broadcast %add3A_514 : i32 to vector<16xi32>
    %add3A_516 = arith.addi %add3A_515, %iota3A : vector<16xi32>
    %ge3A_517 = arith.constant 0 : i32
    %ge3A_518 = vector.broadcast %ge3A_517 : i32 to vector<16xi32>
    %ge3A_519 = arith.cmpi sge, %get3A_513, %ge3A_518 : vector<16xi32>
    %select_n3A_520 = arith.select %ge3A_519, %get3A_513, %add3A_516 : vector<16xi1>, vector<16xi32>
    %swap3A_521 = arith.constant 48 : index
    %swap3A_522 = tpu.vector_load %arg7[%swap3A_521] {strides = array<i32>} : memref<64xi32, #tpu.memory_space<vmem>>, vector<16xi32>,
    %swap3A_523 = vector.shape_cast %swap3A_522 : vector<16xi32> to vector<16xi32>
    %swap3A_524 = vector.shape_cast %select_n3A_520 : vector<16xi32> to vector<16xi32>
    tpu.vector_store %arg7[%swap3A_521], %swap3A_524 {strides = array<i32>} : memref<64xi32, #tpu.memory_space<vmem>>, vector<16xi32>,
    %add3A_525 = arith.constant 448 : i32
    %add3A_526 = arith.addi %multiple_of3A, %add3A_525 : i32
    %multiple_of3A_527 = tpu.assume_multiple %add3A_526, 64 : i32
    "tpu.region"() ({
      %run_scoped3A = tpu.sem_alloc : memref<!tpu.dma_semaphore, #tpu.memory_space<semaphore_mem>>
      %dma_start3A_537 = arith.constant 0 : i32
      %dma_start3A_538 = tpu.memref_slice %arg3[%multiple_of3A_527, %dma_start3A_537] : memref<2048x512xi32, #tpu.memory_space<hbm>> -> memref<64x512xi32, #tpu.memory_space<hbm>>
      %dma_start3A_539 = arith.constant 0 : i32
      %dma_start3A_540 = tpu.memref_slice %arg3[%multiple_of3A_527, %dma_start3A_539] : memref<2048x512xi32, #tpu.memory_space<hbm>> -> memref<64x512xi32, #tpu.memory_space<hbm>>
      tpu.enqueue_dma source(%dma_start3A_540 : memref<64x512xi32, #tpu.memory_space<hbm>>) target(%arg9 : memref<64x512xi32, #tpu.memory_space<vmem>>) target_semaphore(%run_scoped3A : memref<!tpu.dma_semaphore, #tpu.memory_space<semaphore_mem>>)
      %dma_wait3A_541 = arith.constant 0 : i32
      %dma_wait3A_542 = tpu.memref_slice %arg3[%multiple_of3A_527, %dma_wait3A_541] : memref<2048x512xi32, #tpu.memory_space<hbm>> -> memref<64x512xi32, #tpu.memory_space<hbm>>
      %dma_wait3A_543 = arith.constant 0 : i32
      %dma_wait3A_544 = tpu.memref_slice %arg3[%multiple_of3A_527, %dma_wait3A_543] : memref<2048x512xi32, #tpu.memory_space<hbm>> -> memref<64x512xi32, #tpu.memory_space<hbm>>
      tpu.wait_dma2 semaphore(%run_scoped3A : memref<!tpu.dma_semaphore, #tpu.memory_space<semaphore_mem>>) src(%dma_wait3A_544 : memref<64x512xi32, #tpu.memory_space<hbm>>) dst(%arg9 : memref<64x512xi32, #tpu.memory_space<vmem>>)
      tpu.yield
    }) : () -> ()
    %dma_start3A_528 = arith.constant 0 : i32
    %dma_start3A_529 = arith.constant 0 : i32
    %dma_start3A_530 = tpu.memref_slice %arg4[%dma_start3A_528, %dma_start3A_529] : memref<8320x512xi32, #tpu.memory_space<hbm>> -> memref<8320x512xi32, #tpu.memory_space<hbm>>
    tpu.enqueue_indirect_dma source(%arg9 : memref<64x512xi32, #tpu.memory_space<vmem>>) target(%dma_start3A_530 : memref<8320x512xi32, #tpu.memory_space<hbm>>) offsets(%arg7 : memref<64xi32, #tpu.memory_space<vmem>>) semaphore(%arg11 : memref<!tpu.dma_semaphore, #tpu.memory_space<semaphore_mem>>)
    %dma_wait3A_531 = arith.constant 0 : i32
    %dma_wait3A_532 = arith.constant 0 : i32
    %dma_wait3A_533 = tpu.memref_slice %arg4[%dma_wait3A_531, %dma_wait3A_532] : memref<8320x512xi32, #tpu.memory_space<hbm>> -> memref<8320x512xi32, #tpu.memory_space<hbm>>
    tpu.wait_indirect_dma semaphore(%arg10 : memref<!tpu.dma_semaphore, #tpu.memory_space<semaphore_mem>>) src(%arg8 : memref<64x512xi32, #tpu.memory_space<vmem>>) dst(%dma_wait3A_533 : memref<8320x512xi32, #tpu.memory_space<hbm>>)
    %dma_wait3A_534 = arith.constant 0 : i32
    %dma_wait3A_535 = arith.constant 0 : i32
    %dma_wait3A_536 = tpu.memref_slice %arg4[%dma_wait3A_534, %dma_wait3A_535] : memref<8320x512xi32, #tpu.memory_space<hbm>> -> memref<8320x512xi32, #tpu.memory_space<hbm>>
    tpu.wait_indirect_dma semaphore(%arg11 : memref<!tpu.dma_semaphore, #tpu.memory_space<semaphore_mem>>) src(%arg9 : memref<64x512xi32, #tpu.memory_space<vmem>>) dst(%dma_wait3A_536 : memref<8320x512xi32, #tpu.memory_space<hbm>>)
    return
  }
}

#map = affine_map<(d0, d1) -> (0, 0)>
#map1 = affine_map<(d0, d1) -> (0, 0, 0)>
module attributes {stable_mosaic.version = 14 : i64} {
  func.func @_combine_body(%arg0: i32, %arg1: i32, %arg2: memref<8x2048xi32, #tpu.memory_space<hbm>>, %arg3: memref<8192x8x128xf32, #tpu.memory_space<hbm>>, %arg4: memref<2048x8x128xf32, #tpu.memory_space<hbm>>, %arg5: memref<2048x8x128xf32, #tpu.memory_space<hbm>>, %arg6: memref<8x64xi32, #tpu.memory_space<vmem>>, %arg7: memref<16x8x128xf32, #tpu.memory_space<vmem>>, %arg8: memref<16x8x128xf32, #tpu.memory_space<vmem>>, %arg9: memref<!tpu.dma_semaphore, #tpu.memory_space<semaphore_mem>>, %arg10: memref<!tpu.dma_semaphore, #tpu.memory_space<semaphore_mem>>) attributes {dimension_semantics = [#tpu.dimension_semantics<core_parallel>, #tpu.dimension_semantics<subcore_parallel>], iteration_bounds = array<i64: 2, 16>, scalar_prefetch = 0 : i64, scratch_operands = 5 : i64, tpu.core_type = #tpu.core_type<sc_vector_subcore>, window_params = [{transform_indices = #map}, {transform_indices = #map1}, {transform_indices = #map1}, {transform_indices = #map1}]} {
    %mul3A = arith.constant 2 : i32
    %mul3A_0 = arith.muli %arg1, %mul3A : i32
    %add3A = arith.addi %mul3A_0, %arg0 : i32
    %mul3A_1 = arith.constant 64 : i32
    %mul3A_2 = arith.muli %add3A, %mul3A_1 : i32
    %multiple_of3A = tpu.assume_multiple %mul3A_2, 64 : i32
    %run_scoped3A = arith.constant 0 : i32
    %run_scoped3A_3 = arith.constant 0 : i32
    "tpu.region"() ({
      %run_scoped3A_557 = tpu.sem_alloc : memref<!tpu.dma_semaphore, #tpu.memory_space<semaphore_mem>>
      %dma_start3A_558 = arith.constant 0 : i32
      %dma_start3A_559 = tpu.memref_slice %arg6[%run_scoped3A_3, %dma_start3A_558] : memref<8x64xi32, #tpu.memory_space<vmem>> -> memref<1x64xi32, #tpu.memory_space<vmem>>
      %dma_start3A_560 = tpu.memref_squeeze %dma_start3A_559 : memref<1x64xi32, #tpu.memory_space<vmem>> -> memref<64xi32, #tpu.memory_space<vmem>>
      %dma_start3A_561 = tpu.memref_slice %arg2[%run_scoped3A, %multiple_of3A] : memref<8x2048xi32, #tpu.memory_space<hbm>> -> memref<1x64xi32, #tpu.memory_space<hbm>>
      %dma_start3A_562 = tpu.memref_squeeze %dma_start3A_561 : memref<1x64xi32, #tpu.memory_space<hbm>> -> memref<64xi32, #tpu.memory_space<hbm>>
      %dma_start3A_563 = arith.constant 0 : i32
      %dma_start3A_564 = tpu.memref_slice %arg6[%run_scoped3A_3, %dma_start3A_563] : memref<8x64xi32, #tpu.memory_space<vmem>> -> memref<1x64xi32, #tpu.memory_space<vmem>>
      %dma_start3A_565 = tpu.memref_squeeze %dma_start3A_564 : memref<1x64xi32, #tpu.memory_space<vmem>> -> memref<64xi32, #tpu.memory_space<vmem>>
      %dma_start3A_566 = tpu.memref_slice %arg2[%run_scoped3A, %multiple_of3A] : memref<8x2048xi32, #tpu.memory_space<hbm>> -> memref<1x64xi32, #tpu.memory_space<hbm>>
      %dma_start3A_567 = tpu.memref_squeeze %dma_start3A_566 : memref<1x64xi32, #tpu.memory_space<hbm>> -> memref<64xi32, #tpu.memory_space<hbm>>
      tpu.enqueue_dma source(%dma_start3A_567 : memref<64xi32, #tpu.memory_space<hbm>>) target(%dma_start3A_565 : memref<64xi32, #tpu.memory_space<vmem>>) target_semaphore(%run_scoped3A_557 : memref<!tpu.dma_semaphore, #tpu.memory_space<semaphore_mem>>)
      %dma_wait3A_568 = arith.constant 0 : i32
      %dma_wait3A_569 = tpu.memref_slice %arg6[%run_scoped3A_3, %dma_wait3A_568] : memref<8x64xi32, #tpu.memory_space<vmem>> -> memref<1x64xi32, #tpu.memory_space<vmem>>
      %dma_wait3A_570 = tpu.memref_squeeze %dma_wait3A_569 : memref<1x64xi32, #tpu.memory_space<vmem>> -> memref<64xi32, #tpu.memory_space<vmem>>
      %dma_wait3A_571 = tpu.memref_slice %arg2[%run_scoped3A, %multiple_of3A] : memref<8x2048xi32, #tpu.memory_space<hbm>> -> memref<1x64xi32, #tpu.memory_space<hbm>>
      %dma_wait3A_572 = tpu.memref_squeeze %dma_wait3A_571 : memref<1x64xi32, #tpu.memory_space<hbm>> -> memref<64xi32, #tpu.memory_space<hbm>>
      %dma_wait3A_573 = arith.constant 0 : i32
      %dma_wait3A_574 = tpu.memref_slice %arg6[%run_scoped3A_3, %dma_wait3A_573] : memref<8x64xi32, #tpu.memory_space<vmem>> -> memref<1x64xi32, #tpu.memory_space<vmem>>
      %dma_wait3A_575 = tpu.memref_squeeze %dma_wait3A_574 : memref<1x64xi32, #tpu.memory_space<vmem>> -> memref<64xi32, #tpu.memory_space<vmem>>
      %dma_wait3A_576 = tpu.memref_slice %arg2[%run_scoped3A, %multiple_of3A] : memref<8x2048xi32, #tpu.memory_space<hbm>> -> memref<1x64xi32, #tpu.memory_space<hbm>>
      %dma_wait3A_577 = tpu.memref_squeeze %dma_wait3A_576 : memref<1x64xi32, #tpu.memory_space<hbm>> -> memref<64xi32, #tpu.memory_space<hbm>>
      tpu.wait_dma2 semaphore(%run_scoped3A_557 : memref<!tpu.dma_semaphore, #tpu.memory_space<semaphore_mem>>) src(%dma_wait3A_577 : memref<64xi32, #tpu.memory_space<hbm>>) dst(%dma_wait3A_575 : memref<64xi32, #tpu.memory_space<vmem>>)
      tpu.yield
    }) : () -> ()
    %run_scoped3A_4 = arith.constant 1 : i32
    %run_scoped3A_5 = arith.constant 1 : i32
    "tpu.region"() ({
      %run_scoped3A_557 = tpu.sem_alloc : memref<!tpu.dma_semaphore, #tpu.memory_space<semaphore_mem>>
      %dma_start3A_558 = arith.constant 0 : i32
      %dma_start3A_559 = tpu.memref_slice %arg6[%run_scoped3A_5, %dma_start3A_558] : memref<8x64xi32, #tpu.memory_space<vmem>> -> memref<1x64xi32, #tpu.memory_space<vmem>>
      %dma_start3A_560 = tpu.memref_squeeze %dma_start3A_559 : memref<1x64xi32, #tpu.memory_space<vmem>> -> memref<64xi32, #tpu.memory_space<vmem>>
      %dma_start3A_561 = tpu.memref_slice %arg2[%run_scoped3A_4, %multiple_of3A] : memref<8x2048xi32, #tpu.memory_space<hbm>> -> memref<1x64xi32, #tpu.memory_space<hbm>>
      %dma_start3A_562 = tpu.memref_squeeze %dma_start3A_561 : memref<1x64xi32, #tpu.memory_space<hbm>> -> memref<64xi32, #tpu.memory_space<hbm>>
      %dma_start3A_563 = arith.constant 0 : i32
      %dma_start3A_564 = tpu.memref_slice %arg6[%run_scoped3A_5, %dma_start3A_563] : memref<8x64xi32, #tpu.memory_space<vmem>> -> memref<1x64xi32, #tpu.memory_space<vmem>>
      %dma_start3A_565 = tpu.memref_squeeze %dma_start3A_564 : memref<1x64xi32, #tpu.memory_space<vmem>> -> memref<64xi32, #tpu.memory_space<vmem>>
      %dma_start3A_566 = tpu.memref_slice %arg2[%run_scoped3A_4, %multiple_of3A] : memref<8x2048xi32, #tpu.memory_space<hbm>> -> memref<1x64xi32, #tpu.memory_space<hbm>>
      %dma_start3A_567 = tpu.memref_squeeze %dma_start3A_566 : memref<1x64xi32, #tpu.memory_space<hbm>> -> memref<64xi32, #tpu.memory_space<hbm>>
      tpu.enqueue_dma source(%dma_start3A_567 : memref<64xi32, #tpu.memory_space<hbm>>) target(%dma_start3A_565 : memref<64xi32, #tpu.memory_space<vmem>>) target_semaphore(%run_scoped3A_557 : memref<!tpu.dma_semaphore, #tpu.memory_space<semaphore_mem>>)
      %dma_wait3A_568 = arith.constant 0 : i32
      %dma_wait3A_569 = tpu.memref_slice %arg6[%run_scoped3A_5, %dma_wait3A_568] : memref<8x64xi32, #tpu.memory_space<vmem>> -> memref<1x64xi32, #tpu.memory_space<vmem>>
      %dma_wait3A_570 = tpu.memref_squeeze %dma_wait3A_569 : memref<1x64xi32, #tpu.memory_space<vmem>> -> memref<64xi32, #tpu.memory_space<vmem>>
      %dma_wait3A_571 = tpu.memref_slice %arg2[%run_scoped3A_4, %multiple_of3A] : memref<8x2048xi32, #tpu.memory_space<hbm>> -> memref<1x64xi32, #tpu.memory_space<hbm>>
      %dma_wait3A_572 = tpu.memref_squeeze %dma_wait3A_571 : memref<1x64xi32, #tpu.memory_space<hbm>> -> memref<64xi32, #tpu.memory_space<hbm>>
      %dma_wait3A_573 = arith.constant 0 : i32
      %dma_wait3A_574 = tpu.memref_slice %arg6[%run_scoped3A_5, %dma_wait3A_573] : memref<8x64xi32, #tpu.memory_space<vmem>> -> memref<1x64xi32, #tpu.memory_space<vmem>>
      %dma_wait3A_575 = tpu.memref_squeeze %dma_wait3A_574 : memref<1x64xi32, #tpu.memory_space<vmem>> -> memref<64xi32, #tpu.memory_space<vmem>>
      %dma_wait3A_576 = tpu.memref_slice %arg2[%run_scoped3A_4, %multiple_of3A] : memref<8x2048xi32, #tpu.memory_space<hbm>> -> memref<1x64xi32, #tpu.memory_space<hbm>>
      %dma_wait3A_577 = tpu.memref_squeeze %dma_wait3A_576 : memref<1x64xi32, #tpu.memory_space<hbm>> -> memref<64xi32, #tpu.memory_space<hbm>>
      tpu.wait_dma2 semaphore(%run_scoped3A_557 : memref<!tpu.dma_semaphore, #tpu.memory_space<semaphore_mem>>) src(%dma_wait3A_577 : memref<64xi32, #tpu.memory_space<hbm>>) dst(%dma_wait3A_575 : memref<64xi32, #tpu.memory_space<vmem>>)
      tpu.yield
    }) : () -> ()
    %run_scoped3A_6 = arith.constant 2 : i32
    %run_scoped3A_7 = arith.constant 2 : i32
    "tpu.region"() ({
      %run_scoped3A_557 = tpu.sem_alloc : memref<!tpu.dma_semaphore, #tpu.memory_space<semaphore_mem>>
      %dma_start3A_558 = arith.constant 0 : i32
      %dma_start3A_559 = tpu.memref_slice %arg6[%run_scoped3A_7, %dma_start3A_558] : memref<8x64xi32, #tpu.memory_space<vmem>> -> memref<1x64xi32, #tpu.memory_space<vmem>>
      %dma_start3A_560 = tpu.memref_squeeze %dma_start3A_559 : memref<1x64xi32, #tpu.memory_space<vmem>> -> memref<64xi32, #tpu.memory_space<vmem>>
      %dma_start3A_561 = tpu.memref_slice %arg2[%run_scoped3A_6, %multiple_of3A] : memref<8x2048xi32, #tpu.memory_space<hbm>> -> memref<1x64xi32, #tpu.memory_space<hbm>>
      %dma_start3A_562 = tpu.memref_squeeze %dma_start3A_561 : memref<1x64xi32, #tpu.memory_space<hbm>> -> memref<64xi32, #tpu.memory_space<hbm>>
      %dma_start3A_563 = arith.constant 0 : i32
      %dma_start3A_564 = tpu.memref_slice %arg6[%run_scoped3A_7, %dma_start3A_563] : memref<8x64xi32, #tpu.memory_space<vmem>> -> memref<1x64xi32, #tpu.memory_space<vmem>>
      %dma_start3A_565 = tpu.memref_squeeze %dma_start3A_564 : memref<1x64xi32, #tpu.memory_space<vmem>> -> memref<64xi32, #tpu.memory_space<vmem>>
      %dma_start3A_566 = tpu.memref_slice %arg2[%run_scoped3A_6, %multiple_of3A] : memref<8x2048xi32, #tpu.memory_space<hbm>> -> memref<1x64xi32, #tpu.memory_space<hbm>>
      %dma_start3A_567 = tpu.memref_squeeze %dma_start3A_566 : memref<1x64xi32, #tpu.memory_space<hbm>> -> memref<64xi32, #tpu.memory_space<hbm>>
      tpu.enqueue_dma source(%dma_start3A_567 : memref<64xi32, #tpu.memory_space<hbm>>) target(%dma_start3A_565 : memref<64xi32, #tpu.memory_space<vmem>>) target_semaphore(%run_scoped3A_557 : memref<!tpu.dma_semaphore, #tpu.memory_space<semaphore_mem>>)
      %dma_wait3A_568 = arith.constant 0 : i32
      %dma_wait3A_569 = tpu.memref_slice %arg6[%run_scoped3A_7, %dma_wait3A_568] : memref<8x64xi32, #tpu.memory_space<vmem>> -> memref<1x64xi32, #tpu.memory_space<vmem>>
      %dma_wait3A_570 = tpu.memref_squeeze %dma_wait3A_569 : memref<1x64xi32, #tpu.memory_space<vmem>> -> memref<64xi32, #tpu.memory_space<vmem>>
      %dma_wait3A_571 = tpu.memref_slice %arg2[%run_scoped3A_6, %multiple_of3A] : memref<8x2048xi32, #tpu.memory_space<hbm>> -> memref<1x64xi32, #tpu.memory_space<hbm>>
      %dma_wait3A_572 = tpu.memref_squeeze %dma_wait3A_571 : memref<1x64xi32, #tpu.memory_space<hbm>> -> memref<64xi32, #tpu.memory_space<hbm>>
      %dma_wait3A_573 = arith.constant 0 : i32
      %dma_wait3A_574 = tpu.memref_slice %arg6[%run_scoped3A_7, %dma_wait3A_573] : memref<8x64xi32, #tpu.memory_space<vmem>> -> memref<1x64xi32, #tpu.memory_space<vmem>>
      %dma_wait3A_575 = tpu.memref_squeeze %dma_wait3A_574 : memref<1x64xi32, #tpu.memory_space<vmem>> -> memref<64xi32, #tpu.memory_space<vmem>>
      %dma_wait3A_576 = tpu.memref_slice %arg2[%run_scoped3A_6, %multiple_of3A] : memref<8x2048xi32, #tpu.memory_space<hbm>> -> memref<1x64xi32, #tpu.memory_space<hbm>>
      %dma_wait3A_577 = tpu.memref_squeeze %dma_wait3A_576 : memref<1x64xi32, #tpu.memory_space<hbm>> -> memref<64xi32, #tpu.memory_space<hbm>>
      tpu.wait_dma2 semaphore(%run_scoped3A_557 : memref<!tpu.dma_semaphore, #tpu.memory_space<semaphore_mem>>) src(%dma_wait3A_577 : memref<64xi32, #tpu.memory_space<hbm>>) dst(%dma_wait3A_575 : memref<64xi32, #tpu.memory_space<vmem>>)
      tpu.yield
    }) : () -> ()
    %run_scoped3A_8 = arith.constant 3 : i32
    %run_scoped3A_9 = arith.constant 3 : i32
    "tpu.region"() ({
      %run_scoped3A_557 = tpu.sem_alloc : memref<!tpu.dma_semaphore, #tpu.memory_space<semaphore_mem>>
      %dma_start3A_558 = arith.constant 0 : i32
      %dma_start3A_559 = tpu.memref_slice %arg6[%run_scoped3A_9, %dma_start3A_558] : memref<8x64xi32, #tpu.memory_space<vmem>> -> memref<1x64xi32, #tpu.memory_space<vmem>>
      %dma_start3A_560 = tpu.memref_squeeze %dma_start3A_559 : memref<1x64xi32, #tpu.memory_space<vmem>> -> memref<64xi32, #tpu.memory_space<vmem>>
      %dma_start3A_561 = tpu.memref_slice %arg2[%run_scoped3A_8, %multiple_of3A] : memref<8x2048xi32, #tpu.memory_space<hbm>> -> memref<1x64xi32, #tpu.memory_space<hbm>>
      %dma_start3A_562 = tpu.memref_squeeze %dma_start3A_561 : memref<1x64xi32, #tpu.memory_space<hbm>> -> memref<64xi32, #tpu.memory_space<hbm>>
      %dma_start3A_563 = arith.constant 0 : i32
      %dma_start3A_564 = tpu.memref_slice %arg6[%run_scoped3A_9, %dma_start3A_563] : memref<8x64xi32, #tpu.memory_space<vmem>> -> memref<1x64xi32, #tpu.memory_space<vmem>>
      %dma_start3A_565 = tpu.memref_squeeze %dma_start3A_564 : memref<1x64xi32, #tpu.memory_space<vmem>> -> memref<64xi32, #tpu.memory_space<vmem>>
      %dma_start3A_566 = tpu.memref_slice %arg2[%run_scoped3A_8, %multiple_of3A] : memref<8x2048xi32, #tpu.memory_space<hbm>> -> memref<1x64xi32, #tpu.memory_space<hbm>>
      %dma_start3A_567 = tpu.memref_squeeze %dma_start3A_566 : memref<1x64xi32, #tpu.memory_space<hbm>> -> memref<64xi32, #tpu.memory_space<hbm>>
      tpu.enqueue_dma source(%dma_start3A_567 : memref<64xi32, #tpu.memory_space<hbm>>) target(%dma_start3A_565 : memref<64xi32, #tpu.memory_space<vmem>>) target_semaphore(%run_scoped3A_557 : memref<!tpu.dma_semaphore, #tpu.memory_space<semaphore_mem>>)
      %dma_wait3A_568 = arith.constant 0 : i32
      %dma_wait3A_569 = tpu.memref_slice %arg6[%run_scoped3A_9, %dma_wait3A_568] : memref<8x64xi32, #tpu.memory_space<vmem>> -> memref<1x64xi32, #tpu.memory_space<vmem>>
      %dma_wait3A_570 = tpu.memref_squeeze %dma_wait3A_569 : memref<1x64xi32, #tpu.memory_space<vmem>> -> memref<64xi32, #tpu.memory_space<vmem>>
      %dma_wait3A_571 = tpu.memref_slice %arg2[%run_scoped3A_8, %multiple_of3A] : memref<8x2048xi32, #tpu.memory_space<hbm>> -> memref<1x64xi32, #tpu.memory_space<hbm>>
      %dma_wait3A_572 = tpu.memref_squeeze %dma_wait3A_571 : memref<1x64xi32, #tpu.memory_space<hbm>> -> memref<64xi32, #tpu.memory_space<hbm>>
      %dma_wait3A_573 = arith.constant 0 : i32
      %dma_wait3A_574 = tpu.memref_slice %arg6[%run_scoped3A_9, %dma_wait3A_573] : memref<8x64xi32, #tpu.memory_space<vmem>> -> memref<1x64xi32, #tpu.memory_space<vmem>>
      %dma_wait3A_575 = tpu.memref_squeeze %dma_wait3A_574 : memref<1x64xi32, #tpu.memory_space<vmem>> -> memref<64xi32, #tpu.memory_space<vmem>>
      %dma_wait3A_576 = tpu.memref_slice %arg2[%run_scoped3A_8, %multiple_of3A] : memref<8x2048xi32, #tpu.memory_space<hbm>> -> memref<1x64xi32, #tpu.memory_space<hbm>>
      %dma_wait3A_577 = tpu.memref_squeeze %dma_wait3A_576 : memref<1x64xi32, #tpu.memory_space<hbm>> -> memref<64xi32, #tpu.memory_space<hbm>>
      tpu.wait_dma2 semaphore(%run_scoped3A_557 : memref<!tpu.dma_semaphore, #tpu.memory_space<semaphore_mem>>) src(%dma_wait3A_577 : memref<64xi32, #tpu.memory_space<hbm>>) dst(%dma_wait3A_575 : memref<64xi32, #tpu.memory_space<vmem>>)
      tpu.yield
    }) : () -> ()
    %run_scoped3A_10 = arith.constant 4 : i32
    %run_scoped3A_11 = arith.constant 4 : i32
    "tpu.region"() ({
      %run_scoped3A_557 = tpu.sem_alloc : memref<!tpu.dma_semaphore, #tpu.memory_space<semaphore_mem>>
      %dma_start3A_558 = arith.constant 0 : i32
      %dma_start3A_559 = tpu.memref_slice %arg6[%run_scoped3A_11, %dma_start3A_558] : memref<8x64xi32, #tpu.memory_space<vmem>> -> memref<1x64xi32, #tpu.memory_space<vmem>>
      %dma_start3A_560 = tpu.memref_squeeze %dma_start3A_559 : memref<1x64xi32, #tpu.memory_space<vmem>> -> memref<64xi32, #tpu.memory_space<vmem>>
      %dma_start3A_561 = tpu.memref_slice %arg2[%run_scoped3A_10, %multiple_of3A] : memref<8x2048xi32, #tpu.memory_space<hbm>> -> memref<1x64xi32, #tpu.memory_space<hbm>>
      %dma_start3A_562 = tpu.memref_squeeze %dma_start3A_561 : memref<1x64xi32, #tpu.memory_space<hbm>> -> memref<64xi32, #tpu.memory_space<hbm>>
      %dma_start3A_563 = arith.constant 0 : i32
      %dma_start3A_564 = tpu.memref_slice %arg6[%run_scoped3A_11, %dma_start3A_563] : memref<8x64xi32, #tpu.memory_space<vmem>> -> memref<1x64xi32, #tpu.memory_space<vmem>>
      %dma_start3A_565 = tpu.memref_squeeze %dma_start3A_564 : memref<1x64xi32, #tpu.memory_space<vmem>> -> memref<64xi32, #tpu.memory_space<vmem>>
      %dma_start3A_566 = tpu.memref_slice %arg2[%run_scoped3A_10, %multiple_of3A] : memref<8x2048xi32, #tpu.memory_space<hbm>> -> memref<1x64xi32, #tpu.memory_space<hbm>>
      %dma_start3A_567 = tpu.memref_squeeze %dma_start3A_566 : memref<1x64xi32, #tpu.memory_space<hbm>> -> memref<64xi32, #tpu.memory_space<hbm>>
      tpu.enqueue_dma source(%dma_start3A_567 : memref<64xi32, #tpu.memory_space<hbm>>) target(%dma_start3A_565 : memref<64xi32, #tpu.memory_space<vmem>>) target_semaphore(%run_scoped3A_557 : memref<!tpu.dma_semaphore, #tpu.memory_space<semaphore_mem>>)
      %dma_wait3A_568 = arith.constant 0 : i32
      %dma_wait3A_569 = tpu.memref_slice %arg6[%run_scoped3A_11, %dma_wait3A_568] : memref<8x64xi32, #tpu.memory_space<vmem>> -> memref<1x64xi32, #tpu.memory_space<vmem>>
      %dma_wait3A_570 = tpu.memref_squeeze %dma_wait3A_569 : memref<1x64xi32, #tpu.memory_space<vmem>> -> memref<64xi32, #tpu.memory_space<vmem>>
      %dma_wait3A_571 = tpu.memref_slice %arg2[%run_scoped3A_10, %multiple_of3A] : memref<8x2048xi32, #tpu.memory_space<hbm>> -> memref<1x64xi32, #tpu.memory_space<hbm>>
      %dma_wait3A_572 = tpu.memref_squeeze %dma_wait3A_571 : memref<1x64xi32, #tpu.memory_space<hbm>> -> memref<64xi32, #tpu.memory_space<hbm>>
      %dma_wait3A_573 = arith.constant 0 : i32
      %dma_wait3A_574 = tpu.memref_slice %arg6[%run_scoped3A_11, %dma_wait3A_573] : memref<8x64xi32, #tpu.memory_space<vmem>> -> memref<1x64xi32, #tpu.memory_space<vmem>>
      %dma_wait3A_575 = tpu.memref_squeeze %dma_wait3A_574 : memref<1x64xi32, #tpu.memory_space<vmem>> -> memref<64xi32, #tpu.memory_space<vmem>>
      %dma_wait3A_576 = tpu.memref_slice %arg2[%run_scoped3A_10, %multiple_of3A] : memref<8x2048xi32, #tpu.memory_space<hbm>> -> memref<1x64xi32, #tpu.memory_space<hbm>>
      %dma_wait3A_577 = tpu.memref_squeeze %dma_wait3A_576 : memref<1x64xi32, #tpu.memory_space<hbm>> -> memref<64xi32, #tpu.memory_space<hbm>>
      tpu.wait_dma2 semaphore(%run_scoped3A_557 : memref<!tpu.dma_semaphore, #tpu.memory_space<semaphore_mem>>) src(%dma_wait3A_577 : memref<64xi32, #tpu.memory_space<hbm>>) dst(%dma_wait3A_575 : memref<64xi32, #tpu.memory_space<vmem>>)
      tpu.yield
    }) : () -> ()
    %run_scoped3A_12 = arith.constant 5 : i32
    %run_scoped3A_13 = arith.constant 5 : i32
    "tpu.region"() ({
      %run_scoped3A_557 = tpu.sem_alloc : memref<!tpu.dma_semaphore, #tpu.memory_space<semaphore_mem>>
      %dma_start3A_558 = arith.constant 0 : i32
      %dma_start3A_559 = tpu.memref_slice %arg6[%run_scoped3A_13, %dma_start3A_558] : memref<8x64xi32, #tpu.memory_space<vmem>> -> memref<1x64xi32, #tpu.memory_space<vmem>>
      %dma_start3A_560 = tpu.memref_squeeze %dma_start3A_559 : memref<1x64xi32, #tpu.memory_space<vmem>> -> memref<64xi32, #tpu.memory_space<vmem>>
      %dma_start3A_561 = tpu.memref_slice %arg2[%run_scoped3A_12, %multiple_of3A] : memref<8x2048xi32, #tpu.memory_space<hbm>> -> memref<1x64xi32, #tpu.memory_space<hbm>>
      %dma_start3A_562 = tpu.memref_squeeze %dma_start3A_561 : memref<1x64xi32, #tpu.memory_space<hbm>> -> memref<64xi32, #tpu.memory_space<hbm>>
      %dma_start3A_563 = arith.constant 0 : i32
      %dma_start3A_564 = tpu.memref_slice %arg6[%run_scoped3A_13, %dma_start3A_563] : memref<8x64xi32, #tpu.memory_space<vmem>> -> memref<1x64xi32, #tpu.memory_space<vmem>>
      %dma_start3A_565 = tpu.memref_squeeze %dma_start3A_564 : memref<1x64xi32, #tpu.memory_space<vmem>> -> memref<64xi32, #tpu.memory_space<vmem>>
      %dma_start3A_566 = tpu.memref_slice %arg2[%run_scoped3A_12, %multiple_of3A] : memref<8x2048xi32, #tpu.memory_space<hbm>> -> memref<1x64xi32, #tpu.memory_space<hbm>>
      %dma_start3A_567 = tpu.memref_squeeze %dma_start3A_566 : memref<1x64xi32, #tpu.memory_space<hbm>> -> memref<64xi32, #tpu.memory_space<hbm>>
      tpu.enqueue_dma source(%dma_start3A_567 : memref<64xi32, #tpu.memory_space<hbm>>) target(%dma_start3A_565 : memref<64xi32, #tpu.memory_space<vmem>>) target_semaphore(%run_scoped3A_557 : memref<!tpu.dma_semaphore, #tpu.memory_space<semaphore_mem>>)
      %dma_wait3A_568 = arith.constant 0 : i32
      %dma_wait3A_569 = tpu.memref_slice %arg6[%run_scoped3A_13, %dma_wait3A_568] : memref<8x64xi32, #tpu.memory_space<vmem>> -> memref<1x64xi32, #tpu.memory_space<vmem>>
      %dma_wait3A_570 = tpu.memref_squeeze %dma_wait3A_569 : memref<1x64xi32, #tpu.memory_space<vmem>> -> memref<64xi32, #tpu.memory_space<vmem>>
      %dma_wait3A_571 = tpu.memref_slice %arg2[%run_scoped3A_12, %multiple_of3A] : memref<8x2048xi32, #tpu.memory_space<hbm>> -> memref<1x64xi32, #tpu.memory_space<hbm>>
      %dma_wait3A_572 = tpu.memref_squeeze %dma_wait3A_571 : memref<1x64xi32, #tpu.memory_space<hbm>> -> memref<64xi32, #tpu.memory_space<hbm>>
      %dma_wait3A_573 = arith.constant 0 : i32
      %dma_wait3A_574 = tpu.memref_slice %arg6[%run_scoped3A_13, %dma_wait3A_573] : memref<8x64xi32, #tpu.memory_space<vmem>> -> memref<1x64xi32, #tpu.memory_space<vmem>>
      %dma_wait3A_575 = tpu.memref_squeeze %dma_wait3A_574 : memref<1x64xi32, #tpu.memory_space<vmem>> -> memref<64xi32, #tpu.memory_space<vmem>>
      %dma_wait3A_576 = tpu.memref_slice %arg2[%run_scoped3A_12, %multiple_of3A] : memref<8x2048xi32, #tpu.memory_space<hbm>> -> memref<1x64xi32, #tpu.memory_space<hbm>>
      %dma_wait3A_577 = tpu.memref_squeeze %dma_wait3A_576 : memref<1x64xi32, #tpu.memory_space<hbm>> -> memref<64xi32, #tpu.memory_space<hbm>>
      tpu.wait_dma2 semaphore(%run_scoped3A_557 : memref<!tpu.dma_semaphore, #tpu.memory_space<semaphore_mem>>) src(%dma_wait3A_577 : memref<64xi32, #tpu.memory_space<hbm>>) dst(%dma_wait3A_575 : memref<64xi32, #tpu.memory_space<vmem>>)
      tpu.yield
    }) : () -> ()
    %run_scoped3A_14 = arith.constant 6 : i32
    %run_scoped3A_15 = arith.constant 6 : i32
    "tpu.region"() ({
      %run_scoped3A_557 = tpu.sem_alloc : memref<!tpu.dma_semaphore, #tpu.memory_space<semaphore_mem>>
      %dma_start3A_558 = arith.constant 0 : i32
      %dma_start3A_559 = tpu.memref_slice %arg6[%run_scoped3A_15, %dma_start3A_558] : memref<8x64xi32, #tpu.memory_space<vmem>> -> memref<1x64xi32, #tpu.memory_space<vmem>>
      %dma_start3A_560 = tpu.memref_squeeze %dma_start3A_559 : memref<1x64xi32, #tpu.memory_space<vmem>> -> memref<64xi32, #tpu.memory_space<vmem>>
      %dma_start3A_561 = tpu.memref_slice %arg2[%run_scoped3A_14, %multiple_of3A] : memref<8x2048xi32, #tpu.memory_space<hbm>> -> memref<1x64xi32, #tpu.memory_space<hbm>>
      %dma_start3A_562 = tpu.memref_squeeze %dma_start3A_561 : memref<1x64xi32, #tpu.memory_space<hbm>> -> memref<64xi32, #tpu.memory_space<hbm>>
      %dma_start3A_563 = arith.constant 0 : i32
      %dma_start3A_564 = tpu.memref_slice %arg6[%run_scoped3A_15, %dma_start3A_563] : memref<8x64xi32, #tpu.memory_space<vmem>> -> memref<1x64xi32, #tpu.memory_space<vmem>>
      %dma_start3A_565 = tpu.memref_squeeze %dma_start3A_564 : memref<1x64xi32, #tpu.memory_space<vmem>> -> memref<64xi32, #tpu.memory_space<vmem>>
      %dma_start3A_566 = tpu.memref_slice %arg2[%run_scoped3A_14, %multiple_of3A] : memref<8x2048xi32, #tpu.memory_space<hbm>> -> memref<1x64xi32, #tpu.memory_space<hbm>>
      %dma_start3A_567 = tpu.memref_squeeze %dma_start3A_566 : memref<1x64xi32, #tpu.memory_space<hbm>> -> memref<64xi32, #tpu.memory_space<hbm>>
      tpu.enqueue_dma source(%dma_start3A_567 : memref<64xi32, #tpu.memory_space<hbm>>) target(%dma_start3A_565 : memref<64xi32, #tpu.memory_space<vmem>>) target_semaphore(%run_scoped3A_557 : memref<!tpu.dma_semaphore, #tpu.memory_space<semaphore_mem>>)
      %dma_wait3A_568 = arith.constant 0 : i32
      %dma_wait3A_569 = tpu.memref_slice %arg6[%run_scoped3A_15, %dma_wait3A_568] : memref<8x64xi32, #tpu.memory_space<vmem>> -> memref<1x64xi32, #tpu.memory_space<vmem>>
      %dma_wait3A_570 = tpu.memref_squeeze %dma_wait3A_569 : memref<1x64xi32, #tpu.memory_space<vmem>> -> memref<64xi32, #tpu.memory_space<vmem>>
      %dma_wait3A_571 = tpu.memref_slice %arg2[%run_scoped3A_14, %multiple_of3A] : memref<8x2048xi32, #tpu.memory_space<hbm>> -> memref<1x64xi32, #tpu.memory_space<hbm>>
      %dma_wait3A_572 = tpu.memref_squeeze %dma_wait3A_571 : memref<1x64xi32, #tpu.memory_space<hbm>> -> memref<64xi32, #tpu.memory_space<hbm>>
      %dma_wait3A_573 = arith.constant 0 : i32
      %dma_wait3A_574 = tpu.memref_slice %arg6[%run_scoped3A_15, %dma_wait3A_573] : memref<8x64xi32, #tpu.memory_space<vmem>> -> memref<1x64xi32, #tpu.memory_space<vmem>>
      %dma_wait3A_575 = tpu.memref_squeeze %dma_wait3A_574 : memref<1x64xi32, #tpu.memory_space<vmem>> -> memref<64xi32, #tpu.memory_space<vmem>>
      %dma_wait3A_576 = tpu.memref_slice %arg2[%run_scoped3A_14, %multiple_of3A] : memref<8x2048xi32, #tpu.memory_space<hbm>> -> memref<1x64xi32, #tpu.memory_space<hbm>>
      %dma_wait3A_577 = tpu.memref_squeeze %dma_wait3A_576 : memref<1x64xi32, #tpu.memory_space<hbm>> -> memref<64xi32, #tpu.memory_space<hbm>>
      tpu.wait_dma2 semaphore(%run_scoped3A_557 : memref<!tpu.dma_semaphore, #tpu.memory_space<semaphore_mem>>) src(%dma_wait3A_577 : memref<64xi32, #tpu.memory_space<hbm>>) dst(%dma_wait3A_575 : memref<64xi32, #tpu.memory_space<vmem>>)
      tpu.yield
    }) : () -> ()
    %run_scoped3A_16 = arith.constant 7 : i32
    %run_scoped3A_17 = arith.constant 7 : i32
    "tpu.region"() ({
      %run_scoped3A_557 = tpu.sem_alloc : memref<!tpu.dma_semaphore, #tpu.memory_space<semaphore_mem>>
      %dma_start3A_558 = arith.constant 0 : i32
      %dma_start3A_559 = tpu.memref_slice %arg6[%run_scoped3A_17, %dma_start3A_558] : memref<8x64xi32, #tpu.memory_space<vmem>> -> memref<1x64xi32, #tpu.memory_space<vmem>>
      %dma_start3A_560 = tpu.memref_squeeze %dma_start3A_559 : memref<1x64xi32, #tpu.memory_space<vmem>> -> memref<64xi32, #tpu.memory_space<vmem>>
      %dma_start3A_561 = tpu.memref_slice %arg2[%run_scoped3A_16, %multiple_of3A] : memref<8x2048xi32, #tpu.memory_space<hbm>> -> memref<1x64xi32, #tpu.memory_space<hbm>>
      %dma_start3A_562 = tpu.memref_squeeze %dma_start3A_561 : memref<1x64xi32, #tpu.memory_space<hbm>> -> memref<64xi32, #tpu.memory_space<hbm>>
      %dma_start3A_563 = arith.constant 0 : i32
      %dma_start3A_564 = tpu.memref_slice %arg6[%run_scoped3A_17, %dma_start3A_563] : memref<8x64xi32, #tpu.memory_space<vmem>> -> memref<1x64xi32, #tpu.memory_space<vmem>>
      %dma_start3A_565 = tpu.memref_squeeze %dma_start3A_564 : memref<1x64xi32, #tpu.memory_space<vmem>> -> memref<64xi32, #tpu.memory_space<vmem>>
      %dma_start3A_566 = tpu.memref_slice %arg2[%run_scoped3A_16, %multiple_of3A] : memref<8x2048xi32, #tpu.memory_space<hbm>> -> memref<1x64xi32, #tpu.memory_space<hbm>>
      %dma_start3A_567 = tpu.memref_squeeze %dma_start3A_566 : memref<1x64xi32, #tpu.memory_space<hbm>> -> memref<64xi32, #tpu.memory_space<hbm>>
      tpu.enqueue_dma source(%dma_start3A_567 : memref<64xi32, #tpu.memory_space<hbm>>) target(%dma_start3A_565 : memref<64xi32, #tpu.memory_space<vmem>>) target_semaphore(%run_scoped3A_557 : memref<!tpu.dma_semaphore, #tpu.memory_space<semaphore_mem>>)
      %dma_wait3A_568 = arith.constant 0 : i32
      %dma_wait3A_569 = tpu.memref_slice %arg6[%run_scoped3A_17, %dma_wait3A_568] : memref<8x64xi32, #tpu.memory_space<vmem>> -> memref<1x64xi32, #tpu.memory_space<vmem>>
      %dma_wait3A_570 = tpu.memref_squeeze %dma_wait3A_569 : memref<1x64xi32, #tpu.memory_space<vmem>> -> memref<64xi32, #tpu.memory_space<vmem>>
      %dma_wait3A_571 = tpu.memref_slice %arg2[%run_scoped3A_16, %multiple_of3A] : memref<8x2048xi32, #tpu.memory_space<hbm>> -> memref<1x64xi32, #tpu.memory_space<hbm>>
      %dma_wait3A_572 = tpu.memref_squeeze %dma_wait3A_571 : memref<1x64xi32, #tpu.memory_space<hbm>> -> memref<64xi32, #tpu.memory_space<hbm>>
      %dma_wait3A_573 = arith.constant 0 : i32
      %dma_wait3A_574 = tpu.memref_slice %arg6[%run_scoped3A_17, %dma_wait3A_573] : memref<8x64xi32, #tpu.memory_space<vmem>> -> memref<1x64xi32, #tpu.memory_space<vmem>>
      %dma_wait3A_575 = tpu.memref_squeeze %dma_wait3A_574 : memref<1x64xi32, #tpu.memory_space<vmem>> -> memref<64xi32, #tpu.memory_space<vmem>>
      %dma_wait3A_576 = tpu.memref_slice %arg2[%run_scoped3A_16, %multiple_of3A] : memref<8x2048xi32, #tpu.memory_space<hbm>> -> memref<1x64xi32, #tpu.memory_space<hbm>>
      %dma_wait3A_577 = tpu.memref_squeeze %dma_wait3A_576 : memref<1x64xi32, #tpu.memory_space<hbm>> -> memref<64xi32, #tpu.memory_space<hbm>>
      tpu.wait_dma2 semaphore(%run_scoped3A_557 : memref<!tpu.dma_semaphore, #tpu.memory_space<semaphore_mem>>) src(%dma_wait3A_577 : memref<64xi32, #tpu.memory_space<hbm>>) dst(%dma_wait3A_575 : memref<64xi32, #tpu.memory_space<vmem>>)
      tpu.yield
    }) : () -> ()
    %broadcast_in_dim3A = arith.constant 0 : i32
    %broadcast_in_dim3A_18 = vector.broadcast %broadcast_in_dim3A : i32 to vector<16xi32>
    %add3A_19 = arith.constant 1073741824 : i32
    %add3A_20 = vector.broadcast %add3A_19 : i32 to vector<16xi32>
    %add3A_21 = arith.addi %broadcast_in_dim3A_18, %add3A_20 : vector<16xi32>
    %broadcast_in_dim3A_22 = arith.constant 0 : i32
    %broadcast_in_dim3A_23 = vector.broadcast %broadcast_in_dim3A_22 : i32 to vector<16xi32>
    %sub3A = arith.constant 1 : i32
    %sub3A_24 = vector.broadcast %sub3A : i32 to vector<16xi32>
    %sub3A_25 = arith.subi %broadcast_in_dim3A_23, %sub3A_24 : vector<16xi32>
    %get3A = arith.constant 0 : i32
    %get3A_26 = arith.index_cast %get3A : i32 to index
    %get3A_27 = arith.constant 0 : index
    %get3A_28 = tpu.vector_load %arg6[%get3A_26, %get3A_27] {strides = array<i32>} : memref<8x64xi32, #tpu.memory_space<vmem>>, vector<1x16xi32>,
    %get3A_29 = vector.shape_cast %get3A_28 : vector<1x16xi32> to vector<16xi32>
    %ge3A = arith.constant 0 : i32
    %ge3A_30 = vector.broadcast %ge3A : i32 to vector<16xi32>
    %ge3A_31 = arith.cmpi sge, %get3A_29, %ge3A_30 : vector<16xi32>
    %min3A = arith.minsi %add3A_21, %get3A_29 : vector<16xi32>
    %select_n3A = arith.select %ge3A_31, %min3A, %add3A_21 : vector<16xi1>, vector<16xi32>
    %max3A = arith.maxsi %sub3A_25, %get3A_29 : vector<16xi32>
    %select_n3A_32 = arith.select %ge3A_31, %max3A, %sub3A_25 : vector<16xi1>, vector<16xi32>
    %get3A_33 = arith.constant 1 : i32
    %get3A_34 = arith.index_cast %get3A_33 : i32 to index
    %get3A_35 = arith.constant 0 : index
    %get3A_36 = tpu.vector_load %arg6[%get3A_34, %get3A_35] {strides = array<i32>} : memref<8x64xi32, #tpu.memory_space<vmem>>, vector<1x16xi32>,
    %get3A_37 = vector.shape_cast %get3A_36 : vector<1x16xi32> to vector<16xi32>
    %ge3A_38 = arith.constant 0 : i32
    %ge3A_39 = vector.broadcast %ge3A_38 : i32 to vector<16xi32>
    %ge3A_40 = arith.cmpi sge, %get3A_37, %ge3A_39 : vector<16xi32>
    %min3A_41 = arith.minsi %select_n3A, %get3A_37 : vector<16xi32>
    %select_n3A_42 = arith.select %ge3A_40, %min3A_41, %select_n3A : vector<16xi1>, vector<16xi32>
    %max3A_43 = arith.maxsi %select_n3A_32, %get3A_37 : vector<16xi32>
    %select_n3A_44 = arith.select %ge3A_40, %max3A_43, %select_n3A_32 : vector<16xi1>, vector<16xi32>
    %get3A_45 = arith.constant 2 : i32
    %get3A_46 = arith.index_cast %get3A_45 : i32 to index
    %get3A_47 = arith.constant 0 : index
    %get3A_48 = tpu.vector_load %arg6[%get3A_46, %get3A_47] {strides = array<i32>} : memref<8x64xi32, #tpu.memory_space<vmem>>, vector<1x16xi32>,
    %get3A_49 = vector.shape_cast %get3A_48 : vector<1x16xi32> to vector<16xi32>
    %ge3A_50 = arith.constant 0 : i32
    %ge3A_51 = vector.broadcast %ge3A_50 : i32 to vector<16xi32>
    %ge3A_52 = arith.cmpi sge, %get3A_49, %ge3A_51 : vector<16xi32>
    %min3A_53 = arith.minsi %select_n3A_42, %get3A_49 : vector<16xi32>
    %select_n3A_54 = arith.select %ge3A_52, %min3A_53, %select_n3A_42 : vector<16xi1>, vector<16xi32>
    %max3A_55 = arith.maxsi %select_n3A_44, %get3A_49 : vector<16xi32>
    %select_n3A_56 = arith.select %ge3A_52, %max3A_55, %select_n3A_44 : vector<16xi1>, vector<16xi32>
    %get3A_57 = arith.constant 3 : i32
    %get3A_58 = arith.index_cast %get3A_57 : i32 to index
    %get3A_59 = arith.constant 0 : index
    %get3A_60 = tpu.vector_load %arg6[%get3A_58, %get3A_59] {strides = array<i32>} : memref<8x64xi32, #tpu.memory_space<vmem>>, vector<1x16xi32>,
    %get3A_61 = vector.shape_cast %get3A_60 : vector<1x16xi32> to vector<16xi32>
    %ge3A_62 = arith.constant 0 : i32
    %ge3A_63 = vector.broadcast %ge3A_62 : i32 to vector<16xi32>
    %ge3A_64 = arith.cmpi sge, %get3A_61, %ge3A_63 : vector<16xi32>
    %min3A_65 = arith.minsi %select_n3A_54, %get3A_61 : vector<16xi32>
    %select_n3A_66 = arith.select %ge3A_64, %min3A_65, %select_n3A_54 : vector<16xi1>, vector<16xi32>
    %max3A_67 = arith.maxsi %select_n3A_56, %get3A_61 : vector<16xi32>
    %select_n3A_68 = arith.select %ge3A_64, %max3A_67, %select_n3A_56 : vector<16xi1>, vector<16xi32>
    %get3A_69 = arith.constant 4 : i32
    %get3A_70 = arith.index_cast %get3A_69 : i32 to index
    %get3A_71 = arith.constant 0 : index
    %get3A_72 = tpu.vector_load %arg6[%get3A_70, %get3A_71] {strides = array<i32>} : memref<8x64xi32, #tpu.memory_space<vmem>>, vector<1x16xi32>,
    %get3A_73 = vector.shape_cast %get3A_72 : vector<1x16xi32> to vector<16xi32>
    %ge3A_74 = arith.constant 0 : i32
    %ge3A_75 = vector.broadcast %ge3A_74 : i32 to vector<16xi32>
    %ge3A_76 = arith.cmpi sge, %get3A_73, %ge3A_75 : vector<16xi32>
    %min3A_77 = arith.minsi %select_n3A_66, %get3A_73 : vector<16xi32>
    %select_n3A_78 = arith.select %ge3A_76, %min3A_77, %select_n3A_66 : vector<16xi1>, vector<16xi32>
    %max3A_79 = arith.maxsi %select_n3A_68, %get3A_73 : vector<16xi32>
    %select_n3A_80 = arith.select %ge3A_76, %max3A_79, %select_n3A_68 : vector<16xi1>, vector<16xi32>
    %get3A_81 = arith.constant 5 : i32
    %get3A_82 = arith.index_cast %get3A_81 : i32 to index
    %get3A_83 = arith.constant 0 : index
    %get3A_84 = tpu.vector_load %arg6[%get3A_82, %get3A_83] {strides = array<i32>} : memref<8x64xi32, #tpu.memory_space<vmem>>, vector<1x16xi32>,
    %get3A_85 = vector.shape_cast %get3A_84 : vector<1x16xi32> to vector<16xi32>
    %ge3A_86 = arith.constant 0 : i32
    %ge3A_87 = vector.broadcast %ge3A_86 : i32 to vector<16xi32>
    %ge3A_88 = arith.cmpi sge, %get3A_85, %ge3A_87 : vector<16xi32>
    %min3A_89 = arith.minsi %select_n3A_78, %get3A_85 : vector<16xi32>
    %select_n3A_90 = arith.select %ge3A_88, %min3A_89, %select_n3A_78 : vector<16xi1>, vector<16xi32>
    %max3A_91 = arith.maxsi %select_n3A_80, %get3A_85 : vector<16xi32>
    %select_n3A_92 = arith.select %ge3A_88, %max3A_91, %select_n3A_80 : vector<16xi1>, vector<16xi32>
    %get3A_93 = arith.constant 6 : i32
    %get3A_94 = arith.index_cast %get3A_93 : i32 to index
    %get3A_95 = arith.constant 0 : index
    %get3A_96 = tpu.vector_load %arg6[%get3A_94, %get3A_95] {strides = array<i32>} : memref<8x64xi32, #tpu.memory_space<vmem>>, vector<1x16xi32>,
    %get3A_97 = vector.shape_cast %get3A_96 : vector<1x16xi32> to vector<16xi32>
    %ge3A_98 = arith.constant 0 : i32
    %ge3A_99 = vector.broadcast %ge3A_98 : i32 to vector<16xi32>
    %ge3A_100 = arith.cmpi sge, %get3A_97, %ge3A_99 : vector<16xi32>
    %min3A_101 = arith.minsi %select_n3A_90, %get3A_97 : vector<16xi32>
    %select_n3A_102 = arith.select %ge3A_100, %min3A_101, %select_n3A_90 : vector<16xi1>, vector<16xi32>
    %max3A_103 = arith.maxsi %select_n3A_92, %get3A_97 : vector<16xi32>
    %select_n3A_104 = arith.select %ge3A_100, %max3A_103, %select_n3A_92 : vector<16xi1>, vector<16xi32>
    %get3A_105 = arith.constant 7 : i32
    %get3A_106 = arith.index_cast %get3A_105 : i32 to index
    %get3A_107 = arith.constant 0 : index
    %get3A_108 = tpu.vector_load %arg6[%get3A_106, %get3A_107] {strides = array<i32>} : memref<8x64xi32, #tpu.memory_space<vmem>>, vector<1x16xi32>,
    %get3A_109 = vector.shape_cast %get3A_108 : vector<1x16xi32> to vector<16xi32>
    %ge3A_110 = arith.constant 0 : i32
    %ge3A_111 = vector.broadcast %ge3A_110 : i32 to vector<16xi32>
    %ge3A_112 = arith.cmpi sge, %get3A_109, %ge3A_111 : vector<16xi32>
    %min3A_113 = arith.minsi %select_n3A_102, %get3A_109 : vector<16xi32>
    %select_n3A_114 = arith.select %ge3A_112, %min3A_113, %select_n3A_102 : vector<16xi1>, vector<16xi32>
    %max3A_115 = arith.maxsi %select_n3A_104, %get3A_109 : vector<16xi32>
    %select_n3A_116 = arith.select %ge3A_112, %max3A_115, %select_n3A_104 : vector<16xi1>, vector<16xi32>
    %max3A_117 = arith.constant 0 : i32
    %max3A_118 = vector.broadcast %max3A_117 : i32 to vector<16xi32>
    %max3A_119 = arith.maxsi %select_n3A_114, %max3A_118 : vector<16xi32>
    %min3A_120 = arith.constant 8191 : i32
    %min3A_121 = vector.broadcast %min3A_120 : i32 to vector<16xi32>
    %min3A_122 = arith.minsi %max3A_119, %min3A_121 : vector<16xi32>
    %max3A_123 = arith.constant 0 : i32
    %max3A_124 = vector.broadcast %max3A_123 : i32 to vector<16xi32>
    %max3A_125 = arith.maxsi %select_n3A_116, %max3A_124 : vector<16xi32>
    %min3A_126 = arith.constant 8191 : i32
    %min3A_127 = vector.broadcast %min3A_126 : i32 to vector<16xi32>
    %min3A_128 = arith.minsi %max3A_125, %min3A_127 : vector<16xi32>
    %dma_start3A = arith.constant 0 : i32
    %dma_start3A_129 = arith.constant 0 : i32
    %dma_start3A_130 = arith.constant 0 : i32
    %dma_start3A_131 = tpu.memref_slice %arg3[%dma_start3A, %dma_start3A_129, %dma_start3A_130] : memref<8192x8x128xf32, #tpu.memory_space<hbm>> -> memref<8192x8x128xf32, #tpu.memory_space<hbm>>
    tpu.enqueue_indirect_dma source(%dma_start3A_131 : memref<8192x8x128xf32, #tpu.memory_space<hbm>>) target(%arg7 : memref<16x8x128xf32, #tpu.memory_space<vmem>>) offsets(%min3A_122 : vector<16xi32>) semaphore(%arg9 : memref<!tpu.dma_semaphore, #tpu.memory_space<semaphore_mem>>)
    %dma_start3A_132 = arith.constant 0 : i32
    %dma_start3A_133 = arith.constant 0 : i32
    %dma_start3A_134 = arith.constant 0 : i32
    %dma_start3A_135 = tpu.memref_slice %arg3[%dma_start3A_132, %dma_start3A_133, %dma_start3A_134] : memref<8192x8x128xf32, #tpu.memory_space<hbm>> -> memref<8192x8x128xf32, #tpu.memory_space<hbm>>
    tpu.enqueue_indirect_dma source(%dma_start3A_135 : memref<8192x8x128xf32, #tpu.memory_space<hbm>>) target(%arg8 : memref<16x8x128xf32, #tpu.memory_space<vmem>>) offsets(%min3A_128 : vector<16xi32>) semaphore(%arg10 : memref<!tpu.dma_semaphore, #tpu.memory_space<semaphore_mem>>)
    %dma_wait3A = arith.constant 0 : i32
    %dma_wait3A_136 = arith.constant 0 : i32
    %dma_wait3A_137 = arith.constant 0 : i32
    %dma_wait3A_138 = tpu.memref_slice %arg3[%dma_wait3A, %dma_wait3A_136, %dma_wait3A_137] : memref<8192x8x128xf32, #tpu.memory_space<hbm>> -> memref<8192x8x128xf32, #tpu.memory_space<hbm>>
    tpu.wait_indirect_dma semaphore(%arg9 : memref<!tpu.dma_semaphore, #tpu.memory_space<semaphore_mem>>) src(%dma_wait3A_138 : memref<8192x8x128xf32, #tpu.memory_space<hbm>>) dst(%arg7 : memref<16x8x128xf32, #tpu.memory_space<vmem>>)
    %dma_wait3A_139 = arith.constant 0 : i32
    %dma_wait3A_140 = arith.constant 0 : i32
    %dma_wait3A_141 = arith.constant 0 : i32
    %dma_wait3A_142 = tpu.memref_slice %arg3[%dma_wait3A_139, %dma_wait3A_140, %dma_wait3A_141] : memref<8192x8x128xf32, #tpu.memory_space<hbm>> -> memref<8192x8x128xf32, #tpu.memory_space<hbm>>
    tpu.wait_indirect_dma semaphore(%arg10 : memref<!tpu.dma_semaphore, #tpu.memory_space<semaphore_mem>>) src(%dma_wait3A_142 : memref<8192x8x128xf32, #tpu.memory_space<hbm>>) dst(%arg8 : memref<16x8x128xf32, #tpu.memory_space<vmem>>)
    %add3A_143 = arith.constant 0 : i32
    %add3A_144 = arith.addi %multiple_of3A, %add3A_143 : i32
    %multiple_of3A_145 = tpu.assume_multiple %add3A_144, 16 : i32
    "tpu.region"() ({
      %run_scoped3A_557 = tpu.sem_alloc : memref<!tpu.dma_semaphore, #tpu.memory_space<semaphore_mem>>
      %dma_start3A_558 = arith.constant 0 : i32
      %dma_start3A_559 = arith.constant 0 : i32
      %dma_start3A_560 = tpu.memref_slice %arg4[%multiple_of3A_145, %dma_start3A_558, %dma_start3A_559] : memref<2048x8x128xf32, #tpu.memory_space<hbm>> -> memref<16x8x128xf32, #tpu.memory_space<hbm>>
      %dma_start3A_561 = arith.constant 0 : i32
      %dma_start3A_562 = arith.constant 0 : i32
      %dma_start3A_563 = tpu.memref_slice %arg4[%multiple_of3A_145, %dma_start3A_561, %dma_start3A_562] : memref<2048x8x128xf32, #tpu.memory_space<hbm>> -> memref<16x8x128xf32, #tpu.memory_space<hbm>>
      tpu.enqueue_dma source(%arg7 : memref<16x8x128xf32, #tpu.memory_space<vmem>>) target(%dma_start3A_563 : memref<16x8x128xf32, #tpu.memory_space<hbm>>) target_semaphore(%run_scoped3A_557 : memref<!tpu.dma_semaphore, #tpu.memory_space<semaphore_mem>>)
      %dma_wait3A_564 = arith.constant 0 : i32
      %dma_wait3A_565 = arith.constant 0 : i32
      %dma_wait3A_566 = tpu.memref_slice %arg4[%multiple_of3A_145, %dma_wait3A_564, %dma_wait3A_565] : memref<2048x8x128xf32, #tpu.memory_space<hbm>> -> memref<16x8x128xf32, #tpu.memory_space<hbm>>
      %dma_wait3A_567 = arith.constant 0 : i32
      %dma_wait3A_568 = arith.constant 0 : i32
      %dma_wait3A_569 = tpu.memref_slice %arg4[%multiple_of3A_145, %dma_wait3A_567, %dma_wait3A_568] : memref<2048x8x128xf32, #tpu.memory_space<hbm>> -> memref<16x8x128xf32, #tpu.memory_space<hbm>>
      tpu.wait_dma2 semaphore(%run_scoped3A_557 : memref<!tpu.dma_semaphore, #tpu.memory_space<semaphore_mem>>) src(%arg7 : memref<16x8x128xf32, #tpu.memory_space<vmem>>) dst(%dma_wait3A_569 : memref<16x8x128xf32, #tpu.memory_space<hbm>>)
      tpu.yield
    }) : () -> ()
    "tpu.region"() ({
      %run_scoped3A_557 = tpu.sem_alloc : memref<!tpu.dma_semaphore, #tpu.memory_space<semaphore_mem>>
      %dma_start3A_558 = arith.constant 0 : i32
      %dma_start3A_559 = arith.constant 0 : i32
      %dma_start3A_560 = tpu.memref_slice %arg5[%multiple_of3A_145, %dma_start3A_558, %dma_start3A_559] : memref<2048x8x128xf32, #tpu.memory_space<hbm>> -> memref<16x8x128xf32, #tpu.memory_space<hbm>>
      %dma_start3A_561 = arith.constant 0 : i32
      %dma_start3A_562 = arith.constant 0 : i32
      %dma_start3A_563 = tpu.memref_slice %arg5[%multiple_of3A_145, %dma_start3A_561, %dma_start3A_562] : memref<2048x8x128xf32, #tpu.memory_space<hbm>> -> memref<16x8x128xf32, #tpu.memory_space<hbm>>
      tpu.enqueue_dma source(%arg8 : memref<16x8x128xf32, #tpu.memory_space<vmem>>) target(%dma_start3A_563 : memref<16x8x128xf32, #tpu.memory_space<hbm>>) target_semaphore(%run_scoped3A_557 : memref<!tpu.dma_semaphore, #tpu.memory_space<semaphore_mem>>)
      %dma_wait3A_564 = arith.constant 0 : i32
      %dma_wait3A_565 = arith.constant 0 : i32
      %dma_wait3A_566 = tpu.memref_slice %arg5[%multiple_of3A_145, %dma_wait3A_564, %dma_wait3A_565] : memref<2048x8x128xf32, #tpu.memory_space<hbm>> -> memref<16x8x128xf32, #tpu.memory_space<hbm>>
      %dma_wait3A_567 = arith.constant 0 : i32
      %dma_wait3A_568 = arith.constant 0 : i32
      %dma_wait3A_569 = tpu.memref_slice %arg5[%multiple_of3A_145, %dma_wait3A_567, %dma_wait3A_568] : memref<2048x8x128xf32, #tpu.memory_space<hbm>> -> memref<16x8x128xf32, #tpu.memory_space<hbm>>
      tpu.wait_dma2 semaphore(%run_scoped3A_557 : memref<!tpu.dma_semaphore, #tpu.memory_space<semaphore_mem>>) src(%arg8 : memref<16x8x128xf32, #tpu.memory_space<vmem>>) dst(%dma_wait3A_569 : memref<16x8x128xf32, #tpu.memory_space<hbm>>)
      tpu.yield
    }) : () -> ()
    %broadcast_in_dim3A_146 = arith.constant 0 : i32
    %broadcast_in_dim3A_147 = vector.broadcast %broadcast_in_dim3A_146 : i32 to vector<16xi32>
    %add3A_148 = arith.constant 1073741824 : i32
    %add3A_149 = vector.broadcast %add3A_148 : i32 to vector<16xi32>
    %add3A_150 = arith.addi %broadcast_in_dim3A_147, %add3A_149 : vector<16xi32>
    %broadcast_in_dim3A_151 = arith.constant 0 : i32
    %broadcast_in_dim3A_152 = vector.broadcast %broadcast_in_dim3A_151 : i32 to vector<16xi32>
    %sub3A_153 = arith.constant 1 : i32
    %sub3A_154 = vector.broadcast %sub3A_153 : i32 to vector<16xi32>
    %sub3A_155 = arith.subi %broadcast_in_dim3A_152, %sub3A_154 : vector<16xi32>
    %get3A_156 = arith.constant 0 : i32
    %get3A_157 = arith.index_cast %get3A_156 : i32 to index
    %get3A_158 = arith.constant 16 : index
    %get3A_159 = tpu.vector_load %arg6[%get3A_157, %get3A_158] {strides = array<i32>} : memref<8x64xi32, #tpu.memory_space<vmem>>, vector<1x16xi32>,
    %get3A_160 = vector.shape_cast %get3A_159 : vector<1x16xi32> to vector<16xi32>
    %ge3A_161 = arith.constant 0 : i32
    %ge3A_162 = vector.broadcast %ge3A_161 : i32 to vector<16xi32>
    %ge3A_163 = arith.cmpi sge, %get3A_160, %ge3A_162 : vector<16xi32>
    %min3A_164 = arith.minsi %add3A_150, %get3A_160 : vector<16xi32>
    %select_n3A_165 = arith.select %ge3A_163, %min3A_164, %add3A_150 : vector<16xi1>, vector<16xi32>
    %max3A_166 = arith.maxsi %sub3A_155, %get3A_160 : vector<16xi32>
    %select_n3A_167 = arith.select %ge3A_163, %max3A_166, %sub3A_155 : vector<16xi1>, vector<16xi32>
    %get3A_168 = arith.constant 1 : i32
    %get3A_169 = arith.index_cast %get3A_168 : i32 to index
    %get3A_170 = arith.constant 16 : index
    %get3A_171 = tpu.vector_load %arg6[%get3A_169, %get3A_170] {strides = array<i32>} : memref<8x64xi32, #tpu.memory_space<vmem>>, vector<1x16xi32>,
    %get3A_172 = vector.shape_cast %get3A_171 : vector<1x16xi32> to vector<16xi32>
    %ge3A_173 = arith.constant 0 : i32
    %ge3A_174 = vector.broadcast %ge3A_173 : i32 to vector<16xi32>
    %ge3A_175 = arith.cmpi sge, %get3A_172, %ge3A_174 : vector<16xi32>
    %min3A_176 = arith.minsi %select_n3A_165, %get3A_172 : vector<16xi32>
    %select_n3A_177 = arith.select %ge3A_175, %min3A_176, %select_n3A_165 : vector<16xi1>, vector<16xi32>
    %max3A_178 = arith.maxsi %select_n3A_167, %get3A_172 : vector<16xi32>
    %select_n3A_179 = arith.select %ge3A_175, %max3A_178, %select_n3A_167 : vector<16xi1>, vector<16xi32>
    %get3A_180 = arith.constant 2 : i32
    %get3A_181 = arith.index_cast %get3A_180 : i32 to index
    %get3A_182 = arith.constant 16 : index
    %get3A_183 = tpu.vector_load %arg6[%get3A_181, %get3A_182] {strides = array<i32>} : memref<8x64xi32, #tpu.memory_space<vmem>>, vector<1x16xi32>,
    %get3A_184 = vector.shape_cast %get3A_183 : vector<1x16xi32> to vector<16xi32>
    %ge3A_185 = arith.constant 0 : i32
    %ge3A_186 = vector.broadcast %ge3A_185 : i32 to vector<16xi32>
    %ge3A_187 = arith.cmpi sge, %get3A_184, %ge3A_186 : vector<16xi32>
    %min3A_188 = arith.minsi %select_n3A_177, %get3A_184 : vector<16xi32>
    %select_n3A_189 = arith.select %ge3A_187, %min3A_188, %select_n3A_177 : vector<16xi1>, vector<16xi32>
    %max3A_190 = arith.maxsi %select_n3A_179, %get3A_184 : vector<16xi32>
    %select_n3A_191 = arith.select %ge3A_187, %max3A_190, %select_n3A_179 : vector<16xi1>, vector<16xi32>
    %get3A_192 = arith.constant 3 : i32
    %get3A_193 = arith.index_cast %get3A_192 : i32 to index
    %get3A_194 = arith.constant 16 : index
    %get3A_195 = tpu.vector_load %arg6[%get3A_193, %get3A_194] {strides = array<i32>} : memref<8x64xi32, #tpu.memory_space<vmem>>, vector<1x16xi32>,
    %get3A_196 = vector.shape_cast %get3A_195 : vector<1x16xi32> to vector<16xi32>
    %ge3A_197 = arith.constant 0 : i32
    %ge3A_198 = vector.broadcast %ge3A_197 : i32 to vector<16xi32>
    %ge3A_199 = arith.cmpi sge, %get3A_196, %ge3A_198 : vector<16xi32>
    %min3A_200 = arith.minsi %select_n3A_189, %get3A_196 : vector<16xi32>
    %select_n3A_201 = arith.select %ge3A_199, %min3A_200, %select_n3A_189 : vector<16xi1>, vector<16xi32>
    %max3A_202 = arith.maxsi %select_n3A_191, %get3A_196 : vector<16xi32>
    %select_n3A_203 = arith.select %ge3A_199, %max3A_202, %select_n3A_191 : vector<16xi1>, vector<16xi32>
    %get3A_204 = arith.constant 4 : i32
    %get3A_205 = arith.index_cast %get3A_204 : i32 to index
    %get3A_206 = arith.constant 16 : index
    %get3A_207 = tpu.vector_load %arg6[%get3A_205, %get3A_206] {strides = array<i32>} : memref<8x64xi32, #tpu.memory_space<vmem>>, vector<1x16xi32>,
    %get3A_208 = vector.shape_cast %get3A_207 : vector<1x16xi32> to vector<16xi32>
    %ge3A_209 = arith.constant 0 : i32
    %ge3A_210 = vector.broadcast %ge3A_209 : i32 to vector<16xi32>
    %ge3A_211 = arith.cmpi sge, %get3A_208, %ge3A_210 : vector<16xi32>
    %min3A_212 = arith.minsi %select_n3A_201, %get3A_208 : vector<16xi32>
    %select_n3A_213 = arith.select %ge3A_211, %min3A_212, %select_n3A_201 : vector<16xi1>, vector<16xi32>
    %max3A_214 = arith.maxsi %select_n3A_203, %get3A_208 : vector<16xi32>
    %select_n3A_215 = arith.select %ge3A_211, %max3A_214, %select_n3A_203 : vector<16xi1>, vector<16xi32>
    %get3A_216 = arith.constant 5 : i32
    %get3A_217 = arith.index_cast %get3A_216 : i32 to index
    %get3A_218 = arith.constant 16 : index
    %get3A_219 = tpu.vector_load %arg6[%get3A_217, %get3A_218] {strides = array<i32>} : memref<8x64xi32, #tpu.memory_space<vmem>>, vector<1x16xi32>,
    %get3A_220 = vector.shape_cast %get3A_219 : vector<1x16xi32> to vector<16xi32>
    %ge3A_221 = arith.constant 0 : i32
    %ge3A_222 = vector.broadcast %ge3A_221 : i32 to vector<16xi32>
    %ge3A_223 = arith.cmpi sge, %get3A_220, %ge3A_222 : vector<16xi32>
    %min3A_224 = arith.minsi %select_n3A_213, %get3A_220 : vector<16xi32>
    %select_n3A_225 = arith.select %ge3A_223, %min3A_224, %select_n3A_213 : vector<16xi1>, vector<16xi32>
    %max3A_226 = arith.maxsi %select_n3A_215, %get3A_220 : vector<16xi32>
    %select_n3A_227 = arith.select %ge3A_223, %max3A_226, %select_n3A_215 : vector<16xi1>, vector<16xi32>
    %get3A_228 = arith.constant 6 : i32
    %get3A_229 = arith.index_cast %get3A_228 : i32 to index
    %get3A_230 = arith.constant 16 : index
    %get3A_231 = tpu.vector_load %arg6[%get3A_229, %get3A_230] {strides = array<i32>} : memref<8x64xi32, #tpu.memory_space<vmem>>, vector<1x16xi32>,
    %get3A_232 = vector.shape_cast %get3A_231 : vector<1x16xi32> to vector<16xi32>
    %ge3A_233 = arith.constant 0 : i32
    %ge3A_234 = vector.broadcast %ge3A_233 : i32 to vector<16xi32>
    %ge3A_235 = arith.cmpi sge, %get3A_232, %ge3A_234 : vector<16xi32>
    %min3A_236 = arith.minsi %select_n3A_225, %get3A_232 : vector<16xi32>
    %select_n3A_237 = arith.select %ge3A_235, %min3A_236, %select_n3A_225 : vector<16xi1>, vector<16xi32>
    %max3A_238 = arith.maxsi %select_n3A_227, %get3A_232 : vector<16xi32>
    %select_n3A_239 = arith.select %ge3A_235, %max3A_238, %select_n3A_227 : vector<16xi1>, vector<16xi32>
    %get3A_240 = arith.constant 7 : i32
    %get3A_241 = arith.index_cast %get3A_240 : i32 to index
    %get3A_242 = arith.constant 16 : index
    %get3A_243 = tpu.vector_load %arg6[%get3A_241, %get3A_242] {strides = array<i32>} : memref<8x64xi32, #tpu.memory_space<vmem>>, vector<1x16xi32>,
    %get3A_244 = vector.shape_cast %get3A_243 : vector<1x16xi32> to vector<16xi32>
    %ge3A_245 = arith.constant 0 : i32
    %ge3A_246 = vector.broadcast %ge3A_245 : i32 to vector<16xi32>
    %ge3A_247 = arith.cmpi sge, %get3A_244, %ge3A_246 : vector<16xi32>
    %min3A_248 = arith.minsi %select_n3A_237, %get3A_244 : vector<16xi32>
    %select_n3A_249 = arith.select %ge3A_247, %min3A_248, %select_n3A_237 : vector<16xi1>, vector<16xi32>
    %max3A_250 = arith.maxsi %select_n3A_239, %get3A_244 : vector<16xi32>
    %select_n3A_251 = arith.select %ge3A_247, %max3A_250, %select_n3A_239 : vector<16xi1>, vector<16xi32>
    %max3A_252 = arith.constant 0 : i32
    %max3A_253 = vector.broadcast %max3A_252 : i32 to vector<16xi32>
    %max3A_254 = arith.maxsi %select_n3A_249, %max3A_253 : vector<16xi32>
    %min3A_255 = arith.constant 8191 : i32
    %min3A_256 = vector.broadcast %min3A_255 : i32 to vector<16xi32>
    %min3A_257 = arith.minsi %max3A_254, %min3A_256 : vector<16xi32>
    %max3A_258 = arith.constant 0 : i32
    %max3A_259 = vector.broadcast %max3A_258 : i32 to vector<16xi32>
    %max3A_260 = arith.maxsi %select_n3A_251, %max3A_259 : vector<16xi32>
    %min3A_261 = arith.constant 8191 : i32
    %min3A_262 = vector.broadcast %min3A_261 : i32 to vector<16xi32>
    %min3A_263 = arith.minsi %max3A_260, %min3A_262 : vector<16xi32>
    %dma_start3A_264 = arith.constant 0 : i32
    %dma_start3A_265 = arith.constant 0 : i32
    %dma_start3A_266 = arith.constant 0 : i32
    %dma_start3A_267 = tpu.memref_slice %arg3[%dma_start3A_264, %dma_start3A_265, %dma_start3A_266] : memref<8192x8x128xf32, #tpu.memory_space<hbm>> -> memref<8192x8x128xf32, #tpu.memory_space<hbm>>
    tpu.enqueue_indirect_dma source(%dma_start3A_267 : memref<8192x8x128xf32, #tpu.memory_space<hbm>>) target(%arg7 : memref<16x8x128xf32, #tpu.memory_space<vmem>>) offsets(%min3A_257 : vector<16xi32>) semaphore(%arg9 : memref<!tpu.dma_semaphore, #tpu.memory_space<semaphore_mem>>)
    %dma_start3A_268 = arith.constant 0 : i32
    %dma_start3A_269 = arith.constant 0 : i32
    %dma_start3A_270 = arith.constant 0 : i32
    %dma_start3A_271 = tpu.memref_slice %arg3[%dma_start3A_268, %dma_start3A_269, %dma_start3A_270] : memref<8192x8x128xf32, #tpu.memory_space<hbm>> -> memref<8192x8x128xf32, #tpu.memory_space<hbm>>
    tpu.enqueue_indirect_dma source(%dma_start3A_271 : memref<8192x8x128xf32, #tpu.memory_space<hbm>>) target(%arg8 : memref<16x8x128xf32, #tpu.memory_space<vmem>>) offsets(%min3A_263 : vector<16xi32>) semaphore(%arg10 : memref<!tpu.dma_semaphore, #tpu.memory_space<semaphore_mem>>)
    %dma_wait3A_272 = arith.constant 0 : i32
    %dma_wait3A_273 = arith.constant 0 : i32
    %dma_wait3A_274 = arith.constant 0 : i32
    %dma_wait3A_275 = tpu.memref_slice %arg3[%dma_wait3A_272, %dma_wait3A_273, %dma_wait3A_274] : memref<8192x8x128xf32, #tpu.memory_space<hbm>> -> memref<8192x8x128xf32, #tpu.memory_space<hbm>>
    tpu.wait_indirect_dma semaphore(%arg9 : memref<!tpu.dma_semaphore, #tpu.memory_space<semaphore_mem>>) src(%dma_wait3A_275 : memref<8192x8x128xf32, #tpu.memory_space<hbm>>) dst(%arg7 : memref<16x8x128xf32, #tpu.memory_space<vmem>>)
    %dma_wait3A_276 = arith.constant 0 : i32
    %dma_wait3A_277 = arith.constant 0 : i32
    %dma_wait3A_278 = arith.constant 0 : i32
    %dma_wait3A_279 = tpu.memref_slice %arg3[%dma_wait3A_276, %dma_wait3A_277, %dma_wait3A_278] : memref<8192x8x128xf32, #tpu.memory_space<hbm>> -> memref<8192x8x128xf32, #tpu.memory_space<hbm>>
    tpu.wait_indirect_dma semaphore(%arg10 : memref<!tpu.dma_semaphore, #tpu.memory_space<semaphore_mem>>) src(%dma_wait3A_279 : memref<8192x8x128xf32, #tpu.memory_space<hbm>>) dst(%arg8 : memref<16x8x128xf32, #tpu.memory_space<vmem>>)
    %add3A_280 = arith.constant 16 : i32
    %add3A_281 = arith.addi %multiple_of3A, %add3A_280 : i32
    %multiple_of3A_282 = tpu.assume_multiple %add3A_281, 16 : i32
    "tpu.region"() ({
      %run_scoped3A_557 = tpu.sem_alloc : memref<!tpu.dma_semaphore, #tpu.memory_space<semaphore_mem>>
      %dma_start3A_558 = arith.constant 0 : i32
      %dma_start3A_559 = arith.constant 0 : i32
      %dma_start3A_560 = tpu.memref_slice %arg4[%multiple_of3A_282, %dma_start3A_558, %dma_start3A_559] : memref<2048x8x128xf32, #tpu.memory_space<hbm>> -> memref<16x8x128xf32, #tpu.memory_space<hbm>>
      %dma_start3A_561 = arith.constant 0 : i32
      %dma_start3A_562 = arith.constant 0 : i32
      %dma_start3A_563 = tpu.memref_slice %arg4[%multiple_of3A_282, %dma_start3A_561, %dma_start3A_562] : memref<2048x8x128xf32, #tpu.memory_space<hbm>> -> memref<16x8x128xf32, #tpu.memory_space<hbm>>
      tpu.enqueue_dma source(%arg7 : memref<16x8x128xf32, #tpu.memory_space<vmem>>) target(%dma_start3A_563 : memref<16x8x128xf32, #tpu.memory_space<hbm>>) target_semaphore(%run_scoped3A_557 : memref<!tpu.dma_semaphore, #tpu.memory_space<semaphore_mem>>)
      %dma_wait3A_564 = arith.constant 0 : i32
      %dma_wait3A_565 = arith.constant 0 : i32
      %dma_wait3A_566 = tpu.memref_slice %arg4[%multiple_of3A_282, %dma_wait3A_564, %dma_wait3A_565] : memref<2048x8x128xf32, #tpu.memory_space<hbm>> -> memref<16x8x128xf32, #tpu.memory_space<hbm>>
      %dma_wait3A_567 = arith.constant 0 : i32
      %dma_wait3A_568 = arith.constant 0 : i32
      %dma_wait3A_569 = tpu.memref_slice %arg4[%multiple_of3A_282, %dma_wait3A_567, %dma_wait3A_568] : memref<2048x8x128xf32, #tpu.memory_space<hbm>> -> memref<16x8x128xf32, #tpu.memory_space<hbm>>
      tpu.wait_dma2 semaphore(%run_scoped3A_557 : memref<!tpu.dma_semaphore, #tpu.memory_space<semaphore_mem>>) src(%arg7 : memref<16x8x128xf32, #tpu.memory_space<vmem>>) dst(%dma_wait3A_569 : memref<16x8x128xf32, #tpu.memory_space<hbm>>)
      tpu.yield
    }) : () -> ()
    "tpu.region"() ({
      %run_scoped3A_557 = tpu.sem_alloc : memref<!tpu.dma_semaphore, #tpu.memory_space<semaphore_mem>>
      %dma_start3A_558 = arith.constant 0 : i32
      %dma_start3A_559 = arith.constant 0 : i32
      %dma_start3A_560 = tpu.memref_slice %arg5[%multiple_of3A_282, %dma_start3A_558, %dma_start3A_559] : memref<2048x8x128xf32, #tpu.memory_space<hbm>> -> memref<16x8x128xf32, #tpu.memory_space<hbm>>
      %dma_start3A_561 = arith.constant 0 : i32
      %dma_start3A_562 = arith.constant 0 : i32
      %dma_start3A_563 = tpu.memref_slice %arg5[%multiple_of3A_282, %dma_start3A_561, %dma_start3A_562] : memref<2048x8x128xf32, #tpu.memory_space<hbm>> -> memref<16x8x128xf32, #tpu.memory_space<hbm>>
      tpu.enqueue_dma source(%arg8 : memref<16x8x128xf32, #tpu.memory_space<vmem>>) target(%dma_start3A_563 : memref<16x8x128xf32, #tpu.memory_space<hbm>>) target_semaphore(%run_scoped3A_557 : memref<!tpu.dma_semaphore, #tpu.memory_space<semaphore_mem>>)
      %dma_wait3A_564 = arith.constant 0 : i32
      %dma_wait3A_565 = arith.constant 0 : i32
      %dma_wait3A_566 = tpu.memref_slice %arg5[%multiple_of3A_282, %dma_wait3A_564, %dma_wait3A_565] : memref<2048x8x128xf32, #tpu.memory_space<hbm>> -> memref<16x8x128xf32, #tpu.memory_space<hbm>>
      %dma_wait3A_567 = arith.constant 0 : i32
      %dma_wait3A_568 = arith.constant 0 : i32
      %dma_wait3A_569 = tpu.memref_slice %arg5[%multiple_of3A_282, %dma_wait3A_567, %dma_wait3A_568] : memref<2048x8x128xf32, #tpu.memory_space<hbm>> -> memref<16x8x128xf32, #tpu.memory_space<hbm>>
      tpu.wait_dma2 semaphore(%run_scoped3A_557 : memref<!tpu.dma_semaphore, #tpu.memory_space<semaphore_mem>>) src(%arg8 : memref<16x8x128xf32, #tpu.memory_space<vmem>>) dst(%dma_wait3A_569 : memref<16x8x128xf32, #tpu.memory_space<hbm>>)
      tpu.yield
    }) : () -> ()
    %broadcast_in_dim3A_283 = arith.constant 0 : i32
    %broadcast_in_dim3A_284 = vector.broadcast %broadcast_in_dim3A_283 : i32 to vector<16xi32>
    %add3A_285 = arith.constant 1073741824 : i32
    %add3A_286 = vector.broadcast %add3A_285 : i32 to vector<16xi32>
    %add3A_287 = arith.addi %broadcast_in_dim3A_284, %add3A_286 : vector<16xi32>
    %broadcast_in_dim3A_288 = arith.constant 0 : i32
    %broadcast_in_dim3A_289 = vector.broadcast %broadcast_in_dim3A_288 : i32 to vector<16xi32>
    %sub3A_290 = arith.constant 1 : i32
    %sub3A_291 = vector.broadcast %sub3A_290 : i32 to vector<16xi32>
    %sub3A_292 = arith.subi %broadcast_in_dim3A_289, %sub3A_291 : vector<16xi32>
    %get3A_293 = arith.constant 0 : i32
    %get3A_294 = arith.index_cast %get3A_293 : i32 to index
    %get3A_295 = arith.constant 32 : index
    %get3A_296 = tpu.vector_load %arg6[%get3A_294, %get3A_295] {strides = array<i32>} : memref<8x64xi32, #tpu.memory_space<vmem>>, vector<1x16xi32>,
    %get3A_297 = vector.shape_cast %get3A_296 : vector<1x16xi32> to vector<16xi32>
    %ge3A_298 = arith.constant 0 : i32
    %ge3A_299 = vector.broadcast %ge3A_298 : i32 to vector<16xi32>
    %ge3A_300 = arith.cmpi sge, %get3A_297, %ge3A_299 : vector<16xi32>
    %min3A_301 = arith.minsi %add3A_287, %get3A_297 : vector<16xi32>
    %select_n3A_302 = arith.select %ge3A_300, %min3A_301, %add3A_287 : vector<16xi1>, vector<16xi32>
    %max3A_303 = arith.maxsi %sub3A_292, %get3A_297 : vector<16xi32>
    %select_n3A_304 = arith.select %ge3A_300, %max3A_303, %sub3A_292 : vector<16xi1>, vector<16xi32>
    %get3A_305 = arith.constant 1 : i32
    %get3A_306 = arith.index_cast %get3A_305 : i32 to index
    %get3A_307 = arith.constant 32 : index
    %get3A_308 = tpu.vector_load %arg6[%get3A_306, %get3A_307] {strides = array<i32>} : memref<8x64xi32, #tpu.memory_space<vmem>>, vector<1x16xi32>,
    %get3A_309 = vector.shape_cast %get3A_308 : vector<1x16xi32> to vector<16xi32>
    %ge3A_310 = arith.constant 0 : i32
    %ge3A_311 = vector.broadcast %ge3A_310 : i32 to vector<16xi32>
    %ge3A_312 = arith.cmpi sge, %get3A_309, %ge3A_311 : vector<16xi32>
    %min3A_313 = arith.minsi %select_n3A_302, %get3A_309 : vector<16xi32>
    %select_n3A_314 = arith.select %ge3A_312, %min3A_313, %select_n3A_302 : vector<16xi1>, vector<16xi32>
    %max3A_315 = arith.maxsi %select_n3A_304, %get3A_309 : vector<16xi32>
    %select_n3A_316 = arith.select %ge3A_312, %max3A_315, %select_n3A_304 : vector<16xi1>, vector<16xi32>
    %get3A_317 = arith.constant 2 : i32
    %get3A_318 = arith.index_cast %get3A_317 : i32 to index
    %get3A_319 = arith.constant 32 : index
    %get3A_320 = tpu.vector_load %arg6[%get3A_318, %get3A_319] {strides = array<i32>} : memref<8x64xi32, #tpu.memory_space<vmem>>, vector<1x16xi32>,
    %get3A_321 = vector.shape_cast %get3A_320 : vector<1x16xi32> to vector<16xi32>
    %ge3A_322 = arith.constant 0 : i32
    %ge3A_323 = vector.broadcast %ge3A_322 : i32 to vector<16xi32>
    %ge3A_324 = arith.cmpi sge, %get3A_321, %ge3A_323 : vector<16xi32>
    %min3A_325 = arith.minsi %select_n3A_314, %get3A_321 : vector<16xi32>
    %select_n3A_326 = arith.select %ge3A_324, %min3A_325, %select_n3A_314 : vector<16xi1>, vector<16xi32>
    %max3A_327 = arith.maxsi %select_n3A_316, %get3A_321 : vector<16xi32>
    %select_n3A_328 = arith.select %ge3A_324, %max3A_327, %select_n3A_316 : vector<16xi1>, vector<16xi32>
    %get3A_329 = arith.constant 3 : i32
    %get3A_330 = arith.index_cast %get3A_329 : i32 to index
    %get3A_331 = arith.constant 32 : index
    %get3A_332 = tpu.vector_load %arg6[%get3A_330, %get3A_331] {strides = array<i32>} : memref<8x64xi32, #tpu.memory_space<vmem>>, vector<1x16xi32>,
    %get3A_333 = vector.shape_cast %get3A_332 : vector<1x16xi32> to vector<16xi32>
    %ge3A_334 = arith.constant 0 : i32
    %ge3A_335 = vector.broadcast %ge3A_334 : i32 to vector<16xi32>
    %ge3A_336 = arith.cmpi sge, %get3A_333, %ge3A_335 : vector<16xi32>
    %min3A_337 = arith.minsi %select_n3A_326, %get3A_333 : vector<16xi32>
    %select_n3A_338 = arith.select %ge3A_336, %min3A_337, %select_n3A_326 : vector<16xi1>, vector<16xi32>
    %max3A_339 = arith.maxsi %select_n3A_328, %get3A_333 : vector<16xi32>
    %select_n3A_340 = arith.select %ge3A_336, %max3A_339, %select_n3A_328 : vector<16xi1>, vector<16xi32>
    %get3A_341 = arith.constant 4 : i32
    %get3A_342 = arith.index_cast %get3A_341 : i32 to index
    %get3A_343 = arith.constant 32 : index
    %get3A_344 = tpu.vector_load %arg6[%get3A_342, %get3A_343] {strides = array<i32>} : memref<8x64xi32, #tpu.memory_space<vmem>>, vector<1x16xi32>,
    %get3A_345 = vector.shape_cast %get3A_344 : vector<1x16xi32> to vector<16xi32>
    %ge3A_346 = arith.constant 0 : i32
    %ge3A_347 = vector.broadcast %ge3A_346 : i32 to vector<16xi32>
    %ge3A_348 = arith.cmpi sge, %get3A_345, %ge3A_347 : vector<16xi32>
    %min3A_349 = arith.minsi %select_n3A_338, %get3A_345 : vector<16xi32>
    %select_n3A_350 = arith.select %ge3A_348, %min3A_349, %select_n3A_338 : vector<16xi1>, vector<16xi32>
    %max3A_351 = arith.maxsi %select_n3A_340, %get3A_345 : vector<16xi32>
    %select_n3A_352 = arith.select %ge3A_348, %max3A_351, %select_n3A_340 : vector<16xi1>, vector<16xi32>
    %get3A_353 = arith.constant 5 : i32
    %get3A_354 = arith.index_cast %get3A_353 : i32 to index
    %get3A_355 = arith.constant 32 : index
    %get3A_356 = tpu.vector_load %arg6[%get3A_354, %get3A_355] {strides = array<i32>} : memref<8x64xi32, #tpu.memory_space<vmem>>, vector<1x16xi32>,
    %get3A_357 = vector.shape_cast %get3A_356 : vector<1x16xi32> to vector<16xi32>
    %ge3A_358 = arith.constant 0 : i32
    %ge3A_359 = vector.broadcast %ge3A_358 : i32 to vector<16xi32>
    %ge3A_360 = arith.cmpi sge, %get3A_357, %ge3A_359 : vector<16xi32>
    %min3A_361 = arith.minsi %select_n3A_350, %get3A_357 : vector<16xi32>
    %select_n3A_362 = arith.select %ge3A_360, %min3A_361, %select_n3A_350 : vector<16xi1>, vector<16xi32>
    %max3A_363 = arith.maxsi %select_n3A_352, %get3A_357 : vector<16xi32>
    %select_n3A_364 = arith.select %ge3A_360, %max3A_363, %select_n3A_352 : vector<16xi1>, vector<16xi32>
    %get3A_365 = arith.constant 6 : i32
    %get3A_366 = arith.index_cast %get3A_365 : i32 to index
    %get3A_367 = arith.constant 32 : index
    %get3A_368 = tpu.vector_load %arg6[%get3A_366, %get3A_367] {strides = array<i32>} : memref<8x64xi32, #tpu.memory_space<vmem>>, vector<1x16xi32>,
    %get3A_369 = vector.shape_cast %get3A_368 : vector<1x16xi32> to vector<16xi32>
    %ge3A_370 = arith.constant 0 : i32
    %ge3A_371 = vector.broadcast %ge3A_370 : i32 to vector<16xi32>
    %ge3A_372 = arith.cmpi sge, %get3A_369, %ge3A_371 : vector<16xi32>
    %min3A_373 = arith.minsi %select_n3A_362, %get3A_369 : vector<16xi32>
    %select_n3A_374 = arith.select %ge3A_372, %min3A_373, %select_n3A_362 : vector<16xi1>, vector<16xi32>
    %max3A_375 = arith.maxsi %select_n3A_364, %get3A_369 : vector<16xi32>
    %select_n3A_376 = arith.select %ge3A_372, %max3A_375, %select_n3A_364 : vector<16xi1>, vector<16xi32>
    %get3A_377 = arith.constant 7 : i32
    %get3A_378 = arith.index_cast %get3A_377 : i32 to index
    %get3A_379 = arith.constant 32 : index
    %get3A_380 = tpu.vector_load %arg6[%get3A_378, %get3A_379] {strides = array<i32>} : memref<8x64xi32, #tpu.memory_space<vmem>>, vector<1x16xi32>,
    %get3A_381 = vector.shape_cast %get3A_380 : vector<1x16xi32> to vector<16xi32>
    %ge3A_382 = arith.constant 0 : i32
    %ge3A_383 = vector.broadcast %ge3A_382 : i32 to vector<16xi32>
    %ge3A_384 = arith.cmpi sge, %get3A_381, %ge3A_383 : vector<16xi32>
    %min3A_385 = arith.minsi %select_n3A_374, %get3A_381 : vector<16xi32>
    %select_n3A_386 = arith.select %ge3A_384, %min3A_385, %select_n3A_374 : vector<16xi1>, vector<16xi32>
    %max3A_387 = arith.maxsi %select_n3A_376, %get3A_381 : vector<16xi32>
    %select_n3A_388 = arith.select %ge3A_384, %max3A_387, %select_n3A_376 : vector<16xi1>, vector<16xi32>
    %max3A_389 = arith.constant 0 : i32
    %max3A_390 = vector.broadcast %max3A_389 : i32 to vector<16xi32>
    %max3A_391 = arith.maxsi %select_n3A_386, %max3A_390 : vector<16xi32>
    %min3A_392 = arith.constant 8191 : i32
    %min3A_393 = vector.broadcast %min3A_392 : i32 to vector<16xi32>
    %min3A_394 = arith.minsi %max3A_391, %min3A_393 : vector<16xi32>
    %max3A_395 = arith.constant 0 : i32
    %max3A_396 = vector.broadcast %max3A_395 : i32 to vector<16xi32>
    %max3A_397 = arith.maxsi %select_n3A_388, %max3A_396 : vector<16xi32>
    %min3A_398 = arith.constant 8191 : i32
    %min3A_399 = vector.broadcast %min3A_398 : i32 to vector<16xi32>
    %min3A_400 = arith.minsi %max3A_397, %min3A_399 : vector<16xi32>
    %dma_start3A_401 = arith.constant 0 : i32
    %dma_start3A_402 = arith.constant 0 : i32
    %dma_start3A_403 = arith.constant 0 : i32
    %dma_start3A_404 = tpu.memref_slice %arg3[%dma_start3A_401, %dma_start3A_402, %dma_start3A_403] : memref<8192x8x128xf32, #tpu.memory_space<hbm>> -> memref<8192x8x128xf32, #tpu.memory_space<hbm>>
    tpu.enqueue_indirect_dma source(%dma_start3A_404 : memref<8192x8x128xf32, #tpu.memory_space<hbm>>) target(%arg7 : memref<16x8x128xf32, #tpu.memory_space<vmem>>) offsets(%min3A_394 : vector<16xi32>) semaphore(%arg9 : memref<!tpu.dma_semaphore, #tpu.memory_space<semaphore_mem>>)
    %dma_start3A_405 = arith.constant 0 : i32
    %dma_start3A_406 = arith.constant 0 : i32
    %dma_start3A_407 = arith.constant 0 : i32
    %dma_start3A_408 = tpu.memref_slice %arg3[%dma_start3A_405, %dma_start3A_406, %dma_start3A_407] : memref<8192x8x128xf32, #tpu.memory_space<hbm>> -> memref<8192x8x128xf32, #tpu.memory_space<hbm>>
    tpu.enqueue_indirect_dma source(%dma_start3A_408 : memref<8192x8x128xf32, #tpu.memory_space<hbm>>) target(%arg8 : memref<16x8x128xf32, #tpu.memory_space<vmem>>) offsets(%min3A_400 : vector<16xi32>) semaphore(%arg10 : memref<!tpu.dma_semaphore, #tpu.memory_space<semaphore_mem>>)
    %dma_wait3A_409 = arith.constant 0 : i32
    %dma_wait3A_410 = arith.constant 0 : i32
    %dma_wait3A_411 = arith.constant 0 : i32
    %dma_wait3A_412 = tpu.memref_slice %arg3[%dma_wait3A_409, %dma_wait3A_410, %dma_wait3A_411] : memref<8192x8x128xf32, #tpu.memory_space<hbm>> -> memref<8192x8x128xf32, #tpu.memory_space<hbm>>
    tpu.wait_indirect_dma semaphore(%arg9 : memref<!tpu.dma_semaphore, #tpu.memory_space<semaphore_mem>>) src(%dma_wait3A_412 : memref<8192x8x128xf32, #tpu.memory_space<hbm>>) dst(%arg7 : memref<16x8x128xf32, #tpu.memory_space<vmem>>)
    %dma_wait3A_413 = arith.constant 0 : i32
    %dma_wait3A_414 = arith.constant 0 : i32
    %dma_wait3A_415 = arith.constant 0 : i32
    %dma_wait3A_416 = tpu.memref_slice %arg3[%dma_wait3A_413, %dma_wait3A_414, %dma_wait3A_415] : memref<8192x8x128xf32, #tpu.memory_space<hbm>> -> memref<8192x8x128xf32, #tpu.memory_space<hbm>>
    tpu.wait_indirect_dma semaphore(%arg10 : memref<!tpu.dma_semaphore, #tpu.memory_space<semaphore_mem>>) src(%dma_wait3A_416 : memref<8192x8x128xf32, #tpu.memory_space<hbm>>) dst(%arg8 : memref<16x8x128xf32, #tpu.memory_space<vmem>>)
    %add3A_417 = arith.constant 32 : i32
    %add3A_418 = arith.addi %multiple_of3A, %add3A_417 : i32
    %multiple_of3A_419 = tpu.assume_multiple %add3A_418, 16 : i32
    "tpu.region"() ({
      %run_scoped3A_557 = tpu.sem_alloc : memref<!tpu.dma_semaphore, #tpu.memory_space<semaphore_mem>>
      %dma_start3A_558 = arith.constant 0 : i32
      %dma_start3A_559 = arith.constant 0 : i32
      %dma_start3A_560 = tpu.memref_slice %arg4[%multiple_of3A_419, %dma_start3A_558, %dma_start3A_559] : memref<2048x8x128xf32, #tpu.memory_space<hbm>> -> memref<16x8x128xf32, #tpu.memory_space<hbm>>
      %dma_start3A_561 = arith.constant 0 : i32
      %dma_start3A_562 = arith.constant 0 : i32
      %dma_start3A_563 = tpu.memref_slice %arg4[%multiple_of3A_419, %dma_start3A_561, %dma_start3A_562] : memref<2048x8x128xf32, #tpu.memory_space<hbm>> -> memref<16x8x128xf32, #tpu.memory_space<hbm>>
      tpu.enqueue_dma source(%arg7 : memref<16x8x128xf32, #tpu.memory_space<vmem>>) target(%dma_start3A_563 : memref<16x8x128xf32, #tpu.memory_space<hbm>>) target_semaphore(%run_scoped3A_557 : memref<!tpu.dma_semaphore, #tpu.memory_space<semaphore_mem>>)
      %dma_wait3A_564 = arith.constant 0 : i32
      %dma_wait3A_565 = arith.constant 0 : i32
      %dma_wait3A_566 = tpu.memref_slice %arg4[%multiple_of3A_419, %dma_wait3A_564, %dma_wait3A_565] : memref<2048x8x128xf32, #tpu.memory_space<hbm>> -> memref<16x8x128xf32, #tpu.memory_space<hbm>>
      %dma_wait3A_567 = arith.constant 0 : i32
      %dma_wait3A_568 = arith.constant 0 : i32
      %dma_wait3A_569 = tpu.memref_slice %arg4[%multiple_of3A_419, %dma_wait3A_567, %dma_wait3A_568] : memref<2048x8x128xf32, #tpu.memory_space<hbm>> -> memref<16x8x128xf32, #tpu.memory_space<hbm>>
      tpu.wait_dma2 semaphore(%run_scoped3A_557 : memref<!tpu.dma_semaphore, #tpu.memory_space<semaphore_mem>>) src(%arg7 : memref<16x8x128xf32, #tpu.memory_space<vmem>>) dst(%dma_wait3A_569 : memref<16x8x128xf32, #tpu.memory_space<hbm>>)
      tpu.yield
    }) : () -> ()
    "tpu.region"() ({
      %run_scoped3A_557 = tpu.sem_alloc : memref<!tpu.dma_semaphore, #tpu.memory_space<semaphore_mem>>
      %dma_start3A_558 = arith.constant 0 : i32
      %dma_start3A_559 = arith.constant 0 : i32
      %dma_start3A_560 = tpu.memref_slice %arg5[%multiple_of3A_419, %dma_start3A_558, %dma_start3A_559] : memref<2048x8x128xf32, #tpu.memory_space<hbm>> -> memref<16x8x128xf32, #tpu.memory_space<hbm>>
      %dma_start3A_561 = arith.constant 0 : i32
      %dma_start3A_562 = arith.constant 0 : i32
      %dma_start3A_563 = tpu.memref_slice %arg5[%multiple_of3A_419, %dma_start3A_561, %dma_start3A_562] : memref<2048x8x128xf32, #tpu.memory_space<hbm>> -> memref<16x8x128xf32, #tpu.memory_space<hbm>>
      tpu.enqueue_dma source(%arg8 : memref<16x8x128xf32, #tpu.memory_space<vmem>>) target(%dma_start3A_563 : memref<16x8x128xf32, #tpu.memory_space<hbm>>) target_semaphore(%run_scoped3A_557 : memref<!tpu.dma_semaphore, #tpu.memory_space<semaphore_mem>>)
      %dma_wait3A_564 = arith.constant 0 : i32
      %dma_wait3A_565 = arith.constant 0 : i32
      %dma_wait3A_566 = tpu.memref_slice %arg5[%multiple_of3A_419, %dma_wait3A_564, %dma_wait3A_565] : memref<2048x8x128xf32, #tpu.memory_space<hbm>> -> memref<16x8x128xf32, #tpu.memory_space<hbm>>
      %dma_wait3A_567 = arith.constant 0 : i32
      %dma_wait3A_568 = arith.constant 0 : i32
      %dma_wait3A_569 = tpu.memref_slice %arg5[%multiple_of3A_419, %dma_wait3A_567, %dma_wait3A_568] : memref<2048x8x128xf32, #tpu.memory_space<hbm>> -> memref<16x8x128xf32, #tpu.memory_space<hbm>>
      tpu.wait_dma2 semaphore(%run_scoped3A_557 : memref<!tpu.dma_semaphore, #tpu.memory_space<semaphore_mem>>) src(%arg8 : memref<16x8x128xf32, #tpu.memory_space<vmem>>) dst(%dma_wait3A_569 : memref<16x8x128xf32, #tpu.memory_space<hbm>>)
      tpu.yield
    }) : () -> ()
    %broadcast_in_dim3A_420 = arith.constant 0 : i32
    %broadcast_in_dim3A_421 = vector.broadcast %broadcast_in_dim3A_420 : i32 to vector<16xi32>
    %add3A_422 = arith.constant 1073741824 : i32
    %add3A_423 = vector.broadcast %add3A_422 : i32 to vector<16xi32>
    %add3A_424 = arith.addi %broadcast_in_dim3A_421, %add3A_423 : vector<16xi32>
    %broadcast_in_dim3A_425 = arith.constant 0 : i32
    %broadcast_in_dim3A_426 = vector.broadcast %broadcast_in_dim3A_425 : i32 to vector<16xi32>
    %sub3A_427 = arith.constant 1 : i32
    %sub3A_428 = vector.broadcast %sub3A_427 : i32 to vector<16xi32>
    %sub3A_429 = arith.subi %broadcast_in_dim3A_426, %sub3A_428 : vector<16xi32>
    %get3A_430 = arith.constant 0 : i32
    %get3A_431 = arith.index_cast %get3A_430 : i32 to index
    %get3A_432 = arith.constant 48 : index
    %get3A_433 = tpu.vector_load %arg6[%get3A_431, %get3A_432] {strides = array<i32>} : memref<8x64xi32, #tpu.memory_space<vmem>>, vector<1x16xi32>,
    %get3A_434 = vector.shape_cast %get3A_433 : vector<1x16xi32> to vector<16xi32>
    %ge3A_435 = arith.constant 0 : i32
    %ge3A_436 = vector.broadcast %ge3A_435 : i32 to vector<16xi32>
    %ge3A_437 = arith.cmpi sge, %get3A_434, %ge3A_436 : vector<16xi32>
    %min3A_438 = arith.minsi %add3A_424, %get3A_434 : vector<16xi32>
    %select_n3A_439 = arith.select %ge3A_437, %min3A_438, %add3A_424 : vector<16xi1>, vector<16xi32>
    %max3A_440 = arith.maxsi %sub3A_429, %get3A_434 : vector<16xi32>
    %select_n3A_441 = arith.select %ge3A_437, %max3A_440, %sub3A_429 : vector<16xi1>, vector<16xi32>
    %get3A_442 = arith.constant 1 : i32
    %get3A_443 = arith.index_cast %get3A_442 : i32 to index
    %get3A_444 = arith.constant 48 : index
    %get3A_445 = tpu.vector_load %arg6[%get3A_443, %get3A_444] {strides = array<i32>} : memref<8x64xi32, #tpu.memory_space<vmem>>, vector<1x16xi32>,
    %get3A_446 = vector.shape_cast %get3A_445 : vector<1x16xi32> to vector<16xi32>
    %ge3A_447 = arith.constant 0 : i32
    %ge3A_448 = vector.broadcast %ge3A_447 : i32 to vector<16xi32>
    %ge3A_449 = arith.cmpi sge, %get3A_446, %ge3A_448 : vector<16xi32>
    %min3A_450 = arith.minsi %select_n3A_439, %get3A_446 : vector<16xi32>
    %select_n3A_451 = arith.select %ge3A_449, %min3A_450, %select_n3A_439 : vector<16xi1>, vector<16xi32>
    %max3A_452 = arith.maxsi %select_n3A_441, %get3A_446 : vector<16xi32>
    %select_n3A_453 = arith.select %ge3A_449, %max3A_452, %select_n3A_441 : vector<16xi1>, vector<16xi32>
    %get3A_454 = arith.constant 2 : i32
    %get3A_455 = arith.index_cast %get3A_454 : i32 to index
    %get3A_456 = arith.constant 48 : index
    %get3A_457 = tpu.vector_load %arg6[%get3A_455, %get3A_456] {strides = array<i32>} : memref<8x64xi32, #tpu.memory_space<vmem>>, vector<1x16xi32>,
    %get3A_458 = vector.shape_cast %get3A_457 : vector<1x16xi32> to vector<16xi32>
    %ge3A_459 = arith.constant 0 : i32
    %ge3A_460 = vector.broadcast %ge3A_459 : i32 to vector<16xi32>
    %ge3A_461 = arith.cmpi sge, %get3A_458, %ge3A_460 : vector<16xi32>
    %min3A_462 = arith.minsi %select_n3A_451, %get3A_458 : vector<16xi32>
    %select_n3A_463 = arith.select %ge3A_461, %min3A_462, %select_n3A_451 : vector<16xi1>, vector<16xi32>
    %max3A_464 = arith.maxsi %select_n3A_453, %get3A_458 : vector<16xi32>
    %select_n3A_465 = arith.select %ge3A_461, %max3A_464, %select_n3A_453 : vector<16xi1>, vector<16xi32>
    %get3A_466 = arith.constant 3 : i32
    %get3A_467 = arith.index_cast %get3A_466 : i32 to index
    %get3A_468 = arith.constant 48 : index
    %get3A_469 = tpu.vector_load %arg6[%get3A_467, %get3A_468] {strides = array<i32>} : memref<8x64xi32, #tpu.memory_space<vmem>>, vector<1x16xi32>,
    %get3A_470 = vector.shape_cast %get3A_469 : vector<1x16xi32> to vector<16xi32>
    %ge3A_471 = arith.constant 0 : i32
    %ge3A_472 = vector.broadcast %ge3A_471 : i32 to vector<16xi32>
    %ge3A_473 = arith.cmpi sge, %get3A_470, %ge3A_472 : vector<16xi32>
    %min3A_474 = arith.minsi %select_n3A_463, %get3A_470 : vector<16xi32>
    %select_n3A_475 = arith.select %ge3A_473, %min3A_474, %select_n3A_463 : vector<16xi1>, vector<16xi32>
    %max3A_476 = arith.maxsi %select_n3A_465, %get3A_470 : vector<16xi32>
    %select_n3A_477 = arith.select %ge3A_473, %max3A_476, %select_n3A_465 : vector<16xi1>, vector<16xi32>
    %get3A_478 = arith.constant 4 : i32
    %get3A_479 = arith.index_cast %get3A_478 : i32 to index
    %get3A_480 = arith.constant 48 : index
    %get3A_481 = tpu.vector_load %arg6[%get3A_479, %get3A_480] {strides = array<i32>} : memref<8x64xi32, #tpu.memory_space<vmem>>, vector<1x16xi32>,
    %get3A_482 = vector.shape_cast %get3A_481 : vector<1x16xi32> to vector<16xi32>
    %ge3A_483 = arith.constant 0 : i32
    %ge3A_484 = vector.broadcast %ge3A_483 : i32 to vector<16xi32>
    %ge3A_485 = arith.cmpi sge, %get3A_482, %ge3A_484 : vector<16xi32>
    %min3A_486 = arith.minsi %select_n3A_475, %get3A_482 : vector<16xi32>
    %select_n3A_487 = arith.select %ge3A_485, %min3A_486, %select_n3A_475 : vector<16xi1>, vector<16xi32>
    %max3A_488 = arith.maxsi %select_n3A_477, %get3A_482 : vector<16xi32>
    %select_n3A_489 = arith.select %ge3A_485, %max3A_488, %select_n3A_477 : vector<16xi1>, vector<16xi32>
    %get3A_490 = arith.constant 5 : i32
    %get3A_491 = arith.index_cast %get3A_490 : i32 to index
    %get3A_492 = arith.constant 48 : index
    %get3A_493 = tpu.vector_load %arg6[%get3A_491, %get3A_492] {strides = array<i32>} : memref<8x64xi32, #tpu.memory_space<vmem>>, vector<1x16xi32>,
    %get3A_494 = vector.shape_cast %get3A_493 : vector<1x16xi32> to vector<16xi32>
    %ge3A_495 = arith.constant 0 : i32
    %ge3A_496 = vector.broadcast %ge3A_495 : i32 to vector<16xi32>
    %ge3A_497 = arith.cmpi sge, %get3A_494, %ge3A_496 : vector<16xi32>
    %min3A_498 = arith.minsi %select_n3A_487, %get3A_494 : vector<16xi32>
    %select_n3A_499 = arith.select %ge3A_497, %min3A_498, %select_n3A_487 : vector<16xi1>, vector<16xi32>
    %max3A_500 = arith.maxsi %select_n3A_489, %get3A_494 : vector<16xi32>
    %select_n3A_501 = arith.select %ge3A_497, %max3A_500, %select_n3A_489 : vector<16xi1>, vector<16xi32>
    %get3A_502 = arith.constant 6 : i32
    %get3A_503 = arith.index_cast %get3A_502 : i32 to index
    %get3A_504 = arith.constant 48 : index
    %get3A_505 = tpu.vector_load %arg6[%get3A_503, %get3A_504] {strides = array<i32>} : memref<8x64xi32, #tpu.memory_space<vmem>>, vector<1x16xi32>,
    %get3A_506 = vector.shape_cast %get3A_505 : vector<1x16xi32> to vector<16xi32>
    %ge3A_507 = arith.constant 0 : i32
    %ge3A_508 = vector.broadcast %ge3A_507 : i32 to vector<16xi32>
    %ge3A_509 = arith.cmpi sge, %get3A_506, %ge3A_508 : vector<16xi32>
    %min3A_510 = arith.minsi %select_n3A_499, %get3A_506 : vector<16xi32>
    %select_n3A_511 = arith.select %ge3A_509, %min3A_510, %select_n3A_499 : vector<16xi1>, vector<16xi32>
    %max3A_512 = arith.maxsi %select_n3A_501, %get3A_506 : vector<16xi32>
    %select_n3A_513 = arith.select %ge3A_509, %max3A_512, %select_n3A_501 : vector<16xi1>, vector<16xi32>
    %get3A_514 = arith.constant 7 : i32
    %get3A_515 = arith.index_cast %get3A_514 : i32 to index
    %get3A_516 = arith.constant 48 : index
    %get3A_517 = tpu.vector_load %arg6[%get3A_515, %get3A_516] {strides = array<i32>} : memref<8x64xi32, #tpu.memory_space<vmem>>, vector<1x16xi32>,
    %get3A_518 = vector.shape_cast %get3A_517 : vector<1x16xi32> to vector<16xi32>
    %ge3A_519 = arith.constant 0 : i32
    %ge3A_520 = vector.broadcast %ge3A_519 : i32 to vector<16xi32>
    %ge3A_521 = arith.cmpi sge, %get3A_518, %ge3A_520 : vector<16xi32>
    %min3A_522 = arith.minsi %select_n3A_511, %get3A_518 : vector<16xi32>
    %select_n3A_523 = arith.select %ge3A_521, %min3A_522, %select_n3A_511 : vector<16xi1>, vector<16xi32>
    %max3A_524 = arith.maxsi %select_n3A_513, %get3A_518 : vector<16xi32>
    %select_n3A_525 = arith.select %ge3A_521, %max3A_524, %select_n3A_513 : vector<16xi1>, vector<16xi32>
    %max3A_526 = arith.constant 0 : i32
    %max3A_527 = vector.broadcast %max3A_526 : i32 to vector<16xi32>
    %max3A_528 = arith.maxsi %select_n3A_523, %max3A_527 : vector<16xi32>
    %min3A_529 = arith.constant 8191 : i32
    %min3A_530 = vector.broadcast %min3A_529 : i32 to vector<16xi32>
    %min3A_531 = arith.minsi %max3A_528, %min3A_530 : vector<16xi32>
    %max3A_532 = arith.constant 0 : i32
    %max3A_533 = vector.broadcast %max3A_532 : i32 to vector<16xi32>
    %max3A_534 = arith.maxsi %select_n3A_525, %max3A_533 : vector<16xi32>
    %min3A_535 = arith.constant 8191 : i32
    %min3A_536 = vector.broadcast %min3A_535 : i32 to vector<16xi32>
    %min3A_537 = arith.minsi %max3A_534, %min3A_536 : vector<16xi32>
    %dma_start3A_538 = arith.constant 0 : i32
    %dma_start3A_539 = arith.constant 0 : i32
    %dma_start3A_540 = arith.constant 0 : i32
    %dma_start3A_541 = tpu.memref_slice %arg3[%dma_start3A_538, %dma_start3A_539, %dma_start3A_540] : memref<8192x8x128xf32, #tpu.memory_space<hbm>> -> memref<8192x8x128xf32, #tpu.memory_space<hbm>>
    tpu.enqueue_indirect_dma source(%dma_start3A_541 : memref<8192x8x128xf32, #tpu.memory_space<hbm>>) target(%arg7 : memref<16x8x128xf32, #tpu.memory_space<vmem>>) offsets(%min3A_531 : vector<16xi32>) semaphore(%arg9 : memref<!tpu.dma_semaphore, #tpu.memory_space<semaphore_mem>>)
    %dma_start3A_542 = arith.constant 0 : i32
    %dma_start3A_543 = arith.constant 0 : i32
    %dma_start3A_544 = arith.constant 0 : i32
    %dma_start3A_545 = tpu.memref_slice %arg3[%dma_start3A_542, %dma_start3A_543, %dma_start3A_544] : memref<8192x8x128xf32, #tpu.memory_space<hbm>> -> memref<8192x8x128xf32, #tpu.memory_space<hbm>>
    tpu.enqueue_indirect_dma source(%dma_start3A_545 : memref<8192x8x128xf32, #tpu.memory_space<hbm>>) target(%arg8 : memref<16x8x128xf32, #tpu.memory_space<vmem>>) offsets(%min3A_537 : vector<16xi32>) semaphore(%arg10 : memref<!tpu.dma_semaphore, #tpu.memory_space<semaphore_mem>>)
    %dma_wait3A_546 = arith.constant 0 : i32
    %dma_wait3A_547 = arith.constant 0 : i32
    %dma_wait3A_548 = arith.constant 0 : i32
    %dma_wait3A_549 = tpu.memref_slice %arg3[%dma_wait3A_546, %dma_wait3A_547, %dma_wait3A_548] : memref<8192x8x128xf32, #tpu.memory_space<hbm>> -> memref<8192x8x128xf32, #tpu.memory_space<hbm>>
    tpu.wait_indirect_dma semaphore(%arg9 : memref<!tpu.dma_semaphore, #tpu.memory_space<semaphore_mem>>) src(%dma_wait3A_549 : memref<8192x8x128xf32, #tpu.memory_space<hbm>>) dst(%arg7 : memref<16x8x128xf32, #tpu.memory_space<vmem>>)
    %dma_wait3A_550 = arith.constant 0 : i32
    %dma_wait3A_551 = arith.constant 0 : i32
    %dma_wait3A_552 = arith.constant 0 : i32
    %dma_wait3A_553 = tpu.memref_slice %arg3[%dma_wait3A_550, %dma_wait3A_551, %dma_wait3A_552] : memref<8192x8x128xf32, #tpu.memory_space<hbm>> -> memref<8192x8x128xf32, #tpu.memory_space<hbm>>
    tpu.wait_indirect_dma semaphore(%arg10 : memref<!tpu.dma_semaphore, #tpu.memory_space<semaphore_mem>>) src(%dma_wait3A_553 : memref<8192x8x128xf32, #tpu.memory_space<hbm>>) dst(%arg8 : memref<16x8x128xf32, #tpu.memory_space<vmem>>)
    %add3A_554 = arith.constant 48 : i32
    %add3A_555 = arith.addi %multiple_of3A, %add3A_554 : i32
    %multiple_of3A_556 = tpu.assume_multiple %add3A_555, 16 : i32
    "tpu.region"() ({
      %run_scoped3A_557 = tpu.sem_alloc : memref<!tpu.dma_semaphore, #tpu.memory_space<semaphore_mem>>
      %dma_start3A_558 = arith.constant 0 : i32
      %dma_start3A_559 = arith.constant 0 : i32
      %dma_start3A_560 = tpu.memref_slice %arg4[%multiple_of3A_556, %dma_start3A_558, %dma_start3A_559] : memref<2048x8x128xf32, #tpu.memory_space<hbm>> -> memref<16x8x128xf32, #tpu.memory_space<hbm>>
      %dma_start3A_561 = arith.constant 0 : i32
      %dma_start3A_562 = arith.constant 0 : i32
      %dma_start3A_563 = tpu.memref_slice %arg4[%multiple_of3A_556, %dma_start3A_561, %dma_start3A_562] : memref<2048x8x128xf32, #tpu.memory_space<hbm>> -> memref<16x8x128xf32, #tpu.memory_space<hbm>>
      tpu.enqueue_dma source(%arg7 : memref<16x8x128xf32, #tpu.memory_space<vmem>>) target(%dma_start3A_563 : memref<16x8x128xf32, #tpu.memory_space<hbm>>) target_semaphore(%run_scoped3A_557 : memref<!tpu.dma_semaphore, #tpu.memory_space<semaphore_mem>>)
      %dma_wait3A_564 = arith.constant 0 : i32
      %dma_wait3A_565 = arith.constant 0 : i32
      %dma_wait3A_566 = tpu.memref_slice %arg4[%multiple_of3A_556, %dma_wait3A_564, %dma_wait3A_565] : memref<2048x8x128xf32, #tpu.memory_space<hbm>> -> memref<16x8x128xf32, #tpu.memory_space<hbm>>
      %dma_wait3A_567 = arith.constant 0 : i32
      %dma_wait3A_568 = arith.constant 0 : i32
      %dma_wait3A_569 = tpu.memref_slice %arg4[%multiple_of3A_556, %dma_wait3A_567, %dma_wait3A_568] : memref<2048x8x128xf32, #tpu.memory_space<hbm>> -> memref<16x8x128xf32, #tpu.memory_space<hbm>>
      tpu.wait_dma2 semaphore(%run_scoped3A_557 : memref<!tpu.dma_semaphore, #tpu.memory_space<semaphore_mem>>) src(%arg7 : memref<16x8x128xf32, #tpu.memory_space<vmem>>) dst(%dma_wait3A_569 : memref<16x8x128xf32, #tpu.memory_space<hbm>>)
      tpu.yield
    }) : () -> ()
    "tpu.region"() ({
      %run_scoped3A_557 = tpu.sem_alloc : memref<!tpu.dma_semaphore, #tpu.memory_space<semaphore_mem>>
      %dma_start3A_558 = arith.constant 0 : i32
      %dma_start3A_559 = arith.constant 0 : i32
      %dma_start3A_560 = tpu.memref_slice %arg5[%multiple_of3A_556, %dma_start3A_558, %dma_start3A_559] : memref<2048x8x128xf32, #tpu.memory_space<hbm>> -> memref<16x8x128xf32, #tpu.memory_space<hbm>>
      %dma_start3A_561 = arith.constant 0 : i32
      %dma_start3A_562 = arith.constant 0 : i32
      %dma_start3A_563 = tpu.memref_slice %arg5[%multiple_of3A_556, %dma_start3A_561, %dma_start3A_562] : memref<2048x8x128xf32, #tpu.memory_space<hbm>> -> memref<16x8x128xf32, #tpu.memory_space<hbm>>
      tpu.enqueue_dma source(%arg8 : memref<16x8x128xf32, #tpu.memory_space<vmem>>) target(%dma_start3A_563 : memref<16x8x128xf32, #tpu.memory_space<hbm>>) target_semaphore(%run_scoped3A_557 : memref<!tpu.dma_semaphore, #tpu.memory_space<semaphore_mem>>)
      %dma_wait3A_564 = arith.constant 0 : i32
      %dma_wait3A_565 = arith.constant 0 : i32
      %dma_wait3A_566 = tpu.memref_slice %arg5[%multiple_of3A_556, %dma_wait3A_564, %dma_wait3A_565] : memref<2048x8x128xf32, #tpu.memory_space<hbm>> -> memref<16x8x128xf32, #tpu.memory_space<hbm>>
      %dma_wait3A_567 = arith.constant 0 : i32
      %dma_wait3A_568 = arith.constant 0 : i32
      %dma_wait3A_569 = tpu.memref_slice %arg5[%multiple_of3A_556, %dma_wait3A_567, %dma_wait3A_568] : memref<2048x8x128xf32, #tpu.memory_space<hbm>> -> memref<16x8x128xf32, #tpu.memory_space<hbm>>
      tpu.wait_dma2 semaphore(%run_scoped3A_557 : memref<!tpu.dma_semaphore, #tpu.memory_space<semaphore_mem>>) src(%arg8 : memref<16x8x128xf32, #tpu.memory_space<vmem>>) dst(%dma_wait3A_569 : memref<16x8x128xf32, #tpu.memory_space<hbm>>)
      tpu.yield
    }) : () -> ()
    return
  }
}

module attributes {stable_mosaic.version = 14 : i64} {
  func.func @_router_kernel(%arg0: i32, %arg1: memref<2048x1024xf32, #tpu.memory_space<vmem>>, %arg2: memref<8x1024xf32, #tpu.memory_space<vmem>>, %arg3: memref<8x1xf32, #tpu.memory_space<vmem>>, %arg4: memref<1x1024x1024xbf16, #tpu.memory_space<vmem>>, %arg5: memref<1x512x1024xbf16, #tpu.memory_space<vmem>>, %arg6: memref<2x2048xf32, #tpu.memory_space<vmem>>, %arg7: memref<8x2048xi32, #tpu.memory_space<vmem>>, %arg8: memref<1x32xi32, #tpu.memory_space<vmem>>, %arg9: memref<1x32xi32, #tpu.memory_space<vmem>>, %arg10: memref<2048x1024xbf16, #tpu.memory_space<vmem>>, %arg11: memref<2048x1024xf32, #tpu.memory_space<vmem>>) attributes {dimension_semantics = [#tpu.dimension_semantics<arbitrary>], iteration_bounds = array<i64: 2>, scalar_prefetch = 0 : i64, scratch_operands = 0 : i64, tpu.core_type = #tpu.core_type<tc>, window_params = [{pipeline_mode = #tpu.pipeline_mode<synchronous>, transform_indices = @transform_0, window_bounds = array<i64: 2048, 1024>}, {pipeline_mode = #tpu.pipeline_mode<synchronous>, transform_indices = @transform_1, window_bounds = array<i64: 8, 1024>}, {pipeline_mode = #tpu.pipeline_mode<synchronous>, transform_indices = @transform_2, window_bounds = array<i64: 8, 1>}, {transform_indices = @transform_3, window_bounds = array<i64: 1, 1024, 1024>}, {transform_indices = @transform_4, window_bounds = array<i64: 1, 512, 1024>}, {pipeline_mode = #tpu.pipeline_mode<synchronous>, transform_indices = @transform_5, window_bounds = array<i64: 2, 2048>}, {pipeline_mode = #tpu.pipeline_mode<synchronous>, transform_indices = @transform_6, window_bounds = array<i64: 8, 2048>}, {pipeline_mode = #tpu.pipeline_mode<synchronous>, transform_indices = @transform_7, window_bounds = array<i64: 1, 32>}, {pipeline_mode = #tpu.pipeline_mode<synchronous>, transform_indices = @transform_8, window_bounds = array<i64: 1, 32>}, {pipeline_mode = #tpu.pipeline_mode<synchronous>, transform_indices = @transform_9, window_bounds = array<i64: 2048, 1024>}, {pipeline_mode = #tpu.pipeline_mode<synchronous>, transform_indices = @transform_10, window_bounds = array<i64: 2048, 1024>}]} {
    %eq3A = arith.constant 0 : i32
    %eq3A_0 = arith.cmpi eq, %arg0, %eq3A : i32
    %convert_element_type3A = arith.extui %eq3A_0 : i1 to i32
    %cond3A = arith.constant 0 : i32
    %cond3A_1 = arith.cmpi ne, %convert_element_type3A, %cond3A : i32
    scf.if %cond3A_1 {
      %get3A_34 = arith.constant 0 : index
      %get3A_35 = arith.constant 0 : index
      %get3A_36 = vector.load %arg1[%get3A_34, %get3A_35] : memref<2048x1024xf32, #tpu.memory_space<vmem>>, vector<2048x1024xf32>
      %convert_element_type3A_37 = arith.truncf %get3A_36 : vector<2048x1024xf32> to vector<2048x1024xbf16>
      %swap3A = arith.constant 0 : index
      %swap3A_38 = arith.constant 0 : index
      %swap3A_39 = vector.load %arg10[%swap3A, %swap3A_38] : memref<2048x1024xbf16, #tpu.memory_space<vmem>>, vector<2048x1024xbf16>
      tpu.vector_store %arg10[%swap3A, %swap3A_38], %convert_element_type3A_37 {strides = array<i32>} : memref<2048x1024xbf16, #tpu.memory_space<vmem>>, vector<2048x1024xbf16>,
      %get3A_40 = arith.constant 0 : index
      %get3A_41 = arith.constant 0 : index
      %get3A_42 = vector.load %arg2[%get3A_40, %get3A_41] : memref<8x1024xf32, #tpu.memory_space<vmem>>, vector<8x1024xf32>
      %dot_general3A_43 = arith.constant dense<0.000000e+00> : vector<8x2048xf32>
      %dot_general3A_44 = tpu.matmul %get3A_42, %get3A_36, %dot_general3A_43 {dimension_numbers = #tpu.dot_dimension_numbers<[1], [1], [0], [0], [0, 0, 1, 0], [], []>, transpose_lhs_hint = false} : vector<8x1024xf32>, vector<2048x1024xf32>, vector<8x2048xf32> -> vector<8x2048xf32>
      %logistic3A_45 = arith.negf %dot_general3A_44 : vector<8x2048xf32>
      %logistic3A_46 = math.exp %logistic3A_45 : vector<8x2048xf32>
      %logistic3A_47 = arith.constant 1.000000e+00 : f32
      %logistic3A_48 = vector.broadcast %logistic3A_47 : f32 to vector<8x2048xf32>
      %logistic3A_49 = arith.addf %logistic3A_48, %logistic3A_46 : vector<8x2048xf32>
      %logistic3A_50 = arith.divf %logistic3A_48, %logistic3A_49 : vector<8x2048xf32>
      %get3A_51 = arith.constant 0 : index
      %get3A_52 = arith.constant 0 : index
      %get3A_53 = vector.load %arg3[%get3A_51, %get3A_52] : memref<8x1xf32, #tpu.memory_space<vmem>>, vector<8x1xf32>
      %add3A = vector.broadcast %get3A_53 : vector<8x1xf32> to vector<8x2048xf32>
      %add3A_54 = arith.addf %logistic3A_50, %add3A : vector<8x2048xf32>
      %slice3A_55 = vector.extract_strided_slice %add3A_54 {offsets = [0, 0], sizes = [1, 2048], strides = [1, 1]} : vector<8x2048xf32> to vector<1x2048xf32>
      %add3A_56 = arith.constant 0.000000e+00 : f32
      %add3A_57 = vector.broadcast %add3A_56 : f32 to vector<1x2048xf32>
      %add3A_58 = arith.addf %add3A_57, %slice3A_55 : vector<1x2048xf32>
      %slice3A_59 = vector.extract_strided_slice %add3A_54 {offsets = [1, 0], sizes = [1, 2048], strides = [1, 1]} : vector<8x2048xf32> to vector<1x2048xf32>
      %add3A_60 = arith.addf %add3A_58, %slice3A_59 : vector<1x2048xf32>
      %slice3A_61 = vector.extract_strided_slice %add3A_54 {offsets = [2, 0], sizes = [1, 2048], strides = [1, 1]} : vector<8x2048xf32> to vector<1x2048xf32>
      %add3A_62 = arith.constant 0.000000e+00 : f32
      %add3A_63 = vector.broadcast %add3A_62 : f32 to vector<1x2048xf32>
      %add3A_64 = arith.addf %add3A_63, %slice3A_61 : vector<1x2048xf32>
      %slice3A_65 = vector.extract_strided_slice %add3A_54 {offsets = [3, 0], sizes = [1, 2048], strides = [1, 1]} : vector<8x2048xf32> to vector<1x2048xf32>
      %add3A_66 = arith.addf %add3A_64, %slice3A_65 : vector<1x2048xf32>
      %slice3A_67 = vector.extract_strided_slice %add3A_54 {offsets = [4, 0], sizes = [1, 2048], strides = [1, 1]} : vector<8x2048xf32> to vector<1x2048xf32>
      %add3A_68 = arith.constant 0.000000e+00 : f32
      %add3A_69 = vector.broadcast %add3A_68 : f32 to vector<1x2048xf32>
      %add3A_70 = arith.addf %add3A_69, %slice3A_67 : vector<1x2048xf32>
      %slice3A_71 = vector.extract_strided_slice %add3A_54 {offsets = [5, 0], sizes = [1, 2048], strides = [1, 1]} : vector<8x2048xf32> to vector<1x2048xf32>
      %add3A_72 = arith.addf %add3A_70, %slice3A_71 : vector<1x2048xf32>
      %slice3A_73 = vector.extract_strided_slice %add3A_54 {offsets = [6, 0], sizes = [1, 2048], strides = [1, 1]} : vector<8x2048xf32> to vector<1x2048xf32>
      %add3A_74 = arith.constant 0.000000e+00 : f32
      %add3A_75 = vector.broadcast %add3A_74 : f32 to vector<1x2048xf32>
      %add3A_76 = arith.addf %add3A_75, %slice3A_73 : vector<1x2048xf32>
      %slice3A_77 = vector.extract_strided_slice %add3A_54 {offsets = [7, 0], sizes = [1, 2048], strides = [1, 1]} : vector<8x2048xf32> to vector<1x2048xf32>
      %add3A_78 = arith.addf %add3A_76, %slice3A_77 : vector<1x2048xf32>
      %concatenate3A = tpu.concatenate %add3A_60, %add3A_66, %add3A_72, %add3A_78 in 0 : vector<1x2048xf32>, vector<1x2048xf32>, vector<1x2048xf32>, vector<1x2048xf32> -> vector<4x2048xf32>
      %slice3A_79 = vector.extract_strided_slice %concatenate3A {offsets = [0, 0], sizes = [1, 2048], strides = [1, 1]} : vector<4x2048xf32> to vector<1x2048xf32>
      %gt3A = vector.broadcast %slice3A_79 : vector<1x2048xf32> to vector<4x2048xf32>
      %gt3A_80 = arith.cmpf ogt, %concatenate3A, %gt3A : vector<4x2048xf32>
      %convert_element_type3A_81 = arith.extui %gt3A_80 : vector<4x2048xi1> to vector<4x2048xi32>
      %convert_element_type3A_82 = arith.sitofp %convert_element_type3A_81 : vector<4x2048xi32> to vector<4x2048xf32>
      %reduce_sum3A = arith.constant dense<0.000000e+00> : vector<2048xf32>
      %reduce_sum3A_83 = vector.multi_reduction <add>, %convert_element_type3A_82, %reduce_sum3A [0] : vector<4x2048xf32> to vector<2048xf32>
      %broadcast_in_dim3A = vector.shape_cast %reduce_sum3A_83 : vector<2048xf32> to vector<1x2048xf32>
      %add3A_84 = arith.constant 0.000000e+00 : f32
      %add3A_85 = vector.broadcast %add3A_84 : f32 to vector<1x2048xf32>
      %add3A_86 = arith.addf %broadcast_in_dim3A, %add3A_85 : vector<1x2048xf32>
      %slice3A_87 = vector.extract_strided_slice %concatenate3A {offsets = [1, 0], sizes = [1, 2048], strides = [1, 1]} : vector<4x2048xf32> to vector<1x2048xf32>
      %gt3A_88 = vector.broadcast %slice3A_87 : vector<1x2048xf32> to vector<4x2048xf32>
      %gt3A_89 = arith.cmpf ogt, %concatenate3A, %gt3A_88 : vector<4x2048xf32>
      %convert_element_type3A_90 = arith.extui %gt3A_89 : vector<4x2048xi1> to vector<4x2048xi32>
      %convert_element_type3A_91 = arith.sitofp %convert_element_type3A_90 : vector<4x2048xi32> to vector<4x2048xf32>
      %eq3A_92 = vector.broadcast %slice3A_87 : vector<1x2048xf32> to vector<4x2048xf32>
      %eq3A_93 = arith.cmpf oeq, %concatenate3A, %eq3A_92 : vector<4x2048xf32>
      %convert_element_type3A_94 = arith.extui %eq3A_93 : vector<4x2048xi1> to vector<4x2048xi32>
      %convert_element_type3A_95 = arith.sitofp %convert_element_type3A_94 : vector<4x2048xi32> to vector<4x2048xf32>
      %slice3A_96 = vector.extract_strided_slice %convert_element_type3A_95 {offsets = [0, 0], sizes = [1, 2048], strides = [1, 1]} : vector<4x2048xf32> to vector<1x2048xf32>
      %add3A_97 = arith.constant 0.000000e+00 : f32
      %add3A_98 = vector.broadcast %add3A_97 : f32 to vector<1x2048xf32>
      %add3A_99 = arith.addf %add3A_98, %slice3A_96 : vector<1x2048xf32>
      %reduce_sum3A_100 = arith.constant dense<0.000000e+00> : vector<2048xf32>
      %reduce_sum3A_101 = vector.multi_reduction <add>, %convert_element_type3A_91, %reduce_sum3A_100 [0] : vector<4x2048xf32> to vector<2048xf32>
      %broadcast_in_dim3A_102 = vector.shape_cast %reduce_sum3A_101 : vector<2048xf32> to vector<1x2048xf32>
      %add3A_103 = arith.addf %broadcast_in_dim3A_102, %add3A_99 : vector<1x2048xf32>
      %slice3A_104 = vector.extract_strided_slice %concatenate3A {offsets = [2, 0], sizes = [1, 2048], strides = [1, 1]} : vector<4x2048xf32> to vector<1x2048xf32>
      %gt3A_105 = vector.broadcast %slice3A_104 : vector<1x2048xf32> to vector<4x2048xf32>
      %gt3A_106 = arith.cmpf ogt, %concatenate3A, %gt3A_105 : vector<4x2048xf32>
      %convert_element_type3A_107 = arith.extui %gt3A_106 : vector<4x2048xi1> to vector<4x2048xi32>
      %convert_element_type3A_108 = arith.sitofp %convert_element_type3A_107 : vector<4x2048xi32> to vector<4x2048xf32>
      %eq3A_109 = vector.broadcast %slice3A_104 : vector<1x2048xf32> to vector<4x2048xf32>
      %eq3A_110 = arith.cmpf oeq, %concatenate3A, %eq3A_109 : vector<4x2048xf32>
      %convert_element_type3A_111 = arith.extui %eq3A_110 : vector<4x2048xi1> to vector<4x2048xi32>
      %convert_element_type3A_112 = arith.sitofp %convert_element_type3A_111 : vector<4x2048xi32> to vector<4x2048xf32>
      %slice3A_113 = vector.extract_strided_slice %convert_element_type3A_112 {offsets = [0, 0], sizes = [1, 2048], strides = [1, 1]} : vector<4x2048xf32> to vector<1x2048xf32>
      %slice3A_114 = vector.extract_strided_slice %convert_element_type3A_112 {offsets = [1, 0], sizes = [1, 2048], strides = [1, 1]} : vector<4x2048xf32> to vector<1x2048xf32>
      %add3A_115 = arith.constant 0.000000e+00 : f32
      %add3A_116 = vector.broadcast %add3A_115 : f32 to vector<1x2048xf32>
      %add3A_117 = arith.addf %add3A_116, %slice3A_113 : vector<1x2048xf32>
      %add3A_118 = arith.addf %add3A_117, %slice3A_114 : vector<1x2048xf32>
      %reduce_sum3A_119 = arith.constant dense<0.000000e+00> : vector<2048xf32>
      %reduce_sum3A_120 = vector.multi_reduction <add>, %convert_element_type3A_108, %reduce_sum3A_119 [0] : vector<4x2048xf32> to vector<2048xf32>
      %broadcast_in_dim3A_121 = vector.shape_cast %reduce_sum3A_120 : vector<2048xf32> to vector<1x2048xf32>
      %add3A_122 = arith.addf %broadcast_in_dim3A_121, %add3A_118 : vector<1x2048xf32>
      %slice3A_123 = vector.extract_strided_slice %concatenate3A {offsets = [3, 0], sizes = [1, 2048], strides = [1, 1]} : vector<4x2048xf32> to vector<1x2048xf32>
      %gt3A_124 = vector.broadcast %slice3A_123 : vector<1x2048xf32> to vector<4x2048xf32>
      %gt3A_125 = arith.cmpf ogt, %concatenate3A, %gt3A_124 : vector<4x2048xf32>
      %convert_element_type3A_126 = arith.extui %gt3A_125 : vector<4x2048xi1> to vector<4x2048xi32>
      %convert_element_type3A_127 = arith.sitofp %convert_element_type3A_126 : vector<4x2048xi32> to vector<4x2048xf32>
      %eq3A_128 = vector.broadcast %slice3A_123 : vector<1x2048xf32> to vector<4x2048xf32>
      %eq3A_129 = arith.cmpf oeq, %concatenate3A, %eq3A_128 : vector<4x2048xf32>
      %convert_element_type3A_130 = arith.extui %eq3A_129 : vector<4x2048xi1> to vector<4x2048xi32>
      %convert_element_type3A_131 = arith.sitofp %convert_element_type3A_130 : vector<4x2048xi32> to vector<4x2048xf32>
      %slice3A_132 = vector.extract_strided_slice %convert_element_type3A_131 {offsets = [0, 0], sizes = [1, 2048], strides = [1, 1]} : vector<4x2048xf32> to vector<1x2048xf32>
      %slice3A_133 = vector.extract_strided_slice %convert_element_type3A_131 {offsets = [1, 0], sizes = [1, 2048], strides = [1, 1]} : vector<4x2048xf32> to vector<1x2048xf32>
      %slice3A_134 = vector.extract_strided_slice %convert_element_type3A_131 {offsets = [2, 0], sizes = [1, 2048], strides = [1, 1]} : vector<4x2048xf32> to vector<1x2048xf32>
      %add3A_135 = arith.constant 0.000000e+00 : f32
      %add3A_136 = vector.broadcast %add3A_135 : f32 to vector<1x2048xf32>
      %add3A_137 = arith.addf %add3A_136, %slice3A_132 : vector<1x2048xf32>
      %add3A_138 = arith.addf %add3A_137, %slice3A_133 : vector<1x2048xf32>
      %add3A_139 = arith.addf %add3A_138, %slice3A_134 : vector<1x2048xf32>
      %reduce_sum3A_140 = arith.constant dense<0.000000e+00> : vector<2048xf32>
      %reduce_sum3A_141 = vector.multi_reduction <add>, %convert_element_type3A_127, %reduce_sum3A_140 [0] : vector<4x2048xf32> to vector<2048xf32>
      %broadcast_in_dim3A_142 = vector.shape_cast %reduce_sum3A_141 : vector<2048xf32> to vector<1x2048xf32>
      %add3A_143 = arith.addf %broadcast_in_dim3A_142, %add3A_139 : vector<1x2048xf32>
      %concatenate3A_144 = tpu.concatenate %add3A_86, %add3A_103, %add3A_122, %add3A_143 in 0 : vector<1x2048xf32>, vector<1x2048xf32>, vector<1x2048xf32>, vector<1x2048xf32> -> vector<4x2048xf32>
      %lt3A = arith.constant 2.000000e+00 : f32
      %lt3A_145 = vector.broadcast %lt3A : f32 to vector<4x2048xf32>
      %lt3A_146 = arith.cmpf olt, %concatenate3A_144, %lt3A_145 : vector<4x2048xf32>
      %convert_element_type3A_147 = arith.extui %lt3A_146 : vector<4x2048xi1> to vector<4x2048xi32>
      %convert_element_type3A_148 = arith.sitofp %convert_element_type3A_147 : vector<4x2048xi32> to vector<4x2048xf32>
      %slice3A_149 = vector.extract_strided_slice %convert_element_type3A_148 {offsets = [0, 0], sizes = [1, 2048], strides = [1, 1]} : vector<4x2048xf32> to vector<1x2048xf32>
      %slice3A_150 = vector.extract_strided_slice %convert_element_type3A_148 {offsets = [0, 0], sizes = [1, 2048], strides = [1, 1]} : vector<4x2048xf32> to vector<1x2048xf32>
      %slice3A_151 = vector.extract_strided_slice %convert_element_type3A_148 {offsets = [1, 0], sizes = [1, 2048], strides = [1, 1]} : vector<4x2048xf32> to vector<1x2048xf32>
      %slice3A_152 = vector.extract_strided_slice %convert_element_type3A_148 {offsets = [1, 0], sizes = [1, 2048], strides = [1, 1]} : vector<4x2048xf32> to vector<1x2048xf32>
      %slice3A_153 = vector.extract_strided_slice %convert_element_type3A_148 {offsets = [2, 0], sizes = [1, 2048], strides = [1, 1]} : vector<4x2048xf32> to vector<1x2048xf32>
      %slice3A_154 = vector.extract_strided_slice %convert_element_type3A_148 {offsets = [2, 0], sizes = [1, 2048], strides = [1, 1]} : vector<4x2048xf32> to vector<1x2048xf32>
      %slice3A_155 = vector.extract_strided_slice %convert_element_type3A_148 {offsets = [3, 0], sizes = [1, 2048], strides = [1, 1]} : vector<4x2048xf32> to vector<1x2048xf32>
      %slice3A_156 = vector.extract_strided_slice %convert_element_type3A_148 {offsets = [3, 0], sizes = [1, 2048], strides = [1, 1]} : vector<4x2048xf32> to vector<1x2048xf32>
      %concatenate3A_157 = tpu.concatenate %slice3A_149, %slice3A_150, %slice3A_151, %slice3A_152, %slice3A_153, %slice3A_154, %slice3A_155, %slice3A_156 in 0 : vector<1x2048xf32>, vector<1x2048xf32>, vector<1x2048xf32>, vector<1x2048xf32>, vector<1x2048xf32>, vector<1x2048xf32>, vector<1x2048xf32>, vector<1x2048xf32> -> vector<8x2048xf32>
      %gt3A_158 = arith.constant 0.000000e+00 : f32
      %gt3A_159 = vector.broadcast %gt3A_158 : f32 to vector<8x2048xf32>
      %gt3A_160 = arith.cmpf ogt, %concatenate3A_157, %gt3A_159 : vector<8x2048xf32>
      %jit3A = arith.constant -1.000000e+30 : f32
      %broadcast_in_dim3A_161 = vector.broadcast %jit3A : f32 to vector<8x2048xf32>
      %select_n3A = arith.select %gt3A_160, %add3A_54, %broadcast_in_dim3A_161 : vector<8x2048xi1>, vector<8x2048xf32>
      %slice3A_162 = vector.extract_strided_slice %select_n3A {offsets = [0, 0], sizes = [1, 2048], strides = [1, 1]} : vector<8x2048xf32> to vector<1x2048xf32>
      %gt3A_163 = vector.broadcast %slice3A_162 : vector<1x2048xf32> to vector<8x2048xf32>
      %gt3A_164 = arith.cmpf ogt, %select_n3A, %gt3A_163 : vector<8x2048xf32>
      %convert_element_type3A_165 = arith.extui %gt3A_164 : vector<8x2048xi1> to vector<8x2048xi32>
      %convert_element_type3A_166 = arith.sitofp %convert_element_type3A_165 : vector<8x2048xi32> to vector<8x2048xf32>
      %reduce_sum3A_167 = arith.constant dense<0.000000e+00> : vector<2048xf32>
      %reduce_sum3A_168 = vector.multi_reduction <add>, %convert_element_type3A_166, %reduce_sum3A_167 [0] : vector<8x2048xf32> to vector<2048xf32>
      %broadcast_in_dim3A_169 = vector.shape_cast %reduce_sum3A_168 : vector<2048xf32> to vector<1x2048xf32>
      %add3A_170 = arith.constant 0.000000e+00 : f32
      %add3A_171 = vector.broadcast %add3A_170 : f32 to vector<1x2048xf32>
      %add3A_172 = arith.addf %broadcast_in_dim3A_169, %add3A_171 : vector<1x2048xf32>
      %slice3A_173 = vector.extract_strided_slice %select_n3A {offsets = [1, 0], sizes = [1, 2048], strides = [1, 1]} : vector<8x2048xf32> to vector<1x2048xf32>
      %gt3A_174 = vector.broadcast %slice3A_173 : vector<1x2048xf32> to vector<8x2048xf32>
      %gt3A_175 = arith.cmpf ogt, %select_n3A, %gt3A_174 : vector<8x2048xf32>
      %convert_element_type3A_176 = arith.extui %gt3A_175 : vector<8x2048xi1> to vector<8x2048xi32>
      %convert_element_type3A_177 = arith.sitofp %convert_element_type3A_176 : vector<8x2048xi32> to vector<8x2048xf32>
      %eq3A_178 = vector.broadcast %slice3A_173 : vector<1x2048xf32> to vector<8x2048xf32>
      %eq3A_179 = arith.cmpf oeq, %select_n3A, %eq3A_178 : vector<8x2048xf32>
      %convert_element_type3A_180 = arith.extui %eq3A_179 : vector<8x2048xi1> to vector<8x2048xi32>
      %convert_element_type3A_181 = arith.sitofp %convert_element_type3A_180 : vector<8x2048xi32> to vector<8x2048xf32>
      %slice3A_182 = vector.extract_strided_slice %convert_element_type3A_181 {offsets = [0, 0], sizes = [1, 2048], strides = [1, 1]} : vector<8x2048xf32> to vector<1x2048xf32>
      %add3A_183 = arith.constant 0.000000e+00 : f32
      %add3A_184 = vector.broadcast %add3A_183 : f32 to vector<1x2048xf32>
      %add3A_185 = arith.addf %add3A_184, %slice3A_182 : vector<1x2048xf32>
      %reduce_sum3A_186 = arith.constant dense<0.000000e+00> : vector<2048xf32>
      %reduce_sum3A_187 = vector.multi_reduction <add>, %convert_element_type3A_177, %reduce_sum3A_186 [0] : vector<8x2048xf32> to vector<2048xf32>
      %broadcast_in_dim3A_188 = vector.shape_cast %reduce_sum3A_187 : vector<2048xf32> to vector<1x2048xf32>
      %add3A_189 = arith.addf %broadcast_in_dim3A_188, %add3A_185 : vector<1x2048xf32>
      %slice3A_190 = vector.extract_strided_slice %select_n3A {offsets = [2, 0], sizes = [1, 2048], strides = [1, 1]} : vector<8x2048xf32> to vector<1x2048xf32>
      %gt3A_191 = vector.broadcast %slice3A_190 : vector<1x2048xf32> to vector<8x2048xf32>
      %gt3A_192 = arith.cmpf ogt, %select_n3A, %gt3A_191 : vector<8x2048xf32>
      %convert_element_type3A_193 = arith.extui %gt3A_192 : vector<8x2048xi1> to vector<8x2048xi32>
      %convert_element_type3A_194 = arith.sitofp %convert_element_type3A_193 : vector<8x2048xi32> to vector<8x2048xf32>
      %eq3A_195 = vector.broadcast %slice3A_190 : vector<1x2048xf32> to vector<8x2048xf32>
      %eq3A_196 = arith.cmpf oeq, %select_n3A, %eq3A_195 : vector<8x2048xf32>
      %convert_element_type3A_197 = arith.extui %eq3A_196 : vector<8x2048xi1> to vector<8x2048xi32>
      %convert_element_type3A_198 = arith.sitofp %convert_element_type3A_197 : vector<8x2048xi32> to vector<8x2048xf32>
      %slice3A_199 = vector.extract_strided_slice %convert_element_type3A_198 {offsets = [0, 0], sizes = [1, 2048], strides = [1, 1]} : vector<8x2048xf32> to vector<1x2048xf32>
      %slice3A_200 = vector.extract_strided_slice %convert_element_type3A_198 {offsets = [1, 0], sizes = [1, 2048], strides = [1, 1]} : vector<8x2048xf32> to vector<1x2048xf32>
      %add3A_201 = arith.constant 0.000000e+00 : f32
      %add3A_202 = vector.broadcast %add3A_201 : f32 to vector<1x2048xf32>
      %add3A_203 = arith.addf %add3A_202, %slice3A_199 : vector<1x2048xf32>
      %add3A_204 = arith.addf %add3A_203, %slice3A_200 : vector<1x2048xf32>
      %reduce_sum3A_205 = arith.constant dense<0.000000e+00> : vector<2048xf32>
      %reduce_sum3A_206 = vector.multi_reduction <add>, %convert_element_type3A_194, %reduce_sum3A_205 [0] : vector<8x2048xf32> to vector<2048xf32>
      %broadcast_in_dim3A_207 = vector.shape_cast %reduce_sum3A_206 : vector<2048xf32> to vector<1x2048xf32>
      %add3A_208 = arith.addf %broadcast_in_dim3A_207, %add3A_204 : vector<1x2048xf32>
      %slice3A_209 = vector.extract_strided_slice %select_n3A {offsets = [3, 0], sizes = [1, 2048], strides = [1, 1]} : vector<8x2048xf32> to vector<1x2048xf32>
      %gt3A_210 = vector.broadcast %slice3A_209 : vector<1x2048xf32> to vector<8x2048xf32>
      %gt3A_211 = arith.cmpf ogt, %select_n3A, %gt3A_210 : vector<8x2048xf32>
      %convert_element_type3A_212 = arith.extui %gt3A_211 : vector<8x2048xi1> to vector<8x2048xi32>
      %convert_element_type3A_213 = arith.sitofp %convert_element_type3A_212 : vector<8x2048xi32> to vector<8x2048xf32>
      %eq3A_214 = vector.broadcast %slice3A_209 : vector<1x2048xf32> to vector<8x2048xf32>
      %eq3A_215 = arith.cmpf oeq, %select_n3A, %eq3A_214 : vector<8x2048xf32>
      %convert_element_type3A_216 = arith.extui %eq3A_215 : vector<8x2048xi1> to vector<8x2048xi32>
      %convert_element_type3A_217 = arith.sitofp %convert_element_type3A_216 : vector<8x2048xi32> to vector<8x2048xf32>
      %slice3A_218 = vector.extract_strided_slice %convert_element_type3A_217 {offsets = [0, 0], sizes = [1, 2048], strides = [1, 1]} : vector<8x2048xf32> to vector<1x2048xf32>
      %slice3A_219 = vector.extract_strided_slice %convert_element_type3A_217 {offsets = [1, 0], sizes = [1, 2048], strides = [1, 1]} : vector<8x2048xf32> to vector<1x2048xf32>
      %slice3A_220 = vector.extract_strided_slice %convert_element_type3A_217 {offsets = [2, 0], sizes = [1, 2048], strides = [1, 1]} : vector<8x2048xf32> to vector<1x2048xf32>
      %add3A_221 = arith.constant 0.000000e+00 : f32
      %add3A_222 = vector.broadcast %add3A_221 : f32 to vector<1x2048xf32>
      %add3A_223 = arith.addf %add3A_222, %slice3A_218 : vector<1x2048xf32>
      %add3A_224 = arith.addf %add3A_223, %slice3A_219 : vector<1x2048xf32>
      %add3A_225 = arith.addf %add3A_224, %slice3A_220 : vector<1x2048xf32>
      %reduce_sum3A_226 = arith.constant dense<0.000000e+00> : vector<2048xf32>
      %reduce_sum3A_227 = vector.multi_reduction <add>, %convert_element_type3A_213, %reduce_sum3A_226 [0] : vector<8x2048xf32> to vector<2048xf32>
      %broadcast_in_dim3A_228 = vector.shape_cast %reduce_sum3A_227 : vector<2048xf32> to vector<1x2048xf32>
      %add3A_229 = arith.addf %broadcast_in_dim3A_228, %add3A_225 : vector<1x2048xf32>
      %slice3A_230 = vector.extract_strided_slice %select_n3A {offsets = [4, 0], sizes = [1, 2048], strides = [1, 1]} : vector<8x2048xf32> to vector<1x2048xf32>
      %gt3A_231 = vector.broadcast %slice3A_230 : vector<1x2048xf32> to vector<8x2048xf32>
      %gt3A_232 = arith.cmpf ogt, %select_n3A, %gt3A_231 : vector<8x2048xf32>
      %convert_element_type3A_233 = arith.extui %gt3A_232 : vector<8x2048xi1> to vector<8x2048xi32>
      %convert_element_type3A_234 = arith.sitofp %convert_element_type3A_233 : vector<8x2048xi32> to vector<8x2048xf32>
      %eq3A_235 = vector.broadcast %slice3A_230 : vector<1x2048xf32> to vector<8x2048xf32>
      %eq3A_236 = arith.cmpf oeq, %select_n3A, %eq3A_235 : vector<8x2048xf32>
      %convert_element_type3A_237 = arith.extui %eq3A_236 : vector<8x2048xi1> to vector<8x2048xi32>
      %convert_element_type3A_238 = arith.sitofp %convert_element_type3A_237 : vector<8x2048xi32> to vector<8x2048xf32>
      %slice3A_239 = vector.extract_strided_slice %convert_element_type3A_238 {offsets = [0, 0], sizes = [1, 2048], strides = [1, 1]} : vector<8x2048xf32> to vector<1x2048xf32>
      %slice3A_240 = vector.extract_strided_slice %convert_element_type3A_238 {offsets = [1, 0], sizes = [1, 2048], strides = [1, 1]} : vector<8x2048xf32> to vector<1x2048xf32>
      %slice3A_241 = vector.extract_strided_slice %convert_element_type3A_238 {offsets = [2, 0], sizes = [1, 2048], strides = [1, 1]} : vector<8x2048xf32> to vector<1x2048xf32>
      %slice3A_242 = vector.extract_strided_slice %convert_element_type3A_238 {offsets = [3, 0], sizes = [1, 2048], strides = [1, 1]} : vector<8x2048xf32> to vector<1x2048xf32>
      %add3A_243 = arith.constant 0.000000e+00 : f32
      %add3A_244 = vector.broadcast %add3A_243 : f32 to vector<1x2048xf32>
      %add3A_245 = arith.addf %add3A_244, %slice3A_239 : vector<1x2048xf32>
      %add3A_246 = arith.addf %add3A_245, %slice3A_240 : vector<1x2048xf32>
      %add3A_247 = arith.addf %add3A_246, %slice3A_241 : vector<1x2048xf32>
      %add3A_248 = arith.addf %add3A_247, %slice3A_242 : vector<1x2048xf32>
      %reduce_sum3A_249 = arith.constant dense<0.000000e+00> : vector<2048xf32>
      %reduce_sum3A_250 = vector.multi_reduction <add>, %convert_element_type3A_234, %reduce_sum3A_249 [0] : vector<8x2048xf32> to vector<2048xf32>
      %broadcast_in_dim3A_251 = vector.shape_cast %reduce_sum3A_250 : vector<2048xf32> to vector<1x2048xf32>
      %add3A_252 = arith.addf %broadcast_in_dim3A_251, %add3A_248 : vector<1x2048xf32>
      %slice3A_253 = vector.extract_strided_slice %select_n3A {offsets = [5, 0], sizes = [1, 2048], strides = [1, 1]} : vector<8x2048xf32> to vector<1x2048xf32>
      %gt3A_254 = vector.broadcast %slice3A_253 : vector<1x2048xf32> to vector<8x2048xf32>
      %gt3A_255 = arith.cmpf ogt, %select_n3A, %gt3A_254 : vector<8x2048xf32>
      %convert_element_type3A_256 = arith.extui %gt3A_255 : vector<8x2048xi1> to vector<8x2048xi32>
      %convert_element_type3A_257 = arith.sitofp %convert_element_type3A_256 : vector<8x2048xi32> to vector<8x2048xf32>
      %eq3A_258 = vector.broadcast %slice3A_253 : vector<1x2048xf32> to vector<8x2048xf32>
      %eq3A_259 = arith.cmpf oeq, %select_n3A, %eq3A_258 : vector<8x2048xf32>
      %convert_element_type3A_260 = arith.extui %eq3A_259 : vector<8x2048xi1> to vector<8x2048xi32>
      %convert_element_type3A_261 = arith.sitofp %convert_element_type3A_260 : vector<8x2048xi32> to vector<8x2048xf32>
      %slice3A_262 = vector.extract_strided_slice %convert_element_type3A_261 {offsets = [0, 0], sizes = [1, 2048], strides = [1, 1]} : vector<8x2048xf32> to vector<1x2048xf32>
      %slice3A_263 = vector.extract_strided_slice %convert_element_type3A_261 {offsets = [1, 0], sizes = [1, 2048], strides = [1, 1]} : vector<8x2048xf32> to vector<1x2048xf32>
      %slice3A_264 = vector.extract_strided_slice %convert_element_type3A_261 {offsets = [2, 0], sizes = [1, 2048], strides = [1, 1]} : vector<8x2048xf32> to vector<1x2048xf32>
      %slice3A_265 = vector.extract_strided_slice %convert_element_type3A_261 {offsets = [3, 0], sizes = [1, 2048], strides = [1, 1]} : vector<8x2048xf32> to vector<1x2048xf32>
      %slice3A_266 = vector.extract_strided_slice %convert_element_type3A_261 {offsets = [4, 0], sizes = [1, 2048], strides = [1, 1]} : vector<8x2048xf32> to vector<1x2048xf32>
      %add3A_267 = arith.constant 0.000000e+00 : f32
      %add3A_268 = vector.broadcast %add3A_267 : f32 to vector<1x2048xf32>
      %add3A_269 = arith.addf %add3A_268, %slice3A_262 : vector<1x2048xf32>
      %add3A_270 = arith.addf %add3A_269, %slice3A_263 : vector<1x2048xf32>
      %add3A_271 = arith.addf %add3A_270, %slice3A_264 : vector<1x2048xf32>
      %add3A_272 = arith.addf %add3A_271, %slice3A_265 : vector<1x2048xf32>
      %add3A_273 = arith.addf %add3A_272, %slice3A_266 : vector<1x2048xf32>
      %reduce_sum3A_274 = arith.constant dense<0.000000e+00> : vector<2048xf32>
      %reduce_sum3A_275 = vector.multi_reduction <add>, %convert_element_type3A_257, %reduce_sum3A_274 [0] : vector<8x2048xf32> to vector<2048xf32>
      %broadcast_in_dim3A_276 = vector.shape_cast %reduce_sum3A_275 : vector<2048xf32> to vector<1x2048xf32>
      %add3A_277 = arith.addf %broadcast_in_dim3A_276, %add3A_273 : vector<1x2048xf32>
      %slice3A_278 = vector.extract_strided_slice %select_n3A {offsets = [6, 0], sizes = [1, 2048], strides = [1, 1]} : vector<8x2048xf32> to vector<1x2048xf32>
      %gt3A_279 = vector.broadcast %slice3A_278 : vector<1x2048xf32> to vector<8x2048xf32>
      %gt3A_280 = arith.cmpf ogt, %select_n3A, %gt3A_279 : vector<8x2048xf32>
      %convert_element_type3A_281 = arith.extui %gt3A_280 : vector<8x2048xi1> to vector<8x2048xi32>
      %convert_element_type3A_282 = arith.sitofp %convert_element_type3A_281 : vector<8x2048xi32> to vector<8x2048xf32>
      %eq3A_283 = vector.broadcast %slice3A_278 : vector<1x2048xf32> to vector<8x2048xf32>
      %eq3A_284 = arith.cmpf oeq, %select_n3A, %eq3A_283 : vector<8x2048xf32>
      %convert_element_type3A_285 = arith.extui %eq3A_284 : vector<8x2048xi1> to vector<8x2048xi32>
      %convert_element_type3A_286 = arith.sitofp %convert_element_type3A_285 : vector<8x2048xi32> to vector<8x2048xf32>
      %slice3A_287 = vector.extract_strided_slice %convert_element_type3A_286 {offsets = [0, 0], sizes = [1, 2048], strides = [1, 1]} : vector<8x2048xf32> to vector<1x2048xf32>
      %slice3A_288 = vector.extract_strided_slice %convert_element_type3A_286 {offsets = [1, 0], sizes = [1, 2048], strides = [1, 1]} : vector<8x2048xf32> to vector<1x2048xf32>
      %slice3A_289 = vector.extract_strided_slice %convert_element_type3A_286 {offsets = [2, 0], sizes = [1, 2048], strides = [1, 1]} : vector<8x2048xf32> to vector<1x2048xf32>
      %slice3A_290 = vector.extract_strided_slice %convert_element_type3A_286 {offsets = [3, 0], sizes = [1, 2048], strides = [1, 1]} : vector<8x2048xf32> to vector<1x2048xf32>
      %slice3A_291 = vector.extract_strided_slice %convert_element_type3A_286 {offsets = [4, 0], sizes = [1, 2048], strides = [1, 1]} : vector<8x2048xf32> to vector<1x2048xf32>
      %slice3A_292 = vector.extract_strided_slice %convert_element_type3A_286 {offsets = [5, 0], sizes = [1, 2048], strides = [1, 1]} : vector<8x2048xf32> to vector<1x2048xf32>
      %add3A_293 = arith.constant 0.000000e+00 : f32
      %add3A_294 = vector.broadcast %add3A_293 : f32 to vector<1x2048xf32>
      %add3A_295 = arith.addf %add3A_294, %slice3A_287 : vector<1x2048xf32>
      %add3A_296 = arith.addf %add3A_295, %slice3A_288 : vector<1x2048xf32>
      %add3A_297 = arith.addf %add3A_296, %slice3A_289 : vector<1x2048xf32>
      %add3A_298 = arith.addf %add3A_297, %slice3A_290 : vector<1x2048xf32>
      %add3A_299 = arith.addf %add3A_298, %slice3A_291 : vector<1x2048xf32>
      %add3A_300 = arith.addf %add3A_299, %slice3A_292 : vector<1x2048xf32>
      %reduce_sum3A_301 = arith.constant dense<0.000000e+00> : vector<2048xf32>
      %reduce_sum3A_302 = vector.multi_reduction <add>, %convert_element_type3A_282, %reduce_sum3A_301 [0] : vector<8x2048xf32> to vector<2048xf32>
      %broadcast_in_dim3A_303 = vector.shape_cast %reduce_sum3A_302 : vector<2048xf32> to vector<1x2048xf32>
      %add3A_304 = arith.addf %broadcast_in_dim3A_303, %add3A_300 : vector<1x2048xf32>
      %slice3A_305 = vector.extract_strided_slice %select_n3A {offsets = [7, 0], sizes = [1, 2048], strides = [1, 1]} : vector<8x2048xf32> to vector<1x2048xf32>
      %gt3A_306 = vector.broadcast %slice3A_305 : vector<1x2048xf32> to vector<8x2048xf32>
      %gt3A_307 = arith.cmpf ogt, %select_n3A, %gt3A_306 : vector<8x2048xf32>
      %convert_element_type3A_308 = arith.extui %gt3A_307 : vector<8x2048xi1> to vector<8x2048xi32>
      %convert_element_type3A_309 = arith.sitofp %convert_element_type3A_308 : vector<8x2048xi32> to vector<8x2048xf32>
      %eq3A_310 = vector.broadcast %slice3A_305 : vector<1x2048xf32> to vector<8x2048xf32>
      %eq3A_311 = arith.cmpf oeq, %select_n3A, %eq3A_310 : vector<8x2048xf32>
      %convert_element_type3A_312 = arith.extui %eq3A_311 : vector<8x2048xi1> to vector<8x2048xi32>
      %convert_element_type3A_313 = arith.sitofp %convert_element_type3A_312 : vector<8x2048xi32> to vector<8x2048xf32>
      %slice3A_314 = vector.extract_strided_slice %convert_element_type3A_313 {offsets = [0, 0], sizes = [1, 2048], strides = [1, 1]} : vector<8x2048xf32> to vector<1x2048xf32>
      %slice3A_315 = vector.extract_strided_slice %convert_element_type3A_313 {offsets = [1, 0], sizes = [1, 2048], strides = [1, 1]} : vector<8x2048xf32> to vector<1x2048xf32>
      %slice3A_316 = vector.extract_strided_slice %convert_element_type3A_313 {offsets = [2, 0], sizes = [1, 2048], strides = [1, 1]} : vector<8x2048xf32> to vector<1x2048xf32>
      %slice3A_317 = vector.extract_strided_slice %convert_element_type3A_313 {offsets = [3, 0], sizes = [1, 2048], strides = [1, 1]} : vector<8x2048xf32> to vector<1x2048xf32>
      %slice3A_318 = vector.extract_strided_slice %convert_element_type3A_313 {offsets = [4, 0], sizes = [1, 2048], strides = [1, 1]} : vector<8x2048xf32> to vector<1x2048xf32>
      %slice3A_319 = vector.extract_strided_slice %convert_element_type3A_313 {offsets = [5, 0], sizes = [1, 2048], strides = [1, 1]} : vector<8x2048xf32> to vector<1x2048xf32>
      %slice3A_320 = vector.extract_strided_slice %convert_element_type3A_313 {offsets = [6, 0], sizes = [1, 2048], strides = [1, 1]} : vector<8x2048xf32> to vector<1x2048xf32>
      %add3A_321 = arith.constant 0.000000e+00 : f32
      %add3A_322 = vector.broadcast %add3A_321 : f32 to vector<1x2048xf32>
      %add3A_323 = arith.addf %add3A_322, %slice3A_314 : vector<1x2048xf32>
      %add3A_324 = arith.addf %add3A_323, %slice3A_315 : vector<1x2048xf32>
      %add3A_325 = arith.addf %add3A_324, %slice3A_316 : vector<1x2048xf32>
      %add3A_326 = arith.addf %add3A_325, %slice3A_317 : vector<1x2048xf32>
      %add3A_327 = arith.addf %add3A_326, %slice3A_318 : vector<1x2048xf32>
      %add3A_328 = arith.addf %add3A_327, %slice3A_319 : vector<1x2048xf32>
      %add3A_329 = arith.addf %add3A_328, %slice3A_320 : vector<1x2048xf32>
      %reduce_sum3A_330 = arith.constant dense<0.000000e+00> : vector<2048xf32>
      %reduce_sum3A_331 = vector.multi_reduction <add>, %convert_element_type3A_309, %reduce_sum3A_330 [0] : vector<8x2048xf32> to vector<2048xf32>
      %broadcast_in_dim3A_332 = vector.shape_cast %reduce_sum3A_331 : vector<2048xf32> to vector<1x2048xf32>
      %add3A_333 = arith.addf %broadcast_in_dim3A_332, %add3A_329 : vector<1x2048xf32>
      %concatenate3A_334 = tpu.concatenate %add3A_172, %add3A_189, %add3A_208, %add3A_229, %add3A_252, %add3A_277, %add3A_304, %add3A_333 in 0 : vector<1x2048xf32>, vector<1x2048xf32>, vector<1x2048xf32>, vector<1x2048xf32>, vector<1x2048xf32>, vector<1x2048xf32>, vector<1x2048xf32>, vector<1x2048xf32> -> vector<8x2048xf32>
      %lt3A_335 = arith.constant 2.000000e+00 : f32
      %lt3A_336 = vector.broadcast %lt3A_335 : f32 to vector<8x2048xf32>
      %lt3A_337 = arith.cmpf olt, %concatenate3A_334, %lt3A_336 : vector<8x2048xf32>
      %convert_element_type3A_338 = arith.extui %lt3A_337 : vector<8x2048xi1> to vector<8x2048xi32>
      %convert_element_type3A_339 = arith.sitofp %convert_element_type3A_338 : vector<8x2048xi32> to vector<8x2048xf32>
      %mul3A_340 = arith.mulf %logistic3A_50, %convert_element_type3A_339 : vector<8x2048xf32>
      %reduce_sum3A_341 = arith.constant dense<0.000000e+00> : vector<2048xf32>
      %reduce_sum3A_342 = vector.multi_reduction <add>, %mul3A_340, %reduce_sum3A_341 [0] : vector<8x2048xf32> to vector<2048xf32>
      %broadcast_in_dim3A_343 = vector.shape_cast %reduce_sum3A_342 : vector<2048xf32> to vector<1x2048xf32>
      %add3A_344 = arith.constant 9.99999968E-21 : f32
      %add3A_345 = vector.broadcast %add3A_344 : f32 to vector<1x2048xf32>
      %add3A_346 = arith.addf %broadcast_in_dim3A_343, %add3A_345 : vector<1x2048xf32>
      %div3A = vector.broadcast %add3A_346 : vector<1x2048xf32> to vector<8x2048xf32>
      %div3A_347 = arith.divf %mul3A_340, %div3A : vector<8x2048xf32>
      %mul3A_348 = arith.mulf %div3A_347, %convert_element_type3A_339 : vector<8x2048xf32>
      %mul3A_349 = arith.constant 2.500000e+00 : f32
      %mul3A_350 = vector.broadcast %mul3A_349 : f32 to vector<8x2048xf32>
      %mul3A_351 = arith.mulf %mul3A_348, %mul3A_350 : vector<8x2048xf32>
      %iota3A = tpu.iota {dimensions = array<i32: 0>} : vector<8x2048xi32>
      %convert_element_type3A_352 = arith.sitofp %iota3A : vector<8x2048xi32> to vector<8x2048xf32>
      %gt3A_353 = arith.constant 0.000000e+00 : f32
      %gt3A_354 = vector.broadcast %gt3A_353 : f32 to vector<8x2048xf32>
      %gt3A_355 = arith.cmpf ogt, %convert_element_type3A_339, %gt3A_354 : vector<8x2048xf32>
      %jit3A_356 = arith.constant 9.900000e+01 : f32
      %broadcast_in_dim3A_357 = vector.broadcast %jit3A_356 : f32 to vector<8x2048xf32>
      %select_n3A_358 = arith.select %gt3A_355, %convert_element_type3A_352, %broadcast_in_dim3A_357 : vector<8x2048xi1>, vector<8x2048xf32>
      %reduce_min3A = arith.constant dense<0x7F800000> : vector<2048xf32>
      %reduce_min3A_359 = vector.multi_reduction <minimumf>, %select_n3A_358, %reduce_min3A [0] : vector<8x2048xf32> to vector<2048xf32>
      %broadcast_in_dim3A_360 = vector.shape_cast %reduce_min3A_359 : vector<2048xf32> to vector<1x2048xf32>
      %gt3A_361 = arith.constant 0.000000e+00 : f32
      %gt3A_362 = vector.broadcast %gt3A_361 : f32 to vector<8x2048xf32>
      %gt3A_363 = arith.cmpf ogt, %convert_element_type3A_339, %gt3A_362 : vector<8x2048xf32>
      %jit3A_364 = arith.constant -1.000000e+00 : f32
      %broadcast_in_dim3A_365 = vector.broadcast %jit3A_364 : f32 to vector<8x2048xf32>
      %select_n3A_366 = arith.select %gt3A_363, %convert_element_type3A_352, %broadcast_in_dim3A_365 : vector<8x2048xi1>, vector<8x2048xf32>
      %reduce_max3A = arith.constant dense<0xFF800000> : vector<2048xf32>
      %reduce_max3A_367 = vector.multi_reduction <maximumf>, %select_n3A_366, %reduce_max3A [0] : vector<8x2048xf32> to vector<2048xf32>
      %broadcast_in_dim3A_368 = vector.shape_cast %reduce_max3A_367 : vector<2048xf32> to vector<1x2048xf32>
      %eq3A_369 = vector.broadcast %broadcast_in_dim3A_360 : vector<1x2048xf32> to vector<8x2048xf32>
      %eq3A_370 = arith.cmpf oeq, %convert_element_type3A_352, %eq3A_369 : vector<8x2048xf32>
      %jit3A_371 = arith.constant 0.000000e+00 : f32
      %broadcast_in_dim3A_372 = vector.broadcast %jit3A_371 : f32 to vector<8x2048xf32>
      %select_n3A_373 = arith.select %eq3A_370, %mul3A_351, %broadcast_in_dim3A_372 : vector<8x2048xi1>, vector<8x2048xf32>
      %reduce_sum3A_374 = arith.constant dense<0.000000e+00> : vector<2048xf32>
      %reduce_sum3A_375 = vector.multi_reduction <add>, %select_n3A_373, %reduce_sum3A_374 [0] : vector<8x2048xf32> to vector<2048xf32>
      %broadcast_in_dim3A_376 = vector.shape_cast %reduce_sum3A_375 : vector<2048xf32> to vector<1x2048xf32>
      %eq3A_377 = vector.broadcast %broadcast_in_dim3A_368 : vector<1x2048xf32> to vector<8x2048xf32>
      %eq3A_378 = arith.cmpf oeq, %convert_element_type3A_352, %eq3A_377 : vector<8x2048xf32>
      %jit3A_379 = arith.constant 0.000000e+00 : f32
      %broadcast_in_dim3A_380 = vector.broadcast %jit3A_379 : f32 to vector<8x2048xf32>
      %select_n3A_381 = arith.select %eq3A_378, %mul3A_351, %broadcast_in_dim3A_380 : vector<8x2048xi1>, vector<8x2048xf32>
      %reduce_sum3A_382 = arith.constant dense<0.000000e+00> : vector<2048xf32>
      %reduce_sum3A_383 = vector.multi_reduction <add>, %select_n3A_381, %reduce_sum3A_382 [0] : vector<8x2048xf32> to vector<2048xf32>
      %broadcast_in_dim3A_384 = vector.shape_cast %reduce_sum3A_383 : vector<2048xf32> to vector<1x2048xf32>
      %concatenate3A_385 = tpu.concatenate %broadcast_in_dim3A_376, %broadcast_in_dim3A_384 in 0 : vector<1x2048xf32>, vector<1x2048xf32> -> vector<2x2048xf32>
      %swap3A_386 = arith.constant 0 : index
      %swap3A_387 = arith.constant 0 : index
      %swap3A_388 = vector.load %arg6[%swap3A_386, %swap3A_387] : memref<2x2048xf32, #tpu.memory_space<vmem>>, vector<2x2048xf32>
      tpu.vector_store %arg6[%swap3A_386, %swap3A_387], %concatenate3A_385 {strides = array<i32>} : memref<2x2048xf32, #tpu.memory_space<vmem>>, vector<2x2048xf32>,
      %iota3A_389 = tpu.iota {dimensions = array<i32: 0>} : vector<512x512xi32>
      %iota3A_390 = tpu.iota {dimensions = array<i32: 1>} : vector<512x512xi32>
      %lt3A_391 = arith.cmpi slt, %iota3A_389, %iota3A_390 : vector<512x512xi32>
      %convert_element_type3A_392 = arith.extui %lt3A_391 : vector<512x512xi1> to vector<512x512xi32>
      %convert_element_type3A_393 = arith.sitofp %convert_element_type3A_392 : vector<512x512xi32> to vector<512x512xf32>
      %broadcast_in_dim3A_394 = arith.constant 0.000000e+00 : f32
      %broadcast_in_dim3A_395 = vector.broadcast %broadcast_in_dim3A_394 : f32 to vector<8x1xf32>
      %broadcast_in_dim3A_396 = arith.constant 0.000000e+00 : f32
      %broadcast_in_dim3A_397 = vector.broadcast %broadcast_in_dim3A_396 : f32 to vector<8x1xf32>
      %slice3A_398 = vector.extract_strided_slice %convert_element_type3A_339 {offsets = [0, 0], sizes = [8, 512], strides = [1, 1]} : vector<8x2048xf32> to vector<8x512xf32>
      %dot_general3A_399 = arith.constant dense<0.000000e+00> : vector<8x512xf32>
      %dot_general3A_400 = tpu.matmul %slice3A_398, %convert_element_type3A_393, %dot_general3A_399 {dimension_numbers = #tpu.dot_dimension_numbers<[1], [0], [0], [1], [0, 0, 1, 1], [], []>, transpose_lhs_hint = false} : vector<8x512xf32>, vector<512x512xf32>, vector<8x512xf32> -> vector<8x512xf32>
      %reduce_sum3A_401 = arith.constant dense<0.000000e+00> : vector<8xf32>
      %reduce_sum3A_402 = vector.multi_reduction <add>, %slice3A_398, %reduce_sum3A_401 [1] : vector<8x512xf32> to vector<8xf32>
      %broadcast_in_dim3A_403 = vector.shape_cast %reduce_sum3A_402 : vector<8xf32> to vector<8x1xf32>
      %add3A_404 = arith.constant 6.300000e+01 : f32
      %add3A_405 = vector.broadcast %add3A_404 : f32 to vector<8x1xf32>
      %add3A_406 = arith.addf %broadcast_in_dim3A_403, %add3A_405 : vector<8x1xf32>
      %mul3A_407 = arith.constant 1.562500e-02 : f32
      %mul3A_408 = vector.broadcast %mul3A_407 : f32 to vector<8x1xf32>
      %mul3A_409 = arith.mulf %add3A_406, %mul3A_408 : vector<8x1xf32>
      %floor3A = math.floor %mul3A_409 : vector<8x1xf32>
      %mul3A_410 = arith.constant 6.400000e+01 : f32
      %mul3A_411 = vector.broadcast %mul3A_410 : f32 to vector<8x1xf32>
      %mul3A_412 = arith.mulf %floor3A, %mul3A_411 : vector<8x1xf32>
      %add3A_413 = arith.addf %broadcast_in_dim3A_395, %mul3A_412 : vector<8x1xf32>
      %add3A_414 = arith.addf %broadcast_in_dim3A_397, %mul3A_412 : vector<8x1xf32>
      %slice3A_415 = vector.extract_strided_slice %convert_element_type3A_339 {offsets = [0, 512], sizes = [8, 512], strides = [1, 1]} : vector<8x2048xf32> to vector<8x512xf32>
      %dot_general3A_416 = arith.constant dense<0.000000e+00> : vector<8x512xf32>
      %dot_general3A_417 = tpu.matmul %slice3A_415, %convert_element_type3A_393, %dot_general3A_416 {dimension_numbers = #tpu.dot_dimension_numbers<[1], [0], [0], [1], [0, 0, 1, 1], [], []>, transpose_lhs_hint = false} : vector<8x512xf32>, vector<512x512xf32>, vector<8x512xf32> -> vector<8x512xf32>
      %reduce_sum3A_418 = arith.constant dense<0.000000e+00> : vector<8xf32>
      %reduce_sum3A_419 = vector.multi_reduction <add>, %slice3A_415, %reduce_sum3A_418 [1] : vector<8x512xf32> to vector<8xf32>
      %broadcast_in_dim3A_420 = vector.shape_cast %reduce_sum3A_419 : vector<8xf32> to vector<8x1xf32>
      %add3A_421 = arith.constant 6.300000e+01 : f32
      %add3A_422 = vector.broadcast %add3A_421 : f32 to vector<8x1xf32>
      %add3A_423 = arith.addf %broadcast_in_dim3A_420, %add3A_422 : vector<8x1xf32>
      %mul3A_424 = arith.constant 1.562500e-02 : f32
      %mul3A_425 = vector.broadcast %mul3A_424 : f32 to vector<8x1xf32>
      %mul3A_426 = arith.mulf %add3A_423, %mul3A_425 : vector<8x1xf32>
      %floor3A_427 = math.floor %mul3A_426 : vector<8x1xf32>
      %mul3A_428 = arith.constant 6.400000e+01 : f32
      %mul3A_429 = vector.broadcast %mul3A_428 : f32 to vector<8x1xf32>
      %mul3A_430 = arith.mulf %floor3A_427, %mul3A_429 : vector<8x1xf32>
      %add3A_431 = arith.addf %add3A_413, %mul3A_430 : vector<8x1xf32>
      %add3A_432 = arith.addf %add3A_414, %mul3A_430 : vector<8x1xf32>
      %slice3A_433 = vector.extract_strided_slice %convert_element_type3A_339 {offsets = [0, 1024], sizes = [8, 512], strides = [1, 1]} : vector<8x2048xf32> to vector<8x512xf32>
      %dot_general3A_434 = arith.constant dense<0.000000e+00> : vector<8x512xf32>
      %dot_general3A_435 = tpu.matmul %slice3A_433, %convert_element_type3A_393, %dot_general3A_434 {dimension_numbers = #tpu.dot_dimension_numbers<[1], [0], [0], [1], [0, 0, 1, 1], [], []>, transpose_lhs_hint = false} : vector<8x512xf32>, vector<512x512xf32>, vector<8x512xf32> -> vector<8x512xf32>
      %reduce_sum3A_436 = arith.constant dense<0.000000e+00> : vector<8xf32>
      %reduce_sum3A_437 = vector.multi_reduction <add>, %slice3A_433, %reduce_sum3A_436 [1] : vector<8x512xf32> to vector<8xf32>
      %broadcast_in_dim3A_438 = vector.shape_cast %reduce_sum3A_437 : vector<8xf32> to vector<8x1xf32>
      %add3A_439 = arith.constant 6.300000e+01 : f32
      %add3A_440 = vector.broadcast %add3A_439 : f32 to vector<8x1xf32>
      %add3A_441 = arith.addf %broadcast_in_dim3A_438, %add3A_440 : vector<8x1xf32>
      %mul3A_442 = arith.constant 1.562500e-02 : f32
      %mul3A_443 = vector.broadcast %mul3A_442 : f32 to vector<8x1xf32>
      %mul3A_444 = arith.mulf %add3A_441, %mul3A_443 : vector<8x1xf32>
      %floor3A_445 = math.floor %mul3A_444 : vector<8x1xf32>
      %mul3A_446 = arith.constant 6.400000e+01 : f32
      %mul3A_447 = vector.broadcast %mul3A_446 : f32 to vector<8x1xf32>
      %mul3A_448 = arith.mulf %floor3A_445, %mul3A_447 : vector<8x1xf32>
      %add3A_449 = arith.addf %add3A_431, %mul3A_448 : vector<8x1xf32>
      %add3A_450 = arith.addf %add3A_432, %mul3A_448 : vector<8x1xf32>
      %slice3A_451 = vector.extract_strided_slice %convert_element_type3A_339 {offsets = [0, 1536], sizes = [8, 512], strides = [1, 1]} : vector<8x2048xf32> to vector<8x512xf32>
      %dot_general3A_452 = arith.constant dense<0.000000e+00> : vector<8x512xf32>
      %dot_general3A_453 = tpu.matmul %slice3A_451, %convert_element_type3A_393, %dot_general3A_452 {dimension_numbers = #tpu.dot_dimension_numbers<[1], [0], [0], [1], [0, 0, 1, 1], [], []>, transpose_lhs_hint = false} : vector<8x512xf32>, vector<512x512xf32>, vector<8x512xf32> -> vector<8x512xf32>
      %reduce_sum3A_454 = arith.constant dense<0.000000e+00> : vector<8xf32>
      %reduce_sum3A_455 = vector.multi_reduction <add>, %slice3A_451, %reduce_sum3A_454 [1] : vector<8x512xf32> to vector<8xf32>
      %broadcast_in_dim3A_456 = vector.shape_cast %reduce_sum3A_455 : vector<8xf32> to vector<8x1xf32>
      %add3A_457 = arith.constant 6.300000e+01 : f32
      %add3A_458 = vector.broadcast %add3A_457 : f32 to vector<8x1xf32>
      %add3A_459 = arith.addf %broadcast_in_dim3A_456, %add3A_458 : vector<8x1xf32>
      %mul3A_460 = arith.constant 1.562500e-02 : f32
      %mul3A_461 = vector.broadcast %mul3A_460 : f32 to vector<8x1xf32>
      %mul3A_462 = arith.mulf %add3A_459, %mul3A_461 : vector<8x1xf32>
      %floor3A_463 = math.floor %mul3A_462 : vector<8x1xf32>
      %mul3A_464 = arith.constant 6.400000e+01 : f32
      %mul3A_465 = vector.broadcast %mul3A_464 : f32 to vector<8x1xf32>
      %mul3A_466 = arith.mulf %floor3A_463, %mul3A_465 : vector<8x1xf32>
      %add3A_467 = arith.addf %add3A_450, %mul3A_466 : vector<8x1xf32>
      %add3A_468 = arith.constant 2.550000e+02 : f32
      %add3A_469 = vector.broadcast %add3A_468 : f32 to vector<8x1xf32>
      %add3A_470 = arith.addf %add3A_467, %add3A_469 : vector<8x1xf32>
      %mul3A_471 = arith.constant 3.906250e-03 : f32
      %mul3A_472 = vector.broadcast %mul3A_471 : f32 to vector<8x1xf32>
      %mul3A_473 = arith.mulf %add3A_470, %mul3A_472 : vector<8x1xf32>
      %floor3A_474 = math.floor %mul3A_473 : vector<8x1xf32>
      %mul3A_475 = arith.constant 2.560000e+02 : f32
      %mul3A_476 = vector.broadcast %mul3A_475 : f32 to vector<8x1xf32>
      %mul3A_477 = arith.mulf %floor3A_474, %mul3A_476 : vector<8x1xf32>
      %broadcast_in_dim3A_478 = arith.constant 0.000000e+00 : f32
      %broadcast_in_dim3A_479 = vector.broadcast %broadcast_in_dim3A_478 : f32 to vector<1x1xf32>
      %slice3A_480 = vector.extract_strided_slice %mul3A_477 {offsets = [0, 0], sizes = [1, 1], strides = [1, 1]} : vector<8x1xf32> to vector<1x1xf32>
      %add3A_481 = arith.addf %broadcast_in_dim3A_479, %slice3A_480 : vector<1x1xf32>
      %slice3A_482 = vector.extract_strided_slice %mul3A_477 {offsets = [1, 0], sizes = [1, 1], strides = [1, 1]} : vector<8x1xf32> to vector<1x1xf32>
      %add3A_483 = arith.addf %add3A_481, %slice3A_482 : vector<1x1xf32>
      %slice3A_484 = vector.extract_strided_slice %mul3A_477 {offsets = [2, 0], sizes = [1, 1], strides = [1, 1]} : vector<8x1xf32> to vector<1x1xf32>
      %add3A_485 = arith.addf %add3A_483, %slice3A_484 : vector<1x1xf32>
      %slice3A_486 = vector.extract_strided_slice %mul3A_477 {offsets = [3, 0], sizes = [1, 1], strides = [1, 1]} : vector<8x1xf32> to vector<1x1xf32>
      %add3A_487 = arith.addf %add3A_485, %slice3A_486 : vector<1x1xf32>
      %slice3A_488 = vector.extract_strided_slice %mul3A_477 {offsets = [4, 0], sizes = [1, 1], strides = [1, 1]} : vector<8x1xf32> to vector<1x1xf32>
      %add3A_489 = arith.addf %add3A_487, %slice3A_488 : vector<1x1xf32>
      %slice3A_490 = vector.extract_strided_slice %mul3A_477 {offsets = [5, 0], sizes = [1, 1], strides = [1, 1]} : vector<8x1xf32> to vector<1x1xf32>
      %add3A_491 = arith.addf %add3A_489, %slice3A_490 : vector<1x1xf32>
      %slice3A_492 = vector.extract_strided_slice %mul3A_477 {offsets = [6, 0], sizes = [1, 1], strides = [1, 1]} : vector<8x1xf32> to vector<1x1xf32>
      %add3A_493 = arith.addf %add3A_491, %slice3A_492 : vector<1x1xf32>
      %concatenate3A_494 = tpu.concatenate %broadcast_in_dim3A_479, %add3A_481, %add3A_483, %add3A_485, %add3A_487, %add3A_489, %add3A_491, %add3A_493 in 0 : vector<1x1xf32>, vector<1x1xf32>, vector<1x1xf32>, vector<1x1xf32>, vector<1x1xf32>, vector<1x1xf32>, vector<1x1xf32>, vector<1x1xf32> -> vector<8x1xf32>
      %add3A_495 = arith.addf %concatenate3A_494, %mul3A_477 : vector<8x1xf32>
      %slice3A_496 = vector.extract_strided_slice %convert_element_type3A_339 {offsets = [0, 0], sizes = [8, 512], strides = [1, 1]} : vector<8x2048xf32> to vector<8x512xf32>
      %add3A_497 = vector.broadcast %broadcast_in_dim3A_395 : vector<8x1xf32> to vector<8x512xf32>
      %add3A_498 = arith.addf %dot_general3A_400, %add3A_497 : vector<8x512xf32>
      %add3A_499 = vector.broadcast %concatenate3A_494 : vector<8x1xf32> to vector<8x512xf32>
      %add3A_500 = arith.addf %add3A_498, %add3A_499 : vector<8x512xf32>
      %gt3A_501 = arith.constant 0.000000e+00 : f32
      %gt3A_502 = vector.broadcast %gt3A_501 : f32 to vector<8x512xf32>
      %gt3A_503 = arith.cmpf ogt, %slice3A_496, %gt3A_502 : vector<8x512xf32>
      %jit3A_504 = arith.constant -1.000000e+00 : f32
      %broadcast_in_dim3A_505 = vector.broadcast %jit3A_504 : f32 to vector<8x512xf32>
      %select_n3A_506 = arith.select %gt3A_503, %add3A_500, %broadcast_in_dim3A_505 : vector<8x512xi1>, vector<8x512xf32>
      %slice3A_507 = vector.extract_strided_slice %convert_element_type3A_339 {offsets = [0, 512], sizes = [8, 512], strides = [1, 1]} : vector<8x2048xf32> to vector<8x512xf32>
      %add3A_508 = vector.broadcast %add3A_413 : vector<8x1xf32> to vector<8x512xf32>
      %add3A_509 = arith.addf %dot_general3A_417, %add3A_508 : vector<8x512xf32>
      %add3A_510 = vector.broadcast %concatenate3A_494 : vector<8x1xf32> to vector<8x512xf32>
      %add3A_511 = arith.addf %add3A_509, %add3A_510 : vector<8x512xf32>
      %gt3A_512 = arith.constant 0.000000e+00 : f32
      %gt3A_513 = vector.broadcast %gt3A_512 : f32 to vector<8x512xf32>
      %gt3A_514 = arith.cmpf ogt, %slice3A_507, %gt3A_513 : vector<8x512xf32>
      %jit3A_515 = arith.constant -1.000000e+00 : f32
      %broadcast_in_dim3A_516 = vector.broadcast %jit3A_515 : f32 to vector<8x512xf32>
      %select_n3A_517 = arith.select %gt3A_514, %add3A_511, %broadcast_in_dim3A_516 : vector<8x512xi1>, vector<8x512xf32>
      %slice3A_518 = vector.extract_strided_slice %convert_element_type3A_339 {offsets = [0, 1024], sizes = [8, 512], strides = [1, 1]} : vector<8x2048xf32> to vector<8x512xf32>
      %add3A_519 = vector.broadcast %add3A_431 : vector<8x1xf32> to vector<8x512xf32>
      %add3A_520 = arith.addf %dot_general3A_435, %add3A_519 : vector<8x512xf32>
      %add3A_521 = vector.broadcast %concatenate3A_494 : vector<8x1xf32> to vector<8x512xf32>
      %add3A_522 = arith.addf %add3A_520, %add3A_521 : vector<8x512xf32>
      %gt3A_523 = arith.constant 0.000000e+00 : f32
      %gt3A_524 = vector.broadcast %gt3A_523 : f32 to vector<8x512xf32>
      %gt3A_525 = arith.cmpf ogt, %slice3A_518, %gt3A_524 : vector<8x512xf32>
      %jit3A_526 = arith.constant -1.000000e+00 : f32
      %broadcast_in_dim3A_527 = vector.broadcast %jit3A_526 : f32 to vector<8x512xf32>
      %select_n3A_528 = arith.select %gt3A_525, %add3A_522, %broadcast_in_dim3A_527 : vector<8x512xi1>, vector<8x512xf32>
      %slice3A_529 = vector.extract_strided_slice %convert_element_type3A_339 {offsets = [0, 1536], sizes = [8, 512], strides = [1, 1]} : vector<8x2048xf32> to vector<8x512xf32>
      %add3A_530 = vector.broadcast %add3A_449 : vector<8x1xf32> to vector<8x512xf32>
      %add3A_531 = arith.addf %dot_general3A_453, %add3A_530 : vector<8x512xf32>
      %add3A_532 = vector.broadcast %concatenate3A_494 : vector<8x1xf32> to vector<8x512xf32>
      %add3A_533 = arith.addf %add3A_531, %add3A_532 : vector<8x512xf32>
      %gt3A_534 = arith.constant 0.000000e+00 : f32
      %gt3A_535 = vector.broadcast %gt3A_534 : f32 to vector<8x512xf32>
      %gt3A_536 = arith.cmpf ogt, %slice3A_529, %gt3A_535 : vector<8x512xf32>
      %jit3A_537 = arith.constant -1.000000e+00 : f32
      %broadcast_in_dim3A_538 = vector.broadcast %jit3A_537 : f32 to vector<8x512xf32>
      %select_n3A_539 = arith.select %gt3A_536, %add3A_533, %broadcast_in_dim3A_538 : vector<8x512xi1>, vector<8x512xf32>
      %concatenate3A_540 = tpu.concatenate %select_n3A_506, %select_n3A_517, %select_n3A_528, %select_n3A_539 in 1 : vector<8x512xf32>, vector<8x512xf32>, vector<8x512xf32>, vector<8x512xf32> -> vector<8x2048xf32>
      %convert_element_type3A_541 = arith.fptosi %concatenate3A_540 : vector<8x2048xf32> to vector<8x2048xi32>
      %swap3A_542 = arith.constant 0 : index
      %swap3A_543 = arith.constant 0 : index
      %swap3A_544 = vector.load %arg7[%swap3A_542, %swap3A_543] : memref<8x2048xi32, #tpu.memory_space<vmem>>, vector<8x2048xi32>
      tpu.vector_store %arg7[%swap3A_542, %swap3A_543], %convert_element_type3A_541 {strides = array<i32>} : memref<8x2048xi32, #tpu.memory_space<vmem>>, vector<8x2048xi32>,
      %iota3A_545 = tpu.iota {dimensions = array<i32: 1>} : vector<1x32xi32>
      %mul3A_546 = arith.constant 256 : i32
      %mul3A_547 = vector.broadcast %mul3A_546 : i32 to vector<1x32xi32>
      %mul3A_548 = arith.muli %iota3A_545, %mul3A_547 : vector<1x32xi32>
      %convert_element_type3A_549 = arith.sitofp %mul3A_548 : vector<1x32xi32> to vector<1x32xf32>
      %broadcast_in_dim3A_550 = arith.constant 0.000000e+00 : f32
      %broadcast_in_dim3A_551 = vector.broadcast %broadcast_in_dim3A_550 : f32 to vector<1x32xf32>
      %slice3A_552 = vector.extract_strided_slice %add3A_495 {offsets = [0, 0], sizes = [1, 1], strides = [1, 1]} : vector<8x1xf32> to vector<1x1xf32>
      %ge3A = vector.broadcast %slice3A_552 : vector<1x1xf32> to vector<1x32xf32>
      %ge3A_553 = arith.cmpf oge, %convert_element_type3A_549, %ge3A : vector<1x32xf32>
      %convert_element_type3A_554 = arith.extui %ge3A_553 : vector<1x32xi1> to vector<1x32xi32>
      %convert_element_type3A_555 = arith.sitofp %convert_element_type3A_554 : vector<1x32xi32> to vector<1x32xf32>
      %add3A_556 = arith.addf %broadcast_in_dim3A_551, %convert_element_type3A_555 : vector<1x32xf32>
      %slice3A_557 = vector.extract_strided_slice %add3A_495 {offsets = [1, 0], sizes = [1, 1], strides = [1, 1]} : vector<8x1xf32> to vector<1x1xf32>
      %ge3A_558 = vector.broadcast %slice3A_557 : vector<1x1xf32> to vector<1x32xf32>
      %ge3A_559 = arith.cmpf oge, %convert_element_type3A_549, %ge3A_558 : vector<1x32xf32>
      %convert_element_type3A_560 = arith.extui %ge3A_559 : vector<1x32xi1> to vector<1x32xi32>
      %convert_element_type3A_561 = arith.sitofp %convert_element_type3A_560 : vector<1x32xi32> to vector<1x32xf32>
      %add3A_562 = arith.addf %add3A_556, %convert_element_type3A_561 : vector<1x32xf32>
      %slice3A_563 = vector.extract_strided_slice %add3A_495 {offsets = [2, 0], sizes = [1, 1], strides = [1, 1]} : vector<8x1xf32> to vector<1x1xf32>
      %ge3A_564 = vector.broadcast %slice3A_563 : vector<1x1xf32> to vector<1x32xf32>
      %ge3A_565 = arith.cmpf oge, %convert_element_type3A_549, %ge3A_564 : vector<1x32xf32>
      %convert_element_type3A_566 = arith.extui %ge3A_565 : vector<1x32xi1> to vector<1x32xi32>
      %convert_element_type3A_567 = arith.sitofp %convert_element_type3A_566 : vector<1x32xi32> to vector<1x32xf32>
      %add3A_568 = arith.addf %add3A_562, %convert_element_type3A_567 : vector<1x32xf32>
      %slice3A_569 = vector.extract_strided_slice %add3A_495 {offsets = [3, 0], sizes = [1, 1], strides = [1, 1]} : vector<8x1xf32> to vector<1x1xf32>
      %ge3A_570 = vector.broadcast %slice3A_569 : vector<1x1xf32> to vector<1x32xf32>
      %ge3A_571 = arith.cmpf oge, %convert_element_type3A_549, %ge3A_570 : vector<1x32xf32>
      %convert_element_type3A_572 = arith.extui %ge3A_571 : vector<1x32xi1> to vector<1x32xi32>
      %convert_element_type3A_573 = arith.sitofp %convert_element_type3A_572 : vector<1x32xi32> to vector<1x32xf32>
      %add3A_574 = arith.addf %add3A_568, %convert_element_type3A_573 : vector<1x32xf32>
      %slice3A_575 = vector.extract_strided_slice %add3A_495 {offsets = [4, 0], sizes = [1, 1], strides = [1, 1]} : vector<8x1xf32> to vector<1x1xf32>
      %ge3A_576 = vector.broadcast %slice3A_575 : vector<1x1xf32> to vector<1x32xf32>
      %ge3A_577 = arith.cmpf oge, %convert_element_type3A_549, %ge3A_576 : vector<1x32xf32>
      %convert_element_type3A_578 = arith.extui %ge3A_577 : vector<1x32xi1> to vector<1x32xi32>
      %convert_element_type3A_579 = arith.sitofp %convert_element_type3A_578 : vector<1x32xi32> to vector<1x32xf32>
      %add3A_580 = arith.addf %add3A_574, %convert_element_type3A_579 : vector<1x32xf32>
      %slice3A_581 = vector.extract_strided_slice %add3A_495 {offsets = [5, 0], sizes = [1, 1], strides = [1, 1]} : vector<8x1xf32> to vector<1x1xf32>
      %ge3A_582 = vector.broadcast %slice3A_581 : vector<1x1xf32> to vector<1x32xf32>
      %ge3A_583 = arith.cmpf oge, %convert_element_type3A_549, %ge3A_582 : vector<1x32xf32>
      %convert_element_type3A_584 = arith.extui %ge3A_583 : vector<1x32xi1> to vector<1x32xi32>
      %convert_element_type3A_585 = arith.sitofp %convert_element_type3A_584 : vector<1x32xi32> to vector<1x32xf32>
      %add3A_586 = arith.addf %add3A_580, %convert_element_type3A_585 : vector<1x32xf32>
      %slice3A_587 = vector.extract_strided_slice %add3A_495 {offsets = [6, 0], sizes = [1, 1], strides = [1, 1]} : vector<8x1xf32> to vector<1x1xf32>
      %ge3A_588 = vector.broadcast %slice3A_587 : vector<1x1xf32> to vector<1x32xf32>
      %ge3A_589 = arith.cmpf oge, %convert_element_type3A_549, %ge3A_588 : vector<1x32xf32>
      %convert_element_type3A_590 = arith.extui %ge3A_589 : vector<1x32xi1> to vector<1x32xi32>
      %convert_element_type3A_591 = arith.sitofp %convert_element_type3A_590 : vector<1x32xi32> to vector<1x32xf32>
      %add3A_592 = arith.addf %add3A_586, %convert_element_type3A_591 : vector<1x32xf32>
      %slice3A_593 = vector.extract_strided_slice %add3A_495 {offsets = [7, 0], sizes = [1, 1], strides = [1, 1]} : vector<8x1xf32> to vector<1x1xf32>
      %ge3A_594 = vector.broadcast %slice3A_593 : vector<1x1xf32> to vector<1x32xf32>
      %ge3A_595 = arith.cmpf oge, %convert_element_type3A_549, %ge3A_594 : vector<1x32xf32>
      %convert_element_type3A_596 = arith.extui %ge3A_595 : vector<1x32xi1> to vector<1x32xi32>
      %convert_element_type3A_597 = arith.sitofp %convert_element_type3A_596 : vector<1x32xi32> to vector<1x32xf32>
      %add3A_598 = arith.addf %add3A_592, %convert_element_type3A_597 : vector<1x32xf32>
      %min3A = arith.constant 7.000000e+00 : f32
      %min3A_599 = vector.broadcast %min3A : f32 to vector<1x32xf32>
      %min3A_600 = arith.minimumf %add3A_598, %min3A_599 : vector<1x32xf32>
      %convert_element_type3A_601 = arith.fptosi %min3A_600 : vector<1x32xf32> to vector<1x32xi32>
      %swap3A_602 = arith.constant 0 : index
      %swap3A_603 = arith.constant 0 : index
      %swap3A_604 = vector.load %arg8[%swap3A_602, %swap3A_603] : memref<1x32xi32, #tpu.memory_space<vmem>>, vector<1x32xi32>
      tpu.vector_store %arg8[%swap3A_602, %swap3A_603], %convert_element_type3A_601 {strides = array<i32>} : memref<1x32xi32, #tpu.memory_space<vmem>>, vector<1x32xi32>,
      %lt3A_605 = arith.constant 7.500000e+00 : f32
      %lt3A_606 = vector.broadcast %lt3A_605 : f32 to vector<1x32xf32>
      %lt3A_607 = arith.cmpf olt, %add3A_598, %lt3A_606 : vector<1x32xf32>
      %convert_element_type3A_608 = arith.extui %lt3A_607 : vector<1x32xi1> to vector<1x32xi32>
      %swap3A_609 = arith.constant 0 : index
      %swap3A_610 = arith.constant 0 : index
      %swap3A_611 = vector.load %arg9[%swap3A_609, %swap3A_610] : memref<1x32xi32, #tpu.memory_space<vmem>>, vector<1x32xi32>
      tpu.vector_store %arg9[%swap3A_609, %swap3A_610], %convert_element_type3A_608 {strides = array<i32>} : memref<1x32xi32, #tpu.memory_space<vmem>>, vector<1x32xi32>,
    } else {
    }
    %get3A = arith.constant 0 : index
    %get3A_2 = arith.constant 0 : index
    %get3A_3 = vector.load %arg10[%get3A, %get3A_2] : memref<2048x1024xbf16, #tpu.memory_space<vmem>>, vector<2048x1024xbf16>
    %get3A_4 = arith.constant 0 : index
    %get3A_5 = arith.constant 0 : index
    %get3A_6 = arith.constant 0 : index
    %get3A_7 = vector.load %arg4[%get3A_4, %get3A_5, %get3A_6] : memref<1x1024x1024xbf16, #tpu.memory_space<vmem>>, vector<1x1024x1024xbf16>
    %get3A_8 = vector.shape_cast %get3A_7 : vector<1x1024x1024xbf16> to vector<1024x1024xbf16>
    %dot_general3A = arith.constant dense<0.000000e+00> : vector<2048x1024xf32>
    %dot_general3A_9 = tpu.matmul %get3A_3, %get3A_8, %dot_general3A {dimension_numbers = #tpu.dot_dimension_numbers<[1], [0], [0], [1], [0, 0, 1, 1], [], []>, transpose_lhs_hint = false} : vector<2048x1024xbf16>, vector<1024x1024xbf16>, vector<2048x1024xf32> -> vector<2048x1024xf32>
    %slice3A = vector.extract_strided_slice %dot_general3A_9 {offsets = [0, 0], sizes = [2048, 512], strides = [1, 1]} : vector<2048x1024xf32> to vector<2048x512xf32>
    %slice3A_10 = vector.extract_strided_slice %dot_general3A_9 {offsets = [0, 512], sizes = [2048, 512], strides = [1, 1]} : vector<2048x1024xf32> to vector<2048x512xf32>
    %logistic3A = arith.negf %slice3A : vector<2048x512xf32>
    %logistic3A_11 = math.exp %logistic3A : vector<2048x512xf32>
    %logistic3A_12 = arith.constant 1.000000e+00 : f32
    %logistic3A_13 = vector.broadcast %logistic3A_12 : f32 to vector<2048x512xf32>
    %logistic3A_14 = arith.addf %logistic3A_13, %logistic3A_11 : vector<2048x512xf32>
    %logistic3A_15 = arith.divf %logistic3A_13, %logistic3A_14 : vector<2048x512xf32>
    %mul3A = arith.mulf %slice3A, %logistic3A_15 : vector<2048x512xf32>
    %mul3A_16 = arith.mulf %mul3A, %slice3A_10 : vector<2048x512xf32>
    %convert_element_type3A_17 = arith.truncf %mul3A_16 : vector<2048x512xf32> to vector<2048x512xbf16>
    %get3A_18 = arith.constant 0 : index
    %get3A_19 = arith.constant 0 : index
    %get3A_20 = arith.constant 0 : index
    %get3A_21 = vector.load %arg5[%get3A_18, %get3A_19, %get3A_20] : memref<1x512x1024xbf16, #tpu.memory_space<vmem>>, vector<1x512x1024xbf16>
    %get3A_22 = vector.shape_cast %get3A_21 : vector<1x512x1024xbf16> to vector<512x1024xbf16>
    %dot_general3A_23 = arith.constant dense<0.000000e+00> : vector<2048x1024xf32>
    %dot_general3A_24 = tpu.matmul %convert_element_type3A_17, %get3A_22, %dot_general3A_23 {dimension_numbers = #tpu.dot_dimension_numbers<[1], [0], [0], [1], [0, 0, 1, 1], [], []>, transpose_lhs_hint = false} : vector<2048x512xbf16>, vector<512x1024xbf16>, vector<2048x1024xf32> -> vector<2048x1024xf32>
    %eq3A_25 = arith.constant 0 : i32
    %eq3A_26 = arith.cmpi eq, %arg0, %eq3A_25 : i32
    %convert_element_type3A_27 = arith.extui %eq3A_26 : i1 to i32
    %cond3A_28 = arith.constant 0 : i32
    %cond3A_29 = arith.cmpi ne, %convert_element_type3A_27, %cond3A_28 : i32
    scf.if %cond3A_29 {
      %swap3A = arith.constant 0 : index
      %swap3A_34 = arith.constant 0 : index
      %swap3A_35 = vector.load %arg11[%swap3A, %swap3A_34] : memref<2048x1024xf32, #tpu.memory_space<vmem>>, vector<2048x1024xf32>
      tpu.vector_store %arg11[%swap3A, %swap3A_34], %dot_general3A_24 {strides = array<i32>} : memref<2048x1024xf32, #tpu.memory_space<vmem>>, vector<2048x1024xf32>,
    } else {
    }
    %ne3A = arith.constant 0 : i32
    %ne3A_30 = arith.cmpi ne, %arg0, %ne3A : i32
    %convert_element_type3A_31 = arith.extui %ne3A_30 : i1 to i32
    %cond3A_32 = arith.constant 0 : i32
    %cond3A_33 = arith.cmpi ne, %convert_element_type3A_31, %cond3A_32 : i32
    scf.if %cond3A_33 {
      %get3A_34 = arith.constant 0 : index
      %get3A_35 = arith.constant 0 : index
      %get3A_36 = vector.load %arg11[%get3A_34, %get3A_35] : memref<2048x1024xf32, #tpu.memory_space<vmem>>, vector<2048x1024xf32>
      %add3A = arith.addf %get3A_36, %dot_general3A_24 : vector<2048x1024xf32>
      %swap3A = arith.constant 0 : index
      %swap3A_37 = arith.constant 0 : index
      %swap3A_38 = vector.load %arg11[%swap3A, %swap3A_37] : memref<2048x1024xf32, #tpu.memory_space<vmem>>, vector<2048x1024xf32>
      tpu.vector_store %arg11[%swap3A, %swap3A_37], %add3A {strides = array<i32>} : memref<2048x1024xf32, #tpu.memory_space<vmem>>, vector<2048x1024xf32>,
    } else {
    }
    return
  }
  func.func @transform_0(%arg0: i32) -> (i32, i32) {
    %c0_i32 = arith.constant 0 : i32
    %c0_i32_0 = arith.constant 0 : i32
    %c0_i32_1 = arith.constant 0 : i32
    return %c0_i32, %c0_i32_0 : i32, i32
  }
  func.func @transform_1(%arg0: i32) -> (i32, i32) {
    %c0_i32 = arith.constant 0 : i32
    %c0_i32_0 = arith.constant 0 : i32
    %c0_i32_1 = arith.constant 0 : i32
    return %c0_i32, %c0_i32_0 : i32, i32
  }
  func.func @transform_2(%arg0: i32) -> (i32, i32) {
    %c0_i32 = arith.constant 0 : i32
    %c0_i32_0 = arith.constant 0 : i32
    %c0_i32_1 = arith.constant 0 : i32
    return %c0_i32, %c0_i32_0 : i32, i32
  }
  func.func @transform_3(%arg0: i32) -> (i32, i32, i32) {
    %c0_i32 = arith.constant 0 : i32
    %c0_i32_0 = arith.constant 0 : i32
    %c0_i32_1 = arith.constant 0 : i32
    return %arg0, %c0_i32, %c0_i32_0 : i32, i32, i32
  }
  func.func @transform_4(%arg0: i32) -> (i32, i32, i32) {
    %c0_i32 = arith.constant 0 : i32
    %c0_i32_0 = arith.constant 0 : i32
    %c0_i32_1 = arith.constant 0 : i32
    return %arg0, %c0_i32, %c0_i32_0 : i32, i32, i32
  }
  func.func @transform_5(%arg0: i32) -> (i32, i32) {
    %c0_i32 = arith.constant 0 : i32
    %c0_i32_0 = arith.constant 0 : i32
    %c0_i32_1 = arith.constant 0 : i32
    return %c0_i32, %c0_i32_0 : i32, i32
  }
  func.func @transform_6(%arg0: i32) -> (i32, i32) {
    %c0_i32 = arith.constant 0 : i32
    %c0_i32_0 = arith.constant 0 : i32
    %c0_i32_1 = arith.constant 0 : i32
    return %c0_i32, %c0_i32_0 : i32, i32
  }
  func.func @transform_7(%arg0: i32) -> (i32, i32) {
    %c0_i32 = arith.constant 0 : i32
    %c0_i32_0 = arith.constant 0 : i32
    %c0_i32_1 = arith.constant 0 : i32
    return %c0_i32, %c0_i32_0 : i32, i32
  }
  func.func @transform_8(%arg0: i32) -> (i32, i32) {
    %c0_i32 = arith.constant 0 : i32
    %c0_i32_0 = arith.constant 0 : i32
    %c0_i32_1 = arith.constant 0 : i32
    return %c0_i32, %c0_i32_0 : i32, i32
  }
  func.func @transform_9(%arg0: i32) -> (i32, i32) {
    %c0_i32 = arith.constant 0 : i32
    %c0_i32_0 = arith.constant 0 : i32
    %c0_i32_1 = arith.constant 0 : i32
    return %c0_i32, %c0_i32_0 : i32, i32
  }
  func.func @transform_10(%arg0: i32) -> (i32, i32) {
    %c0_i32 = arith.constant 0 : i32
    %c0_i32_0 = arith.constant 0 : i32
    %c0_i32_1 = arith.constant 0 : i32
    return %c0_i32, %c0_i32_0 : i32, i32
  }
}

module attributes {stable_mosaic.version = 14 : i64} {
  func.func @_group_mm_kernel(%arg0: i32, %arg1: memref<32xi32, #tpu.memory_space<smem>>, %arg2: memref<32xi32, #tpu.memory_space<smem>>, %arg3: memref<256x1024xbf16, #tpu.memory_space<vmem>>, %arg4: memref<1x1024x1024xbf16, #tpu.memory_space<vmem>>, %arg5: memref<1x512x1024xbf16, #tpu.memory_space<vmem>>, %arg6: memref<256x1024xf32, #tpu.memory_space<vmem>>) attributes {dimension_semantics = [#tpu.dimension_semantics<arbitrary>], iteration_bounds = array<i64: 32>, scalar_prefetch = 2 : i64, scratch_operands = 0 : i64, tpu.core_type = #tpu.core_type<tc>, window_params = [{transform_indices = @transform_0, window_bounds = array<i64: 256, 1024>}, {transform_indices = @transform_1, window_bounds = array<i64: 1, 1024, 1024>}, {transform_indices = @transform_2, window_bounds = array<i64: 1, 512, 1024>}, {transform_indices = @transform_3, window_bounds = array<i64: 256, 1024>}]} {
    %get3A = arith.index_cast %arg0 : i32 to index
    %get3A_0 = memref.load %arg2[%get3A] : memref<32xi32, #tpu.memory_space<smem>>
    %eq3A = arith.constant 1 : i32
    %eq3A_1 = arith.cmpi eq, %get3A_0, %eq3A : i32
    %convert_element_type3A = arith.extui %eq3A_1 : i1 to i32
    %cond3A = arith.constant 0 : i32
    %cond3A_2 = arith.cmpi ne, %convert_element_type3A, %cond3A : i32
    scf.if %cond3A_2 {
      %get3A_3 = arith.constant 0 : index
      %get3A_4 = arith.constant 0 : index
      %get3A_5 = vector.load %arg3[%get3A_3, %get3A_4] : memref<256x1024xbf16, #tpu.memory_space<vmem>>, vector<256x1024xbf16>
      %get3A_6 = arith.constant 0 : index
      %get3A_7 = arith.constant 0 : index
      %get3A_8 = arith.constant 0 : index
      %get3A_9 = vector.load %arg4[%get3A_6, %get3A_7, %get3A_8] : memref<1x1024x1024xbf16, #tpu.memory_space<vmem>>, vector<1x1024x1024xbf16>
      %get3A_10 = vector.shape_cast %get3A_9 : vector<1x1024x1024xbf16> to vector<1024x1024xbf16>
      %dot_general3A = arith.constant dense<0.000000e+00> : vector<256x1024xf32>
      %dot_general3A_11 = tpu.matmul %get3A_5, %get3A_10, %dot_general3A {dimension_numbers = #tpu.dot_dimension_numbers<[1], [0], [0], [1], [0, 0, 1, 1], [], []>, transpose_lhs_hint = false} : vector<256x1024xbf16>, vector<1024x1024xbf16>, vector<256x1024xf32> -> vector<256x1024xf32>
      %slice3A = vector.extract_strided_slice %dot_general3A_11 {offsets = [0, 0], sizes = [256, 512], strides = [1, 1]} : vector<256x1024xf32> to vector<256x512xf32>
      %slice3A_12 = vector.extract_strided_slice %dot_general3A_11 {offsets = [0, 512], sizes = [256, 512], strides = [1, 1]} : vector<256x1024xf32> to vector<256x512xf32>
      %logistic3A = arith.negf %slice3A : vector<256x512xf32>
      %logistic3A_13 = math.exp %logistic3A : vector<256x512xf32>
      %logistic3A_14 = arith.constant 1.000000e+00 : f32
      %logistic3A_15 = vector.broadcast %logistic3A_14 : f32 to vector<256x512xf32>
      %logistic3A_16 = arith.addf %logistic3A_15, %logistic3A_13 : vector<256x512xf32>
      %logistic3A_17 = arith.divf %logistic3A_15, %logistic3A_16 : vector<256x512xf32>
      %mul3A = arith.mulf %slice3A, %logistic3A_17 : vector<256x512xf32>
      %mul3A_18 = arith.mulf %mul3A, %slice3A_12 : vector<256x512xf32>
      %convert_element_type3A_19 = arith.truncf %mul3A_18 : vector<256x512xf32> to vector<256x512xbf16>
      %get3A_20 = arith.constant 0 : index
      %get3A_21 = arith.constant 0 : index
      %get3A_22 = arith.constant 0 : index
      %get3A_23 = vector.load %arg5[%get3A_20, %get3A_21, %get3A_22] : memref<1x512x1024xbf16, #tpu.memory_space<vmem>>, vector<1x512x1024xbf16>
      %get3A_24 = vector.shape_cast %get3A_23 : vector<1x512x1024xbf16> to vector<512x1024xbf16>
      %dot_general3A_25 = arith.constant dense<0.000000e+00> : vector<256x1024xf32>
      %dot_general3A_26 = tpu.matmul %convert_element_type3A_19, %get3A_24, %dot_general3A_25 {dimension_numbers = #tpu.dot_dimension_numbers<[1], [0], [0], [1], [0, 0, 1, 1], [], []>, transpose_lhs_hint = false} : vector<256x512xbf16>, vector<512x1024xbf16>, vector<256x1024xf32> -> vector<256x1024xf32>
      %swap3A = arith.constant 0 : index
      %swap3A_27 = arith.constant 0 : index
      %swap3A_28 = vector.load %arg6[%swap3A, %swap3A_27] : memref<256x1024xf32, #tpu.memory_space<vmem>>, vector<256x1024xf32>
      tpu.vector_store %arg6[%swap3A, %swap3A_27], %dot_general3A_26 {strides = array<i32>} : memref<256x1024xf32, #tpu.memory_space<vmem>>, vector<256x1024xf32>,
    } else {
    }
    return
  }
  func.func @transform_0(%arg0: i32, %arg1: memref<32xi32, #tpu.memory_space<smem>>, %arg2: memref<32xi32, #tpu.memory_space<smem>>) -> (i32, i32) {
    %c0_i32 = arith.constant 0 : i32
    %c0_i32_0 = arith.constant 0 : i32
    return %arg0, %c0_i32 : i32, i32
  }
  func.func @transform_1(%arg0: i32, %arg1: memref<32xi32, #tpu.memory_space<smem>>, %arg2: memref<32xi32, #tpu.memory_space<smem>>) -> (i32, i32, i32) {
    %get3A = arith.index_cast %arg0 : i32 to index
    %get3A_0 = memref.load %arg1[%get3A] : memref<32xi32, #tpu.memory_space<smem>>
    %c0_i32 = arith.constant 0 : i32
    %c0_i32_1 = arith.constant 0 : i32
    %c0_i32_2 = arith.constant 0 : i32
    return %get3A_0, %c0_i32, %c0_i32_1 : i32, i32, i32
  }
  func.func @transform_2(%arg0: i32, %arg1: memref<32xi32, #tpu.memory_space<smem>>, %arg2: memref<32xi32, #tpu.memory_space<smem>>) -> (i32, i32, i32) {
    %get3A = arith.index_cast %arg0 : i32 to index
    %get3A_0 = memref.load %arg1[%get3A] : memref<32xi32, #tpu.memory_space<smem>>
    %c0_i32 = arith.constant 0 : i32
    %c0_i32_1 = arith.constant 0 : i32
    %c0_i32_2 = arith.constant 0 : i32
    return %get3A_0, %c0_i32, %c0_i32_1 : i32, i32, i32
  }
  func.func @transform_3(%arg0: i32, %arg1: memref<32xi32, #tpu.memory_space<smem>>, %arg2: memref<32xi32, #tpu.memory_space<smem>>) -> (i32, i32) {
    %c0_i32 = arith.constant 0 : i32
    %c0_i32_0 = arith.constant 0 : i32
    return %arg0, %c0_i32 : i32, i32
  }
}

module attributes {stable_mosaic.version = 14 : i64} {
  func.func @_add_kernel(%arg0: i32, %arg1: memref<256x2xf32, #tpu.memory_space<vmem>>, %arg2: memref<256x1024xf32, #tpu.memory_space<vmem>>, %arg3: memref<256x1024xf32, #tpu.memory_space<vmem>>, %arg4: memref<256x1024xf32, #tpu.memory_space<vmem>>, %arg5: memref<256x1024xf32, #tpu.memory_space<vmem>>) attributes {dimension_semantics = [#tpu.dimension_semantics<arbitrary>], iteration_bounds = array<i64: 8>, scalar_prefetch = 0 : i64, scratch_operands = 0 : i64, tpu.core_type = #tpu.core_type<tc>, window_params = [{transform_indices = @transform_0, window_bounds = array<i64: 256, 2>}, {transform_indices = @transform_1, window_bounds = array<i64: 256, 1024>}, {transform_indices = @transform_2, window_bounds = array<i64: 256, 1024>}, {transform_indices = @transform_3, window_bounds = array<i64: 256, 1024>}, {transform_indices = @transform_4, window_bounds = array<i64: 256, 1024>}]} {
    %get3A = arith.constant 0 : index
    %get3A_0 = arith.constant 0 : index
    %get3A_1 = vector.load %arg1[%get3A, %get3A_0] : memref<256x2xf32, #tpu.memory_space<vmem>>, vector<256x1xf32>
    %get3A_2 = arith.constant 0 : index
    %get3A_3 = arith.constant 0 : index
    %get3A_4 = vector.load %arg2[%get3A_2, %get3A_3] : memref<256x1024xf32, #tpu.memory_space<vmem>>, vector<256x1024xf32>
    %mul3A = vector.broadcast %get3A_1 : vector<256x1xf32> to vector<256x1024xf32>
    %mul3A_5 = arith.mulf %mul3A, %get3A_4 : vector<256x1024xf32>
    %get3A_6 = arith.constant 0 : index
    %get3A_7 = arith.constant 1 : index
    %get3A_8 = vector.load %arg1[%get3A_6, %get3A_7] : memref<256x2xf32, #tpu.memory_space<vmem>>, vector<256x1xf32>
    %get3A_9 = arith.constant 0 : index
    %get3A_10 = arith.constant 0 : index
    %get3A_11 = vector.load %arg3[%get3A_9, %get3A_10] : memref<256x1024xf32, #tpu.memory_space<vmem>>, vector<256x1024xf32>
    %mul3A_12 = vector.broadcast %get3A_8 : vector<256x1xf32> to vector<256x1024xf32>
    %mul3A_13 = arith.mulf %mul3A_12, %get3A_11 : vector<256x1024xf32>
    %add3A = arith.addf %mul3A_5, %mul3A_13 : vector<256x1024xf32>
    %get3A_14 = arith.constant 0 : index
    %get3A_15 = arith.constant 0 : index
    %get3A_16 = vector.load %arg4[%get3A_14, %get3A_15] : memref<256x1024xf32, #tpu.memory_space<vmem>>, vector<256x1024xf32>
    %add3A_17 = arith.addf %add3A, %get3A_16 : vector<256x1024xf32>
    %swap3A = arith.constant 0 : index
    %swap3A_18 = arith.constant 0 : index
    %swap3A_19 = vector.load %arg5[%swap3A, %swap3A_18] : memref<256x1024xf32, #tpu.memory_space<vmem>>, vector<256x1024xf32>
    tpu.vector_store %arg5[%swap3A, %swap3A_18], %add3A_17 {strides = array<i32>} : memref<256x1024xf32, #tpu.memory_space<vmem>>, vector<256x1024xf32>,
    return
  }
  func.func @transform_0(%arg0: i32) -> (i32, i32) {
    %c0_i32 = arith.constant 0 : i32
    %c0_i32_0 = arith.constant 0 : i32
    return %arg0, %c0_i32 : i32, i32
  }
  func.func @transform_1(%arg0: i32) -> (i32, i32) {
    %c0_i32 = arith.constant 0 : i32
    %c0_i32_0 = arith.constant 0 : i32
    return %arg0, %c0_i32 : i32, i32
  }
  func.func @transform_2(%arg0: i32) -> (i32, i32) {
    %c0_i32 = arith.constant 0 : i32
    %c0_i32_0 = arith.constant 0 : i32
    return %arg0, %c0_i32 : i32, i32
  }
  func.func @transform_3(%arg0: i32) -> (i32, i32) {
    %c0_i32 = arith.constant 0 : i32
    %c0_i32_0 = arith.constant 0 : i32
    return %arg0, %c0_i32 : i32, i32
  }
  func.func @transform_4(%arg0: i32) -> (i32, i32) {
    %c0_i32 = arith.constant 0 : i32
    %c0_i32_0 = arith.constant 0 : i32
    return %arg0, %c0_i32 : i32, i32
  }
}

</mosaic_0001>

<sc_bundles>
// kernel: kernel.10.cloned.1.call-start
scs
__scs_entry_jumppad:
0x0: {  	(pc) =	sbr.rel $0x88, $3  }
0x1: {  	(tag) =	ssettag $0x0;
	lr =	simm.s32 $0x1  }
0x2: {  	[smem:$0x3F9A] =	sst lr;
	_ =	strace $0xD0000000  }
0x3: {  	_ = 	snop  }
0x4: {  	_ = 	snop  }
0x5: {  	_ = 	snop  }
0x6: {  	_ = 	snop  }
0x7: {  	_ = 	snop  }
__scs_overlays_trampoline_lowered:
0x8: {  	[smem:$0x3FA9] =	sst s0  }
0x9: {  	[smem:$0x3FAA] =	sst s1  }
0xa: {  	[smem:$0x3FAB] =	sst s2  }
0xb: {  	[smem:$0x3FAC] =	sst s3  }
0xc: {  	[smem:$0x3FAD] =	sst s4  }
0xd: {  	[smem:$0x3FAE] =	sst s5  }
0xe: {  	[smem:$0x3FAF] =	sst s6  }
0xf: {  	[smem:$0x3FB0] =	sst s7  }
0x10: {  	[smem:$0x3FB1] =	sst s8  }
0x11: {  	[smem:$0x3FB2] =	sst s9;
	s0 =	simm.s32 @!p0 $0x0  }
0x12: {  	s1 =	sld [smem:$0x3F98];
	s0 =	simm.s32 @p0 $0x1  }
0x13: {  	[smem:$0x3FB3] =	sst s0;
	s0 =	simm.s32 @!p1 $0x0  }
0x14: {  	s2 =	sld [smem:$0x3F97];
	s0 =	simm.s32 @p1 $0x1  }
0x15: {  	[smem:$0x3FB4] =	sst s0;
	s0 =	simm.s32 @!p2 $0x0  }
0x16: {  	s3 =	sld [smem:$0x3FDB];
	s0 =	simm.s32 @p2 $0x1  }
0x17: {  	s4 =	simm.s32 $0x1BF5;
	[smem:$0x3FB6] =	sst s0  }
0x18: {  	s0 =	sld [smem:$0x3F99];
	_ =	swait.ge [sflag:s4], $0x0  }
0x19: {  	s7 =	sld [smem:$0x3F9A]  }
0x1a: {  	s8 =	sadd.s32 $0xFFFFE003, lr  }
0x1b: {  	s9 =	sadd.s32 $0xFFFFFEF7, lr;
	s5 =	simm.s32 $0xFFFFFFFF;
	p2 =	slt.u32 s8, $0xFFFFF086  }
0x1c: {  	p1 =	slt.u32 s9, $0xF7A;
	s5 =	simm.s32 @!p2 $0x0  }
0x1d: {  	s5 =	simm.s32 @p1 $0x1;
	p0 =	seq.s32 s7, s2  }
0x1e: {  	s7 =	smul.u32 @!p0 $0xF7A, s2;
	p2 =	seq.s32 @!p0 s5, $0x0  }
0x1f: {  	s9 =	smul.u32 $0xF7A, s1;
	s8 =	simm.s32 @!p0 $0x1BF5;
	p2 =	por !p2, p0  }
0x20: {  	[sflag:s8] =	ssyncset.s32 @!p0 $0xFFFFF086;
	s6 =	sadd.s32 @!p0 s3, s7;
	s7 =	simm.s32 @!p0 $0x108  }
0x21: {  	s3 =	sadd.s32 s3, s9;
	s6 =	sadd.s32 @!p0 $0x88, s6;
	s7 =	simm.s32 @p2 $0x1082  }
0x22: {  	[simem:s7], [sflag:s8] =	dma.local @!p0 [hbm:s6], $0xF7A  }
0x23: {  	s9 =	sor.u32 $0xD0000000, s2;
	s6 =	simm.s32 $0x108;
	_ =	swait.ge @!p0 [sflag:s8], $0x0  }
0x24: {  	s3 =	sadd.s32 $0x88, s3;
	s6 =	simm.s32 @!p1 $0x1082;
	[sflag:s4] =	ssyncset.s32 $0xFFFFF086  }
0x25: {  	[simem:s6], [sflag:s4] =	dma.local [hbm:s3], $0xF7A  }
0x26: {  	[smem:$0x3F9A] =	sst s1;
	(tag) =	ssettag s2;
	_ =	strace s9  }
0x27: {  	s1 =	sld [smem:$0x3FAA]  }
0x28: {  	s2 =	sld [smem:$0x3FAB]  }
0x29: {  	s4 =	sld [smem:$0x3FAD]  }
0x2a: {  	p0 =	seq.s32 s5, $0x0;
	s5 =	sld [smem:$0x3FAE]  }
0x2b: {  	s6 =	sld [smem:$0x3FAF]  }
0x2c: {  	s7 =	sld [smem:$0x3FB0]  }
0x2d: {  	s3 =	simm.s32 $0x108;
	s8 =	sld [smem:$0x3FB1]  }
0x2e: {  	s3 =	simm.s32 @!p0 $0x1082;
	s9 =	sld [smem:$0x3FB2]  }
0x2f: {  	lr =	sadd.s32 s0, s3;
	s0 =	sld [smem:$0x3FA9]  }
0x30: {  	s3 =	sld [smem:$0x3FAC]  }
0x31: {  	[smem:$0x3FB5] =	sst s10  }
0x32: {  	s10 =	sld [smem:$0x3FB3];
	_ =	sdelay $0x3  }
0x33: {  	p0 =	seq.s32 s10, $0x1;
	s10 =	sld [smem:$0x3FB5];
	_ =	sdelay $0x3  }
0x34: {  	[smem:$0x3FB5] =	sst s10  }
0x35: {  	s10 =	sld [smem:$0x3FB4];
	_ =	sdelay $0x3  }
0x36: {  	p1 =	seq.s32 s10, $0x1;
	s10 =	sld [smem:$0x3FB5];
	_ =	sdelay $0x3  }
0x37: {  	[smem:$0x3FB5] =	sst s10  }
0x38: {  	s10 =	sld [smem:$0x3FB6]  }
0x39: {  	_ = 	snop;
	(pc) =	sbr.ind lr, $3  }
0x3a: {  	_ = 	snop  }
0x3b: {  	_ = 	snop  }
0x3c: {  	p2 =	seq.s32 s10, $0x1;
	s10 =	sld [smem:$0x3FB5]  }
0x3d: {  	_ =	shalt  }
0x3e: {  	_ =	shalt  }
0x3f: {  	_ =	shalt  }
0x40: {  	_ =	shalt  }
0x41: {  	_ =	shalt  }
0x42: {  	_ =	shalt  }
0x43: {  	_ =	shalt  }
0x44: {  	_ =	shalt  }
0x45: {  	_ =	shalt  }
0x46: {  	_ =	shalt  }
0x47: {  	_ =	shalt  }
0x48: {  	_ =	shalt  }
0x49: {  	_ =	shalt  }
0x4a: {  	_ =	shalt  }
0x4b: {  	_ =	shalt  }
0x4c: {  	_ =	shalt  }
0x4d: {  	_ =	shalt  }
0x4e: {  	_ =	shalt  }
0x4f: {  	_ =	shalt  }
0x50: {  	_ =	shalt  }
0x51: {  	_ =	shalt  }
0x52: {  	_ =	shalt  }
0x53: {  	_ =	shalt  }
0x54: {  	_ =	shalt  }
0x55: {  	_ =	shalt  }
0x56: {  	_ =	shalt  }
0x57: {  	_ =	shalt  }
0x58: {  	_ =	shalt  }
0x59: {  	_ =	shalt  }
0x5a: {  	_ =	shalt  }
0x5b: {  	_ =	shalt  }
0x5c: {  	_ =	shalt  }
0x5d: {  	_ =	shalt  }
0x5e: {  	_ =	shalt  }
0x5f: {  	_ =	shalt  }
0x60: {  	_ =	shalt  }
0x61: {  	_ =	shalt  }
0x62: {  	_ =	shalt  }
0x63: {  	_ =	shalt  }
0x64: {  	_ =	shalt  }
0x65: {  	_ =	shalt  }
0x66: {  	_ =	shalt  }
0x67: {  	_ =	shalt  }
0x68: {  	_ =	shalt  }
0x69: {  	_ =	shalt  }
0x6a: {  	_ =	shalt  }
0x6b: {  	_ =	shalt  }
0x6c: {  	_ =	shalt  }
0x6d: {  	_ =	shalt  }
0x6e: {  	_ =	shalt  }
0x6f: {  	_ =	shalt  }
0x70: {  	_ =	shalt  }
0x71: {  	_ =	shalt  }
0x72: {  	_ =	shalt  }
0x73: {  	_ =	shalt  }
0x74: {  	_ =	shalt  }
0x75: {  	_ =	shalt  }
0x76: {  	_ =	shalt  }
0x77: {  	_ =	shalt  }
0x78: {  	_ =	shalt  }
0x79: {  	_ =	shalt  }
0x7a: {  	_ =	shalt  }
0x7b: {  	_ =	shalt  }
0x7c: {  	_ =	shalt  }
0x7d: {  	_ =	shalt  }
0x7e: {  	_ =	shalt  }
0x7f: {  	_ =	shalt  }
0x80: {  	_ =	shalt  }
0x81: {  	_ =	shalt  }
0x82: {  	_ =	shalt  }
0x83: {  	_ =	shalt  }
0x84: {  	_ =	shalt  }
0x85: {  	_ =	shalt  }
0x86: {  	_ =	shalt  }
0x87: {  	_ =	shalt  }
.Lfunc_end0:
.L_simem_size_0:
called_computation.3_lowered:
.L_overlay_start_0:
0x88: {  	s2 =	sld [smem:$0x3FD9]  }
0x89: {  	s3 =	sld [smem:$0x3FFE];
	_ =	sdelay $0x1  }
0x8a: {  	s1 =	srdreg.scid  }
0x8b: {  	s0 =	sand.u32 $0x1, s1  }
0x8c: {  	s17 =	sshll.u32 s0, $0xA;
	s2 =	sadd.s32 s3, s2  }
0x8d: {  	s2 =	sadd.s32 s2, s17  }
0x8e: {  	[smem:$0x3FC1] =	sst s2  }
0x8f: {  	_ = 	snop  }
0x90: {  	s2 =	sld [smem:$0x3FD0];
	(tm) =	ssettm $0x1  }
0x91: {  	s18 =	sld [smem:$0x3FFB];
	_ =	sdelay $0x3  }
0x92: {  	_ =	strace s18  }
0x93: {  	s3 =	sld [smem:$0x3FFC];
	_ =	sdelay $0x3  }
0x94: {  	_ =	strace s3  }
0x95: {  	s3 =	sld [smem:$0x3FFD];
	_ =	sdelay $0x3  }
0x96: {  	_ =	strace s3  }
0x97: {  	_ =	strace $0x8FFFFFFF  }
0x98: {  	s19 =	sld [smem:$0x3FDB];
	_ =	sdelay $0x1  }
0x99: {  	s4 =	simm.s32 $_scs_section_size  }
0x9a: {  	s5 =	simm.s32 $_size__tile_overlayer_lowered;
	s6 =	simm.s32 $_tile_overlayer_lowered  }
0x9b: {  	s22 =	simm.s32 $0x1BFF;
	s21 =	sshll.u32 s6, $0x1;
	s3 =	sadd.s32 s4, s19  }
0x9c: {  	s7 =	simm.s32 $0x0;
	s20 =	sshll.u32 s5, $0x1;
	s5 =	sadd.s32 s21, s3  }
0x9d: {  	[timem:s7], [sflag:s22] =	dma.local [hbm:s5], s20  }
0x9e: {  	_ =	swait.ge [sflag:s22], s20  }
0x9f: {  	s4 =	ssub.s32 $0x0, s20;
	[sflag:s22] =	ssyncset.done $0x0  }
0xa0: {  	[sflag:s22] =	ssyncadd.s32 s4;
	_ =	sdelay $0x1  }
0xa1: {  	s23 =	simm.s32 $0x1B8B  }
0xa2: {  	_ =	swait.ge [sflag:s23], $0x1  }
0xa3: {  	[sflag:s23] =	ssyncset.done $0x0  }
0xa4: {  	s25 =	simm.s32 $0x1B8E;
	s24 =	sld [smem:$0x3FFE];
	[sflag:s23] =	ssyncadd.s32 $0xFFFFFFFF  }
0xa5: {  	s26 =	simm.s32 $execute0_lowered;
	[smem:$0x3FD2] =	sst s25  }
0xa6: {  	s5 =	sshll.u32 s26, $0x1;
	_ =	strace $0x8000004F;
	[dreg:$0x1] =	wrdreg $0xFFFFFFFF  }
0xa7: {  	s28 =	simm.s32 $_size_execute0_lowered;
	s3 =	sadd.s32 s3, s5;
	[dreg:$0x0] =	wrdreg $0x0  }
0xa8: {  	s5 =	sshll.u32 s28, $0x1;
	[dreg:$0x2] =	wrdreg s3  }
0xa9: {  	[dreg:$0x3] =	wrdreg s5  }
0xaa: {  	[dreg:$0x4] =	wrdreg $0xC0  }
0xab: {  	_ =	task [dreg:s7], $0x5FFFF  }
0xac: {  	[dreg:$0x1] =	wrdreg $0xFFFFFFFF  }
0xad: {  	[dreg:$0x0] =	wrdreg $0x60  }
0xae: {  	[dreg:$0x2] =	wrdreg s24  }
0xaf: {  	[dreg:$0x3] =	wrdreg s2  }
0xb0: {  	[dreg:$0x4] =	wrdreg $0x9  }
0xb1: {  	_ =	task.clear_ibuf [dreg:s7], $0x5FFFF;
	_ =	strace $0x9000004F  }
0xb2: {  	s29 =	simm.s32 $0x9;
	_ =	strace $0x80000051  }
0xb3: {  	_ =	swait.ge [sflag:s29], $0x1  }
0xb4: {  	[sflag:s29] =	ssyncadd.s32 $0xFFFFFFFF  }
0xb5: {  	_ =	strace $0x90000051  }
0xb6: {  	_ =	sfence  }
0xb7: {  	s30 =	sld [smem:$0x0];
	_ =	sdelay $0x2  }
0xb8: {  	s31 =	sshll.u32 s1, $0xD;
	s1 =	sshrl.u32 s1, $0x2  }
0xb9: {  	s3 =	sand.u32 $0x4000, s31;
	s1 =	sadd.s32 s1, s30  }
0xba: {  	s0 =	sor.u32 s3, s0;
	s1 =	sshll.u32 s1, $0x11  }
0xbb: {  	s0 =	sor.u32 s1, s0  }
0xbc: {  	s0 =	sadd.s32 $0x8F2B, s0  }
0xbd: {  	[sflag:s0] =	ssyncadd.remote.s32 $0x1  }
0xbe: {  	_ =	sfence.sel $0xFFFF  }
0xbf: {  	[dreg:$0x0] =	wrdreg $0xFFFFFFFF;
	(pc) =	sbr.abs _section_cstart, $3  }
0xc0: {  	[dreg:$0x1] =	wrdreg $0xFFFFFFFF  }
0xc1: {  	_ =	task.clear_ibuf [dreg:s7], $0x2FFFF;
	_ =	strace $0x9FFFFFFF  }
0xc2: {  	(tm) =	ssettm $0x7FFFFFFF  }
0xc3: {  	_ =	shalt  }
tec
execute0_lowered:
.L_overlay_start_1:
0x0: {  	(tag) =	ssettag $0x1  }
0x1: {  	s0 =	rddreg [dreg:$0x0]  }
0x2: {  	s17 =	rddreg [dreg:$0x1];
	s1 =	simm.s32 $0x0  }
0x3: {  	s3 =	srdreg.scid;
	s2 =	stileid.u32;
	s20 =	simm.s32 $0x3  }
0x4: {  	s21 =	simm.s32 $0x80;
	s22 =	simm.s32 $0x100;
	s23 =	simm.s32 $0x180  }
0x5: {  	s24 =	simm.s32 $0x200;
	s28 =	simm.s32 $0x380;
	s29 =	simm.s32 $0x400  }
0x6: {  	s30 =	simm.s32 $0x4400;
	s31 =	simm.s32 $0x1;
	[smem:$0x7FF] =	sst s1  }
0x7: {  	s10 =	sadd.s32 $0x43C00, s0;
	s5 =	sand.u32 $0x1, s3;
	s3 =	sadd.s32 $0x144600, s0  }
0x8: {  	s6 =	sshll.u32 s2, $0xA;
	s0 =	sadd.s32 $0x44600, s0;
	s9 =	sshll.u32 s2, $0x7  }
0x9: {  	_ =	strace $0x80000050;
	s4 =	sshll.u32 s5, $0x6;
	s7 =	ssub.s32 $0x2, s5  }
0xa: {  	s5 =	sshll.u32 s5, $0x3;
	s6 =	sor.u32 s4, s6;
	s8 =	sshrl.u32 s7, $0x1  }
0xb: {  	s11 =	sor.u32 s4, s9;
	s6 =	sshrl.u32 s6, $0x3;
	s19 =	ssub.s32 s7, s8  }
0xc: {  	s9 =	sor.u32 s5, s11;
	s18 =	sshll.u32 s11, $0x7;
	s4 =	sadd.s32 s10, s6  }
0xd: {  	s25 =	sor.u32 $0x40, s9;
	s26 =	sor.u32 $0x50, s9;
	s12 =	sor.u32 $0x60, s9  }
0xe: {  	s13 =	sor.u32 $0x70, s9;
	s11 =	sadd.s32 s17, s18;
	s14 =	sor.u32 $0x800, s18  }
0xf: {  	s16 =	sor.u32 $0x1000, s18;
	s19 =	smax.u32 s19, $0x1;
	s6 =	sadd.s32 $0x10, s4  }
0x10: {  	s5 =	sadd.s32 $0x20, s4;
	s7 =	sadd.s32 s10, s25;
	s8 =	sadd.s32 s10, s26  }
0x11: {  	s9 =	sadd.s32 s10, s12;
	s10 =	sadd.s32 s10, s13;
	s12 =	sadd.s32 s0, s18  }
0x12: {  	s13 =	sadd.s32 s17, s14;
	s14 =	sadd.s32 s0, s14;
	s15 =	sadd.s32 s17, s16  }
0x13: {  	s16 =	sadd.s32 s0, s16;
	s18 =	sor.u32 $0x1800, s18;
	s25 =	simm.s32 $0x280  }
0x14: {  	s26 =	simm.s32 $0x300;
	[dreg:$0x3] =	wrdreg s6;
	s6 =	sadd.s32 $0x30, s4  }
0x15: {  	vm0 =	vmmov $0xffff;
	s17 =	sadd.s32 s17, s18;
	s18 =	sadd.s32 s0, s18;
	s0 =	simm.s32 $0x2  }
.LBB2_1:
0x16: {  	[tilespmem:s1], [sflag:$0x3] =	stream.linear.gather [hbm4b:s4+s1], $0x40, $0x38;
	[tilespmem:$0x8400] =	vst v63  }
0x17: {  	_ =	swait.ge [sflag:s20], $0x40  }
0x18: {  	[sflag:s20] =	ssyncset.done $0x0  }
0x19: {  	s2 =	rddreg [dreg:$0x3];
	[sflag:s20] =	ssyncadd.s32 $0xFFFFFFC0  }
0x1a: {  	[tilespmem:s21], [sflag:$0x3] =	stream.linear.gather [hbm4b:s2+s1], $0x40, $0x38;
	[tilespmem:$0x8400] =	vst v63  }
0x1b: {  	_ =	swait.ge [sflag:s20], $0x40  }
0x1c: {  	[sflag:s20] =	ssyncset.done $0x0  }
0x1d: {  	[sflag:s20] =	ssyncadd.s32 $0xFFFFFFC0  }
0x1e: {  	[tilespmem:s22], [sflag:$0x3] =	stream.linear.gather [hbm4b:s5+s1], $0x40, $0x38;
	[tilespmem:$0x8400] =	vst v63  }
0x1f: {  	_ =	swait.ge [sflag:s20], $0x40  }
0x20: {  	[sflag:s20] =	ssyncset.done $0x0  }
0x21: {  	[sflag:s20] =	ssyncadd.s32 $0xFFFFFFC0  }
0x22: {  	[tilespmem:s23], [sflag:$0x3] =	stream.linear.gather [hbm4b:s6+s1], $0x40, $0x38;
	[tilespmem:$0x8400] =	vst v63  }
0x23: {  	_ =	swait.ge [sflag:s20], $0x40  }
0x24: {  	[sflag:s20] =	ssyncset.done $0x0  }
0x25: {  	[sflag:s20] =	ssyncadd.s32 $0xFFFFFFC0  }
0x26: {  	[tilespmem:s24], [sflag:$0x3] =	stream.linear.gather [hbm4b:s7+s1], $0x40, $0x38;
	[tilespmem:$0x8400] =	vst v63  }
0x27: {  	_ =	swait.ge [sflag:s20], $0x40  }
0x28: {  	[sflag:s20] =	ssyncset.done $0x0  }
0x29: {  	[sflag:s20] =	ssyncadd.s32 $0xFFFFFFC0  }
0x2a: {  	[tilespmem:s25], [sflag:$0x3] =	stream.linear.gather [hbm4b:s8+s1], $0x40, $0x38;
	[tilespmem:$0x8400] =	vst v63  }
0x2b: {  	_ =	swait.ge [sflag:s20], $0x40  }
0x2c: {  	[sflag:s20] =	ssyncset.done $0x0  }
0x2d: {  	[sflag:s20] =	ssyncadd.s32 $0xFFFFFFC0  }
0x2e: {  	[tilespmem:s26], [sflag:$0x3] =	stream.linear.gather [hbm4b:s9+s1], $0x40, $0x38;
	[tilespmem:$0x8400] =	vst v63  }
0x2f: {  	_ =	swait.ge [sflag:s20], $0x40  }
0x30: {  	[sflag:s20] =	ssyncset.done $0x0  }
0x31: {  	[sflag:s20] =	ssyncadd.s32 $0xFFFFFFC0  }
0x32: {  	[tilespmem:s28], [sflag:$0x3] =	stream.linear.gather [hbm4b:s10+s1], $0x40, $0x38;
	[tilespmem:$0x8400] =	vst v63  }
0x33: {  	_ =	swait.ge [sflag:s20], $0x40  }
0x34: {  	[sflag:s20] =	ssyncset.done $0x0  }
0x35: {  	[sflag:s20] =	ssyncadd.s32 $0xFFFFFFC0  }
0x36: {  	v0 =	vld [tilespmem:$0x0];
	_ =	sdelay $0x2  }
0x37: {  	v1 =	vld [tilespmem:$0x80];
	_ =	sdelay $0x1  }
0x38: {  	vm1 =	vlt.s32 v0, $0x40000000  }
0x39: {  	v3 =	vld [tilespmem:$0x100];
	vm2 =	vgt.s32 v0, $0xFFFFFFFF;
	v2 =	vnsel vm1, $0x40000000, v0  }
0x3a: {  	v2 =	vnsel vm2, $0x40000000, v2  }
0x3b: {  	v4 =	vshra.s32 v0, $0x1F;
	vm1 =	vlt.s32 v2, v1  }
0x3c: {  	v5 =	vld [tilespmem:$0x180];
	v0 =	vor.u32 v4, v0;
	vm2 =	vgt.s32 v1, $0xFFFFFFFF;
	v35 =	vsel vm1, v2, v1  }
0x3d: {  	vm1 =	vgt.s32 v0, v1;
	v2 =	vsel vm2, v35, v2  }
0x3e: {  	v1 =	vsel vm1, v0, v1;
	vm1 =	vlt.s32 v2, v3  }
0x3f: {  	v37 =	vld [tilespmem:$0x200];
	v0 =	vsel vm2, v1, v0;
	vm2 =	vgt.s32 v3, $0xFFFFFFFF;
	v36 =	vsel vm1, v2, v3  }
0x40: {  	vm1 =	vgt.s32 v0, v3;
	v1 =	vsel vm2, v36, v2  }
0x41: {  	v38 =	vsel vm1, v0, v3;
	vm1 =	vlt.s32 v1, v5  }
0x42: {  	v40 =	vld [tilespmem:$0x280];
	v0 =	vsel vm2, v38, v0;
	vm2 =	vgt.s32 v5, $0xFFFFFFFF;
	v39 =	vsel vm1, v1, v5  }
0x43: {  	vm1 =	vgt.s32 v0, v5;
	v1 =	vsel vm2, v39, v1  }
0x44: {  	v41 =	vsel vm1, v0, v5;
	vm1 =	vlt.s32 v1, v37  }
0x45: {  	v43 =	vld [tilespmem:$0x300];
	v0 =	vsel vm2, v41, v0;
	vm2 =	vgt.s32 v37, $0xFFFFFFFF;
	v42 =	vsel vm1, v1, v37  }
0x46: {  	vm1 =	vgt.s32 v0, v37;
	v1 =	vsel vm2, v42, v1  }
0x47: {  	v44 =	vsel vm1, v0, v37;
	vm1 =	vlt.s32 v1, v40  }
0x48: {  	v46 =	vld [tilespmem:$0x380];
	v0 =	vsel vm2, v44, v0;
	vm2 =	vgt.s32 v40, $0xFFFFFFFF;
	v45 =	vsel vm1, v1, v40  }
0x49: {  	vm1 =	vgt.s32 v0, v40;
	v1 =	vsel vm2, v45, v1  }
0x4a: {  	v47 =	vsel vm1, v0, v40;
	vm1 =	vlt.s32 v1, v43  }
0x4b: {  	v0 =	vsel vm2, v47, v0;
	vm2 =	vgt.s32 v43, $0xFFFFFFFF;
	v48 =	vsel vm1, v1, v43  }
0x4c: {  	vm1 =	vgt.s32 v0, v43;
	v1 =	vsel vm2, v48, v1  }
0x4d: {  	v49 =	vsel vm1, v0, v43;
	vm1 =	vlt.s32 v1, v46  }
0x4e: {  	v0 =	vsel vm2, v49, v0;
	vm2 =	vgt.s32 v46, $0xFFFFFFFF;
	v50 =	vsel vm1, v1, v46  }
0x4f: {  	vm1 =	vgt.s32 v0, v46;
	v1 =	vsel vm2, v50, v1  }
0x50: {  	v51 =	vsel vm1, v0, v46;
	vm1 =	vgt.s32 v1, $0x0  }
0x51: {  	v0 =	vsel vm2, v51, v0;
	v1 =	vnsel vm1, $0x0, v1  }
0x52: {  	vm1 =	vgt.s32 v0, $0x0;
	v1 =	vmin.u32 v1, $0x1FFF  }
0x53: {  	v0 =	vnsel vm1, $0x0, v0  }
0x54: {  	v0 =	vmin.u32 v0, $0x1FFF;
	_ =	sdelay $0x2  }
0x55: {  	[tilespmem:s29], [sflag:$0x1] =	stream.indirect_vreg.gather [hbm4b:s3+s1], $0x400, v1, vm0, $0xb8;
	[tilespmem:$0x8400] =	vst v63  }
0x56: {  	_ = 	snop  }
0x57: {  	[tilespmem:s30], [sflag:$0x2] =	stream.indirect_vreg.gather [hbm4b:s3+s1], $0x400, v0, vm0, $0xb8;
	[tilespmem:$0x8400] =	vst v63  }
0x58: {  	_ =	swait.ge [sflag:s31], $0x4000  }
0x59: {  	[sflag:s31] =	ssyncset.done $0x0  }
0x5a: {  	[sflag:s31] =	ssyncadd.s32 $0xFFFFC000  }
0x5b: {  	_ =	swait.ge [sflag:s0], $0x4000  }
0x5c: {  	[sflag:s0] =	ssyncset.done $0x0  }
0x5d: {  	[sflag:s0] =	ssyncadd.s32 $0xFFFFC000  }
0x5e: {  	[hbm4b:s11+s1] =	stream.linear.scatter [tilespmem:s29], [sflag:$0x3], $0x4000, $0x38;
	[tilespmem:$0x8400] =	vst v63  }
0x5f: {  	_ =	swait.ge [sflag:s20], $0x4000  }
0x60: {  	[sflag:s20] =	ssyncset.done $0x0  }
0x61: {  	[sflag:s20] =	ssyncadd.s32 $0xFFFFC000  }
0x62: {  	[hbm4b:s12+s1] =	stream.linear.scatter [tilespmem:s30], [sflag:$0x3], $0x4000, $0x38;
	[tilespmem:$0x8400] =	vst v63  }
0x63: {  	_ =	swait.ge [sflag:s20], $0x4000  }
0x64: {  	[sflag:s20] =	ssyncset.done $0x0  }
0x65: {  	[sflag:s20] =	ssyncadd.s32 $0xFFFFC000  }
0x66: {  	v52 =	vld [tilespmem:$0x10];
	_ =	sdelay $0x2  }
0x67: {  	v53 =	vld [tilespmem:$0x90];
	_ =	sdelay $0x1  }
0x68: {  	vm1 =	vlt.s32 v52, $0x40000000  }
0x69: {  	v55 =	vld [tilespmem:$0x110];
	vm2 =	vgt.s32 v52, $0xFFFFFFFF;
	v54 =	vnsel vm1, $0x40000000, v52  }
0x6a: {  	v2 =	vnsel vm2, $0x40000000, v54  }
0x6b: {  	v56 =	vshra.s32 v52, $0x1F;
	vm1 =	vlt.s32 v2, v53  }
0x6c: {  	v58 =	vld [tilespmem:$0x190];
	v0 =	vor.u32 v56, v52;
	vm2 =	vgt.s32 v53, $0xFFFFFFFF;
	v57 =	vsel vm1, v2, v53  }
0x6d: {  	vm1 =	vgt.s32 v0, v53;
	v2 =	vsel vm2, v57, v2  }
0x6e: {  	v1 =	vsel vm1, v0, v53;
	vm1 =	vlt.s32 v2, v55  }
0x6f: {  	v60 =	vld [tilespmem:$0x210];
	v0 =	vsel vm2, v1, v0;
	vm2 =	vgt.s32 v55, $0xFFFFFFFF;
	v59 =	vsel vm1, v2, v55  }
0x70: {  	vm1 =	vgt.s32 v0, v55;
	v1 =	vsel vm2, v59, v2  }
0x71: {  	v61 =	vsel vm1, v0, v55;
	vm1 =	vlt.s32 v1, v58  }
0x72: {  	v63 =	vld [tilespmem:$0x290];
	v0 =	vsel vm2, v61, v0;
	vm2 =	vgt.s32 v58, $0xFFFFFFFF;
	v62 =	vsel vm1, v1, v58  }
0x73: {  	vm1 =	vgt.s32 v0, v58;
	v1 =	vsel vm2, v62, v1  }
0x74: {  	v7 =	vsel vm1, v0, v58;
	vm1 =	vlt.s32 v1, v60  }
0x75: {  	v9 =	vld [tilespmem:$0x310];
	v0 =	vsel vm2, v7, v0;
	vm2 =	vgt.s32 v60, $0xFFFFFFFF;
	v8 =	vsel vm1, v1, v60  }
0x76: {  	vm1 =	vgt.s32 v0, v60;
	v1 =	vsel vm2, v8, v1  }
0x77: {  	v10 =	vsel vm1, v0, v60;
	vm1 =	vlt.s32 v1, v63  }
0x78: {  	v12 =	vld [tilespmem:$0x390];
	v0 =	vsel vm2, v10, v0;
	vm2 =	vgt.s32 v63, $0xFFFFFFFF;
	v11 =	vsel vm1, v1, v63  }
0x79: {  	vm1 =	vgt.s32 v0, v63;
	v1 =	vsel vm2, v11, v1  }
0x7a: {  	v13 =	vsel vm1, v0, v63;
	vm1 =	vlt.s32 v1, v9  }
0x7b: {  	v0 =	vsel vm2, v13, v0;
	vm2 =	vgt.s32 v9, $0xFFFFFFFF;
	v14 =	vsel vm1, v1, v9  }
0x7c: {  	vm1 =	vgt.s32 v0, v9;
	v1 =	vsel vm2, v14, v1  }
0x7d: {  	v15 =	vsel vm1, v0, v9;
	vm1 =	vlt.s32 v1, v12  }
0x7e: {  	v0 =	vsel vm2, v15, v0;
	vm2 =	vgt.s32 v12, $0xFFFFFFFF;
	v16 =	vsel vm1, v1, v12  }
0x7f: {  	vm1 =	vgt.s32 v0, v12;
	v1 =	vsel vm2, v16, v1  }
0x80: {  	v17 =	vsel vm1, v0, v12;
	vm1 =	vgt.s32 v1, $0x0  }
0x81: {  	v0 =	vsel vm2, v17, v0;
	v1 =	vnsel vm1, $0x0, v1  }
0x82: {  	vm1 =	vgt.s32 v0, $0x0;
	v1 =	vmin.u32 v1, $0x1FFF  }
0x83: {  	v0 =	vnsel vm1, $0x0, v0  }
0x84: {  	v0 =	vmin.u32 v0, $0x1FFF;
	_ =	sdelay $0x2  }
0x85: {  	[tilespmem:s29], [sflag:$0x1] =	stream.indirect_vreg.gather [hbm4b:s3+s1], $0x400, v1, vm0, $0xb8;
	[tilespmem:$0x8400] =	vst v63  }
0x86: {  	_ = 	snop  }
0x87: {  	[tilespmem:s30], [sflag:$0x2] =	stream.indirect_vreg.gather [hbm4b:s3+s1], $0x400, v0, vm0, $0xb8;
	[tilespmem:$0x8400] =	vst v63  }
0x88: {  	_ =	swait.ge [sflag:s31], $0x4000  }
0x89: {  	[sflag:s31] =	ssyncset.done $0x0  }
0x8a: {  	[sflag:s31] =	ssyncadd.s32 $0xFFFFC000  }
0x8b: {  	_ =	swait.ge [sflag:s0], $0x4000  }
0x8c: {  	[sflag:s0] =	ssyncset.done $0x0  }
0x8d: {  	[sflag:s0] =	ssyncadd.s32 $0xFFFFC000  }
0x8e: {  	[hbm4b:s13+s1] =	stream.linear.scatter [tilespmem:s29], [sflag:$0x3], $0x4000, $0x38;
	[tilespmem:$0x8400] =	vst v63  }
0x8f: {  	_ =	swait.ge [sflag:s20], $0x4000  }
0x90: {  	[sflag:s20] =	ssyncset.done $0x0  }
0x91: {  	[sflag:s20] =	ssyncadd.s32 $0xFFFFC000  }
0x92: {  	[hbm4b:s14+s1] =	stream.linear.scatter [tilespmem:s30], [sflag:$0x3], $0x4000, $0x38;
	[tilespmem:$0x8400] =	vst v63  }
0x93: {  	_ =	swait.ge [sflag:s20], $0x4000  }
0x94: {  	[sflag:s20] =	ssyncset.done $0x0  }
0x95: {  	[sflag:s20] =	ssyncadd.s32 $0xFFFFC000  }
0x96: {  	v18 =	vld [tilespmem:$0x20];
	_ =	sdelay $0x2  }
0x97: {  	v19 =	vld [tilespmem:$0xA0];
	_ =	sdelay $0x1  }
0x98: {  	vm1 =	vlt.s32 v18, $0x40000000  }
0x99: {  	v21 =	vld [tilespmem:$0x120];
	vm2 =	vgt.s32 v18, $0xFFFFFFFF;
	v20 =	vnsel vm1, $0x40000000, v18  }
0x9a: {  	v2 =	vnsel vm2, $0x40000000, v20  }
0x9b: {  	v22 =	vshra.s32 v18, $0x1F;
	vm1 =	vlt.s32 v2, v19  }
0x9c: {  	v24 =	vld [tilespmem:$0x1A0];
	v0 =	vor.u32 v22, v18;
	vm2 =	vgt.s32 v19, $0xFFFFFFFF;
	v23 =	vsel vm1, v2, v19  }
0x9d: {  	vm1 =	vgt.s32 v0, v19;
	v2 =	vsel vm2, v23, v2  }
0x9e: {  	v1 =	vsel vm1, v0, v19;
	vm1 =	vlt.s32 v2, v21  }
0x9f: {  	v26 =	vld [tilespmem:$0x220];
	v0 =	vsel vm2, v1, v0;
	vm2 =	vgt.s32 v21, $0xFFFFFFFF;
	v25 =	vsel vm1, v2, v21  }
0xa0: {  	vm1 =	vgt.s32 v0, v21;
	v1 =	vsel vm2, v25, v2  }
0xa1: {  	v27 =	vsel vm1, v0, v21;
	vm1 =	vlt.s32 v1, v24  }
0xa2: {  	v29 =	vld [tilespmem:$0x2A0];
	v0 =	vsel vm2, v27, v0;
	vm2 =	vgt.s32 v24, $0xFFFFFFFF;
	v28 =	vsel vm1, v1, v24  }
0xa3: {  	vm1 =	vgt.s32 v0, v24;
	v1 =	vsel vm2, v28, v1  }
0xa4: {  	v30 =	vsel vm1, v0, v24;
	vm1 =	vlt.s32 v1, v26  }
0xa5: {  	v32 =	vld [tilespmem:$0x320];
	v0 =	vsel vm2, v30, v0;
	vm2 =	vgt.s32 v26, $0xFFFFFFFF;
	v31 =	vsel vm1, v1, v26  }
0xa6: {  	vm1 =	vgt.s32 v0, v26;
	v1 =	vsel vm2, v31, v1  }
0xa7: {  	v33 =	vsel vm1, v0, v26;
	vm1 =	vlt.s32 v1, v29  }
0xa8: {  	v35 =	vld [tilespmem:$0x3A0];
	v0 =	vsel vm2, v33, v0;
	vm2 =	vgt.s32 v29, $0xFFFFFFFF;
	v34 =	vsel vm1, v1, v29  }
0xa9: {  	vm1 =	vgt.s32 v0, v29;
	v1 =	vsel vm2, v34, v1  }
0xaa: {  	v36 =	vsel vm1, v0, v29;
	vm1 =	vlt.s32 v1, v32  }
0xab: {  	v0 =	vsel vm2, v36, v0;
	vm2 =	vgt.s32 v32, $0xFFFFFFFF;
	v37 =	vsel vm1, v1, v32  }
0xac: {  	vm1 =	vgt.s32 v0, v32;
	v1 =	vsel vm2, v37, v1  }
0xad: {  	v38 =	vsel vm1, v0, v32;
	vm1 =	vlt.s32 v1, v35  }
0xae: {  	v0 =	vsel vm2, v38, v0;
	vm2 =	vgt.s32 v35, $0xFFFFFFFF;
	v39 =	vsel vm1, v1, v35  }
0xaf: {  	vm1 =	vgt.s32 v0, v35;
	v1 =	vsel vm2, v39, v1  }
0xb0: {  	v40 =	vsel vm1, v0, v35;
	vm1 =	vgt.s32 v1, $0x0  }
0xb1: {  	v0 =	vsel vm2, v40, v0;
	v1 =	vnsel vm1, $0x0, v1  }
0xb2: {  	vm1 =	vgt.s32 v0, $0x0;
	v1 =	vmin.u32 v1, $0x1FFF  }
0xb3: {  	v0 =	vnsel vm1, $0x0, v0  }
0xb4: {  	v0 =	vmin.u32 v0, $0x1FFF;
	_ =	sdelay $0x2  }
0xb5: {  	[tilespmem:s29], [sflag:$0x1] =	stream.indirect_vreg.gather [hbm4b:s3+s1], $0x400, v1, vm0, $0xb8;
	[tilespmem:$0x8400] =	vst v63  }
0xb6: {  	_ = 	snop  }
0xb7: {  	[tilespmem:s30], [sflag:$0x2] =	stream.indirect_vreg.gather [hbm4b:s3+s1], $0x400, v0, vm0, $0xb8;
	[tilespmem:$0x8400] =	vst v63  }
0xb8: {  	_ =	swait.ge [sflag:s31], $0x4000  }
0xb9: {  	[sflag:s31] =	ssyncset.done $0x0  }
0xba: {  	[sflag:s31] =	ssyncadd.s32 $0xFFFFC000  }
0xbb: {  	_ =	swait.ge [sflag:s0], $0x4000  }
0xbc: {  	[sflag:s0] =	ssyncset.done $0x0  }
0xbd: {  	[sflag:s0] =	ssyncadd.s32 $0xFFFFC000  }
0xbe: {  	[hbm4b:s15+s1] =	stream.linear.scatter [tilespmem:s29], [sflag:$0x3], $0x4000, $0x38;
	[tilespmem:$0x8400] =	vst v63  }
0xbf: {  	_ =	swait.ge [sflag:s20], $0x4000  }
0xc0: {  	[sflag:s20] =	ssyncset.done $0x0  }
0xc1: {  	[sflag:s20] =	ssyncadd.s32 $0xFFFFC000  }
0xc2: {  	[hbm4b:s16+s1] =	stream.linear.scatter [tilespmem:s30], [sflag:$0x3], $0x4000, $0x38;
	[tilespmem:$0x8400] =	vst v63  }
0xc3: {  	_ =	swait.ge [sflag:s20], $0x4000  }
0xc4: {  	[sflag:s20] =	ssyncset.done $0x0  }
0xc5: {  	[sflag:s20] =	ssyncadd.s32 $0xFFFFC000  }
0xc6: {  	v41 =	vld [tilespmem:$0x30];
	_ =	sdelay $0x2  }
0xc7: {  	v42 =	vld [tilespmem:$0xB0];
	_ =	sdelay $0x1  }
0xc8: {  	vm1 =	vlt.s32 v41, $0x40000000  }
0xc9: {  	v44 =	vld [tilespmem:$0x130];
	vm2 =	vgt.s32 v41, $0xFFFFFFFF;
	v43 =	vnsel vm1, $0x40000000, v41  }
0xca: {  	v2 =	vnsel vm2, $0x40000000, v43  }
0xcb: {  	v45 =	vshra.s32 v41, $0x1F;
	vm1 =	vlt.s32 v2, v42  }
0xcc: {  	v47 =	vld [tilespmem:$0x1B0];
	v0 =	vor.u32 v45, v41;
	vm2 =	vgt.s32 v42, $0xFFFFFFFF;
	v46 =	vsel vm1, v2, v42  }
0xcd: {  	vm1 =	vgt.s32 v0, v42;
	v2 =	vsel vm2, v46, v2  }
0xce: {  	v1 =	vsel vm1, v0, v42;
	vm1 =	vlt.s32 v2, v44  }
0xcf: {  	v49 =	vld [tilespmem:$0x230];
	v0 =	vsel vm2, v1, v0;
	vm2 =	vgt.s32 v44, $0xFFFFFFFF;
	v48 =	vsel vm1, v2, v44  }
0xd0: {  	vm1 =	vgt.s32 v0, v44;
	v1 =	vsel vm2, v48, v2  }
0xd1: {  	v50 =	vsel vm1, v0, v44;
	vm1 =	vlt.s32 v1, v47  }
0xd2: {  	v52 =	vld [tilespmem:$0x2B0];
	v0 =	vsel vm2, v50, v0;
	vm2 =	vgt.s32 v47, $0xFFFFFFFF;
	v51 =	vsel vm1, v1, v47  }
0xd3: {  	vm1 =	vgt.s32 v0, v47;
	v1 =	vsel vm2, v51, v1  }
0xd4: {  	v53 =	vsel vm1, v0, v47;
	vm1 =	vlt.s32 v1, v49  }
0xd5: {  	v55 =	vld [tilespmem:$0x330];
	v0 =	vsel vm2, v53, v0;
	vm2 =	vgt.s32 v49, $0xFFFFFFFF;
	v54 =	vsel vm1, v1, v49  }
0xd6: {  	vm1 =	vgt.s32 v0, v49;
	v1 =	vsel vm2, v54, v1  }
0xd7: {  	v56 =	vsel vm1, v0, v49;
	vm1 =	vlt.s32 v1, v52  }
0xd8: {  	v58 =	vld [tilespmem:$0x3B0];
	v0 =	vsel vm2, v56, v0;
	vm2 =	vgt.s32 v52, $0xFFFFFFFF;
	v57 =	vsel vm1, v1, v52  }
0xd9: {  	vm1 =	vgt.s32 v0, v52;
	v1 =	vsel vm2, v57, v1  }
0xda: {  	v59 =	vsel vm1, v0, v52;
	vm1 =	vlt.s32 v1, v55  }
0xdb: {  	v0 =	vsel vm2, v59, v0;
	vm2 =	vgt.s32 v55, $0xFFFFFFFF;
	v60 =	vsel vm1, v1, v55  }
0xdc: {  	vm1 =	vgt.s32 v0, v55;
	v1 =	vsel vm2, v60, v1  }
0xdd: {  	v61 =	vsel vm1, v0, v55;
	vm1 =	vlt.s32 v1, v58  }
0xde: {  	v0 =	vsel vm2, v61, v0;
	vm2 =	vgt.s32 v58, $0xFFFFFFFF;
	v62 =	vsel vm1, v1, v58  }
0xdf: {  	vm1 =	vgt.s32 v0, v58;
	v1 =	vsel vm2, v62, v1  }
0xe0: {  	v63 =	vsel vm1, v0, v58;
	vm1 =	vgt.s32 v1, $0x0  }
0xe1: {  	v0 =	vsel vm2, v63, v0;
	v1 =	vnsel vm1, $0x0, v1  }
0xe2: {  	vm1 =	vgt.s32 v0, $0x0;
	v1 =	vmin.u32 v1, $0x1FFF  }
0xe3: {  	v0 =	vnsel vm1, $0x0, v0  }
0xe4: {  	v0 =	vmin.u32 v0, $0x1FFF;
	_ =	sdelay $0x2  }
0xe5: {  	[tilespmem:s29], [sflag:$0x1] =	stream.indirect_vreg.gather [hbm4b:s3+s1], $0x400, v1, vm0, $0xb8;
	[tilespmem:$0x8400] =	vst v63  }
0xe6: {  	_ = 	snop  }
0xe7: {  	[tilespmem:s30], [sflag:$0x2] =	stream.indirect_vreg.gather [hbm4b:s3+s1], $0x400, v0, vm0, $0xb8;
	[tilespmem:$0x8400] =	vst v63  }
0xe8: {  	_ =	swait.ge [sflag:s31], $0x4000  }
0xe9: {  	[sflag:s31] =	ssyncset.done $0x0  }
0xea: {  	[sflag:s31] =	ssyncadd.s32 $0xFFFFC000  }
0xeb: {  	_ =	swait.ge [sflag:s0], $0x4000  }
0xec: {  	[sflag:s0] =	ssyncset.done $0x0  }
0xed: {  	[sflag:s0] =	ssyncadd.s32 $0xFFFFC000  }
0xee: {  	[hbm4b:s17+s1] =	stream.linear.scatter [tilespmem:s29], [sflag:$0x3], $0x4000, $0x38;
	[tilespmem:$0x8400] =	vst v63  }
0xef: {  	_ =	swait.ge [sflag:s20], $0x4000  }
0xf0: {  	p0 =	sne.s32 s19, $0x1;
	[sflag:s20] =	ssyncset.done $0x0  }
.Ltmp0:
0xf1: {  	[sflag:s20] =	ssyncadd.s32 $0xFFFFC000;
	(pc) =	sbr.rel @p0 .LBB2_1-.Ltmp0, $4  }
0xf2: {  	[hbm4b:s18+s1] =	stream.linear.scatter [tilespmem:s30], [sflag:$0x3], $0x4000, $0x38;
	[tilespmem:$0x8400] =	vst v63  }
0xf3: {  	_ =	swait.ge [sflag:s20], $0x4000  }
0xf4: {  	[sflag:s20] =	ssyncset.done $0x0  }
0xf5: {  	s19 =	sadd.s32 $0xFFFFFFFF, s19;
	[sflag:s20] =	ssyncadd.s32 $0xFFFFC000  }
0xf6: {  	_ =	sfence.sel $0x180000  }
0xf7: {  	[bflag:$0x0] =	sbarrier.arrive $0xFFFF  }
0xf8: {  	_ =	strace $0x90000050  }
0xf9: {  	s0 =	stileid.u32;
	[bflag:$0x2] =	sbarrier.arrive $0xFFFF  }
0xfa: {  	p0 =	sne.s32 s0, $0x0;
	s0 =	rddreg [dreg:$0x2]  }
0xfb: {  	s0 =	sadd.s32 @!p0 $0x100000, s0  }
0xfc: {  	[sflag:s0] =	ssyncadd.tile.s32 @!p0 $0x1;
	_ =	shalt  }
.Lfunc_end2:
_tile_overlayer_lowered:
.L_overlay_start_2:
0xfd: {  	(tag) =	ssettag $0x2  }
0xfe: {  	s0 =	rddreg [dreg:$0x0];
	s2 =	stileid.u32  }
0xff: {  	s1 =	rddreg [dreg:$0x1];
	p0 =	sne.s32 s2, $0x0  }
0x100: {  	s3 =	rddreg [dreg:$0x2];
	[bflag:$0x3] =	sbarrier.arrive $0xFFFF;
	s2 =	simm.s32 @!p0 $0x1C03  }
0x101: {  	[timem:s3], [sflag:s2] =	dma.local @!p0 [hbm:s0], s1  }
0x102: {  	s0 =	simm.s32 @!p0 $0x3  }
0x103: {  	_ =	swait.ge @!p0 [sflag:s0], s1  }
0x104: {  	s1 =	ssub.s32 @!p0 $0x0, s1;
	[sflag:s0] =	ssyncset.done @!p0 $0x0  }
0x105: {  	[sflag:s0] =	ssyncadd.s32 @!p0 s1  }
0x106: {  	[bflag:$0x3] =	sbarrier.arrive $0xFFFF  }
0x107: {  	_ =	shalt  }

// kernel: kernel.7.cloned.1.call-start
scs
__scs_entry_jumppad:
0x0: {  	(pc) =	sbr.rel $0x88, $3  }
0x1: {  	(tag) =	ssettag $0x0;
	lr =	simm.s32 $0x1  }
0x2: {  	[smem:$0x3F9A] =	sst lr;
	_ =	strace $0xD0000000  }
0x3: {  	_ = 	snop  }
0x4: {  	_ = 	snop  }
0x5: {  	_ = 	snop  }
0x6: {  	_ = 	snop  }
0x7: {  	_ = 	snop  }
__scs_overlays_trampoline_lowered:
0x8: {  	[smem:$0x3FA9] =	sst s0  }
0x9: {  	[smem:$0x3FAA] =	sst s1  }
0xa: {  	[smem:$0x3FAB] =	sst s2  }
0xb: {  	[smem:$0x3FAC] =	sst s3  }
0xc: {  	[smem:$0x3FAD] =	sst s4  }
0xd: {  	[smem:$0x3FAE] =	sst s5  }
0xe: {  	[smem:$0x3FAF] =	sst s6  }
0xf: {  	[smem:$0x3FB0] =	sst s7  }
0x10: {  	[smem:$0x3FB1] =	sst s8  }
0x11: {  	[smem:$0x3FB2] =	sst s9;
	s0 =	simm.s32 @!p0 $0x0  }
0x12: {  	s1 =	sld [smem:$0x3F98];
	s0 =	simm.s32 @p0 $0x1  }
0x13: {  	[smem:$0x3FB3] =	sst s0;
	s0 =	simm.s32 @!p1 $0x0  }
0x14: {  	s2 =	sld [smem:$0x3F97];
	s0 =	simm.s32 @p1 $0x1  }
0x15: {  	[smem:$0x3FB4] =	sst s0;
	s0 =	simm.s32 @!p2 $0x0  }
0x16: {  	s3 =	sld [smem:$0x3FDB];
	s0 =	simm.s32 @p2 $0x1  }
0x17: {  	s4 =	simm.s32 $0x1BF5;
	[smem:$0x3FB6] =	sst s0  }
0x18: {  	s0 =	sld [smem:$0x3F99];
	_ =	swait.ge [sflag:s4], $0x0  }
0x19: {  	s7 =	sld [smem:$0x3F9A]  }
0x1a: {  	s8 =	sadd.s32 $0xFFFFE003, lr  }
0x1b: {  	s9 =	sadd.s32 $0xFFFFFEF7, lr;
	s5 =	simm.s32 $0xFFFFFFFF;
	p2 =	slt.u32 s8, $0xFFFFF086  }
0x1c: {  	p1 =	slt.u32 s9, $0xF7A;
	s5 =	simm.s32 @!p2 $0x0  }
0x1d: {  	s5 =	simm.s32 @p1 $0x1;
	p0 =	seq.s32 s7, s2  }
0x1e: {  	s7 =	smul.u32 @!p0 $0xF7A, s2;
	p2 =	seq.s32 @!p0 s5, $0x0  }
0x1f: {  	s9 =	smul.u32 $0xF7A, s1;
	s8 =	simm.s32 @!p0 $0x1BF5;
	p2 =	por !p2, p0  }
0x20: {  	[sflag:s8] =	ssyncset.s32 @!p0 $0xFFFFF086;
	s6 =	sadd.s32 @!p0 s3, s7;
	s7 =	simm.s32 @!p0 $0x108  }
0x21: {  	s3 =	sadd.s32 s3, s9;
	s6 =	sadd.s32 @!p0 $0x88, s6;
	s7 =	simm.s32 @p2 $0x1082  }
0x22: {  	[simem:s7], [sflag:s8] =	dma.local @!p0 [hbm:s6], $0xF7A  }
0x23: {  	s9 =	sor.u32 $0xD0000000, s2;
	s6 =	simm.s32 $0x108;
	_ =	swait.ge @!p0 [sflag:s8], $0x0  }
0x24: {  	s3 =	sadd.s32 $0x88, s3;
	s6 =	simm.s32 @!p1 $0x1082;
	[sflag:s4] =	ssyncset.s32 $0xFFFFF086  }
0x25: {  	[simem:s6], [sflag:s4] =	dma.local [hbm:s3], $0xF7A  }
0x26: {  	[smem:$0x3F9A] =	sst s1;
	(tag) =	ssettag s2;
	_ =	strace s9  }
0x27: {  	s1 =	sld [smem:$0x3FAA]  }
0x28: {  	s2 =	sld [smem:$0x3FAB]  }
0x29: {  	s4 =	sld [smem:$0x3FAD]  }
0x2a: {  	p0 =	seq.s32 s5, $0x0;
	s5 =	sld [smem:$0x3FAE]  }
0x2b: {  	s6 =	sld [smem:$0x3FAF]  }
0x2c: {  	s7 =	sld [smem:$0x3FB0]  }
0x2d: {  	s3 =	simm.s32 $0x108;
	s8 =	sld [smem:$0x3FB1]  }
0x2e: {  	s3 =	simm.s32 @!p0 $0x1082;
	s9 =	sld [smem:$0x3FB2]  }
0x2f: {  	lr =	sadd.s32 s0, s3;
	s0 =	sld [smem:$0x3FA9]  }
0x30: {  	s3 =	sld [smem:$0x3FAC]  }
0x31: {  	[smem:$0x3FB5] =	sst s10  }
0x32: {  	s10 =	sld [smem:$0x3FB3];
	_ =	sdelay $0x3  }
0x33: {  	p0 =	seq.s32 s10, $0x1;
	s10 =	sld [smem:$0x3FB5];
	_ =	sdelay $0x3  }
0x34: {  	[smem:$0x3FB5] =	sst s10  }
0x35: {  	s10 =	sld [smem:$0x3FB4];
	_ =	sdelay $0x3  }
0x36: {  	p1 =	seq.s32 s10, $0x1;
	s10 =	sld [smem:$0x3FB5];
	_ =	sdelay $0x3  }
0x37: {  	[smem:$0x3FB5] =	sst s10  }
0x38: {  	s10 =	sld [smem:$0x3FB6]  }
0x39: {  	_ = 	snop;
	(pc) =	sbr.ind lr, $3  }
0x3a: {  	_ = 	snop  }
0x3b: {  	_ = 	snop  }
0x3c: {  	p2 =	seq.s32 s10, $0x1;
	s10 =	sld [smem:$0x3FB5]  }
0x3d: {  	_ =	shalt  }
0x3e: {  	_ =	shalt  }
0x3f: {  	_ =	shalt  }
0x40: {  	_ =	shalt  }
0x41: {  	_ =	shalt  }
0x42: {  	_ =	shalt  }
0x43: {  	_ =	shalt  }
0x44: {  	_ =	shalt  }
0x45: {  	_ =	shalt  }
0x46: {  	_ =	shalt  }
0x47: {  	_ =	shalt  }
0x48: {  	_ =	shalt  }
0x49: {  	_ =	shalt  }
0x4a: {  	_ =	shalt  }
0x4b: {  	_ =	shalt  }
0x4c: {  	_ =	shalt  }
0x4d: {  	_ =	shalt  }
0x4e: {  	_ =	shalt  }
0x4f: {  	_ =	shalt  }
0x50: {  	_ =	shalt  }
0x51: {  	_ =	shalt  }
0x52: {  	_ =	shalt  }
0x53: {  	_ =	shalt  }
0x54: {  	_ =	shalt  }
0x55: {  	_ =	shalt  }
0x56: {  	_ =	shalt  }
0x57: {  	_ =	shalt  }
0x58: {  	_ =	shalt  }
0x59: {  	_ =	shalt  }
0x5a: {  	_ =	shalt  }
0x5b: {  	_ =	shalt  }
0x5c: {  	_ =	shalt  }
0x5d: {  	_ =	shalt  }
0x5e: {  	_ =	shalt  }
0x5f: {  	_ =	shalt  }
0x60: {  	_ =	shalt  }
0x61: {  	_ =	shalt  }
0x62: {  	_ =	shalt  }
0x63: {  	_ =	shalt  }
0x64: {  	_ =	shalt  }
0x65: {  	_ =	shalt  }
0x66: {  	_ =	shalt  }
0x67: {  	_ =	shalt  }
0x68: {  	_ =	shalt  }
0x69: {  	_ =	shalt  }
0x6a: {  	_ =	shalt  }
0x6b: {  	_ =	shalt  }
0x6c: {  	_ =	shalt  }
0x6d: {  	_ =	shalt  }
0x6e: {  	_ =	shalt  }
0x6f: {  	_ =	shalt  }
0x70: {  	_ =	shalt  }
0x71: {  	_ =	shalt  }
0x72: {  	_ =	shalt  }
0x73: {  	_ =	shalt  }
0x74: {  	_ =	shalt  }
0x75: {  	_ =	shalt  }
0x76: {  	_ =	shalt  }
0x77: {  	_ =	shalt  }
0x78: {  	_ =	shalt  }
0x79: {  	_ =	shalt  }
0x7a: {  	_ =	shalt  }
0x7b: {  	_ =	shalt  }
0x7c: {  	_ =	shalt  }
0x7d: {  	_ =	shalt  }
0x7e: {  	_ =	shalt  }
0x7f: {  	_ =	shalt  }
0x80: {  	_ =	shalt  }
0x81: {  	_ =	shalt  }
0x82: {  	_ =	shalt  }
0x83: {  	_ =	shalt  }
0x84: {  	_ =	shalt  }
0x85: {  	_ =	shalt  }
0x86: {  	_ =	shalt  }
0x87: {  	_ =	shalt  }
.Lfunc_end0:
.L_simem_size_0:
called_computation.2_lowered:
.L_overlay_start_0:
0x88: {  	s2 =	sld [smem:$0x3FD9]  }
0x89: {  	s3 =	sld [smem:$0x3FFE];
	_ =	sdelay $0x1  }
0x8a: {  	s1 =	srdreg.scid  }
0x8b: {  	s0 =	sand.u32 $0x1, s1  }
0x8c: {  	s17 =	sshll.u32 s0, $0xA;
	s2 =	sadd.s32 s3, s2  }
0x8d: {  	s2 =	sadd.s32 s2, s17  }
0x8e: {  	[smem:$0x3FC1] =	sst s2  }
0x8f: {  	_ = 	snop  }
0x90: {  	s2 =	sld [smem:$0x3FD0];
	(tm) =	ssettm $0x1  }
0x91: {  	s18 =	sld [smem:$0x3FFB];
	_ =	sdelay $0x3  }
0x92: {  	_ =	strace s18  }
0x93: {  	s3 =	sld [smem:$0x3FFC];
	_ =	sdelay $0x3  }
0x94: {  	_ =	strace s3  }
0x95: {  	s3 =	sld [smem:$0x3FFD];
	_ =	sdelay $0x3  }
0x96: {  	_ =	strace s3  }
0x97: {  	_ =	strace $0x8FFFFFFF  }
0x98: {  	s19 =	sld [smem:$0x3FDB];
	_ =	sdelay $0x1  }
0x99: {  	s4 =	simm.s32 $_scs_section_size  }
0x9a: {  	s5 =	simm.s32 $_size__tile_overlayer_lowered;
	s6 =	simm.s32 $_tile_overlayer_lowered  }
0x9b: {  	s22 =	simm.s32 $0x1BFF;
	s21 =	sshll.u32 s6, $0x1;
	s3 =	sadd.s32 s4, s19  }
0x9c: {  	s7 =	simm.s32 $0x0;
	s20 =	sshll.u32 s5, $0x1;
	s5 =	sadd.s32 s21, s3  }
0x9d: {  	[timem:s7], [sflag:s22] =	dma.local [hbm:s5], s20  }
0x9e: {  	_ =	swait.ge [sflag:s22], s20  }
0x9f: {  	s4 =	ssub.s32 $0x0, s20;
	[sflag:s22] =	ssyncset.done $0x0  }
0xa0: {  	[sflag:s22] =	ssyncadd.s32 s4;
	_ =	sdelay $0x1  }
0xa1: {  	s23 =	simm.s32 $0x1B8B  }
0xa2: {  	_ =	swait.ge [sflag:s23], $0x1  }
0xa3: {  	[sflag:s23] =	ssyncset.done $0x0  }
0xa4: {  	s25 =	simm.s32 $0x1B8E;
	s24 =	sld [smem:$0x3FFE];
	[sflag:s23] =	ssyncadd.s32 $0xFFFFFFFF  }
0xa5: {  	s26 =	simm.s32 $execute0_lowered;
	[smem:$0x3FD2] =	sst s25  }
0xa6: {  	s5 =	sshll.u32 s26, $0x1;
	_ =	strace $0x80000046;
	[dreg:$0x1] =	wrdreg $0xFFFFFFFF  }
0xa7: {  	s28 =	simm.s32 $_size_execute0_lowered;
	s3 =	sadd.s32 s3, s5;
	[dreg:$0x0] =	wrdreg $0x0  }
0xa8: {  	s5 =	sshll.u32 s28, $0x1;
	[dreg:$0x2] =	wrdreg s3  }
0xa9: {  	[dreg:$0x3] =	wrdreg s5  }
0xaa: {  	[dreg:$0x4] =	wrdreg $0xC0  }
0xab: {  	_ =	task [dreg:s7], $0x5FFFF  }
0xac: {  	[dreg:$0x1] =	wrdreg $0xFFFFFFFF  }
0xad: {  	[dreg:$0x0] =	wrdreg $0x60  }
0xae: {  	[dreg:$0x2] =	wrdreg s24  }
0xaf: {  	[dreg:$0x3] =	wrdreg s2  }
0xb0: {  	[dreg:$0x4] =	wrdreg $0x9  }
0xb1: {  	_ =	task.clear_ibuf [dreg:s7], $0x5FFFF;
	_ =	strace $0x90000046  }
0xb2: {  	s29 =	simm.s32 $0x9;
	_ =	strace $0x80000048  }
0xb3: {  	_ =	swait.ge [sflag:s29], $0x1  }
0xb4: {  	[sflag:s29] =	ssyncadd.s32 $0xFFFFFFFF  }
0xb5: {  	_ =	strace $0x90000048  }
0xb6: {  	_ =	sfence  }
0xb7: {  	s30 =	sld [smem:$0x0];
	_ =	sdelay $0x2  }
0xb8: {  	s31 =	sshll.u32 s1, $0xD;
	s1 =	sshrl.u32 s1, $0x2  }
0xb9: {  	s3 =	sand.u32 $0x4000, s31;
	s1 =	sadd.s32 s1, s30  }
0xba: {  	s0 =	sor.u32 s3, s0;
	s1 =	sshll.u32 s1, $0x11  }
0xbb: {  	s0 =	sor.u32 s1, s0  }
0xbc: {  	s0 =	sadd.s32 $0x8F2B, s0  }
0xbd: {  	[sflag:s0] =	ssyncadd.remote.s32 $0x1  }
0xbe: {  	_ =	sfence.sel $0xFFFF  }
0xbf: {  	[dreg:$0x0] =	wrdreg $0xFFFFFFFF;
	(pc) =	sbr.abs _section_cstart, $3  }
0xc0: {  	[dreg:$0x1] =	wrdreg $0xFFFFFFFF  }
0xc1: {  	_ =	task.clear_ibuf [dreg:s7], $0x2FFFF;
	_ =	strace $0x9FFFFFFF  }
0xc2: {  	(tm) =	ssettm $0x7FFFFFFF  }
0xc3: {  	_ =	shalt  }
tec
execute0_lowered:
.L_overlay_start_1:
0x0: {  	(tag) =	ssettag $0x1  }
0x1: {  	s0 =	srdreg.scid  }
0x2: {  	s1 =	rddreg [dreg:$0x0];
	s3 =	stileid.u32  }
0x3: {  	s5 =	rddreg [dreg:$0x1];
	s30 =	simm.s32 $0x80;
	s31 =	simm.s32 $0x400  }
0x4: {  	s29 =	simm.s32 $0x300;
	s14 =	simm.s32 $0x1;
	s0 =	sand.u32 $0x1, s0  }
0x5: {  	s2 =	sshrl.u32 s3, $0x1;
	s3 =	sshll.u32 s3, $0xA;
	s4 =	sshll.u32 s0, $0x9  }
0x6: {  	s16 =	sshll.u32 s2, $0xB;
	s6 =	sshll.u32 s2, $0x4;
	s2 =	simm.s32 $0x0  }
0x7: {  	s3 =	sor.u32 s4, s3;
	s17 =	sadd.s32 s6, s1;
	[smem:$0x7FF] =	sst s2  }
0x8: {  	s3 =	ssub.s32 s3, s16;
	_ =	strace $0x80000047;
	[dreg:$0xc] =	wrdreg s30  }
0x9: {  	[dreg:$0xd] =	wrdreg s31;
	s18 =	sand.u32 $0x1FFFFE00, s3;
	s3 =	sshll.u32 s3, $0x6  }
0xa: {  	s4 =	sadd.s32 s18, s17;
	s19 =	sand.u32 $0x1FFF8000, s3;
	s3 =	sadd.s32 s5, s3  }
0xb: {  	s4 =	sadd.s32 $0x43C00, s4;
	s20 =	sadd.s32 s19, s5;
	[dreg:$0x4] =	wrdreg s3  }
0xc: {  	s15 =	simm.s32 $0x2;
	[dreg:$0x3] =	wrdreg s4;
	s21 =	sadd.s32 $0x1000, s20  }
0xd: {  	s0 =	ssub.s32 $0x2, s0;
	s22 =	sadd.s32 $0x2000, s20;
	[dreg:$0x5] =	wrdreg s21  }
0xe: {  	s25 =	sshrl.u32 s0, $0x1;
	s5 =	sadd.s32 $0x3000, s20;
	[dreg:$0x6] =	wrdreg s22  }
0xf: {  	v10 =	vlaneseq.u32;
	vm0 =	vmmov $0xffff;
	s6 =	simm.s32 $0x3;
	s23 =	sadd.s32 $0x4000, s20;
	[dreg:$0x7] =	wrdreg s5  }
0x10: {  	v0 =	vor.u32 $0x2000, v10;
	v1 =	vor.u32 $0x2010, v10;
	v2 =	vor.u32 $0x2020, v10;
	s0 =	ssub.s32 s0, s25;
	s24 =	sadd.s32 $0x5000, s20;
	[dreg:$0x8] =	wrdreg s23  }
0x11: {  	v5 =	vshrl.u32 v10, $0x3;
	v3 =	vor.u32 $0x2030, v10;
	v4 =	vand.u32 $0x7, v10;
	s3 =	sadd.s32 $0x44A00, s1;
	s26 =	sadd.s32 $0x6000, s20;
	[dreg:$0x9] =	wrdreg s24  }
0x12: {  	v6 =	vor.u32 $0x8, v10;
	v7 =	vor.u32 $0x2040, v10;
	v8 =	vor.u32 $0x2050, v10;
	s28 =	sadd.s32 $0x7000, s20;
	s4 =	sadd.s32 $0x44B00, s1;
	[dreg:$0xa] =	wrdreg s26  }
0x13: {  	v9 =	vor.u32 $0x2060, v10;
	v10 =	vor.u32 $0x2070, v10;
	v5 =	vmul.u32 $0x8, v5;
	[dreg:$0xb] =	wrdreg s28;
	s5 =	smax.u32 s0, $0x1;
	s23 =	simm.s32 $0x8300  }
.LBB2_1:
0x14: {  	s16 =	rddreg [dreg:$0x3]  }
0x15: {  	s17 =	rddreg [dreg:$0xc]  }
0x16: {  	s18 =	rddreg [dreg:$0xd]  }
0x17: {  	[tilespmem:s2], [sflag:$0x3] =	stream.strided.gather [hbm4b:s16+s17], $0x200, s18, s17, $0x38;
	[tilespmem:$0x10300] =	vst v63  }
0x18: {  	_ =	swait.ge [sflag:s6], $0x200  }
0x19: {  	[sflag:s6] =	ssyncset.done $0x0  }
0x1a: {  	[sflag:s6] =	ssyncadd.s32 $0xFFFFFE00  }
0x1b: {  	v11 =	vld [tilespmem:$0x0]  }
0x1c: {  	v12 =	vld [tilespmem:$0x10]  }
0x1d: {  	v13 =	vld [tilespmem:$0x20]  }
0x1e: {  	v14 =	vld [tilespmem:$0x30];
	_ =	sdelay $0x1  }
0x1f: {  	vm1 =	vgt.s32 v11, $0xFFFFFFFF  }
0x20: {  	v11 =	vsel vm1, v11, v0;
	vm1 =	vgt.s32 v12, $0xFFFFFFFF  }
0x21: {  	[tilespmem:$0x200] =	vst v11;
	v11 =	vsel vm1, v12, v1;
	vm1 =	vgt.s32 v13, $0xFFFFFFFF  }
0x22: {  	[tilespmem:$0x210] =	vst v11;
	v11 =	vsel vm1, v13, v2;
	vm1 =	vgt.s32 v14, $0xFFFFFFFF  }
0x23: {  	[tilespmem:$0x220] =	vst v11;
	v11 =	vsel vm1, v14, v3  }
0x24: {  	s20 =	rddreg [dreg:$0x4];
	[tilespmem:$0x230] =	vst v11  }
0x25: {  	[tilespmem:s29], [sflag:$0x3] =	stream.linear.gather [hbm4b:s20+s2], $0x8000, $0x38;
	[tilespmem:$0x10300] =	vst v63  }
0x26: {  	_ =	swait.ge [sflag:s6], $0x8000  }
0x27: {  	[sflag:s6] =	ssyncset.done $0x0  }
0x28: {  	[sflag:s6] =	ssyncadd.s32 $0xFFFF8000  }
0x29: {  	v11 =	vld [tilespmem:$0x200];
	_ =	sdelay $0x4  }
0x2a: {  	v60 =	vshll.u32 v11, $0x2  }
0x2b: {  	v11 =	vand.u32 $0x7, v11;
	v12 =	vand.u32 $0xFFFFFFE0, v60  }
0x2c: {  	v11 =	vor.u32 v11, v12  }
0x2d: {  	v12 =	vperm.xlane v11, v4;
	_ =	sdelay $0x1  }
0x2e: {  	v12 =	vadd.s32 v5, v12;
	_ =	sdelay $0x1  }
0x2f: {  	v11 =	vperm.xlane v11, v6;
	_ =	sdelay $0x1  }
0x30: {  	v11 =	vadd.s32 v5, v11  }
0x31: {  	[hbm4b:s3+s2] =	stream.indirect_vreg.scatter [tilespmem:s29], [sflag:$0x1], $0x80, v12, vm0, $0xb8;
	[tilespmem:$0x10300] =	vst v63  }
0x32: {  	s0 =	simm.s32 $0xB00  }
0x33: {  	[hbm4b:s4+s2] =	stream.indirect_vreg.scatter [tilespmem:s0], [sflag:$0x1], $0x80, v12, vm0, $0xb8;
	[tilespmem:$0x10300] =	vst v63  }
0x34: {  	s21 =	simm.s32 $0x1300  }
0x35: {  	[hbm4b:s3+s2] =	stream.indirect_vreg.scatter [tilespmem:s21], [sflag:$0x1], $0x80, v11, vm0, $0xb8;
	[tilespmem:$0x10300] =	vst v63  }
0x36: {  	s22 =	simm.s32 $0x1B00  }
0x37: {  	[hbm4b:s4+s2] =	stream.indirect_vreg.scatter [tilespmem:s22], [sflag:$0x1], $0x80, v11, vm0, $0xb8;
	[tilespmem:$0x10300] =	vst v63  }
0x38: {  	v11 =	vld [tilespmem:$0x210];
	_ =	sdelay $0x4  }
0x39: {  	v61 =	vshll.u32 v11, $0x2  }
0x3a: {  	v11 =	vand.u32 $0x7, v11;
	v12 =	vand.u32 $0xFFFFFFE0, v61  }
0x3b: {  	v11 =	vor.u32 v11, v12  }
0x3c: {  	v12 =	vperm.xlane v11, v4;
	_ =	sdelay $0x1  }
0x3d: {  	v12 =	vadd.s32 v5, v12;
	_ =	sdelay $0x1  }
0x3e: {  	v11 =	vperm.xlane v11, v6;
	_ =	sdelay $0x1  }
0x3f: {  	s24 =	simm.s32 $0x2300;
	v11 =	vadd.s32 v5, v11  }
0x40: {  	[hbm4b:s3+s2] =	stream.indirect_vreg.scatter [tilespmem:s24], [sflag:$0x1], $0x80, v12, vm0, $0xb8;
	[tilespmem:$0x10300] =	vst v63  }
0x41: {  	s25 =	simm.s32 $0x2B00  }
0x42: {  	[hbm4b:s4+s2] =	stream.indirect_vreg.scatter [tilespmem:s25], [sflag:$0x1], $0x80, v12, vm0, $0xb8;
	[tilespmem:$0x10300] =	vst v63  }
0x43: {  	s26 =	simm.s32 $0x3300  }
0x44: {  	[hbm4b:s3+s2] =	stream.indirect_vreg.scatter [tilespmem:s26], [sflag:$0x1], $0x80, v11, vm0, $0xb8;
	[tilespmem:$0x10300] =	vst v63  }
0x45: {  	s28 =	simm.s32 $0x3B00  }
0x46: {  	[hbm4b:s4+s2] =	stream.indirect_vreg.scatter [tilespmem:s28], [sflag:$0x1], $0x80, v11, vm0, $0xb8;
	[tilespmem:$0x10300] =	vst v63  }
0x47: {  	v11 =	vld [tilespmem:$0x220];
	_ =	sdelay $0x4  }
0x48: {  	v62 =	vshll.u32 v11, $0x2  }
0x49: {  	v11 =	vand.u32 $0x7, v11;
	v12 =	vand.u32 $0xFFFFFFE0, v62  }
0x4a: {  	v11 =	vor.u32 v11, v12  }
0x4b: {  	v12 =	vperm.xlane v11, v4;
	_ =	sdelay $0x1  }
0x4c: {  	v12 =	vadd.s32 v5, v12;
	_ =	sdelay $0x1  }
0x4d: {  	v11 =	vperm.xlane v11, v6;
	_ =	sdelay $0x1  }
0x4e: {  	s30 =	simm.s32 $0x4300;
	v11 =	vadd.s32 v5, v11  }
0x4f: {  	[hbm4b:s3+s2] =	stream.indirect_vreg.scatter [tilespmem:s30], [sflag:$0x1], $0x80, v12, vm0, $0xb8;
	[tilespmem:$0x10300] =	vst v63  }
0x50: {  	s31 =	simm.s32 $0x4B00  }
0x51: {  	[hbm4b:s4+s2] =	stream.indirect_vreg.scatter [tilespmem:s31], [sflag:$0x1], $0x80, v12, vm0, $0xb8;
	[tilespmem:$0x10300] =	vst v63  }
0x52: {  	s7 =	simm.s32 $0x5300  }
0x53: {  	[hbm4b:s3+s2] =	stream.indirect_vreg.scatter [tilespmem:s7], [sflag:$0x1], $0x80, v11, vm0, $0xb8;
	[tilespmem:$0x10300] =	vst v63  }
0x54: {  	s10 =	simm.s32 $0x5B00  }
0x55: {  	[hbm4b:s4+s2] =	stream.indirect_vreg.scatter [tilespmem:s10], [sflag:$0x1], $0x80, v11, vm0, $0xb8;
	[tilespmem:$0x10300] =	vst v63  }
0x56: {  	v11 =	vld [tilespmem:$0x230];
	_ =	sdelay $0x4  }
0x57: {  	v63 =	vshll.u32 v11, $0x2  }
0x58: {  	v11 =	vand.u32 $0x7, v11;
	v12 =	vand.u32 $0xFFFFFFE0, v63  }
0x59: {  	v11 =	vor.u32 v11, v12  }
0x5a: {  	v12 =	vperm.xlane v11, v4;
	_ =	sdelay $0x1  }
0x5b: {  	v12 =	vadd.s32 v5, v12;
	_ =	sdelay $0x1  }
0x5c: {  	v11 =	vperm.xlane v11, v6;
	_ =	sdelay $0x1  }
0x5d: {  	s11 =	simm.s32 $0x6300;
	v11 =	vadd.s32 v5, v11  }
0x5e: {  	[hbm4b:s3+s2] =	stream.indirect_vreg.scatter [tilespmem:s11], [sflag:$0x1], $0x80, v12, vm0, $0xb8;
	[tilespmem:$0x10300] =	vst v63  }
0x5f: {  	s16 =	simm.s32 $0x6B00  }
0x60: {  	[hbm4b:s4+s2] =	stream.indirect_vreg.scatter [tilespmem:s16], [sflag:$0x1], $0x80, v12, vm0, $0xb8;
	[tilespmem:$0x10300] =	vst v63  }
0x61: {  	s18 =	simm.s32 $0x7300  }
0x62: {  	[hbm4b:s3+s2] =	stream.indirect_vreg.scatter [tilespmem:s18], [sflag:$0x1], $0x80, v11, vm0, $0xb8;
	[tilespmem:$0x10300] =	vst v63  }
0x63: {  	s19 =	simm.s32 $0x7B00  }
0x64: {  	[hbm4b:s4+s2] =	stream.indirect_vreg.scatter [tilespmem:s19], [sflag:$0x1], $0x80, v11, vm0, $0xb8;
	[tilespmem:$0x10300] =	vst v63  }
0x65: {  	v11 =	vld [tilespmem:$0x40]  }
0x66: {  	v12 =	vld [tilespmem:$0x50]  }
0x67: {  	v16 =	vld [tilespmem:$0x60]  }
0x68: {  	v17 =	vld [tilespmem:$0x70];
	_ =	sdelay $0x1  }
0x69: {  	vm1 =	vgt.s32 v11, $0xFFFFFFFF  }
0x6a: {  	v11 =	vsel vm1, v11, v7;
	vm1 =	vgt.s32 v12, $0xFFFFFFFF  }
0x6b: {  	[tilespmem:$0x280] =	vst v11;
	v11 =	vsel vm1, v12, v8;
	vm1 =	vgt.s32 v16, $0xFFFFFFFF  }
0x6c: {  	[tilespmem:$0x290] =	vst v11;
	v11 =	vsel vm1, v16, v9;
	vm1 =	vgt.s32 v17, $0xFFFFFFFF  }
0x6d: {  	[tilespmem:$0x2A0] =	vst v11;
	v11 =	vsel vm1, v17, v10  }
0x6e: {  	s20 =	rddreg [dreg:$0x5];
	[tilespmem:$0x2B0] =	vst v11  }
0x6f: {  	[tilespmem:s23], [sflag:$0x3] =	stream.linear.gather [hbm4b:s20+s2], $0x8000, $0x38;
	[tilespmem:$0x10300] =	vst v63  }
0x70: {  	_ =	swait.ge [sflag:s6], $0x8000  }
0x71: {  	[sflag:s6] =	ssyncset.done $0x0  }
0x72: {  	[sflag:s6] =	ssyncadd.s32 $0xFFFF8000  }
0x73: {  	v11 =	vld [tilespmem:$0x280];
	_ =	sdelay $0x4  }
0x74: {  	v18 =	vshll.u32 v11, $0x2  }
0x75: {  	v11 =	vand.u32 $0x7, v11;
	v12 =	vand.u32 $0xFFFFFFE0, v18  }
0x76: {  	v11 =	vor.u32 v11, v12  }
0x77: {  	v12 =	vperm.xlane v11, v4;
	_ =	sdelay $0x1  }
0x78: {  	v12 =	vadd.s32 v5, v12;
	_ =	sdelay $0x1  }
0x79: {  	v11 =	vperm.xlane v11, v6;
	_ =	sdelay $0x1  }
0x7a: {  	v11 =	vadd.s32 v5, v11  }
0x7b: {  	[hbm4b:s3+s2] =	stream.indirect_vreg.scatter [tilespmem:s23], [sflag:$0x2], $0x80, v12, vm0, $0xb8;
	[tilespmem:$0x10300] =	vst v63  }
0x7c: {  	s21 =	simm.s32 $0x8B00  }
0x7d: {  	[hbm4b:s4+s2] =	stream.indirect_vreg.scatter [tilespmem:s21], [sflag:$0x2], $0x80, v12, vm0, $0xb8;
	[tilespmem:$0x10300] =	vst v63  }
0x7e: {  	s22 =	simm.s32 $0x9300  }
0x7f: {  	[hbm4b:s3+s2] =	stream.indirect_vreg.scatter [tilespmem:s22], [sflag:$0x2], $0x80, v11, vm0, $0xb8;
	[tilespmem:$0x10300] =	vst v63  }
0x80: {  	s24 =	simm.s32 $0x9B00  }
0x81: {  	[hbm4b:s4+s2] =	stream.indirect_vreg.scatter [tilespmem:s24], [sflag:$0x2], $0x80, v11, vm0, $0xb8;
	[tilespmem:$0x10300] =	vst v63  }
0x82: {  	v11 =	vld [tilespmem:$0x290];
	_ =	sdelay $0x4  }
0x83: {  	v19 =	vshll.u32 v11, $0x2  }
0x84: {  	v11 =	vand.u32 $0x7, v11;
	v12 =	vand.u32 $0xFFFFFFE0, v19  }
0x85: {  	v11 =	vor.u32 v11, v12  }
0x86: {  	v12 =	vperm.xlane v11, v4;
	_ =	sdelay $0x1  }
0x87: {  	v12 =	vadd.s32 v5, v12;
	_ =	sdelay $0x1  }
0x88: {  	v11 =	vperm.xlane v11, v6;
	_ =	sdelay $0x1  }
0x89: {  	s25 =	simm.s32 $0xA300;
	v11 =	vadd.s32 v5, v11  }
0x8a: {  	[hbm4b:s3+s2] =	stream.indirect_vreg.scatter [tilespmem:s25], [sflag:$0x2], $0x80, v12, vm0, $0xb8;
	[tilespmem:$0x10300] =	vst v63  }
0x8b: {  	s26 =	simm.s32 $0xAB00  }
0x8c: {  	[hbm4b:s4+s2] =	stream.indirect_vreg.scatter [tilespmem:s26], [sflag:$0x2], $0x80, v12, vm0, $0xb8;
	[tilespmem:$0x10300] =	vst v63  }
0x8d: {  	s28 =	simm.s32 $0xB300  }
0x8e: {  	[hbm4b:s3+s2] =	stream.indirect_vreg.scatter [tilespmem:s28], [sflag:$0x2], $0x80, v11, vm0, $0xb8;
	[tilespmem:$0x10300] =	vst v63  }
0x8f: {  	s30 =	simm.s32 $0xBB00  }
0x90: {  	[hbm4b:s4+s2] =	stream.indirect_vreg.scatter [tilespmem:s30], [sflag:$0x2], $0x80, v11, vm0, $0xb8;
	[tilespmem:$0x10300] =	vst v63  }
0x91: {  	v11 =	vld [tilespmem:$0x2A0];
	_ =	sdelay $0x4  }
0x92: {  	v20 =	vshll.u32 v11, $0x2  }
0x93: {  	v11 =	vand.u32 $0x7, v11;
	v12 =	vand.u32 $0xFFFFFFE0, v20  }
0x94: {  	v11 =	vor.u32 v11, v12  }
0x95: {  	v12 =	vperm.xlane v11, v4;
	_ =	sdelay $0x1  }
0x96: {  	v12 =	vadd.s32 v5, v12;
	_ =	sdelay $0x1  }
0x97: {  	v11 =	vperm.xlane v11, v6;
	_ =	sdelay $0x1  }
0x98: {  	s31 =	simm.s32 $0xC300;
	v11 =	vadd.s32 v5, v11  }
0x99: {  	[hbm4b:s3+s2] =	stream.indirect_vreg.scatter [tilespmem:s31], [sflag:$0x2], $0x80, v12, vm0, $0xb8;
	[tilespmem:$0x10300] =	vst v63  }
0x9a: {  	s0 =	simm.s32 $0xCB00  }
0x9b: {  	[hbm4b:s4+s2] =	stream.indirect_vreg.scatter [tilespmem:s0], [sflag:$0x2], $0x80, v12, vm0, $0xb8;
	[tilespmem:$0x10300] =	vst v63  }
0x9c: {  	s10 =	simm.s32 $0xD300  }
0x9d: {  	[hbm4b:s3+s2] =	stream.indirect_vreg.scatter [tilespmem:s10], [sflag:$0x2], $0x80, v11, vm0, $0xb8;
	[tilespmem:$0x10300] =	vst v63  }
0x9e: {  	s11 =	simm.s32 $0xDB00  }
0x9f: {  	[hbm4b:s4+s2] =	stream.indirect_vreg.scatter [tilespmem:s11], [sflag:$0x2], $0x80, v11, vm0, $0xb8;
	[tilespmem:$0x10300] =	vst v63  }
0xa0: {  	v11 =	vld [tilespmem:$0x2B0];
	_ =	sdelay $0x4  }
0xa1: {  	v21 =	vshll.u32 v11, $0x2  }
0xa2: {  	v11 =	vand.u32 $0x7, v11;
	v12 =	vand.u32 $0xFFFFFFE0, v21  }
0xa3: {  	v11 =	vor.u32 v11, v12  }
0xa4: {  	v12 =	vperm.xlane v11, v4;
	_ =	sdelay $0x1  }
0xa5: {  	v12 =	vadd.s32 v5, v12;
	_ =	sdelay $0x1  }
0xa6: {  	v11 =	vperm.xlane v11, v6;
	_ =	sdelay $0x1  }
0xa7: {  	s18 =	simm.s32 $0xE300;
	v11 =	vadd.s32 v5, v11  }
0xa8: {  	[hbm4b:s3+s2] =	stream.indirect_vreg.scatter [tilespmem:s18], [sflag:$0x2], $0x80, v12, vm0, $0xb8;
	[tilespmem:$0x10300] =	vst v63  }
0xa9: {  	s19 =	simm.s32 $0xEB00  }
0xaa: {  	[hbm4b:s4+s2] =	stream.indirect_vreg.scatter [tilespmem:s19], [sflag:$0x2], $0x80, v12, vm0, $0xb8;
	[tilespmem:$0x10300] =	vst v63  }
0xab: {  	s20 =	simm.s32 $0xF300  }
0xac: {  	[hbm4b:s3+s2] =	stream.indirect_vreg.scatter [tilespmem:s20], [sflag:$0x2], $0x80, v11, vm0, $0xb8;
	[tilespmem:$0x10300] =	vst v63  }
0xad: {  	s21 =	simm.s32 $0xFB00  }
0xae: {  	[hbm4b:s4+s2] =	stream.indirect_vreg.scatter [tilespmem:s21], [sflag:$0x2], $0x80, v11, vm0, $0xb8;
	[tilespmem:$0x10300] =	vst v63  }
0xaf: {  	_ =	swait.ge [sflag:s14], $0x8000  }
0xb0: {  	[sflag:s14] =	ssyncset.done $0x0  }
0xb1: {  	[sflag:s14] =	ssyncadd.s32 $0xFFFF8000  }
0xb2: {  	v11 =	vld [tilespmem:$0x80]  }
0xb3: {  	v22 =	vld [tilespmem:$0x90]  }
0xb4: {  	v23 =	vld [tilespmem:$0xA0]  }
0xb5: {  	v24 =	vld [tilespmem:$0xB0];
	_ =	sdelay $0x1  }
0xb6: {  	vm1 =	vgt.s32 v11, $0xFFFFFFFF  }
0xb7: {  	v11 =	vsel vm1, v11, v0;
	vm1 =	vgt.s32 v22, $0xFFFFFFFF  }
0xb8: {  	[tilespmem:$0x200] =	vst v11;
	v11 =	vsel vm1, v22, v1;
	vm1 =	vgt.s32 v23, $0xFFFFFFFF  }
0xb9: {  	[tilespmem:$0x210] =	vst v11;
	v11 =	vsel vm1, v23, v2;
	vm1 =	vgt.s32 v24, $0xFFFFFFFF  }
0xba: {  	[tilespmem:$0x220] =	vst v11;
	v11 =	vsel vm1, v24, v3  }
0xbb: {  	s0 =	rddreg [dreg:$0x6];
	[tilespmem:$0x230] =	vst v11  }
0xbc: {  	[tilespmem:s29], [sflag:$0x3] =	stream.linear.gather [hbm4b:s0+s2], $0x8000, $0x38;
	[tilespmem:$0x10300] =	vst v63  }
0xbd: {  	_ =	swait.ge [sflag:s6], $0x8000  }
0xbe: {  	[sflag:s6] =	ssyncset.done $0x0  }
0xbf: {  	[sflag:s6] =	ssyncadd.s32 $0xFFFF8000  }
0xc0: {  	v11 =	vld [tilespmem:$0x200];
	_ =	sdelay $0x4  }
0xc1: {  	v25 =	vshll.u32 v11, $0x2  }
0xc2: {  	v11 =	vand.u32 $0x7, v11;
	v12 =	vand.u32 $0xFFFFFFE0, v25  }
0xc3: {  	v11 =	vor.u32 v11, v12  }
0xc4: {  	v12 =	vperm.xlane v11, v4;
	_ =	sdelay $0x1  }
0xc5: {  	v12 =	vadd.s32 v5, v12;
	_ =	sdelay $0x1  }
0xc6: {  	v11 =	vperm.xlane v11, v6;
	_ =	sdelay $0x1  }
0xc7: {  	v11 =	vadd.s32 v5, v11  }
0xc8: {  	[hbm4b:s3+s2] =	stream.indirect_vreg.scatter [tilespmem:s29], [sflag:$0x1], $0x80, v12, vm0, $0xb8;
	[tilespmem:$0x10300] =	vst v63  }
0xc9: {  	s1 =	simm.s32 $0xB00  }
0xca: {  	[hbm4b:s4+s2] =	stream.indirect_vreg.scatter [tilespmem:s1], [sflag:$0x1], $0x80, v12, vm0, $0xb8;
	[tilespmem:$0x10300] =	vst v63  }
0xcb: {  	s8 =	simm.s32 $0x1300  }
0xcc: {  	[hbm4b:s3+s2] =	stream.indirect_vreg.scatter [tilespmem:s8], [sflag:$0x1], $0x80, v11, vm0, $0xb8;
	[tilespmem:$0x10300] =	vst v63  }
0xcd: {  	s9 =	simm.s32 $0x1B00  }
0xce: {  	[hbm4b:s4+s2] =	stream.indirect_vreg.scatter [tilespmem:s9], [sflag:$0x1], $0x80, v11, vm0, $0xb8;
	[tilespmem:$0x10300] =	vst v63  }
0xcf: {  	v11 =	vld [tilespmem:$0x210];
	_ =	sdelay $0x4  }
0xd0: {  	v26 =	vshll.u32 v11, $0x2  }
0xd1: {  	v11 =	vand.u32 $0x7, v11;
	v12 =	vand.u32 $0xFFFFFFE0, v26  }
0xd2: {  	v11 =	vor.u32 v11, v12  }
0xd3: {  	v12 =	vperm.xlane v11, v4;
	_ =	sdelay $0x1  }
0xd4: {  	v12 =	vadd.s32 v5, v12;
	_ =	sdelay $0x1  }
0xd5: {  	v11 =	vperm.xlane v11, v6;
	_ =	sdelay $0x1  }
0xd6: {  	s9 =	simm.s32 $0x2300;
	v11 =	vadd.s32 v5, v11  }
0xd7: {  	[hbm4b:s3+s2] =	stream.indirect_vreg.scatter [tilespmem:s9], [sflag:$0x1], $0x80, v12, vm0, $0xb8;
	[tilespmem:$0x10300] =	vst v63  }
0xd8: {  	s10 =	simm.s32 $0x2B00  }
0xd9: {  	[hbm4b:s4+s2] =	stream.indirect_vreg.scatter [tilespmem:s10], [sflag:$0x1], $0x80, v12, vm0, $0xb8;
	[tilespmem:$0x10300] =	vst v63  }
0xda: {  	s11 =	simm.s32 $0x3300  }
0xdb: {  	[hbm4b:s3+s2] =	stream.indirect_vreg.scatter [tilespmem:s11], [sflag:$0x1], $0x80, v11, vm0, $0xb8;
	[tilespmem:$0x10300] =	vst v63  }
0xdc: {  	s13 =	simm.s32 $0x3B00  }
0xdd: {  	[hbm4b:s4+s2] =	stream.indirect_vreg.scatter [tilespmem:s13], [sflag:$0x1], $0x80, v11, vm0, $0xb8;
	[tilespmem:$0x10300] =	vst v63  }
0xde: {  	v11 =	vld [tilespmem:$0x220];
	_ =	sdelay $0x4  }
0xdf: {  	v27 =	vshll.u32 v11, $0x2  }
0xe0: {  	v11 =	vand.u32 $0x7, v11;
	v12 =	vand.u32 $0xFFFFFFE0, v27  }
0xe1: {  	v11 =	vor.u32 v11, v12  }
0xe2: {  	v12 =	vperm.xlane v11, v4;
	_ =	sdelay $0x1  }
0xe3: {  	v12 =	vadd.s32 v5, v12;
	_ =	sdelay $0x1  }
0xe4: {  	v11 =	vperm.xlane v11, v6;
	_ =	sdelay $0x1  }
0xe5: {  	s12 =	simm.s32 $0x4300;
	v11 =	vadd.s32 v5, v11  }
0xe6: {  	[hbm4b:s3+s2] =	stream.indirect_vreg.scatter [tilespmem:s12], [sflag:$0x1], $0x80, v12, vm0, $0xb8;
	[tilespmem:$0x10300] =	vst v63  }
0xe7: {  	s19 =	simm.s32 $0x4B00  }
0xe8: {  	[hbm4b:s4+s2] =	stream.indirect_vreg.scatter [tilespmem:s19], [sflag:$0x1], $0x80, v12, vm0, $0xb8;
	[tilespmem:$0x10300] =	vst v63  }
0xe9: {  	s13 =	simm.s32 $0x5300  }
0xea: {  	[hbm4b:s3+s2] =	stream.indirect_vreg.scatter [tilespmem:s13], [sflag:$0x1], $0x80, v11, vm0, $0xb8;
	[tilespmem:$0x10300] =	vst v63  }
0xeb: {  	s17 =	simm.s32 $0x5B00  }
0xec: {  	[hbm4b:s4+s2] =	stream.indirect_vreg.scatter [tilespmem:s17], [sflag:$0x1], $0x80, v11, vm0, $0xb8;
	[tilespmem:$0x10300] =	vst v63  }
0xed: {  	v11 =	vld [tilespmem:$0x230];
	_ =	sdelay $0x4  }
0xee: {  	v28 =	vshll.u32 v11, $0x2  }
0xef: {  	v11 =	vand.u32 $0x7, v11;
	v12 =	vand.u32 $0xFFFFFFE0, v28  }
0xf0: {  	v11 =	vor.u32 v11, v12  }
0xf1: {  	v12 =	vperm.xlane v11, v4;
	_ =	sdelay $0x1  }
0xf2: {  	v12 =	vadd.s32 v5, v12;
	_ =	sdelay $0x1  }
0xf3: {  	v11 =	vperm.xlane v11, v6;
	_ =	sdelay $0x1  }
0xf4: {  	s17 =	simm.s32 $0x6300;
	v11 =	vadd.s32 v5, v11  }
0xf5: {  	[hbm4b:s3+s2] =	stream.indirect_vreg.scatter [tilespmem:s17], [sflag:$0x1], $0x80, v12, vm0, $0xb8;
	[tilespmem:$0x10300] =	vst v63  }
0xf6: {  	s18 =	simm.s32 $0x6B00  }
0xf7: {  	[hbm4b:s4+s2] =	stream.indirect_vreg.scatter [tilespmem:s18], [sflag:$0x1], $0x80, v12, vm0, $0xb8;
	[tilespmem:$0x10300] =	vst v63  }
0xf8: {  	s12 =	simm.s32 $0x7300  }
0xf9: {  	[hbm4b:s3+s2] =	stream.indirect_vreg.scatter [tilespmem:s12], [sflag:$0x1], $0x80, v11, vm0, $0xb8;
	[tilespmem:$0x10300] =	vst v63  }
0xfa: {  	s20 =	simm.s32 $0x7B00  }
0xfb: {  	[hbm4b:s4+s2] =	stream.indirect_vreg.scatter [tilespmem:s20], [sflag:$0x1], $0x80, v11, vm0, $0xb8;
	[tilespmem:$0x10300] =	vst v63  }
0xfc: {  	_ =	swait.ge [sflag:s15], $0x8000  }
0xfd: {  	[sflag:s15] =	ssyncset.done $0x0  }
0xfe: {  	[sflag:s15] =	ssyncadd.s32 $0xFFFF8000  }
0xff: {  	v11 =	vld [tilespmem:$0xC0]  }
0x100: {  	v29 =	vld [tilespmem:$0xD0]  }
0x101: {  	v30 =	vld [tilespmem:$0xE0]  }
0x102: {  	v31 =	vld [tilespmem:$0xF0];
	_ =	sdelay $0x1  }
0x103: {  	vm1 =	vgt.s32 v11, $0xFFFFFFFF  }
0x104: {  	v11 =	vsel vm1, v11, v7;
	vm1 =	vgt.s32 v29, $0xFFFFFFFF  }
0x105: {  	[tilespmem:$0x280] =	vst v11;
	v11 =	vsel vm1, v29, v8;
	vm1 =	vgt.s32 v30, $0xFFFFFFFF  }
0x106: {  	[tilespmem:$0x290] =	vst v11;
	v11 =	vsel vm1, v30, v9;
	vm1 =	vgt.s32 v31, $0xFFFFFFFF  }
0x107: {  	[tilespmem:$0x2A0] =	vst v11;
	v11 =	vsel vm1, v31, v10  }
0x108: {  	s8 =	rddreg [dreg:$0x7];
	[tilespmem:$0x2B0] =	vst v11  }
0x109: {  	[tilespmem:s23], [sflag:$0x3] =	stream.linear.gather [hbm4b:s8+s2], $0x8000, $0x38;
	[tilespmem:$0x10300] =	vst v63  }
0x10a: {  	_ =	swait.ge [sflag:s6], $0x8000  }
0x10b: {  	[sflag:s6] =	ssyncset.done $0x0  }
0x10c: {  	[sflag:s6] =	ssyncadd.s32 $0xFFFF8000  }
0x10d: {  	v11 =	vld [tilespmem:$0x280];
	_ =	sdelay $0x4  }
0x10e: {  	v32 =	vshll.u32 v11, $0x2  }
0x10f: {  	v11 =	vand.u32 $0x7, v11;
	v12 =	vand.u32 $0xFFFFFFE0, v32  }
0x110: {  	v11 =	vor.u32 v11, v12  }
0x111: {  	v12 =	vperm.xlane v11, v4;
	_ =	sdelay $0x1  }
0x112: {  	v12 =	vadd.s32 v5, v12;
	_ =	sdelay $0x1  }
0x113: {  	v11 =	vperm.xlane v11, v6;
	_ =	sdelay $0x1  }
0x114: {  	v11 =	vadd.s32 v5, v11  }
0x115: {  	[hbm4b:s3+s2] =	stream.indirect_vreg.scatter [tilespmem:s23], [sflag:$0x2], $0x80, v12, vm0, $0xb8;
	[tilespmem:$0x10300] =	vst v63  }
0x116: {  	s0 =	simm.s32 $0x8B00  }
0x117: {  	[hbm4b:s4+s2] =	stream.indirect_vreg.scatter [tilespmem:s0], [sflag:$0x2], $0x80, v12, vm0, $0xb8;
	[tilespmem:$0x10300] =	vst v63  }
0x118: {  	s1 =	simm.s32 $0x9300  }
0x119: {  	[hbm4b:s3+s2] =	stream.indirect_vreg.scatter [tilespmem:s1], [sflag:$0x2], $0x80, v11, vm0, $0xb8;
	[tilespmem:$0x10300] =	vst v63  }
0x11a: {  	s7 =	simm.s32 $0x9B00  }
0x11b: {  	[hbm4b:s4+s2] =	stream.indirect_vreg.scatter [tilespmem:s7], [sflag:$0x2], $0x80, v11, vm0, $0xb8;
	[tilespmem:$0x10300] =	vst v63  }
0x11c: {  	v11 =	vld [tilespmem:$0x290];
	_ =	sdelay $0x4  }
0x11d: {  	v33 =	vshll.u32 v11, $0x2  }
0x11e: {  	v11 =	vand.u32 $0x7, v11;
	v12 =	vand.u32 $0xFFFFFFE0, v33  }
0x11f: {  	v11 =	vor.u32 v11, v12  }
0x120: {  	v12 =	vperm.xlane v11, v4;
	_ =	sdelay $0x1  }
0x121: {  	v12 =	vadd.s32 v5, v12;
	_ =	sdelay $0x1  }
0x122: {  	v11 =	vperm.xlane v11, v6;
	_ =	sdelay $0x1  }
0x123: {  	s7 =	simm.s32 $0xA300;
	v11 =	vadd.s32 v5, v11  }
0x124: {  	[hbm4b:s3+s2] =	stream.indirect_vreg.scatter [tilespmem:s7], [sflag:$0x2], $0x80, v12, vm0, $0xb8;
	[tilespmem:$0x10300] =	vst v63  }
0x125: {  	s8 =	simm.s32 $0xAB00  }
0x126: {  	[hbm4b:s4+s2] =	stream.indirect_vreg.scatter [tilespmem:s8], [sflag:$0x2], $0x80, v12, vm0, $0xb8;
	[tilespmem:$0x10300] =	vst v63  }
0x127: {  	s28 =	simm.s32 $0xB300  }
0x128: {  	[hbm4b:s3+s2] =	stream.indirect_vreg.scatter [tilespmem:s28], [sflag:$0x2], $0x80, v11, vm0, $0xb8;
	[tilespmem:$0x10300] =	vst v63  }
0x129: {  	s22 =	simm.s32 $0xBB00  }
0x12a: {  	[hbm4b:s4+s2] =	stream.indirect_vreg.scatter [tilespmem:s22], [sflag:$0x2], $0x80, v11, vm0, $0xb8;
	[tilespmem:$0x10300] =	vst v63  }
0x12b: {  	v11 =	vld [tilespmem:$0x2A0];
	_ =	sdelay $0x4  }
0x12c: {  	v34 =	vshll.u32 v11, $0x2  }
0x12d: {  	v11 =	vand.u32 $0x7, v11;
	v12 =	vand.u32 $0xFFFFFFE0, v34  }
0x12e: {  	v11 =	vor.u32 v11, v12  }
0x12f: {  	v12 =	vperm.xlane v11, v4;
	_ =	sdelay $0x1  }
0x130: {  	v12 =	vadd.s32 v5, v12;
	_ =	sdelay $0x1  }
0x131: {  	v11 =	vperm.xlane v11, v6;
	_ =	sdelay $0x1  }
0x132: {  	s22 =	simm.s32 $0xC300;
	v11 =	vadd.s32 v5, v11  }
0x133: {  	[hbm4b:s3+s2] =	stream.indirect_vreg.scatter [tilespmem:s22], [sflag:$0x2], $0x80, v12, vm0, $0xb8;
	[tilespmem:$0x10300] =	vst v63  }
0x134: {  	s25 =	simm.s32 $0xCB00  }
0x135: {  	[hbm4b:s4+s2] =	stream.indirect_vreg.scatter [tilespmem:s25], [sflag:$0x2], $0x80, v12, vm0, $0xb8;
	[tilespmem:$0x10300] =	vst v63  }
0x136: {  	s26 =	simm.s32 $0xD300  }
0x137: {  	[hbm4b:s3+s2] =	stream.indirect_vreg.scatter [tilespmem:s26], [sflag:$0x2], $0x80, v11, vm0, $0xb8;
	[tilespmem:$0x10300] =	vst v63  }
0x138: {  	s24 =	simm.s32 $0xDB00  }
0x139: {  	[hbm4b:s4+s2] =	stream.indirect_vreg.scatter [tilespmem:s24], [sflag:$0x2], $0x80, v11, vm0, $0xb8;
	[tilespmem:$0x10300] =	vst v63  }
0x13a: {  	v11 =	vld [tilespmem:$0x2B0];
	_ =	sdelay $0x4  }
0x13b: {  	v35 =	vshll.u32 v11, $0x2  }
0x13c: {  	v11 =	vand.u32 $0x7, v11;
	v12 =	vand.u32 $0xFFFFFFE0, v35  }
0x13d: {  	v11 =	vor.u32 v11, v12  }
0x13e: {  	v12 =	vperm.xlane v11, v4;
	_ =	sdelay $0x1  }
0x13f: {  	v12 =	vadd.s32 v5, v12;
	_ =	sdelay $0x1  }
0x140: {  	v11 =	vperm.xlane v11, v6;
	_ =	sdelay $0x1  }
0x141: {  	s30 =	simm.s32 $0xE300;
	v11 =	vadd.s32 v5, v11  }
0x142: {  	[hbm4b:s3+s2] =	stream.indirect_vreg.scatter [tilespmem:s30], [sflag:$0x2], $0x80, v12, vm0, $0xb8;
	[tilespmem:$0x10300] =	vst v63  }
0x143: {  	s31 =	simm.s32 $0xEB00  }
0x144: {  	[hbm4b:s4+s2] =	stream.indirect_vreg.scatter [tilespmem:s31], [sflag:$0x2], $0x80, v12, vm0, $0xb8;
	[tilespmem:$0x10300] =	vst v63  }
0x145: {  	s30 =	simm.s32 $0xF300  }
0x146: {  	[hbm4b:s3+s2] =	stream.indirect_vreg.scatter [tilespmem:s30], [sflag:$0x2], $0x80, v11, vm0, $0xb8;
	[tilespmem:$0x10300] =	vst v63  }
0x147: {  	s21 =	simm.s32 $0xFB00  }
0x148: {  	[hbm4b:s4+s2] =	stream.indirect_vreg.scatter [tilespmem:s21], [sflag:$0x2], $0x80, v11, vm0, $0xb8;
	[tilespmem:$0x10300] =	vst v63  }
0x149: {  	_ =	swait.ge [sflag:s14], $0x8000  }
0x14a: {  	[sflag:s14] =	ssyncset.done $0x0  }
0x14b: {  	[sflag:s14] =	ssyncadd.s32 $0xFFFF8000  }
0x14c: {  	v11 =	vld [tilespmem:$0x100]  }
0x14d: {  	v36 =	vld [tilespmem:$0x110]  }
0x14e: {  	v37 =	vld [tilespmem:$0x120]  }
0x14f: {  	v38 =	vld [tilespmem:$0x130];
	_ =	sdelay $0x1  }
0x150: {  	vm1 =	vgt.s32 v11, $0xFFFFFFFF  }
0x151: {  	v11 =	vsel vm1, v11, v0;
	vm1 =	vgt.s32 v36, $0xFFFFFFFF  }
0x152: {  	[tilespmem:$0x200] =	vst v11;
	v11 =	vsel vm1, v36, v1;
	vm1 =	vgt.s32 v37, $0xFFFFFFFF  }
0x153: {  	[tilespmem:$0x210] =	vst v11;
	v11 =	vsel vm1, v37, v2;
	vm1 =	vgt.s32 v38, $0xFFFFFFFF  }
0x154: {  	[tilespmem:$0x220] =	vst v11;
	v11 =	vsel vm1, v38, v3  }
0x155: {  	s21 =	rddreg [dreg:$0x8];
	[tilespmem:$0x230] =	vst v11  }
0x156: {  	[tilespmem:s29], [sflag:$0x3] =	stream.linear.gather [hbm4b:s21+s2], $0x8000, $0x38;
	[tilespmem:$0x10300] =	vst v63  }
0x157: {  	_ =	swait.ge [sflag:s6], $0x8000  }
0x158: {  	[sflag:s6] =	ssyncset.done $0x0  }
0x159: {  	[sflag:s6] =	ssyncadd.s32 $0xFFFF8000  }
0x15a: {  	v11 =	vld [tilespmem:$0x200];
	_ =	sdelay $0x4  }
0x15b: {  	v39 =	vshll.u32 v11, $0x2  }
0x15c: {  	v11 =	vand.u32 $0x7, v11;
	v12 =	vand.u32 $0xFFFFFFE0, v39  }
0x15d: {  	v11 =	vor.u32 v11, v12  }
0x15e: {  	v12 =	vperm.xlane v11, v4;
	_ =	sdelay $0x1  }
0x15f: {  	v12 =	vadd.s32 v5, v12;
	_ =	sdelay $0x1  }
0x160: {  	v11 =	vperm.xlane v11, v6;
	_ =	sdelay $0x1  }
0x161: {  	v11 =	vadd.s32 v5, v11  }
0x162: {  	[hbm4b:s3+s2] =	stream.indirect_vreg.scatter [tilespmem:s29], [sflag:$0x1], $0x80, v12, vm0, $0xb8;
	[tilespmem:$0x10300] =	vst v63  }
0x163: {  	s21 =	simm.s32 $0xB00  }
0x164: {  	[hbm4b:s4+s2] =	stream.indirect_vreg.scatter [tilespmem:s21], [sflag:$0x1], $0x80, v12, vm0, $0xb8;
	[tilespmem:$0x10300] =	vst v63  }
0x165: {  	s21 =	simm.s32 $0x1300  }
0x166: {  	[hbm4b:s3+s2] =	stream.indirect_vreg.scatter [tilespmem:s21], [sflag:$0x1], $0x80, v11, vm0, $0xb8;
	[tilespmem:$0x10300] =	vst v63  }
0x167: {  	s21 =	simm.s32 $0x1B00  }
0x168: {  	[hbm4b:s4+s2] =	stream.indirect_vreg.scatter [tilespmem:s21], [sflag:$0x1], $0x80, v11, vm0, $0xb8;
	[tilespmem:$0x10300] =	vst v63  }
0x169: {  	v11 =	vld [tilespmem:$0x210];
	_ =	sdelay $0x4  }
0x16a: {  	v40 =	vshll.u32 v11, $0x2  }
0x16b: {  	v11 =	vand.u32 $0x7, v11;
	v12 =	vand.u32 $0xFFFFFFE0, v40  }
0x16c: {  	v11 =	vor.u32 v11, v12  }
0x16d: {  	v12 =	vperm.xlane v11, v4;
	_ =	sdelay $0x1  }
0x16e: {  	v12 =	vadd.s32 v5, v12;
	_ =	sdelay $0x1  }
0x16f: {  	v11 =	vperm.xlane v11, v6;
	_ =	sdelay $0x1  }
0x170: {  	v11 =	vadd.s32 v5, v11  }
0x171: {  	[hbm4b:s3+s2] =	stream.indirect_vreg.scatter [tilespmem:s9], [sflag:$0x1], $0x80, v12, vm0, $0xb8;
	[tilespmem:$0x10300] =	vst v63  }
0x172: {  	_ = 	snop  }
0x173: {  	[hbm4b:s4+s2] =	stream.indirect_vreg.scatter [tilespmem:s10], [sflag:$0x1], $0x80, v12, vm0, $0xb8;
	[tilespmem:$0x10300] =	vst v63  }
0x174: {  	_ = 	snop  }
0x175: {  	[hbm4b:s3+s2] =	stream.indirect_vreg.scatter [tilespmem:s11], [sflag:$0x1], $0x80, v11, vm0, $0xb8;
	[tilespmem:$0x10300] =	vst v63  }
0x176: {  	s21 =	simm.s32 $0x3B00  }
0x177: {  	[hbm4b:s4+s2] =	stream.indirect_vreg.scatter [tilespmem:s21], [sflag:$0x1], $0x80, v11, vm0, $0xb8;
	[tilespmem:$0x10300] =	vst v63  }
0x178: {  	v11 =	vld [tilespmem:$0x220];
	_ =	sdelay $0x4  }
0x179: {  	v41 =	vshll.u32 v11, $0x2  }
0x17a: {  	v11 =	vand.u32 $0x7, v11;
	v12 =	vand.u32 $0xFFFFFFE0, v41  }
0x17b: {  	v11 =	vor.u32 v11, v12  }
0x17c: {  	v12 =	vperm.xlane v11, v4;
	_ =	sdelay $0x1  }
0x17d: {  	v12 =	vadd.s32 v5, v12;
	_ =	sdelay $0x1  }
0x17e: {  	v11 =	vperm.xlane v11, v6;
	_ =	sdelay $0x1  }
0x17f: {  	s21 =	simm.s32 $0x4300;
	v11 =	vadd.s32 v5, v11  }
0x180: {  	[hbm4b:s3+s2] =	stream.indirect_vreg.scatter [tilespmem:s21], [sflag:$0x1], $0x80, v12, vm0, $0xb8;
	[tilespmem:$0x10300] =	vst v63  }
0x181: {  	_ = 	snop  }
0x182: {  	[hbm4b:s4+s2] =	stream.indirect_vreg.scatter [tilespmem:s19], [sflag:$0x1], $0x80, v12, vm0, $0xb8;
	[tilespmem:$0x10300] =	vst v63  }
0x183: {  	_ = 	snop  }
0x184: {  	[hbm4b:s3+s2] =	stream.indirect_vreg.scatter [tilespmem:s13], [sflag:$0x1], $0x80, v11, vm0, $0xb8;
	[tilespmem:$0x10300] =	vst v63  }
0x185: {  	s21 =	simm.s32 $0x5B00  }
0x186: {  	[hbm4b:s4+s2] =	stream.indirect_vreg.scatter [tilespmem:s21], [sflag:$0x1], $0x80, v11, vm0, $0xb8;
	[tilespmem:$0x10300] =	vst v63  }
0x187: {  	v11 =	vld [tilespmem:$0x230];
	_ =	sdelay $0x4  }
0x188: {  	v42 =	vshll.u32 v11, $0x2  }
0x189: {  	v11 =	vand.u32 $0x7, v11;
	v12 =	vand.u32 $0xFFFFFFE0, v42  }
0x18a: {  	v11 =	vor.u32 v11, v12  }
0x18b: {  	v12 =	vperm.xlane v11, v4;
	_ =	sdelay $0x1  }
0x18c: {  	v12 =	vadd.s32 v5, v12;
	_ =	sdelay $0x1  }
0x18d: {  	v11 =	vperm.xlane v11, v6;
	_ =	sdelay $0x1  }
0x18e: {  	v11 =	vadd.s32 v5, v11  }
0x18f: {  	[hbm4b:s3+s2] =	stream.indirect_vreg.scatter [tilespmem:s17], [sflag:$0x1], $0x80, v12, vm0, $0xb8;
	[tilespmem:$0x10300] =	vst v63  }
0x190: {  	_ = 	snop  }
0x191: {  	[hbm4b:s4+s2] =	stream.indirect_vreg.scatter [tilespmem:s18], [sflag:$0x1], $0x80, v12, vm0, $0xb8;
	[tilespmem:$0x10300] =	vst v63  }
0x192: {  	_ = 	snop  }
0x193: {  	[hbm4b:s3+s2] =	stream.indirect_vreg.scatter [tilespmem:s12], [sflag:$0x1], $0x80, v11, vm0, $0xb8;
	[tilespmem:$0x10300] =	vst v63  }
0x194: {  	_ = 	snop  }
0x195: {  	[hbm4b:s4+s2] =	stream.indirect_vreg.scatter [tilespmem:s20], [sflag:$0x1], $0x80, v11, vm0, $0xb8;
	[tilespmem:$0x10300] =	vst v63  }
0x196: {  	_ =	swait.ge [sflag:s15], $0x8000  }
0x197: {  	[sflag:s15] =	ssyncset.done $0x0  }
0x198: {  	[sflag:s15] =	ssyncadd.s32 $0xFFFF8000  }
0x199: {  	v11 =	vld [tilespmem:$0x140]  }
0x19a: {  	v43 =	vld [tilespmem:$0x150]  }
0x19b: {  	v44 =	vld [tilespmem:$0x160]  }
0x19c: {  	v45 =	vld [tilespmem:$0x170];
	_ =	sdelay $0x1  }
0x19d: {  	vm1 =	vgt.s32 v11, $0xFFFFFFFF  }
0x19e: {  	v11 =	vsel vm1, v11, v7;
	vm1 =	vgt.s32 v43, $0xFFFFFFFF  }
0x19f: {  	[tilespmem:$0x280] =	vst v11;
	v11 =	vsel vm1, v43, v8;
	vm1 =	vgt.s32 v44, $0xFFFFFFFF  }
0x1a0: {  	[tilespmem:$0x290] =	vst v11;
	v11 =	vsel vm1, v44, v9;
	vm1 =	vgt.s32 v45, $0xFFFFFFFF  }
0x1a1: {  	[tilespmem:$0x2A0] =	vst v11;
	v11 =	vsel vm1, v45, v10  }
0x1a2: {  	s21 =	rddreg [dreg:$0x9];
	[tilespmem:$0x2B0] =	vst v11  }
0x1a3: {  	[tilespmem:s23], [sflag:$0x3] =	stream.linear.gather [hbm4b:s21+s2], $0x8000, $0x38;
	[tilespmem:$0x10300] =	vst v63  }
0x1a4: {  	_ =	swait.ge [sflag:s6], $0x8000  }
0x1a5: {  	[sflag:s6] =	ssyncset.done $0x0  }
0x1a6: {  	[sflag:s6] =	ssyncadd.s32 $0xFFFF8000  }
0x1a7: {  	v11 =	vld [tilespmem:$0x280];
	_ =	sdelay $0x4  }
0x1a8: {  	v46 =	vshll.u32 v11, $0x2  }
0x1a9: {  	v11 =	vand.u32 $0x7, v11;
	v12 =	vand.u32 $0xFFFFFFE0, v46  }
0x1aa: {  	v11 =	vor.u32 v11, v12  }
0x1ab: {  	v12 =	vperm.xlane v11, v4;
	_ =	sdelay $0x1  }
0x1ac: {  	v12 =	vadd.s32 v5, v12;
	_ =	sdelay $0x1  }
0x1ad: {  	v11 =	vperm.xlane v11, v6;
	_ =	sdelay $0x1  }
0x1ae: {  	v11 =	vadd.s32 v5, v11  }
0x1af: {  	[hbm4b:s3+s2] =	stream.indirect_vreg.scatter [tilespmem:s23], [sflag:$0x2], $0x80, v12, vm0, $0xb8;
	[tilespmem:$0x10300] =	vst v63  }
0x1b0: {  	_ = 	snop  }
0x1b1: {  	[hbm4b:s4+s2] =	stream.indirect_vreg.scatter [tilespmem:s0], [sflag:$0x2], $0x80, v12, vm0, $0xb8;
	[tilespmem:$0x10300] =	vst v63  }
0x1b2: {  	_ = 	snop  }
0x1b3: {  	[hbm4b:s3+s2] =	stream.indirect_vreg.scatter [tilespmem:s1], [sflag:$0x2], $0x80, v11, vm0, $0xb8;
	[tilespmem:$0x10300] =	vst v63  }
0x1b4: {  	s21 =	simm.s32 $0x9B00  }
0x1b5: {  	[hbm4b:s4+s2] =	stream.indirect_vreg.scatter [tilespmem:s21], [sflag:$0x2], $0x80, v11, vm0, $0xb8;
	[tilespmem:$0x10300] =	vst v63  }
0x1b6: {  	v11 =	vld [tilespmem:$0x290];
	_ =	sdelay $0x4  }
0x1b7: {  	v47 =	vshll.u32 v11, $0x2  }
0x1b8: {  	v11 =	vand.u32 $0x7, v11;
	v12 =	vand.u32 $0xFFFFFFE0, v47  }
0x1b9: {  	v11 =	vor.u32 v11, v12  }
0x1ba: {  	v12 =	vperm.xlane v11, v4;
	_ =	sdelay $0x1  }
0x1bb: {  	v12 =	vadd.s32 v5, v12;
	_ =	sdelay $0x1  }
0x1bc: {  	v11 =	vperm.xlane v11, v6;
	_ =	sdelay $0x1  }
0x1bd: {  	v11 =	vadd.s32 v5, v11  }
0x1be: {  	[hbm4b:s3+s2] =	stream.indirect_vreg.scatter [tilespmem:s7], [sflag:$0x2], $0x80, v12, vm0, $0xb8;
	[tilespmem:$0x10300] =	vst v63  }
0x1bf: {  	_ = 	snop  }
0x1c0: {  	[hbm4b:s4+s2] =	stream.indirect_vreg.scatter [tilespmem:s8], [sflag:$0x2], $0x80, v12, vm0, $0xb8;
	[tilespmem:$0x10300] =	vst v63  }
0x1c1: {  	s28 =	simm.s32 $0xB300  }
0x1c2: {  	[hbm4b:s3+s2] =	stream.indirect_vreg.scatter [tilespmem:s28], [sflag:$0x2], $0x80, v11, vm0, $0xb8;
	[tilespmem:$0x10300] =	vst v63  }
0x1c3: {  	s21 =	simm.s32 $0xBB00  }
0x1c4: {  	[hbm4b:s4+s2] =	stream.indirect_vreg.scatter [tilespmem:s21], [sflag:$0x2], $0x80, v11, vm0, $0xb8;
	[tilespmem:$0x10300] =	vst v63  }
0x1c5: {  	v11 =	vld [tilespmem:$0x2A0];
	_ =	sdelay $0x4  }
0x1c6: {  	v48 =	vshll.u32 v11, $0x2  }
0x1c7: {  	v11 =	vand.u32 $0x7, v11;
	v12 =	vand.u32 $0xFFFFFFE0, v48  }
0x1c8: {  	v11 =	vor.u32 v11, v12  }
0x1c9: {  	v12 =	vperm.xlane v11, v4;
	_ =	sdelay $0x1  }
0x1ca: {  	v12 =	vadd.s32 v5, v12;
	_ =	sdelay $0x1  }
0x1cb: {  	v11 =	vperm.xlane v11, v6;
	_ =	sdelay $0x1  }
0x1cc: {  	s22 =	simm.s32 $0xC300;
	v11 =	vadd.s32 v5, v11  }
0x1cd: {  	[hbm4b:s3+s2] =	stream.indirect_vreg.scatter [tilespmem:s22], [sflag:$0x2], $0x80, v12, vm0, $0xb8;
	[tilespmem:$0x10300] =	vst v63  }
0x1ce: {  	s25 =	simm.s32 $0xCB00  }
0x1cf: {  	[hbm4b:s4+s2] =	stream.indirect_vreg.scatter [tilespmem:s25], [sflag:$0x2], $0x80, v12, vm0, $0xb8;
	[tilespmem:$0x10300] =	vst v63  }
0x1d0: {  	s26 =	simm.s32 $0xD300  }
0x1d1: {  	[hbm4b:s3+s2] =	stream.indirect_vreg.scatter [tilespmem:s26], [sflag:$0x2], $0x80, v11, vm0, $0xb8;
	[tilespmem:$0x10300] =	vst v63  }
0x1d2: {  	s26 =	simm.s32 $0xDB00  }
0x1d3: {  	[hbm4b:s4+s2] =	stream.indirect_vreg.scatter [tilespmem:s26], [sflag:$0x2], $0x80, v11, vm0, $0xb8;
	[tilespmem:$0x10300] =	vst v63  }
0x1d4: {  	v11 =	vld [tilespmem:$0x2B0];
	_ =	sdelay $0x4  }
0x1d5: {  	v49 =	vshll.u32 v11, $0x2  }
0x1d6: {  	v11 =	vand.u32 $0x7, v11;
	v12 =	vand.u32 $0xFFFFFFE0, v49  }
0x1d7: {  	v11 =	vor.u32 v11, v12  }
0x1d8: {  	v12 =	vperm.xlane v11, v4;
	_ =	sdelay $0x1  }
0x1d9: {  	v12 =	vadd.s32 v5, v12;
	_ =	sdelay $0x1  }
0x1da: {  	v11 =	vperm.xlane v11, v6;
	_ =	sdelay $0x1  }
0x1db: {  	s24 =	simm.s32 $0xE300;
	v11 =	vadd.s32 v5, v11  }
0x1dc: {  	[hbm4b:s3+s2] =	stream.indirect_vreg.scatter [tilespmem:s24], [sflag:$0x2], $0x80, v12, vm0, $0xb8;
	[tilespmem:$0x10300] =	vst v63  }
0x1dd: {  	s31 =	simm.s32 $0xEB00  }
0x1de: {  	[hbm4b:s4+s2] =	stream.indirect_vreg.scatter [tilespmem:s31], [sflag:$0x2], $0x80, v12, vm0, $0xb8;
	[tilespmem:$0x10300] =	vst v63  }
0x1df: {  	s30 =	simm.s32 $0xF300  }
0x1e0: {  	[hbm4b:s3+s2] =	stream.indirect_vreg.scatter [tilespmem:s30], [sflag:$0x2], $0x80, v11, vm0, $0xb8;
	[tilespmem:$0x10300] =	vst v63  }
0x1e1: {  	s30 =	simm.s32 $0xFB00  }
0x1e2: {  	[hbm4b:s4+s2] =	stream.indirect_vreg.scatter [tilespmem:s30], [sflag:$0x2], $0x80, v11, vm0, $0xb8;
	[tilespmem:$0x10300] =	vst v63  }
0x1e3: {  	_ =	swait.ge [sflag:s14], $0x8000  }
0x1e4: {  	[sflag:s14] =	ssyncset.done $0x0  }
0x1e5: {  	[sflag:s14] =	ssyncadd.s32 $0xFFFF8000  }
0x1e6: {  	v11 =	vld [tilespmem:$0x180]  }
0x1e7: {  	v50 =	vld [tilespmem:$0x190]  }
0x1e8: {  	v51 =	vld [tilespmem:$0x1A0]  }
0x1e9: {  	v52 =	vld [tilespmem:$0x1B0];
	_ =	sdelay $0x1  }
0x1ea: {  	vm1 =	vgt.s32 v11, $0xFFFFFFFF  }
0x1eb: {  	v11 =	vsel vm1, v11, v0;
	vm1 =	vgt.s32 v50, $0xFFFFFFFF  }
0x1ec: {  	[tilespmem:$0x200] =	vst v11;
	v11 =	vsel vm1, v50, v1;
	vm1 =	vgt.s32 v51, $0xFFFFFFFF  }
0x1ed: {  	[tilespmem:$0x210] =	vst v11;
	v11 =	vsel vm1, v51, v2;
	vm1 =	vgt.s32 v52, $0xFFFFFFFF  }
0x1ee: {  	[tilespmem:$0x220] =	vst v11;
	v11 =	vsel vm1, v52, v3  }
0x1ef: {  	s16 =	rddreg [dreg:$0xa];
	[tilespmem:$0x230] =	vst v11  }
0x1f0: {  	[tilespmem:s29], [sflag:$0x3] =	stream.linear.gather [hbm4b:s16+s2], $0x8000, $0x38;
	[tilespmem:$0x10300] =	vst v63  }
0x1f1: {  	_ =	swait.ge [sflag:s6], $0x8000  }
0x1f2: {  	[sflag:s6] =	ssyncset.done $0x0  }
0x1f3: {  	[sflag:s6] =	ssyncadd.s32 $0xFFFF8000  }
0x1f4: {  	v11 =	vld [tilespmem:$0x200];
	_ =	sdelay $0x4  }
0x1f5: {  	v53 =	vshll.u32 v11, $0x2  }
0x1f6: {  	v11 =	vand.u32 $0x7, v11;
	v12 =	vand.u32 $0xFFFFFFE0, v53  }
0x1f7: {  	v11 =	vor.u32 v11, v12  }
0x1f8: {  	v12 =	vperm.xlane v11, v4;
	_ =	sdelay $0x1  }
0x1f9: {  	v12 =	vadd.s32 v5, v12;
	_ =	sdelay $0x1  }
0x1fa: {  	v11 =	vperm.xlane v11, v6;
	_ =	sdelay $0x1  }
0x1fb: {  	v11 =	vadd.s32 v5, v11  }
0x1fc: {  	[hbm4b:s3+s2] =	stream.indirect_vreg.scatter [tilespmem:s29], [sflag:$0x1], $0x80, v12, vm0, $0xb8;
	[tilespmem:$0x10300] =	vst v63  }
0x1fd: {  	s16 =	simm.s32 $0xB00  }
0x1fe: {  	[hbm4b:s4+s2] =	stream.indirect_vreg.scatter [tilespmem:s16], [sflag:$0x1], $0x80, v12, vm0, $0xb8;
	[tilespmem:$0x10300] =	vst v63  }
0x1ff: {  	s16 =	simm.s32 $0x1300  }
0x200: {  	[hbm4b:s3+s2] =	stream.indirect_vreg.scatter [tilespmem:s16], [sflag:$0x1], $0x80, v11, vm0, $0xb8;
	[tilespmem:$0x10300] =	vst v63  }
0x201: {  	s16 =	simm.s32 $0x1B00  }
0x202: {  	[hbm4b:s4+s2] =	stream.indirect_vreg.scatter [tilespmem:s16], [sflag:$0x1], $0x80, v11, vm0, $0xb8;
	[tilespmem:$0x10300] =	vst v63  }
0x203: {  	v11 =	vld [tilespmem:$0x210];
	_ =	sdelay $0x4  }
0x204: {  	v54 =	vshll.u32 v11, $0x2  }
0x205: {  	v11 =	vand.u32 $0x7, v11;
	v12 =	vand.u32 $0xFFFFFFE0, v54  }
0x206: {  	v11 =	vor.u32 v11, v12  }
0x207: {  	v12 =	vperm.xlane v11, v4;
	_ =	sdelay $0x1  }
0x208: {  	v12 =	vadd.s32 v5, v12;
	_ =	sdelay $0x1  }
0x209: {  	v11 =	vperm.xlane v11, v6;
	_ =	sdelay $0x1  }
0x20a: {  	s9 =	simm.s32 $0x2300;
	v11 =	vadd.s32 v5, v11  }
0x20b: {  	[hbm4b:s3+s2] =	stream.indirect_vreg.scatter [tilespmem:s9], [sflag:$0x1], $0x80, v12, vm0, $0xb8;
	[tilespmem:$0x10300] =	vst v63  }
0x20c: {  	s10 =	simm.s32 $0x2B00  }
0x20d: {  	[hbm4b:s4+s2] =	stream.indirect_vreg.scatter [tilespmem:s10], [sflag:$0x1], $0x80, v12, vm0, $0xb8;
	[tilespmem:$0x10300] =	vst v63  }
0x20e: {  	s11 =	simm.s32 $0x3300  }
0x20f: {  	[hbm4b:s3+s2] =	stream.indirect_vreg.scatter [tilespmem:s11], [sflag:$0x1], $0x80, v11, vm0, $0xb8;
	[tilespmem:$0x10300] =	vst v63  }
0x210: {  	s10 =	simm.s32 $0x3B00  }
0x211: {  	[hbm4b:s4+s2] =	stream.indirect_vreg.scatter [tilespmem:s10], [sflag:$0x1], $0x80, v11, vm0, $0xb8;
	[tilespmem:$0x10300] =	vst v63  }
0x212: {  	v11 =	vld [tilespmem:$0x220];
	_ =	sdelay $0x4  }
0x213: {  	v55 =	vshll.u32 v11, $0x2  }
0x214: {  	v11 =	vand.u32 $0x7, v11;
	v12 =	vand.u32 $0xFFFFFFE0, v55  }
0x215: {  	v11 =	vor.u32 v11, v12  }
0x216: {  	v12 =	vperm.xlane v11, v4;
	_ =	sdelay $0x1  }
0x217: {  	v12 =	vadd.s32 v5, v12;
	_ =	sdelay $0x1  }
0x218: {  	v11 =	vperm.xlane v11, v6;
	_ =	sdelay $0x1  }
0x219: {  	s11 =	simm.s32 $0x4300;
	v11 =	vadd.s32 v5, v11  }
0x21a: {  	[hbm4b:s3+s2] =	stream.indirect_vreg.scatter [tilespmem:s11], [sflag:$0x1], $0x80, v12, vm0, $0xb8;
	[tilespmem:$0x10300] =	vst v63  }
0x21b: {  	s19 =	simm.s32 $0x4B00  }
0x21c: {  	[hbm4b:s4+s2] =	stream.indirect_vreg.scatter [tilespmem:s19], [sflag:$0x1], $0x80, v12, vm0, $0xb8;
	[tilespmem:$0x10300] =	vst v63  }
0x21d: {  	s13 =	simm.s32 $0x5300  }
0x21e: {  	[hbm4b:s3+s2] =	stream.indirect_vreg.scatter [tilespmem:s13], [sflag:$0x1], $0x80, v11, vm0, $0xb8;
	[tilespmem:$0x10300] =	vst v63  }
0x21f: {  	s16 =	simm.s32 $0x5B00  }
0x220: {  	[hbm4b:s4+s2] =	stream.indirect_vreg.scatter [tilespmem:s16], [sflag:$0x1], $0x80, v11, vm0, $0xb8;
	[tilespmem:$0x10300] =	vst v63  }
0x221: {  	v11 =	vld [tilespmem:$0x230];
	_ =	sdelay $0x4  }
0x222: {  	v56 =	vshll.u32 v11, $0x2  }
0x223: {  	v11 =	vand.u32 $0x7, v11;
	v12 =	vand.u32 $0xFFFFFFE0, v56  }
0x224: {  	v11 =	vor.u32 v11, v12  }
0x225: {  	v12 =	vperm.xlane v11, v4;
	_ =	sdelay $0x1  }
0x226: {  	v12 =	vadd.s32 v5, v12;
	_ =	sdelay $0x1  }
0x227: {  	v11 =	vperm.xlane v11, v6;
	_ =	sdelay $0x1  }
0x228: {  	s17 =	simm.s32 $0x6300;
	v11 =	vadd.s32 v5, v11  }
0x229: {  	[hbm4b:s3+s2] =	stream.indirect_vreg.scatter [tilespmem:s17], [sflag:$0x1], $0x80, v12, vm0, $0xb8;
	[tilespmem:$0x10300] =	vst v63  }
0x22a: {  	s18 =	simm.s32 $0x6B00  }
0x22b: {  	[hbm4b:s4+s2] =	stream.indirect_vreg.scatter [tilespmem:s18], [sflag:$0x1], $0x80, v12, vm0, $0xb8;
	[tilespmem:$0x10300] =	vst v63  }
0x22c: {  	s12 =	simm.s32 $0x7300  }
0x22d: {  	[hbm4b:s3+s2] =	stream.indirect_vreg.scatter [tilespmem:s12], [sflag:$0x1], $0x80, v11, vm0, $0xb8;
	[tilespmem:$0x10300] =	vst v63  }
0x22e: {  	s20 =	simm.s32 $0x7B00  }
0x22f: {  	[hbm4b:s4+s2] =	stream.indirect_vreg.scatter [tilespmem:s20], [sflag:$0x1], $0x80, v11, vm0, $0xb8;
	[tilespmem:$0x10300] =	vst v63  }
0x230: {  	_ =	swait.ge [sflag:s15], $0x8000  }
0x231: {  	[sflag:s15] =	ssyncset.done $0x0  }
0x232: {  	[sflag:s15] =	ssyncadd.s32 $0xFFFF8000  }
0x233: {  	v11 =	vld [tilespmem:$0x1C0]  }
0x234: {  	v57 =	vld [tilespmem:$0x1D0]  }
0x235: {  	v58 =	vld [tilespmem:$0x1E0]  }
0x236: {  	v59 =	vld [tilespmem:$0x1F0];
	_ =	sdelay $0x1  }
0x237: {  	vm1 =	vgt.s32 v11, $0xFFFFFFFF  }
0x238: {  	v11 =	vsel vm1, v11, v7;
	vm1 =	vgt.s32 v57, $0xFFFFFFFF  }
0x239: {  	[tilespmem:$0x280] =	vst v11;
	v11 =	vsel vm1, v57, v8;
	vm1 =	vgt.s32 v58, $0xFFFFFFFF  }
0x23a: {  	[tilespmem:$0x290] =	vst v11;
	v11 =	vsel vm1, v58, v9;
	vm1 =	vgt.s32 v59, $0xFFFFFFFF  }
0x23b: {  	[tilespmem:$0x2A0] =	vst v11;
	v11 =	vsel vm1, v59, v10  }
0x23c: {  	s18 =	rddreg [dreg:$0xb];
	[tilespmem:$0x2B0] =	vst v11  }
0x23d: {  	[tilespmem:s23], [sflag:$0x3] =	stream.linear.gather [hbm4b:s18+s2], $0x8000, $0x38;
	[tilespmem:$0x10300] =	vst v63  }
0x23e: {  	_ =	swait.ge [sflag:s6], $0x8000  }
0x23f: {  	[sflag:s6] =	ssyncset.done $0x0  }
0x240: {  	[sflag:s6] =	ssyncadd.s32 $0xFFFF8000  }
0x241: {  	v11 =	vld [tilespmem:$0x280];
	_ =	sdelay $0x4  }
0x242: {  	v60 =	vshll.u32 v11, $0x2  }
0x243: {  	v11 =	vand.u32 $0x7, v11;
	v12 =	vand.u32 $0xFFFFFFE0, v60  }
0x244: {  	v11 =	vor.u32 v11, v12  }
0x245: {  	v12 =	vperm.xlane v11, v4;
	_ =	sdelay $0x1  }
0x246: {  	v12 =	vadd.s32 v5, v12;
	_ =	sdelay $0x1  }
0x247: {  	v11 =	vperm.xlane v11, v6;
	_ =	sdelay $0x1  }
0x248: {  	v11 =	vadd.s32 v5, v11  }
0x249: {  	[hbm4b:s3+s2] =	stream.indirect_vreg.scatter [tilespmem:s23], [sflag:$0x2], $0x80, v12, vm0, $0xb8;
	[tilespmem:$0x10300] =	vst v63  }
0x24a: {  	s0 =	simm.s32 $0x8B00  }
0x24b: {  	[hbm4b:s4+s2] =	stream.indirect_vreg.scatter [tilespmem:s0], [sflag:$0x2], $0x80, v12, vm0, $0xb8;
	[tilespmem:$0x10300] =	vst v63  }
0x24c: {  	s1 =	simm.s32 $0x9300  }
0x24d: {  	[hbm4b:s3+s2] =	stream.indirect_vreg.scatter [tilespmem:s1], [sflag:$0x2], $0x80, v11, vm0, $0xb8;
	[tilespmem:$0x10300] =	vst v63  }
0x24e: {  	s19 =	simm.s32 $0x9B00  }
0x24f: {  	[hbm4b:s4+s2] =	stream.indirect_vreg.scatter [tilespmem:s19], [sflag:$0x2], $0x80, v11, vm0, $0xb8;
	[tilespmem:$0x10300] =	vst v63  }
0x250: {  	v11 =	vld [tilespmem:$0x290];
	_ =	sdelay $0x4  }
0x251: {  	v61 =	vshll.u32 v11, $0x2  }
0x252: {  	v11 =	vand.u32 $0x7, v11;
	v12 =	vand.u32 $0xFFFFFFE0, v61  }
0x253: {  	v11 =	vor.u32 v11, v12  }
0x254: {  	v12 =	vperm.xlane v11, v4;
	_ =	sdelay $0x1  }
0x255: {  	v12 =	vadd.s32 v5, v12;
	_ =	sdelay $0x1  }
0x256: {  	v11 =	vperm.xlane v11, v6;
	_ =	sdelay $0x1  }
0x257: {  	s7 =	simm.s32 $0xA300;
	v11 =	vadd.s32 v5, v11  }
0x258: {  	[hbm4b:s3+s2] =	stream.indirect_vreg.scatter [tilespmem:s7], [sflag:$0x2], $0x80, v12, vm0, $0xb8;
	[tilespmem:$0x10300] =	vst v63  }
0x259: {  	s8 =	simm.s32 $0xAB00  }
0x25a: {  	[hbm4b:s4+s2] =	stream.indirect_vreg.scatter [tilespmem:s8], [sflag:$0x2], $0x80, v12, vm0, $0xb8;
	[tilespmem:$0x10300] =	vst v63  }
0x25b: {  	s28 =	simm.s32 $0xB300  }
0x25c: {  	[hbm4b:s3+s2] =	stream.indirect_vreg.scatter [tilespmem:s28], [sflag:$0x2], $0x80, v11, vm0, $0xb8;
	[tilespmem:$0x10300] =	vst v63  }
0x25d: {  	s20 =	simm.s32 $0xBB00  }
0x25e: {  	[hbm4b:s4+s2] =	stream.indirect_vreg.scatter [tilespmem:s20], [sflag:$0x2], $0x80, v11, vm0, $0xb8;
	[tilespmem:$0x10300] =	vst v63  }
0x25f: {  	v11 =	vld [tilespmem:$0x2A0];
	_ =	sdelay $0x4  }
0x260: {  	v62 =	vshll.u32 v11, $0x2  }
0x261: {  	v11 =	vand.u32 $0x7, v11;
	v12 =	vand.u32 $0xFFFFFFE0, v62  }
0x262: {  	v11 =	vor.u32 v11, v12  }
0x263: {  	v12 =	vperm.xlane v11, v4;
	_ =	sdelay $0x1  }
0x264: {  	v12 =	vadd.s32 v5, v12;
	_ =	sdelay $0x1  }
0x265: {  	v11 =	vperm.xlane v11, v6;
	_ =	sdelay $0x1  }
0x266: {  	s21 =	simm.s32 $0xC300;
	v11 =	vadd.s32 v5, v11  }
0x267: {  	[hbm4b:s3+s2] =	stream.indirect_vreg.scatter [tilespmem:s21], [sflag:$0x2], $0x80, v12, vm0, $0xb8;
	[tilespmem:$0x10300] =	vst v63  }
0x268: {  	s22 =	simm.s32 $0xCB00  }
0x269: {  	[hbm4b:s4+s2] =	stream.indirect_vreg.scatter [tilespmem:s22], [sflag:$0x2], $0x80, v12, vm0, $0xb8;
	[tilespmem:$0x10300] =	vst v63  }
0x26a: {  	s25 =	simm.s32 $0xD300  }
0x26b: {  	[hbm4b:s3+s2] =	stream.indirect_vreg.scatter [tilespmem:s25], [sflag:$0x2], $0x80, v11, vm0, $0xb8;
	[tilespmem:$0x10300] =	vst v63  }
0x26c: {  	s28 =	simm.s32 $0xDB00  }
0x26d: {  	[hbm4b:s4+s2] =	stream.indirect_vreg.scatter [tilespmem:s28], [sflag:$0x2], $0x80, v11, vm0, $0xb8;
	[tilespmem:$0x10300] =	vst v63  }
0x26e: {  	v11 =	vld [tilespmem:$0x2B0];
	_ =	sdelay $0x4  }
0x26f: {  	v63 =	vshll.u32 v11, $0x2  }
0x270: {  	v11 =	vand.u32 $0x7, v11;
	v12 =	vand.u32 $0xFFFFFFE0, v63  }
0x271: {  	v11 =	vor.u32 v11, v12  }
0x272: {  	v12 =	vperm.xlane v11, v4;
	_ =	sdelay $0x1  }
0x273: {  	v12 =	vadd.s32 v5, v12;
	_ =	sdelay $0x1  }
0x274: {  	v11 =	vperm.xlane v11, v6;
	_ =	sdelay $0x1  }
0x275: {  	s26 =	simm.s32 $0xE300;
	v11 =	vadd.s32 v5, v11  }
0x276: {  	[hbm4b:s3+s2] =	stream.indirect_vreg.scatter [tilespmem:s26], [sflag:$0x2], $0x80, v12, vm0, $0xb8;
	[tilespmem:$0x10300] =	vst v63  }
0x277: {  	s31 =	simm.s32 $0xEB00  }
0x278: {  	[hbm4b:s4+s2] =	stream.indirect_vreg.scatter [tilespmem:s31], [sflag:$0x2], $0x80, v12, vm0, $0xb8;
	[tilespmem:$0x10300] =	vst v63  }
0x279: {  	s24 =	simm.s32 $0xF300  }
0x27a: {  	[hbm4b:s3+s2] =	stream.indirect_vreg.scatter [tilespmem:s24], [sflag:$0x2], $0x80, v11, vm0, $0xb8;
	[tilespmem:$0x10300] =	vst v63  }
0x27b: {  	s30 =	simm.s32 $0xFB00  }
0x27c: {  	[hbm4b:s4+s2] =	stream.indirect_vreg.scatter [tilespmem:s30], [sflag:$0x2], $0x80, v11, vm0, $0xb8;
	[tilespmem:$0x10300] =	vst v63  }
0x27d: {  	p0 =	sne.s32 s5, $0x1;
	_ =	swait.ge [sflag:s14], $0x8000  }
.Ltmp0:
0x27e: {  	[sflag:s14] =	ssyncset.done $0x0;
	(pc) =	sbr.rel @p0 .LBB2_1-.Ltmp0, $4  }
0x27f: {  	[sflag:s14] =	ssyncadd.s32 $0xFFFF8000  }
0x280: {  	_ =	swait.ge [sflag:s15], $0x8000  }
0x281: {  	[sflag:s15] =	ssyncset.done $0x0  }
0x282: {  	s5 =	sadd.s32 $0xFFFFFFFF, s5;
	[sflag:s15] =	ssyncadd.s32 $0xFFFF8000  }
0x283: {  	_ =	sfence.sel $0x180000  }
0x284: {  	[bflag:$0x0] =	sbarrier.arrive $0xFFFF  }
0x285: {  	_ =	strace $0x90000047  }
0x286: {  	s0 =	stileid.u32;
	[bflag:$0x2] =	sbarrier.arrive $0xFFFF  }
0x287: {  	p0 =	sne.s32 s0, $0x0;
	s0 =	rddreg [dreg:$0x2]  }
0x288: {  	s0 =	sadd.s32 @!p0 $0x100000, s0  }
0x289: {  	[sflag:s0] =	ssyncadd.tile.s32 @!p0 $0x1;
	_ =	shalt  }
.Lfunc_end2:
_tile_overlayer_lowered:
.L_overlay_start_2:
0x28a: {  	(tag) =	ssettag $0x2  }
0x28b: {  	s0 =	rddreg [dreg:$0x0];
	s2 =	stileid.u32  }
0x28c: {  	s1 =	rddreg [dreg:$0x1];
	p0 =	sne.s32 s2, $0x0  }
0x28d: {  	s3 =	rddreg [dreg:$0x2];
	[bflag:$0x3] =	sbarrier.arrive $0xFFFF;
	s2 =	simm.s32 @!p0 $0x1C03  }
0x28e: {  	[timem:s3], [sflag:s2] =	dma.local @!p0 [hbm:s0], s1  }
0x28f: {  	s0 =	simm.s32 @!p0 $0x3  }
0x290: {  	_ =	swait.ge @!p0 [sflag:s0], s1  }
0x291: {  	s1 =	ssub.s32 @!p0 $0x0, s1;
	[sflag:s0] =	ssyncset.done @!p0 $0x0  }
0x292: {  	[sflag:s0] =	ssyncadd.s32 @!p0 s1  }
0x293: {  	[bflag:$0x3] =	sbarrier.arrive $0xFFFF  }
0x294: {  	_ =	shalt  }

// kernel: sparse-core-data-format-call.1.cloned.1.call-start
scs
called_computation.1_lowered:
.L_overlay_start_0:
0x0: {  	s1 =	sld [smem:$0x3FD9]  }
0x1: {  	s2 =	sld [smem:$0x3FFE];
	_ =	sdelay $0x1  }
0x2: {  	s3 =	srdreg.scid  }
0x3: {  	s0 =	sand.u32 $0x1, s3  }
0x4: {  	s17 =	sshll.u32 s0, $0xA;
	s1 =	sadd.s32 s2, s1  }
0x5: {  	s1 =	sadd.s32 s1, s17  }
0x6: {  	[smem:$0x3FC1] =	sst s1  }
0x7: {  	_ = 	snop  }
0x8: {  	(tm) =	ssettm $0x1  }
0x9: {  	s18 =	sld [smem:$0x3FFB];
	_ =	sdelay $0x3  }
0xa: {  	_ =	strace s18  }
0xb: {  	s1 =	sld [smem:$0x3FFC];
	_ =	sdelay $0x3  }
0xc: {  	_ =	strace s1  }
0xd: {  	s1 =	sld [smem:$0x3FFD];
	_ =	sdelay $0x3  }
0xe: {  	_ =	strace s1  }
0xf: {  	_ =	strace $0x8FFFFFFF  }
0x10: {  	s19 =	sld [smem:$0x3FDB];
	_ =	sdelay $0x1  }
0x11: {  	s20 =	simm.s32 $_scs_section_size  }
0x12: {  	s4 =	simm.s32 $_size__tile_overlayer_lowered;
	s5 =	simm.s32 $_tile_overlayer_lowered  }
0x13: {  	s23 =	simm.s32 $0x1BFF;
	s22 =	sshll.u32 s5, $0x1;
	s1 =	sadd.s32 s20, s19  }
0x14: {  	s6 =	simm.s32 $0x0;
	s21 =	sshll.u32 s4, $0x1;
	s4 =	sadd.s32 s22, s1  }
0x15: {  	[timem:s6], [sflag:s23] =	dma.local [hbm:s4], s21  }
0x16: {  	_ =	swait.ge [sflag:s23], s21  }
0x17: {  	s2 =	ssub.s32 $0x0, s21;
	[sflag:s23] =	ssyncset.done $0x0  }
0x18: {  	[sflag:s23] =	ssyncadd.s32 s2;
	_ =	sdelay $0x1  }
0x19: {  	s24 =	simm.s32 $0x1B8B  }
0x1a: {  	_ =	swait.ge [sflag:s24], $0x1  }
0x1b: {  	[sflag:s24] =	ssyncset.done $0x0  }
0x1c: {  	s26 =	simm.s32 $0x1B8E;
	s25 =	sld [smem:$0x3FFE];
	[sflag:s24] =	ssyncadd.s32 $0xFFFFFFFF  }
0x1d: {  	s27 =	simm.s32 $execute0_lowered;
	[smem:$0x3FD2] =	sst s26  }
0x1e: {  	s4 =	sshll.u32 s27, $0x1;
	_ =	strace $0x80000049;
	[dreg:$0x1] =	wrdreg $0xFFFFFFFF  }
0x1f: {  	s28 =	simm.s32 $_size_execute0_lowered;
	s1 =	sadd.s32 s1, s4;
	[dreg:$0x0] =	wrdreg $0x0  }
0x20: {  	s4 =	sshll.u32 s28, $0x1;
	[dreg:$0x2] =	wrdreg s1  }
0x21: {  	[dreg:$0x3] =	wrdreg s4  }
0x22: {  	[dreg:$0x4] =	wrdreg $0xC0  }
0x23: {  	_ =	task [dreg:s6], $0x5FFFF  }
0x24: {  	[dreg:$0x1] =	wrdreg $0xFFFFFFFF  }
0x25: {  	[dreg:$0x0] =	wrdreg $0x60  }
0x26: {  	[dreg:$0x2] =	wrdreg s25  }
0x27: {  	[dreg:$0x3] =	wrdreg $0x9  }
0x28: {  	_ =	task.clear_ibuf [dreg:s6], $0x4FFFF;
	_ =	strace $0x90000049  }
0x29: {  	s29 =	simm.s32 $0x9;
	_ =	strace $0x8000004B  }
0x2a: {  	_ =	swait.ge [sflag:s29], $0x1  }
0x2b: {  	[sflag:s29] =	ssyncadd.s32 $0xFFFFFFFF  }
0x2c: {  	_ =	strace $0x9000004B  }
0x2d: {  	_ =	sfence  }
0x2e: {  	s30 =	sld [smem:$0x0];
	_ =	sdelay $0x2  }
0x2f: {  	s31 =	sshll.u32 s3, $0xD;
	s3 =	sshrl.u32 s3, $0x2  }
0x30: {  	s2 =	sand.u32 $0x4000, s31;
	s1 =	sadd.s32 s3, s30  }
0x31: {  	s0 =	sor.u32 s2, s0;
	s1 =	sshll.u32 s1, $0x11  }
0x32: {  	s0 =	sor.u32 s1, s0  }
0x33: {  	s0 =	sadd.s32 $0x8F2B, s0  }
0x34: {  	[sflag:s0] =	ssyncadd.remote.s32 $0x1  }
0x35: {  	_ =	sfence.sel $0xFFFF  }
0x36: {  	[dreg:$0x0] =	wrdreg $0xFFFFFFFF;
	(pc) =	sbr.abs _section_cstart, $3  }
0x37: {  	[dreg:$0x1] =	wrdreg $0xFFFFFFFF  }
0x38: {  	_ =	task.clear_ibuf [dreg:s6], $0x2FFFF;
	_ =	strace $0x9FFFFFFF  }
0x39: {  	(tm) =	ssettm $0x7FFFFFFF  }
tec
execute0_lowered:
.L_overlay_start_1:
0x0: {  	(tag) =	ssettag $0x1  }
0x1: {  	s0 =	stileid.u32;
	s1 =	srdreg.scid  }
0x2: {  	s7 =	rddreg [dreg:$0x0];
	s31 =	simm.s32 $0x2;
	s14 =	simm.s32 $0x0  }
0x3: {  	s13 =	simm.s32 $0x0;
	s12 =	simm.s32 $0x0;
	s2 =	sshll.u32 s0, $0x7  }
0x4: {  	s3 =	sshll.u32 s0, $0x4;
	s1 =	sshll.u32 s1, $0x8;
	s2 =	sand.u32 $0x380, s2  }
0x5: {  	s3 =	sor.u32 s3, s1;
	s1 =	rddreg [dreg:$0x1];
	_ =	strace $0x8000004A  }
0x6: {  	s3 =	sand.u32 $0x180, s3;
	s4 =	ssub.s32 $0x400, s2;
	s11 =	smov.u32 s2  }
0x7: {  	s5 =	sand.u32 $0x380, s4;
	s6 =	ssub.s32 $0x2000, s3;
	s9 =	sshrl.u32 s4, $0xA  }
0x8: {  	p0 =	sne.s32 s5, $0x0;
	s5 =	simm.s32 $0x1;
	s8 =	sand.u32 $0x180, s6  }
0x9: {  	s5 =	simm.s32 @!p0 $0x0;
	p0 =	sne.s32 s8, $0x0;
	s8 =	simm.s32 $0x1  }
.Ltmp0:
0xa: {  	s6 =	sshrl.u32 s6, $0x9;
	s8 =	simm.s32 @!p0 $0x0;
	(pc) =	sbr.rel .LBB1_1-.Ltmp0, $4  }
0xb: {  	s4 =	simm.s32 $0x1;
	s5 =	sadd.s32 s5, s9;
	s6 =	sadd.s32 s8, s6  }
0xc: {  	s10 =	smov.u32 s3;
	[sflag:s4] =	ssyncpa.u1 $0x0;
	s5 =	smul.u32 s5, s6  }
0xd: {  	[sflag:s31] =	ssyncpa.u1 $0x0;
	p0 =	por $0x0, $0x0;
	s9 =	simm.s32 $0x2000  }
0xe: {  	s6 =	sadd.s32 $0x144A00, s7;
	s7 =	sadd.s32 $0x44A00, s7;
	s8 =	sadd.s32 $0x1, s5  }
.LBB1_4:
0xf: {  	v5 =	vld [tilespmem:s18+$0xFFFFFFD0];
	[tilespmem:s17+$0x2040 ss:$0x81] =	vst.msk $0xffff, v1  }
0x10: {  	v58 =	vld [tilespmem:s18+$0xFFFFFFE0];
	[tilespmem:s17+$0x2850 ss:$0x81] =	vst.msk $0xffff, v2  }
0x11: {  	s19 =	sshra.s32 s19, $0x2;
	v59 =	vld [tilespmem:s18+$0xFFFFFFF0];
	[tilespmem:s17+$0x3060 ss:$0x81] =	vst.msk $0xffff, v3  }
0x12: {  	v60 =	vld [tilespmem:s18+$0x0];
	[tilespmem:s17+$0x0 ss:$0x81] =	vst.msk $0xffff, v0;
	s16 =	sadd.s32 s19, s16  }
0x13: {  	v61 =	vld [tilespmem:s18+$0x10];
	[tilespmem:s16+$0x3870 ss:$0x81] =	vst.msk $0xffff, v4  }
0x14: {  	v62 =	vld [tilespmem:s18+$0x20];
	s26 =	sshll.u32 s14, $0xA;
	s27 =	sshll.u32 s13, $0x3;
	[tilespmem:s16+$0x810 ss:$0x81] =	vst.msk $0xffff, v5  }
0x15: {  	v63 =	vld [tilespmem:s18+$0xFFFFFFC0];
	s29 =	sshll.u32 s14, $0x7;
	s17 =	sand.u32 $0x7FE000, s26;
	s28 =	sand.u32 $0x7FFC00, s27;
	[tilespmem:s16+$0x1020 ss:$0x81] =	vst.msk $0xffff, v58  }
0x16: {  	s30 =	sand.u32 $0x78, s13;
	s14 =	sand.u32 $0x380, s29;
	s17 =	sadd.s32 s28, s17;
	[tilespmem:s16+$0x1830 ss:$0x81] =	vst.msk $0xffff, v59  }
0x17: {  	s14 =	sor.u32 s30, s14;
	s17 =	sand.u32 $0x7FFC00, s17;
	[tilespmem:s16+$0x2040 ss:$0x81] =	vst.msk $0xffff, v60  }
0x18: {  	s31 =	sand.u32 $0x7, s13;
	s14 =	sor.u32 s17, s14;
	[tilespmem:s16+$0x2850 ss:$0x81] =	vst.msk $0xffff, v61  }
0x19: {  	s13 =	sshll.u32 s31, $0x12;
	[tilespmem:s16+$0x3060 ss:$0x81] =	vst.msk $0xffff, v62;
	s14 =	sshrl.u32 s14, $0x3  }
0x1a: {  	s13 =	sor.u32 $0x400, s13;
	[tilespmem:s16+$0x0 ss:$0x81] =	vst.msk $0xffff, v63;
	s14 =	sadd.s32 s7, s14  }
0x1b: {  	[hbm4b:s14+s13] =	stream.strided.scatter [tilespmem:s15], [sflag:$0x2], $0x4000, s9, s13, $0x20;
	[tilespmem:$0x10100] =	vst v63  }
.LBB1_5:
0x1c: {  	s15 =	sadd.s32 $0x200, s10  }
0x1d: {  	s13 =	sadd.s32 $0x400, s11;
	s17 =	smov.u32 s11;
	p2 =	sgt.s32 s15, $0x1FFF  }
0x1e: {  	s17 =	smov.u32 @p2 s13  }
0x1f: {  	s15 =	smov.u32 @p2 s3;
	p2 =	sgt.s32 s17, $0x3FF  }
0x20: {  	s17 =	smov.u32 @p2 s2;
	p2 =	sne.s32 s12, s8  }
.Ltmp1:
0x21: {  	p1 =	slt.u32 s12, $0x2;
	(pc) =	sbr.rel @!p2 .LBB1_6-.Ltmp1, $4  }
0x22: {  	s16 =	simm.s32 @!p1 $0x2  }
0x23: {  	s14 =	smov.u32 s10;
	p0 =	por !p0, !p0;
	_ =	swait.ge @!p1 [sflag:s16], $0x4000  }
0x24: {  	s13 =	smov.u32 s11;
	[sflag:s16] =	ssyncset.done @!p1 $0x0;
	s10 =	smov.u32 s15  }
0x25: {  	s12 =	sadd.s32 $0x1, s12;
	[sflag:s16] =	ssyncadd.s32 @!p1 $0xFFFFC000;
	s11 =	smov.u32 s17  }
.LBB1_1:
0x26: {  	p1 =	sge.u32 s12, s5;
	s31 =	sadd.s32 $0xFFFFFFFF, s12  }
0x27: {  	s15 =	sand.u32 @!p1 $0x78, s10;
	s16 =	sshll.u32 @!p1 s11, $0xD;
	s17 =	sshll.u32 @!p1 s11, $0x7  }
0x28: {  	s18 =	sshll.u32 @!p1 s10, $0x3;
	s16 =	sand.u32 @!p1 $0x7F0000, s16;
	s17 =	sand.u32 @!p1 $0x380, s17  }
0x29: {  	s16 =	sadd.s32 @!p1 s16, s18;
	s18 =	sand.u32 @!p1 $0x1C00, s18;
	s15 =	sor.u32 @!p1 s17, s15  }
0x2a: {  	s17 =	sxor.u32 @!p1 $0xFFFFFFFF, s12;
	s16 =	sand.u32 @!p1 $0x7FE000, s16;
	s15 =	sor.u32 @!p1 s18, s15  }
0x2b: {  	s17 =	sshll.u32 @!p1 s17, $0xE;
	s15 =	sor.u32 @!p1 s16, s15;
	s16 =	sand.u32 @!p1 $0x7, s10  }
0x2c: {  	s18 =	simm.s32 @!p1 $0x10000;
	s15 =	sshrl.u32 @!p1 s15, $0x3;
	s16 =	sshll.u32 @!p1 s16, $0x12  }
0x2d: {  	s17 =	sand.u32 @!p1 $0x4000, s17;
	s15 =	sadd.s32 @!p1 s6, s15;
	s16 =	sor.u32 @!p1 $0x400, s16  }
0x2e: {  	[tilespmem:s17], [sflag:$0x1] =	stream.strided.gather @!p1 [hbm4b:s15+s16], $0x4000, s18, s16, $0x38;
	[tilespmem:$0x10100] =	vst v63  }
0x2f: {  	p1 =	sge.u32 s31, s5  }
.Ltmp2:
0x30: {  	_ = 	snop;
	(pc) =	sbr.rel @p1 .LBB1_5-.Ltmp2, $1  }
0x31: {  	_ =	sdelay $0x3  }
0x32: {  	s15 =	simm.s32 $0x1  }
0x33: {  	_ =	swait.ge [sflag:s4], $0x4000;
	s15 =	simm.s32 @!p0 $0x0  }
0x34: {  	[sflag:s4] =	ssyncset.done $0x0;
	s16 =	sshll.u32 s15, $0xE  }
0x35: {  	[sflag:s4] =	ssyncadd.s32 $0xFFFFC000;
	s18 =	sor.u32 $0x40, s16  }
0x36: {  	s15 =	smul.u32 $0x10200, s15;
	v0 =	vld [tilespmem:s18+$0x30]  }
0x37: {  	v3 =	vld [tilespmem:s18+$0xFFFFFFD0]  }
0x38: {  	s15 =	sshrl.u32 s15, $0x2;
	v4 =	vld [tilespmem:s18+$0xFFFFFFE0]  }
0x39: {  	v5 =	vld [tilespmem:s18+$0xFFFFFFF0];
	s16 =	sor.u32 $0x8000, s15  }
0x3a: {  	s31 =	sand.u32 $0x1, s12;
	v1 =	vld [tilespmem:s18+$0x0];
	s17 =	sadd.s32 $0x0, s16  }
0x3b: {  	v2 =	vld [tilespmem:s18+$0x10];
	s15 =	smul.u32 $0x10200, s31;
	[tilespmem:s17+$0x3870 ss:$0x81] =	vst.msk $0xffff, v0  }
0x3c: {  	[tilespmem:s17+$0x810 ss:$0x81] =	vst.msk $0xffff, v3;
	v3 =	vld [tilespmem:s18+$0x20]  }
0x3d: {  	s15 =	sshrl.u32 s15, $0x2;
	v0 =	vld [tilespmem:s18+$0xFFFFFFC0];
	[tilespmem:s17+$0x1020 ss:$0x81] =	vst.msk $0xffff, v4;
	s18 =	sadd.s32 $0x80, s18  }
0x3e: {  	s19 =	simm.s32 $0x4;
	s20 =	simm.s32 $0x8;
	s15 =	sor.u32 $0x8000, s15;
	[tilespmem:s17+$0x1830 ss:$0x81] =	vst.msk $0xffff, v5;
	v4 =	vld [tilespmem:s18+$0x30]  }
.LBB1_3:
0x3f: {  	p1 =	sne.s32 s20, $0x1FC;
	v5 =	vld [tilespmem:s18+$0xFFFFFFD0];
	[tilespmem:s17+$0x2040 ss:$0x81] =	vst.msk $0xffff, v1  }
0x40: {  	v6 =	vld [tilespmem:s18+$0xFFFFFFE0];
	[tilespmem:s17+$0x2850 ss:$0x81] =	vst.msk $0xffff, v2  }
0x41: {  	s21 =	sshra.s32 s19, $0x2;
	s19 =	smov.u32 s20;
	v7 =	vld [tilespmem:s18+$0xFFFFFFF0];
	[tilespmem:s17+$0x3060 ss:$0x81] =	vst.msk $0xffff, v3  }
.Ltmp3:
0x42: {  	v1 =	vld [tilespmem:s18+$0x0];
	[tilespmem:s17+$0x0 ss:$0x81] =	vst.msk $0xffff, v0;
	s17 =	sadd.s32 s21, s16;
	(pc) =	sbr.rel @p1 .LBB1_3-.Ltmp3, $4  }
0x43: {  	v2 =	vld [tilespmem:s18+$0x10];
	[tilespmem:s17+$0x3870 ss:$0x81] =	vst.msk $0xffff, v4  }
0x44: {  	[tilespmem:s17+$0x810 ss:$0x81] =	vst.msk $0xffff, v5;
	v3 =	vld [tilespmem:s18+$0x20]  }
0x45: {  	v0 =	vld [tilespmem:s18+$0xFFFFFFC0];
	[tilespmem:s17+$0x1020 ss:$0x81] =	vst.msk $0xffff, v6;
	s18 =	sadd.s32 $0x80, s18  }
0x46: {  	s20 =	sadd.s32 $0x4, s20;
	v4 =	vld [tilespmem:s18+$0x30];
	[tilespmem:s17+$0x1830 ss:$0x81] =	vst.msk $0xffff, v7  }
.Ltmp4:
0x47: {  	_ = 	snop;
	(pc) =	sbr.rel .LBB1_4-.Ltmp4, $1  }
0x48: {  	_ =	sdelay $0x3  }
.LBB1_6:
0x49: {  	_ =	sfence.sel $0x180000  }
0x4a: {  	s2 =	simm.s32 $0x1;
	[bflag:$0x0] =	sbarrier.arrive $0xFFFF  }
0x4b: {  	s31 =	simm.s32 $0x2;
	[sflag:s2] =	ssyncpa.u1 $0x1  }
0x4c: {  	[sflag:s31] =	ssyncpa.u1 $0x1  }
0x4d: {  	p0 =	sne.s32 s0, $0x0;
	_ =	strace $0x9000004A  }
0x4e: {  	s0 =	sadd.s32 @!p0 $0x100000, s1;
	[bflag:$0x2] =	sbarrier.arrive $0xFFFF  }
0x4f: {  	[sflag:s0] =	ssyncadd.tile.s32 @!p0 $0x1;
	_ =	shalt  }
.Lfunc_end1:
_tile_overlayer_lowered:
.L_overlay_start_2:
0x50: {  	(tag) =	ssettag $0x2  }
0x51: {  	s0 =	rddreg [dreg:$0x0];
	s2 =	stileid.u32  }
0x52: {  	s1 =	rddreg [dreg:$0x1];
	p0 =	sne.s32 s2, $0x0  }
0x53: {  	s3 =	rddreg [dreg:$0x2];
	[bflag:$0x3] =	sbarrier.arrive $0xFFFF;
	s2 =	simm.s32 @!p0 $0x1C01  }
0x54: {  	[timem:s3], [sflag:s2] =	dma.local @!p0 [hbm:s0], s1  }
0x55: {  	s0 =	simm.s32 @!p0 $0x1  }
0x56: {  	_ =	swait.ge @!p0 [sflag:s0], s1  }
0x57: {  	s1 =	ssub.s32 @!p0 $0x0, s1;
	[sflag:s0] =	ssyncset.done @!p0 $0x0  }
0x58: {  	[sflag:s0] =	ssyncadd.s32 @!p0 s1  }
0x59: {  	[bflag:$0x3] =	sbarrier.arrive $0xFFFF  }
0x5a: {  	_ =	shalt  }

// kernel: sparse-core-data-format-call.cloned.1.call-start
scs
called_computation_lowered:
.L_overlay_start_0:
0x0: {  	s1 =	sld [smem:$0x3FD9]  }
0x1: {  	s2 =	sld [smem:$0x3FFE];
	_ =	sdelay $0x1  }
0x2: {  	s3 =	srdreg.scid  }
0x3: {  	s0 =	sand.u32 $0x1, s3  }
0x4: {  	s17 =	sshll.u32 s0, $0xA;
	s1 =	sadd.s32 s2, s1  }
0x5: {  	s1 =	sadd.s32 s1, s17  }
0x6: {  	[smem:$0x3FC1] =	sst s1  }
0x7: {  	_ = 	snop  }
0x8: {  	(tm) =	ssettm $0x1  }
0x9: {  	s18 =	sld [smem:$0x3FFB];
	_ =	sdelay $0x3  }
0xa: {  	_ =	strace s18  }
0xb: {  	s1 =	sld [smem:$0x3FFC];
	_ =	sdelay $0x3  }
0xc: {  	_ =	strace s1  }
0xd: {  	s1 =	sld [smem:$0x3FFD];
	_ =	sdelay $0x3  }
0xe: {  	_ =	strace s1  }
0xf: {  	_ =	strace $0x8FFFFFFF  }
0x10: {  	s19 =	sld [smem:$0x3FDB];
	_ =	sdelay $0x1  }
0x11: {  	s20 =	simm.s32 $_scs_section_size  }
0x12: {  	s4 =	simm.s32 $_size__tile_overlayer_lowered;
	s5 =	simm.s32 $_tile_overlayer_lowered  }
0x13: {  	s23 =	simm.s32 $0x1BFF;
	s22 =	sshll.u32 s5, $0x1;
	s1 =	sadd.s32 s20, s19  }
0x14: {  	s6 =	simm.s32 $0x0;
	s21 =	sshll.u32 s4, $0x1;
	s4 =	sadd.s32 s22, s1  }
0x15: {  	[timem:s6], [sflag:s23] =	dma.local [hbm:s4], s21  }
0x16: {  	_ =	swait.ge [sflag:s23], s21  }
0x17: {  	s2 =	ssub.s32 $0x0, s21;
	[sflag:s23] =	ssyncset.done $0x0  }
0x18: {  	[sflag:s23] =	ssyncadd.s32 s2;
	_ =	sdelay $0x1  }
0x19: {  	s24 =	simm.s32 $0x1B8B  }
0x1a: {  	_ =	swait.ge [sflag:s24], $0x1  }
0x1b: {  	[sflag:s24] =	ssyncset.done $0x0  }
0x1c: {  	s26 =	simm.s32 $0x1B8E;
	s25 =	sld [smem:$0x3FFE];
	[sflag:s24] =	ssyncadd.s32 $0xFFFFFFFF  }
0x1d: {  	s27 =	simm.s32 $execute0_lowered;
	[smem:$0x3FD2] =	sst s26  }
0x1e: {  	s4 =	sshll.u32 s27, $0x1;
	_ =	strace $0x8000004C;
	[dreg:$0x1] =	wrdreg $0xFFFFFFFF  }
0x1f: {  	s28 =	simm.s32 $_size_execute0_lowered;
	s1 =	sadd.s32 s1, s4;
	[dreg:$0x0] =	wrdreg $0x0  }
0x20: {  	s4 =	sshll.u32 s28, $0x1;
	[dreg:$0x2] =	wrdreg s1  }
0x21: {  	[dreg:$0x3] =	wrdreg s4  }
0x22: {  	[dreg:$0x4] =	wrdreg $0xC0  }
0x23: {  	_ =	task [dreg:s6], $0x5FFFF  }
0x24: {  	[dreg:$0x1] =	wrdreg $0xFFFFFFFF  }
0x25: {  	[dreg:$0x0] =	wrdreg $0x60  }
0x26: {  	[dreg:$0x2] =	wrdreg s25  }
0x27: {  	[dreg:$0x3] =	wrdreg $0x9  }
0x28: {  	_ =	task.clear_ibuf [dreg:s6], $0x4FFFF;
	_ =	strace $0x9000004C  }
0x29: {  	s29 =	simm.s32 $0x9;
	_ =	strace $0x8000004E  }
0x2a: {  	_ =	swait.ge [sflag:s29], $0x1  }
0x2b: {  	[sflag:s29] =	ssyncadd.s32 $0xFFFFFFFF  }
0x2c: {  	_ =	strace $0x9000004E  }
0x2d: {  	_ =	sfence  }
0x2e: {  	s30 =	sld [smem:$0x0];
	_ =	sdelay $0x2  }
0x2f: {  	s31 =	sshll.u32 s3, $0xD;
	s3 =	sshrl.u32 s3, $0x2  }
0x30: {  	s2 =	sand.u32 $0x4000, s31;
	s1 =	sadd.s32 s3, s30  }
0x31: {  	s0 =	sor.u32 s2, s0;
	s1 =	sshll.u32 s1, $0x11  }
0x32: {  	s0 =	sor.u32 s1, s0  }
0x33: {  	s0 =	sadd.s32 $0x8F2B, s0  }
0x34: {  	[sflag:s0] =	ssyncadd.remote.s32 $0x1  }
0x35: {  	_ =	sfence.sel $0xFFFF  }
0x36: {  	[dreg:$0x0] =	wrdreg $0xFFFFFFFF;
	(pc) =	sbr.abs _section_cstart, $3  }
0x37: {  	[dreg:$0x1] =	wrdreg $0xFFFFFFFF  }
0x38: {  	_ =	task.clear_ibuf [dreg:s6], $0x2FFFF;
	_ =	strace $0x9FFFFFFF  }
0x39: {  	(tm) =	ssettm $0x7FFFFFFF  }
tec
execute0_lowered:
.L_overlay_start_1:
0x0: {  	(tag) =	ssettag $0x1  }
0x1: {  	s0 =	srdreg.scid  }
0x2: {  	s1 =	sshll.u32 s0, $0x4  }
0x3: {  	s4 =	rddreg [dreg:$0x0];
	s0 =	stileid.u32;
	s1 =	sand.u32 $0x10, s1  }
0x4: {  	s7 =	simm.s32 $0x1;
	s8 =	simm.s32 $0x2;
	s1 =	sor.u32 s0, s1  }
0x5: {  	s9 =	simm.s32 $0x0;
	s12 =	simm.s32 $0x0;
	s2 =	sshll.u32 s1, $0x1  }
0x6: {  	s11 =	simm.s32 $0x0;
	s3 =	sadd.s32 $0x44600, s4;
	s6 =	ssub.s32 $0x400, s2  }
.Ltmp0:
0x7: {  	s4 =	sadd.s32 $0x144600, s4;
	s5 =	sand.u32 $0x3E, s6;
	(pc) =	sbr.rel .LBB1_1-.Ltmp0, $4  }
0x8: {  	s1 =	rddreg [dreg:$0x1];
	_ =	strace $0x8000004D;
	p0 =	sne.s32 s5, $0x0  }
0x9: {  	s6 =	sshrl.u32 s6, $0x6;
	s5 =	simm.s32 $0x1;
	s7 =	simm.s32 @!p0 $0x0  }
0xa: {  	s10 =	smov.u32 s2;
	[sflag:s5] =	ssyncpa.u1 $0x0;
	s6 =	sadd.s32 s7, s6  }
0xb: {  	[sflag:s8] =	ssyncpa.u1 $0x0;
	s8 =	simm.s32 $0x0;
	s7 =	sadd.s32 $0x1, s6  }
.LBB1_9:
0xc: {  	s14 =	sadd.s32 $0x40, s10  }
0xd: {  	p1 =	sgt.s32 s14, $0x3FF  }
0xe: {  	s14 =	smov.u32 @p1 s2;
	p1 =	sne.s32 s11, s7  }
.Ltmp1:
0xf: {  	p0 =	slt.u32 s11, $0x2;
	(pc) =	sbr.rel @!p1 .LBB1_10-.Ltmp1, $4  }
0x10: {  	s13 =	simm.s32 @!p0 $0x2  }
0x11: {  	s15 =	sadd.s32 $0x1, s11;
	_ =	swait.ge @!p0 [sflag:s13], $0x4000  }
0x12: {  	s12 =	smov.u32 s10;
	s9 =	sadd.s32 $0x4000, s9;
	[sflag:s13] =	ssyncset.done @!p0 $0x0  }
0x13: {  	s11 =	smov.u32 s15;
	s10 =	smov.u32 s14;
	[sflag:s13] =	ssyncadd.s32 @!p0 $0xFFFFC000  }
.LBB1_1:
0x14: {  	p0 =	sge.u32 s11, s6  }
0x15: {  	s13 =	sxor.u32 @!p0 $0xFFFFFFFF, s11  }
0x16: {  	s31 =	sadd.s32 $0xFFFFFFFF, s11;
	s14 =	sshll.u32 @!p0 s10, $0xA;
	s13 =	sshll.u32 @!p0 s13, $0xE  }
0x17: {  	s15 =	simm.s32 @!p0 $0x0;
	s14 =	sadd.s32 @!p0 s3, s14;
	s13 =	sand.u32 @!p0 $0x4000, s13  }
0x18: {  	[tilespmem:s13], [sflag:$0x1] =	stream.linear.gather @!p0 [hbm4b:s14+s15], $0x4000, $0x38;
	[tilespmem:$0x10000] =	vst v63  }
0x19: {  	p0 =	sge.u32 s31, s6  }
.Ltmp2:
0x1a: {  	_ = 	snop;
	(pc) =	sbr.rel @p0 .LBB1_9-.Ltmp2, $1  }
0x1b: {  	_ =	sdelay $0x3  }
0x1c: {  	s13 =	sshll.u32 s9, $0x2  }
0x1d: {  	_ =	swait.ge [sflag:s5], $0x4000;
	s14 =	sshll.u32 s11, $0xE;
	s16 =	simm.s32 $0x0  }
0x1e: {  	p1 =	por $0x1, $0x1;
	s13 =	sand.u32 $0x10000, s13;
	[sflag:s5] =	ssyncset.done $0x0  }
0x1f: {  	s14 =	sand.u32 $0x4000, s14;
	s15 =	sshrl.u32 s13, $0x2;
	[sflag:s5] =	ssyncadd.s32 $0xFFFFC000  }
0x20: {  	s13 =	sor.u32 $0x8000, s14;
	s14 =	sadd.s32 $0x8040, s15;
	s15 =	sadd.s32 $0x40, s15  }
.LBB1_3:
0x21: {  	s16 =	sshll.u32 s16, $0x2  }
0x22: {  	p0 =	por p1, p1;
	s17 =	sshra.s32 s16, $0x2  }
0x23: {  	s18 =	simm.s32 $0x0;
	s16 =	sadd.s32 s17, s14;
	s17 =	sadd.s32 s17, s15  }
.LBB1_4:
0x24: {  	v0 =	vmov s17;
	_ =	sdelay $0x3  }
0x25: {  	s20 =	simm.s32 $0x0  }
0x26: {  	v6 =	vld.idx.msk [tilespmem:v0+s20+$0x30 ss:$0x1], $0xffff  }
0x27: {  	v7 =	vld.idx.msk [tilespmem:v0+s20+$0xFFFFFFC0 ss:$0x1], $0xffff  }
0x28: {  	v5 =	vld.idx.msk [tilespmem:v0+s20+$0xFFFFFFD0 ss:$0x1], $0xffff  }
0x29: {  	v4 =	vld.idx.msk [tilespmem:v0+s20+$0xFFFFFFE0 ss:$0x1], $0xffff  }
0x2a: {  	v3 =	vld.idx.msk [tilespmem:v0+s20+$0xFFFFFFF0 ss:$0x1], $0xffff  }
0x2b: {  	v1 =	vld.idx.msk [tilespmem:v0+s20+$0x0 ss:$0x1], $0xffff  }
0x2c: {  	v2 =	vld.idx.msk [tilespmem:v0+s20+$0x10 ss:$0x1], $0xffff;
	[tilespmem:s16+$0x30] =	vst v6  }
0x2d: {  	s19 =	simm.s32 $0x80;
	s21 =	simm.s32 $0x400;
	[tilespmem:s16+$0xFFFFFFC0] =	vst v7;
	v6 =	vld.idx.msk [tilespmem:v0+s20+$0x20 ss:$0x1], $0xffff;
	s20 =	smov.u32 s16  }
.LBB1_5:
0x2e: {  	p1 =	sne.s32 s21, $0xE00;
	v7 =	vld.idx.msk [tilespmem:v0+s19+$0x30 ss:$0x1], $0xffff;
	[tilespmem:s20+$0xFFFFFFD0] =	vst v5  }
0x2f: {  	v8 =	vld.idx.msk [tilespmem:v0+s19+$0xFFFFFFC0 ss:$0x1], $0xffff;
	[tilespmem:s20+$0xFFFFFFE0] =	vst v4  }
0x30: {  	v5 =	vld.idx.msk [tilespmem:v0+s19+$0xFFFFFFD0 ss:$0x1], $0xffff;
	[tilespmem:s20+$0xFFFFFFF0] =	vst v3  }
.Ltmp3:
0x31: {  	v4 =	vld.idx.msk [tilespmem:v0+s19+$0xFFFFFFE0 ss:$0x1], $0xffff;
	[tilespmem:s20+$0x0] =	vst v1;
	(pc) =	sbr.rel @p1 .LBB1_5-.Ltmp3, $4  }
0x32: {  	v3 =	vld.idx.msk [tilespmem:v0+s19+$0xFFFFFFF0 ss:$0x1], $0xffff;
	[tilespmem:s20+$0x10] =	vst v2  }
0x33: {  	v1 =	vld.idx.msk [tilespmem:v0+s19+$0x0 ss:$0x1], $0xffff;
	[tilespmem:s20+$0x20] =	vst v6;
	s20 =	sadd.s32 $0x400, s20  }
0x34: {  	v2 =	vld.idx.msk [tilespmem:v0+s19+$0x10 ss:$0x1], $0xffff;
	[tilespmem:s20+$0x30] =	vst v7  }
0x35: {  	[tilespmem:s20+$0xFFFFFFC0] =	vst v8;
	v6 =	vld.idx.msk [tilespmem:v0+s19+$0x20 ss:$0x1], $0xffff;
	s19 =	sshra.s32 s21, $0x2;
	s21 =	sadd.s32 $0x200, s21  }
0x36: {  	_ =	sdelay $0x2  }
0x37: {  	[tilespmem:s20+$0xFFFFFFD0] =	vst v5  }
0x38: {  	v56 =	vld.idx.msk [tilespmem:v0+s19+$0x30 ss:$0x1], $0xffff;
	[tilespmem:s20+$0xFFFFFFE0] =	vst v4  }
0x39: {  	v57 =	vld.idx.msk [tilespmem:v0+s19+$0xFFFFFFC0 ss:$0x1], $0xffff;
	[tilespmem:s20+$0xFFFFFFF0] =	vst v3  }
0x3a: {  	v58 =	vld.idx.msk [tilespmem:v0+s19+$0xFFFFFFD0 ss:$0x1], $0xffff;
	[tilespmem:s20+$0x0] =	vst v1  }
0x3b: {  	v59 =	vld.idx.msk [tilespmem:v0+s19+$0xFFFFFFE0 ss:$0x1], $0xffff;
	[tilespmem:s20+$0x10] =	vst v2  }
0x3c: {  	v60 =	vld.idx.msk [tilespmem:v0+s19+$0xFFFFFFF0 ss:$0x1], $0xffff;
	s31 =	sadd.s32 $0x400, s20;
	[tilespmem:s20+$0x20] =	vst v6  }
0x3d: {  	v61 =	vld.idx.msk [tilespmem:v0+s19+$0x0 ss:$0x1], $0xffff;
	[tilespmem:s31+$0x30] =	vst v56  }
0x3e: {  	v62 =	vld.idx.msk [tilespmem:v0+s19+$0x10 ss:$0x1], $0xffff;
	s18 =	sadd.s32 $0x1, s18;
	[tilespmem:s31+$0xFFFFFFC0] =	vst v57  }
0x3f: {  	v63 =	vld.idx.msk [tilespmem:v0+s19+$0x20 ss:$0x1], $0xffff;
	p1 =	sne.s32 s18, $0x8;
	[tilespmem:s31+$0xFFFFFFD0] =	vst v58  }
.Ltmp4:
0x40: {  	[tilespmem:s31+$0xFFFFFFE0] =	vst v59;
	(pc) =	sbr.rel @p1 .LBB1_4-.Ltmp4, $4  }
0x41: {  	[tilespmem:s31+$0xFFFFFFF0] =	vst v60  }
0x42: {  	[tilespmem:s31+$0x0] =	vst v61  }
0x43: {  	[tilespmem:s31+$0x10] =	vst v62  }
0x44: {  	s16 =	sadd.s32 $0x80, s16;
	s17 =	sadd.s32 $0x400, s17;
	[tilespmem:s31+$0x20] =	vst v63  }
.Ltmp5:
0x45: {  	(pc) =	sbr.rel @p0 .LBB1_3-.Ltmp5, $2  }
0x46: {  	_ =	sdelay $0x2  }
0x47: {  	s16 =	simm.s32 $0x2000;
	p1 =	por $0x0, $0x0  }
.Ltmp6:
0x48: {  	(pc) =	sbr.rel .LBB1_9-.Ltmp6, $4  }
0x49: {  	_ = 	snop  }
0x4a: {  	s12 =	sshll.u32 s12, $0xA  }
0x4b: {  	s12 =	sadd.s32 s4, s12  }
0x4c: {  	[hbm4b:s12+s8] =	stream.linear.scatter [tilespmem:s13], [sflag:$0x2], $0x4000, $0x38;
	[tilespmem:$0x10000] =	vst v63  }
.LBB1_10:
0x4d: {  	_ =	sfence.sel $0x180000  }
0x4e: {  	s2 =	simm.s32 $0x1;
	[bflag:$0x0] =	sbarrier.arrive $0xFFFF  }
0x4f: {  	s31 =	simm.s32 $0x2;
	[sflag:s2] =	ssyncpa.u1 $0x1  }
0x50: {  	[sflag:s31] =	ssyncpa.u1 $0x1  }
0x51: {  	p0 =	sne.s32 s0, $0x0;
	_ =	strace $0x9000004D  }
0x52: {  	s0 =	sadd.s32 @!p0 $0x100000, s1;
	[bflag:$0x2] =	sbarrier.arrive $0xFFFF  }
0x53: {  	[sflag:s0] =	ssyncadd.tile.s32 @!p0 $0x1;
	_ =	shalt  }
.Lfunc_end1:
_tile_overlayer_lowered:
.L_overlay_start_2:
0x54: {  	(tag) =	ssettag $0x2  }
0x55: {  	s0 =	rddreg [dreg:$0x0];
	s2 =	stileid.u32  }
0x56: {  	s1 =	rddreg [dreg:$0x1];
	p0 =	sne.s32 s2, $0x0  }
0x57: {  	s3 =	rddreg [dreg:$0x2];
	[bflag:$0x3] =	sbarrier.arrive $0xFFFF;
	s2 =	simm.s32 @!p0 $0x1C01  }
0x58: {  	[timem:s3], [sflag:s2] =	dma.local @!p0 [hbm:s0], s1  }
0x59: {  	s0 =	simm.s32 @!p0 $0x1  }
0x5a: {  	_ =	swait.ge @!p0 [sflag:s0], s1  }
0x5b: {  	s1 =	ssub.s32 @!p0 $0x0, s1;
	[sflag:s0] =	ssyncset.done @!p0 $0x0  }
0x5c: {  	[sflag:s0] =	ssyncadd.s32 @!p0 s1  }
0x5d: {  	[bflag:$0x3] =	sbarrier.arrive $0xFFFF  }
0x5e: {  	_ =	shalt  }

</sc_bundles>
